<compile_context>
chip_gen: v7x
topology: tpu7x:2x2x1
jax: 0.10.2.dev20260603
libtpu: 0.0.44.dev20260713+nightly
codegen_flags: <defaults>
</compile_context>

<pallas_src>
import functools

import jax
import jax.numpy as jnp
from jax import lax
from jax.experimental import pallas as pl
from jax.experimental.pallas import tpu as pltpu
from jax.experimental.pallas import tpu_sc as plsc

_NC, _NS = 2, 16
_NW = _NC * _NS
_D = 8
_NBUF = 3
_SPER = 4
_SSLOT = 1
_SPART = 2


@functools.lru_cache(maxsize=None)
def _build_permute(rows, emb, b):
    assert rows % _NW == 0 and rows % 8 == 0 and emb % _SPART == 0
    spw = rows // _NW
    clen = spw + (8 - spw % 8) % 8
    swin = clen + 16
    heb = emb // _SPART
    mesh = plsc.VectorSubcoreMesh(
        core_axis_name="c", subcore_axis_name="s",
        num_cores=_NC, num_subcores=_NS)

    t_slabs = [i for i in range(spw) if i % _SPER != _SPER - 1]
    s_slabs = [i for i in range(spw) if i % _SPER == _SPER - 1]
    nt = len(t_slabs)

    def body(src_hbm, perm_hbm, out_hbm, idx_v, shared, *rest):
        bufs = rest[:_NBUF]
        gsems = rest[_NBUF:2 * _NBUF]
        fsems = rest[2 * _NBUF:3 * _NBUF]
        sgsems = rest[3 * _NBUF:3 * _NBUF + _SSLOT]
        sfsems = rest[3 * _NBUF + _SSLOT:3 * _NBUF + 2 * _SSLOT]
        sid = lax.axis_index("s")
        wid = sid * _NC + lax.axis_index("c")
        s0 = wid * spw
        base = pl.multiple_of((s0 // 8) * 8, 8)
        off = s0 - base
        pltpu.sync_copy(perm_hbm.at[pl.ds(base, clen)], idx_v.at[pl.ds(0, clen)])

        def slab_of(i):
            return idx_v[pl.ds(off + i, 16)][0]

        def t_gather(i, s):
            pltpu.async_copy(src_hbm.at[pl.ds(slab_of(i), 1)], bufs[s],
                             gsems[s])

        def t_wait_gather(s):
            pltpu.make_async_copy(src_hbm.at[pl.ds(0, 1)], bufs[s],
                                  gsems[s]).wait()

        def t_flush(i, s):
            pltpu.async_copy(bufs[s], out_hbm.at[pl.ds(s0 + i, 1)], fsems[s])

        def t_wait_flush(s):
            pltpu.make_async_copy(bufs[s], out_hbm.at[pl.ds(s0, 1)],
                                  fsems[s]).wait()

        def sbuf(s):
            return shared.at[sid, s]

        def s_gather(i, h, s):
            pltpu.async_copy(
                src_hbm.at[pl.ds(slab_of(i), 1), pl.ds(h * heb, heb)],
                sbuf(s), sgsems[s])

        def s_wait_gather(s):
            pltpu.make_async_copy(src_hbm.at[pl.ds(0, 1), pl.ds(0, heb)],
                                  sbuf(s), sgsems[s]).wait()

        def s_flush(i, h, s):
            pltpu.async_copy(
                sbuf(s), out_hbm.at[pl.ds(s0 + i, 1), pl.ds(h * heb, heb)],
                sfsems[s])

        def s_wait_flush(s):
            pltpu.make_async_copy(
                sbuf(s), out_hbm.at[pl.ds(s0, 1), pl.ds(0, heb)],
                sfsems[s]).wait()

        parts = [(i, h) for i in s_slabs for h in range(_SPART)]

        def _a(p):
            i, h = parts[p]
            s = p % _SSLOT
            if p >= _SSLOT:
                s_wait_flush(s)
            s_gather(i, h, s)

        def _b(p):
            i, h = parts[p]
            s = p % _SSLOT
            s_wait_gather(s)
            s_flush(i, h, s)

        s_ops = []
        for p in range(len(parts)):
            s_ops.append(functools.partial(_a, p))
            if p >= _SSLOT - 1:
                s_ops.append(functools.partial(_b, p - (_SSLOT - 1)))
        for p in range(max(0, len(parts) - (_SSLOT - 1)), len(parts)):
            s_ops.append(functools.partial(_b, p))
        state = {"p": 0}

        def run_s(n):
            for _ in range(n):
                if state["p"] < len(s_ops):
                    s_ops[state["p"]]()
                    state["p"] += 1

        per_iter = -(-len(s_ops) // max(nt, 1))
        for k in range(nt + 1):
            if k < nt:
                ts = k % _NBUF
                if k >= _NBUF:
                    t_wait_flush(ts)
                t_gather(t_slabs[k], ts)
            run_s(per_iter)
            if k >= 1:
                tj = (k - 1) % _NBUF
                t_wait_gather(tj)
                t_flush(t_slabs[k - 1], tj)
        run_s(len(s_ops))
        for k in range(max(0, nt - _NBUF), nt):
            t_wait_flush(k % _NBUF)
        for p in range(max(0, len(parts) - _SSLOT), len(parts)):
            s_wait_flush(p % _SSLOT)

    return pl.kernel(
        body,
        out_type=jax.ShapeDtypeStruct((rows, emb, b), jnp.float32),
        mesh=mesh,
        scratch_types=(
            [pltpu.VMEM((swin,), jnp.int32),
             pltpu.VMEM_SHARED((_NS, _SSLOT, 1, heb, b), jnp.float32)]
            + [pltpu.VMEM((1, emb, b), jnp.float32)] * _NBUF
            + [pltpu.SemaphoreType.DMA] * (2 * _NBUF + 2 * _SSLOT)
        ),
    )


def kernel(M, permutator):
    b, n_cond, n_col, emb = M.shape
    rows = n_cond * n_col
    Mv = jnp.transpose(M.reshape(b, rows, emb), (1, 2, 0))
    perm = permutator.astype(jnp.int32)
    out_v = _build_permute(rows, emb, b)(Mv, perm)
    return jnp.transpose(out_v.reshape(rows // _D, _D, emb, b), (3, 0, 1, 2))

# --- scband reference (transcript-rebuilt; emitter-appended) ---
"""Pipeline reference for scband-r-odtconstruction-2456721293495 (READ-ONLY COPY).

The authoritative reference and input builder live on the scoring server;
editing this copy changes nothing except your own understanding.
"""

import jax, jax.numpy as jnp
import numpy as np

N_COND = 16
N_COL = 100
D = 8
EMBED = 32
BATCH = 1024


def setup_inputs(seed: int = 0) -> dict:
    key = jax.random.key(seed)
    kM, kp = jax.random.split(key)
    M = jax.random.normal(kM, (BATCH, N_COND, N_COL, EMBED), dtype=jnp.float32)
    # Mirrors torch.rand(n_cond * n_col).argsort(-1): a random permutation of row indices.
    permutator = jax.random.permutation(kp, N_COND * N_COL).astype(jnp.int32)
    return {"M": M, "permutator": permutator}


def reference(M, permutator):
    b = M.shape[0]
    embed_dim = M.shape[-1]
    flat = M.reshape(b, -1, embed_dim)          # [b, n_cond*n_col, embed]
    gathered = jnp.take(flat, permutator, axis=1)  # permute rows (gather)
    return gathered.reshape(b, -1, D, embed_dim)   # [b, (n_cond*n_col)//d, d, embed]

if __name__ == "__main__":
    import jax
    _d = setup_inputs()
    print(jax.jit(kernel)(*tuple(_d.values())))

</pallas_src>

<mosaic_0001>
#map = affine_map<(d0, d1) -> (0, 0, 0)>
#map1 = affine_map<(d0, d1) -> (0)>
module attributes {stable_mosaic.version = 14 : i64} {
  func.func @body(%arg0: i32, %arg1: i32, %arg2: memref<1600x32x1024xf32, #tpu.memory_space<hbm>>, %arg3: memref<1600xi32, #tpu.memory_space<hbm>>, %arg4: memref<1600x32x1024xf32, #tpu.memory_space<hbm>>, %arg5: memref<72xi32, #tpu.memory_space<vmem>>, %arg6: memref<16x1x1x16x1024xf32, #tpu.memory_space<vmem_shared>>, %arg7: memref<1x32x1024xf32, #tpu.memory_space<vmem>>, %arg8: memref<1x32x1024xf32, #tpu.memory_space<vmem>>, %arg9: memref<1x32x1024xf32, #tpu.memory_space<vmem>>, %arg10: memref<!tpu.dma_semaphore, #tpu.memory_space<semaphore_mem>>, %arg11: memref<!tpu.dma_semaphore, #tpu.memory_space<semaphore_mem>>, %arg12: memref<!tpu.dma_semaphore, #tpu.memory_space<semaphore_mem>>, %arg13: memref<!tpu.dma_semaphore, #tpu.memory_space<semaphore_mem>>, %arg14: memref<!tpu.dma_semaphore, #tpu.memory_space<semaphore_mem>>, %arg15: memref<!tpu.dma_semaphore, #tpu.memory_space<semaphore_mem>>, %arg16: memref<!tpu.dma_semaphore, #tpu.memory_space<semaphore_mem>>, %arg17: memref<!tpu.dma_semaphore, #tpu.memory_space<semaphore_mem>>) attributes {dimension_semantics = [#tpu.dimension_semantics<core_parallel>, #tpu.dimension_semantics<subcore_parallel>], iteration_bounds = array<i64: 2, 16>, scalar_prefetch = 0 : i64, scratch_operands = 13 : i64, tpu.core_type = #tpu.core_type<sc_vector_subcore>, window_params = [{transform_indices = #map}, {transform_indices = #map1}, {transform_indices = #map}]} {
    %mul3A = arith.constant 2 : i32
    %mul3A_0 = arith.muli %arg1, %mul3A : i32
    %add3A = arith.addi %mul3A_0, %arg0 : i32
    %mul3A_1 = arith.constant 50 : i32
    %mul3A_2 = arith.muli %add3A, %mul3A_1 : i32
    %jit3A = arith.constant 8 : i32
    %div3A = arith.divsi %mul3A_2, %jit3A : i32
    %sign3A = arith.constant 0 : i32
    %sign3A_3 = arith.cmpi sgt, %mul3A_2, %sign3A : i32
    %sign3A_4 = arith.extui %sign3A_3 : i1 to i32
    %sign3A_5 = arith.constant 0 : i32
    %sign3A_6 = arith.cmpi slt, %mul3A_2, %sign3A_5 : i32
    %sign3A_7 = arith.extui %sign3A_6 : i1 to i32
    %sign3A_8 = arith.subi %sign3A_4, %sign3A_7 : i32
    %sign3A_9 = arith.constant 0 : i32
    %sign3A_10 = arith.cmpi sgt, %jit3A, %sign3A_9 : i32
    %sign3A_11 = arith.extui %sign3A_10 : i1 to i32
    %sign3A_12 = arith.constant 0 : i32
    %sign3A_13 = arith.cmpi slt, %jit3A, %sign3A_12 : i32
    %sign3A_14 = arith.extui %sign3A_13 : i1 to i32
    %sign3A_15 = arith.subi %sign3A_11, %sign3A_14 : i32
    %ne3A = arith.cmpi ne, %sign3A_8, %sign3A_15 : i32
    %rem3A = arith.remsi %mul3A_2, %jit3A : i32
    %ne3A_16 = arith.constant 0 : i32
    %ne3A_17 = arith.cmpi ne, %rem3A, %ne3A_16 : i32
    %and3A = arith.andi %ne3A, %ne3A_17 : i1
    %sub3A = arith.constant 1 : i32
    %sub3A_18 = arith.subi %div3A, %sub3A : i32
    %select_n3A = arith.select %and3A, %sub3A_18, %div3A : i32
    %mul3A_19 = arith.constant 8 : i32
    %mul3A_20 = arith.muli %select_n3A, %mul3A_19 : i32
    %multiple_of3A = tpu.assume_multiple %mul3A_20, 8 : i32
    %sub3A_21 = arith.subi %mul3A_2, %multiple_of3A : i32
    "tpu.region"() ({
      %run_scoped3A = tpu.sem_alloc : memref<!tpu.dma_semaphore, #tpu.memory_space<semaphore_mem>>
      %dma_start3A_2451 = arith.constant 0 : i32
      %dma_start3A_2452 = tpu.memref_slice %arg5[%dma_start3A_2451] : memref<72xi32, #tpu.memory_space<vmem>> -> memref<56xi32, #tpu.memory_space<vmem>>
      %dma_start3A_2453 = tpu.memref_slice %arg3[%multiple_of3A] : memref<1600xi32, #tpu.memory_space<hbm>> -> memref<56xi32, #tpu.memory_space<hbm>>
      %dma_start3A_2454 = arith.constant 0 : i32
      %dma_start3A_2455 = tpu.memref_slice %arg5[%dma_start3A_2454] : memref<72xi32, #tpu.memory_space<vmem>> -> memref<56xi32, #tpu.memory_space<vmem>>
      %dma_start3A_2456 = tpu.memref_slice %arg3[%multiple_of3A] : memref<1600xi32, #tpu.memory_space<hbm>> -> memref<56xi32, #tpu.memory_space<hbm>>
      tpu.enqueue_dma source(%dma_start3A_2456 : memref<56xi32, #tpu.memory_space<hbm>>) target(%dma_start3A_2455 : memref<56xi32, #tpu.memory_space<vmem>>) target_semaphore(%run_scoped3A : memref<!tpu.dma_semaphore, #tpu.memory_space<semaphore_mem>>)
      %dma_wait3A_2457 = arith.constant 0 : i32
      %dma_wait3A_2458 = tpu.memref_slice %arg5[%dma_wait3A_2457] : memref<72xi32, #tpu.memory_space<vmem>> -> memref<56xi32, #tpu.memory_space<vmem>>
      %dma_wait3A_2459 = tpu.memref_slice %arg3[%multiple_of3A] : memref<1600xi32, #tpu.memory_space<hbm>> -> memref<56xi32, #tpu.memory_space<hbm>>
      %dma_wait3A_2460 = arith.constant 0 : i32
      %dma_wait3A_2461 = tpu.memref_slice %arg5[%dma_wait3A_2460] : memref<72xi32, #tpu.memory_space<vmem>> -> memref<56xi32, #tpu.memory_space<vmem>>
      %dma_wait3A_2462 = tpu.memref_slice %arg3[%multiple_of3A] : memref<1600xi32, #tpu.memory_space<hbm>> -> memref<56xi32, #tpu.memory_space<hbm>>
      tpu.wait_dma2 semaphore(%run_scoped3A : memref<!tpu.dma_semaphore, #tpu.memory_space<semaphore_mem>>) src(%dma_wait3A_2462 : memref<56xi32, #tpu.memory_space<hbm>>) dst(%dma_wait3A_2461 : memref<56xi32, #tpu.memory_space<vmem>>)
      tpu.yield
    }) : () -> ()
    %add3A_22 = arith.constant 0 : i32
    %add3A_23 = arith.addi %sub3A_21, %add3A_22 : i32
    %get3A = arith.index_cast %add3A_23 : i32 to index
    %get3A_24 = tpu.vector_load %arg5[%get3A] {strides = array<i32>} : memref<72xi32, #tpu.memory_space<vmem>>, vector<16xi32>,
    %get3A_25 = vector.shape_cast %get3A_24 : vector<16xi32> to vector<16xi32>
    %slice3A = vector.extract_strided_slice %get3A_25 {offsets = [0], sizes = [1], strides = [1]} : vector<16xi32> to vector<1xi32>
    %squeeze3A = vector.extract %slice3A[0] : i32 from vector<1xi32>
    %dma_start3A = arith.constant 0 : i32
    %dma_start3A_26 = arith.constant 0 : i32
    %dma_start3A_27 = tpu.memref_slice %arg2[%squeeze3A, %dma_start3A, %dma_start3A_26] : memref<1600x32x1024xf32, #tpu.memory_space<hbm>> -> memref<1x32x1024xf32, #tpu.memory_space<hbm>>
    %dma_start3A_28 = arith.constant 0 : i32
    %dma_start3A_29 = arith.constant 0 : i32
    %dma_start3A_30 = tpu.memref_slice %arg2[%squeeze3A, %dma_start3A_28, %dma_start3A_29] : memref<1600x32x1024xf32, #tpu.memory_space<hbm>> -> memref<1x32x1024xf32, #tpu.memory_space<hbm>>
    tpu.enqueue_dma source(%dma_start3A_30 : memref<1x32x1024xf32, #tpu.memory_space<hbm>>) target(%arg7 : memref<1x32x1024xf32, #tpu.memory_space<vmem>>) target_semaphore(%arg10 : memref<!tpu.dma_semaphore, #tpu.memory_space<semaphore_mem>>)
    %add3A_31 = arith.constant 3 : i32
    %add3A_32 = arith.addi %sub3A_21, %add3A_31 : i32
    %get3A_33 = arith.index_cast %add3A_32 : i32 to index
    %get3A_34 = tpu.vector_load %arg5[%get3A_33] {strides = array<i32>} : memref<72xi32, #tpu.memory_space<vmem>>, vector<16xi32>,
    %get3A_35 = vector.shape_cast %get3A_34 : vector<16xi32> to vector<16xi32>
    %slice3A_36 = vector.extract_strided_slice %get3A_35 {offsets = [0], sizes = [1], strides = [1]} : vector<16xi32> to vector<1xi32>
    %squeeze3A_37 = vector.extract %slice3A_36[0] : i32 from vector<1xi32>
    %dma_start3A_38 = arith.constant 0 : i32
    %dma_start3A_39 = arith.constant 0 : i32
    %dma_start3A_40 = arith.constant 0 : i32
    %dma_start3A_41 = arith.constant 0 : i32
    %dma_start3A_42 = tpu.memref_slice %arg6[%arg1, %dma_start3A_38, %dma_start3A_39, %dma_start3A_40, %dma_start3A_41] : memref<16x1x1x16x1024xf32, #tpu.memory_space<vmem_shared>> -> memref<1x1x1x16x1024xf32, #tpu.memory_space<vmem_shared>>
    %dma_start3A_43 = tpu.memref_squeeze %dma_start3A_42 : memref<1x1x1x16x1024xf32, #tpu.memory_space<vmem_shared>> -> memref<1x16x1024xf32, #tpu.memory_space<vmem_shared>>
    %dma_start3A_44 = arith.constant 0 : i32
    %dma_start3A_45 = arith.constant 0 : i32
    %dma_start3A_46 = tpu.memref_slice %arg2[%squeeze3A_37, %dma_start3A_44, %dma_start3A_45] : memref<1600x32x1024xf32, #tpu.memory_space<hbm>> -> memref<1x16x1024xf32, #tpu.memory_space<hbm>>
    tpu.enqueue_dma source(%dma_start3A_46 : memref<1x16x1024xf32, #tpu.memory_space<hbm>>) target(%dma_start3A_43 : memref<1x16x1024xf32, #tpu.memory_space<vmem_shared>>) target_semaphore(%arg16 : memref<!tpu.dma_semaphore, #tpu.memory_space<semaphore_mem>>)
    %dma_wait3A = arith.constant 0 : i32
    %dma_wait3A_47 = arith.constant 0 : i32
    %dma_wait3A_48 = arith.constant 0 : i32
    %dma_wait3A_49 = arith.constant 0 : i32
    %dma_wait3A_50 = tpu.memref_slice %arg6[%arg1, %dma_wait3A, %dma_wait3A_47, %dma_wait3A_48, %dma_wait3A_49] : memref<16x1x1x16x1024xf32, #tpu.memory_space<vmem_shared>> -> memref<1x1x1x16x1024xf32, #tpu.memory_space<vmem_shared>>
    %dma_wait3A_51 = tpu.memref_squeeze %dma_wait3A_50 : memref<1x1x1x16x1024xf32, #tpu.memory_space<vmem_shared>> -> memref<1x16x1024xf32, #tpu.memory_space<vmem_shared>>
    %dma_wait3A_52 = arith.constant 0 : i32
    %dma_wait3A_53 = arith.constant 0 : i32
    %dma_wait3A_54 = arith.constant 0 : i32
    %dma_wait3A_55 = tpu.memref_slice %arg2[%dma_wait3A_52, %dma_wait3A_53, %dma_wait3A_54] : memref<1600x32x1024xf32, #tpu.memory_space<hbm>> -> memref<1x16x1024xf32, #tpu.memory_space<hbm>>
    tpu.wait_dma2 semaphore(%arg16 : memref<!tpu.dma_semaphore, #tpu.memory_space<semaphore_mem>>) src(%dma_wait3A_55 : memref<1x16x1024xf32, #tpu.memory_space<hbm>>) dst(%dma_wait3A_51 : memref<1x16x1024xf32, #tpu.memory_space<vmem_shared>>)
    %add3A_56 = arith.constant 3 : i32
    %add3A_57 = arith.addi %mul3A_2, %add3A_56 : i32
    %dma_start3A_58 = arith.constant 0 : i32
    %dma_start3A_59 = arith.constant 0 : i32
    %dma_start3A_60 = arith.constant 0 : i32
    %dma_start3A_61 = tpu.memref_slice %arg4[%add3A_57, %dma_start3A_59, %dma_start3A_60] : memref<1600x32x1024xf32, #tpu.memory_space<hbm>> -> memref<1x16x1024xf32, #tpu.memory_space<hbm>>
    %dma_start3A_62 = arith.constant 0 : i32
    %dma_start3A_63 = arith.constant 0 : i32
    %dma_start3A_64 = arith.constant 0 : i32
    %dma_start3A_65 = tpu.memref_slice %arg6[%arg1, %dma_start3A_58, %dma_start3A_62, %dma_start3A_63, %dma_start3A_64] : memref<16x1x1x16x1024xf32, #tpu.memory_space<vmem_shared>> -> memref<1x1x1x16x1024xf32, #tpu.memory_space<vmem_shared>>
    %dma_start3A_66 = tpu.memref_squeeze %dma_start3A_65 : memref<1x1x1x16x1024xf32, #tpu.memory_space<vmem_shared>> -> memref<1x16x1024xf32, #tpu.memory_space<vmem_shared>>
    tpu.enqueue_dma source(%dma_start3A_66 : memref<1x16x1024xf32, #tpu.memory_space<vmem_shared>>) target(%dma_start3A_61 : memref<1x16x1024xf32, #tpu.memory_space<hbm>>) target_semaphore(%arg17 : memref<!tpu.dma_semaphore, #tpu.memory_space<semaphore_mem>>)
    %add3A_67 = arith.constant 1 : i32
    %add3A_68 = arith.addi %sub3A_21, %add3A_67 : i32
    %get3A_69 = arith.index_cast %add3A_68 : i32 to index
    %get3A_70 = tpu.vector_load %arg5[%get3A_69] {strides = array<i32>} : memref<72xi32, #tpu.memory_space<vmem>>, vector<16xi32>,
    %get3A_71 = vector.shape_cast %get3A_70 : vector<16xi32> to vector<16xi32>
    %slice3A_72 = vector.extract_strided_slice %get3A_71 {offsets = [0], sizes = [1], strides = [1]} : vector<16xi32> to vector<1xi32>
    %squeeze3A_73 = vector.extract %slice3A_72[0] : i32 from vector<1xi32>
    %dma_start3A_74 = arith.constant 0 : i32
    %dma_start3A_75 = arith.constant 0 : i32
    %dma_start3A_76 = tpu.memref_slice %arg2[%squeeze3A_73, %dma_start3A_74, %dma_start3A_75] : memref<1600x32x1024xf32, #tpu.memory_space<hbm>> -> memref<1x32x1024xf32, #tpu.memory_space<hbm>>
    %dma_start3A_77 = arith.constant 0 : i32
    %dma_start3A_78 = arith.constant 0 : i32
    %dma_start3A_79 = tpu.memref_slice %arg2[%squeeze3A_73, %dma_start3A_77, %dma_start3A_78] : memref<1600x32x1024xf32, #tpu.memory_space<hbm>> -> memref<1x32x1024xf32, #tpu.memory_space<hbm>>
    tpu.enqueue_dma source(%dma_start3A_79 : memref<1x32x1024xf32, #tpu.memory_space<hbm>>) target(%arg8 : memref<1x32x1024xf32, #tpu.memory_space<vmem>>) target_semaphore(%arg11 : memref<!tpu.dma_semaphore, #tpu.memory_space<semaphore_mem>>)
    %dma_wait3A_80 = arith.constant 0 : i32
    %dma_wait3A_81 = arith.constant 0 : i32
    %dma_wait3A_82 = arith.constant 0 : i32
    %dma_wait3A_83 = tpu.memref_slice %arg4[%mul3A_2, %dma_wait3A_81, %dma_wait3A_82] : memref<1600x32x1024xf32, #tpu.memory_space<hbm>> -> memref<1x16x1024xf32, #tpu.memory_space<hbm>>
    %dma_wait3A_84 = arith.constant 0 : i32
    %dma_wait3A_85 = arith.constant 0 : i32
    %dma_wait3A_86 = arith.constant 0 : i32
    %dma_wait3A_87 = tpu.memref_slice %arg6[%arg1, %dma_wait3A_80, %dma_wait3A_84, %dma_wait3A_85, %dma_wait3A_86] : memref<16x1x1x16x1024xf32, #tpu.memory_space<vmem_shared>> -> memref<1x1x1x16x1024xf32, #tpu.memory_space<vmem_shared>>
    %dma_wait3A_88 = tpu.memref_squeeze %dma_wait3A_87 : memref<1x1x1x16x1024xf32, #tpu.memory_space<vmem_shared>> -> memref<1x16x1024xf32, #tpu.memory_space<vmem_shared>>
    tpu.wait_dma2 semaphore(%arg17 : memref<!tpu.dma_semaphore, #tpu.memory_space<semaphore_mem>>) src(%dma_wait3A_88 : memref<1x16x1024xf32, #tpu.memory_space<vmem_shared>>) dst(%dma_wait3A_83 : memref<1x16x1024xf32, #tpu.memory_space<hbm>>)
    %add3A_89 = arith.constant 3 : i32
    %add3A_90 = arith.addi %sub3A_21, %add3A_89 : i32
    %get3A_91 = arith.index_cast %add3A_90 : i32 to index
    %get3A_92 = tpu.vector_load %arg5[%get3A_91] {strides = array<i32>} : memref<72xi32, #tpu.memory_space<vmem>>, vector<16xi32>,
    %get3A_93 = vector.shape_cast %get3A_92 : vector<16xi32> to vector<16xi32>
    %slice3A_94 = vector.extract_strided_slice %get3A_93 {offsets = [0], sizes = [1], strides = [1]} : vector<16xi32> to vector<1xi32>
    %squeeze3A_95 = vector.extract %slice3A_94[0] : i32 from vector<1xi32>
    %dma_start3A_96 = arith.constant 0 : i32
    %dma_start3A_97 = arith.constant 0 : i32
    %dma_start3A_98 = arith.constant 0 : i32
    %dma_start3A_99 = arith.constant 0 : i32
    %dma_start3A_100 = tpu.memref_slice %arg6[%arg1, %dma_start3A_96, %dma_start3A_97, %dma_start3A_98, %dma_start3A_99] : memref<16x1x1x16x1024xf32, #tpu.memory_space<vmem_shared>> -> memref<1x1x1x16x1024xf32, #tpu.memory_space<vmem_shared>>
    %dma_start3A_101 = tpu.memref_squeeze %dma_start3A_100 : memref<1x1x1x16x1024xf32, #tpu.memory_space<vmem_shared>> -> memref<1x16x1024xf32, #tpu.memory_space<vmem_shared>>
    %dma_start3A_102 = arith.constant 16 : i32
    %dma_start3A_103 = arith.constant 0 : i32
    %dma_start3A_104 = tpu.memref_slice %arg2[%squeeze3A_95, %dma_start3A_102, %dma_start3A_103] : memref<1600x32x1024xf32, #tpu.memory_space<hbm>> -> memref<1x16x1024xf32, #tpu.memory_space<hbm>>
    tpu.enqueue_dma source(%dma_start3A_104 : memref<1x16x1024xf32, #tpu.memory_space<hbm>>) target(%dma_start3A_101 : memref<1x16x1024xf32, #tpu.memory_space<vmem_shared>>) target_semaphore(%arg16 : memref<!tpu.dma_semaphore, #tpu.memory_space<semaphore_mem>>)
    %dma_wait3A_105 = arith.constant 0 : i32
    %dma_wait3A_106 = arith.constant 0 : i32
    %dma_wait3A_107 = arith.constant 0 : i32
    %dma_wait3A_108 = arith.constant 0 : i32
    %dma_wait3A_109 = tpu.memref_slice %arg6[%arg1, %dma_wait3A_105, %dma_wait3A_106, %dma_wait3A_107, %dma_wait3A_108] : memref<16x1x1x16x1024xf32, #tpu.memory_space<vmem_shared>> -> memref<1x1x1x16x1024xf32, #tpu.memory_space<vmem_shared>>
    %dma_wait3A_110 = tpu.memref_squeeze %dma_wait3A_109 : memref<1x1x1x16x1024xf32, #tpu.memory_space<vmem_shared>> -> memref<1x16x1024xf32, #tpu.memory_space<vmem_shared>>
    %dma_wait3A_111 = arith.constant 0 : i32
    %dma_wait3A_112 = arith.constant 0 : i32
    %dma_wait3A_113 = arith.constant 0 : i32
    %dma_wait3A_114 = tpu.memref_slice %arg2[%dma_wait3A_111, %dma_wait3A_112, %dma_wait3A_113] : memref<1600x32x1024xf32, #tpu.memory_space<hbm>> -> memref<1x16x1024xf32, #tpu.memory_space<hbm>>
    tpu.wait_dma2 semaphore(%arg16 : memref<!tpu.dma_semaphore, #tpu.memory_space<semaphore_mem>>) src(%dma_wait3A_114 : memref<1x16x1024xf32, #tpu.memory_space<hbm>>) dst(%dma_wait3A_110 : memref<1x16x1024xf32, #tpu.memory_space<vmem_shared>>)
    %add3A_115 = arith.constant 3 : i32
    %add3A_116 = arith.addi %mul3A_2, %add3A_115 : i32
    %dma_start3A_117 = arith.constant 0 : i32
    %dma_start3A_118 = arith.constant 16 : i32
    %dma_start3A_119 = arith.constant 0 : i32
    %dma_start3A_120 = tpu.memref_slice %arg4[%add3A_116, %dma_start3A_118, %dma_start3A_119] : memref<1600x32x1024xf32, #tpu.memory_space<hbm>> -> memref<1x16x1024xf32, #tpu.memory_space<hbm>>
    %dma_start3A_121 = arith.constant 0 : i32
    %dma_start3A_122 = arith.constant 0 : i32
    %dma_start3A_123 = arith.constant 0 : i32
    %dma_start3A_124 = tpu.memref_slice %arg6[%arg1, %dma_start3A_117, %dma_start3A_121, %dma_start3A_122, %dma_start3A_123] : memref<16x1x1x16x1024xf32, #tpu.memory_space<vmem_shared>> -> memref<1x1x1x16x1024xf32, #tpu.memory_space<vmem_shared>>
    %dma_start3A_125 = tpu.memref_squeeze %dma_start3A_124 : memref<1x1x1x16x1024xf32, #tpu.memory_space<vmem_shared>> -> memref<1x16x1024xf32, #tpu.memory_space<vmem_shared>>
    tpu.enqueue_dma source(%dma_start3A_125 : memref<1x16x1024xf32, #tpu.memory_space<vmem_shared>>) target(%dma_start3A_120 : memref<1x16x1024xf32, #tpu.memory_space<hbm>>) target_semaphore(%arg17 : memref<!tpu.dma_semaphore, #tpu.memory_space<semaphore_mem>>)
    %dma_wait3A_126 = arith.constant 0 : i32
    %dma_wait3A_127 = arith.constant 0 : i32
    %dma_wait3A_128 = arith.constant 0 : i32
    %dma_wait3A_129 = tpu.memref_slice %arg2[%dma_wait3A_126, %dma_wait3A_127, %dma_wait3A_128] : memref<1600x32x1024xf32, #tpu.memory_space<hbm>> -> memref<1x32x1024xf32, #tpu.memory_space<hbm>>
    %dma_wait3A_130 = arith.constant 0 : i32
    %dma_wait3A_131 = arith.constant 0 : i32
    %dma_wait3A_132 = arith.constant 0 : i32
    %dma_wait3A_133 = tpu.memref_slice %arg2[%dma_wait3A_130, %dma_wait3A_131, %dma_wait3A_132] : memref<1600x32x1024xf32, #tpu.memory_space<hbm>> -> memref<1x32x1024xf32, #tpu.memory_space<hbm>>
    tpu.wait_dma2 semaphore(%arg10 : memref<!tpu.dma_semaphore, #tpu.memory_space<semaphore_mem>>) src(%dma_wait3A_133 : memref<1x32x1024xf32, #tpu.memory_space<hbm>>) dst(%arg7 : memref<1x32x1024xf32, #tpu.memory_space<vmem>>)
    %add3A_134 = arith.constant 0 : i32
    %add3A_135 = arith.addi %mul3A_2, %add3A_134 : i32
    %dma_start3A_136 = arith.constant 0 : i32
    %dma_start3A_137 = arith.constant 0 : i32
    %dma_start3A_138 = tpu.memref_slice %arg4[%add3A_135, %dma_start3A_136, %dma_start3A_137] : memref<1600x32x1024xf32, #tpu.memory_space<hbm>> -> memref<1x32x1024xf32, #tpu.memory_space<hbm>>
    %dma_start3A_139 = arith.constant 0 : i32
    %dma_start3A_140 = arith.constant 0 : i32
    %dma_start3A_141 = tpu.memref_slice %arg4[%add3A_135, %dma_start3A_139, %dma_start3A_140] : memref<1600x32x1024xf32, #tpu.memory_space<hbm>> -> memref<1x32x1024xf32, #tpu.memory_space<hbm>>
    tpu.enqueue_dma source(%arg7 : memref<1x32x1024xf32, #tpu.memory_space<vmem>>) target(%dma_start3A_141 : memref<1x32x1024xf32, #tpu.memory_space<hbm>>) target_semaphore(%arg13 : memref<!tpu.dma_semaphore, #tpu.memory_space<semaphore_mem>>)
    %add3A_142 = arith.constant 2 : i32
    %add3A_143 = arith.addi %sub3A_21, %add3A_142 : i32
    %get3A_144 = arith.index_cast %add3A_143 : i32 to index
    %get3A_145 = tpu.vector_load %arg5[%get3A_144] {strides = array<i32>} : memref<72xi32, #tpu.memory_space<vmem>>, vector<16xi32>,
    %get3A_146 = vector.shape_cast %get3A_145 : vector<16xi32> to vector<16xi32>
    %slice3A_147 = vector.extract_strided_slice %get3A_146 {offsets = [0], sizes = [1], strides = [1]} : vector<16xi32> to vector<1xi32>
    %squeeze3A_148 = vector.extract %slice3A_147[0] : i32 from vector<1xi32>
    %dma_start3A_149 = arith.constant 0 : i32
    %dma_start3A_150 = arith.constant 0 : i32
    %dma_start3A_151 = tpu.memref_slice %arg2[%squeeze3A_148, %dma_start3A_149, %dma_start3A_150] : memref<1600x32x1024xf32, #tpu.memory_space<hbm>> -> memref<1x32x1024xf32, #tpu.memory_space<hbm>>
    %dma_start3A_152 = arith.constant 0 : i32
    %dma_start3A_153 = arith.constant 0 : i32
    %dma_start3A_154 = tpu.memref_slice %arg2[%squeeze3A_148, %dma_start3A_152, %dma_start3A_153] : memref<1600x32x1024xf32, #tpu.memory_space<hbm>> -> memref<1x32x1024xf32, #tpu.memory_space<hbm>>
    tpu.enqueue_dma source(%dma_start3A_154 : memref<1x32x1024xf32, #tpu.memory_space<hbm>>) target(%arg9 : memref<1x32x1024xf32, #tpu.memory_space<vmem>>) target_semaphore(%arg12 : memref<!tpu.dma_semaphore, #tpu.memory_space<semaphore_mem>>)
    %dma_wait3A_155 = arith.constant 0 : i32
    %dma_wait3A_156 = arith.constant 0 : i32
    %dma_wait3A_157 = arith.constant 0 : i32
    %dma_wait3A_158 = tpu.memref_slice %arg4[%mul3A_2, %dma_wait3A_156, %dma_wait3A_157] : memref<1600x32x1024xf32, #tpu.memory_space<hbm>> -> memref<1x16x1024xf32, #tpu.memory_space<hbm>>
    %dma_wait3A_159 = arith.constant 0 : i32
    %dma_wait3A_160 = arith.constant 0 : i32
    %dma_wait3A_161 = arith.constant 0 : i32
    %dma_wait3A_162 = tpu.memref_slice %arg6[%arg1, %dma_wait3A_155, %dma_wait3A_159, %dma_wait3A_160, %dma_wait3A_161] : memref<16x1x1x16x1024xf32, #tpu.memory_space<vmem_shared>> -> memref<1x1x1x16x1024xf32, #tpu.memory_space<vmem_shared>>
    %dma_wait3A_163 = tpu.memref_squeeze %dma_wait3A_162 : memref<1x1x1x16x1024xf32, #tpu.memory_space<vmem_shared>> -> memref<1x16x1024xf32, #tpu.memory_space<vmem_shared>>
    tpu.wait_dma2 semaphore(%arg17 : memref<!tpu.dma_semaphore, #tpu.memory_space<semaphore_mem>>) src(%dma_wait3A_163 : memref<1x16x1024xf32, #tpu.memory_space<vmem_shared>>) dst(%dma_wait3A_158 : memref<1x16x1024xf32, #tpu.memory_space<hbm>>)
    %add3A_164 = arith.constant 7 : i32
    %add3A_165 = arith.addi %sub3A_21, %add3A_164 : i32
    %get3A_166 = arith.index_cast %add3A_165 : i32 to index
    %get3A_167 = tpu.vector_load %arg5[%get3A_166] {strides = array<i32>} : memref<72xi32, #tpu.memory_space<vmem>>, vector<16xi32>,
    %get3A_168 = vector.shape_cast %get3A_167 : vector<16xi32> to vector<16xi32>
    %slice3A_169 = vector.extract_strided_slice %get3A_168 {offsets = [0], sizes = [1], strides = [1]} : vector<16xi32> to vector<1xi32>
    %squeeze3A_170 = vector.extract %slice3A_169[0] : i32 from vector<1xi32>
    %dma_start3A_171 = arith.constant 0 : i32
    %dma_start3A_172 = arith.constant 0 : i32
    %dma_start3A_173 = arith.constant 0 : i32
    %dma_start3A_174 = arith.constant 0 : i32
    %dma_start3A_175 = tpu.memref_slice %arg6[%arg1, %dma_start3A_171, %dma_start3A_172, %dma_start3A_173, %dma_start3A_174] : memref<16x1x1x16x1024xf32, #tpu.memory_space<vmem_shared>> -> memref<1x1x1x16x1024xf32, #tpu.memory_space<vmem_shared>>
    %dma_start3A_176 = tpu.memref_squeeze %dma_start3A_175 : memref<1x1x1x16x1024xf32, #tpu.memory_space<vmem_shared>> -> memref<1x16x1024xf32, #tpu.memory_space<vmem_shared>>
    %dma_start3A_177 = arith.constant 0 : i32
    %dma_start3A_178 = arith.constant 0 : i32
    %dma_start3A_179 = tpu.memref_slice %arg2[%squeeze3A_170, %dma_start3A_177, %dma_start3A_178] : memref<1600x32x1024xf32, #tpu.memory_space<hbm>> -> memref<1x16x1024xf32, #tpu.memory_space<hbm>>
    tpu.enqueue_dma source(%dma_start3A_179 : memref<1x16x1024xf32, #tpu.memory_space<hbm>>) target(%dma_start3A_176 : memref<1x16x1024xf32, #tpu.memory_space<vmem_shared>>) target_semaphore(%arg16 : memref<!tpu.dma_semaphore, #tpu.memory_space<semaphore_mem>>)
    %dma_wait3A_180 = arith.constant 0 : i32
    %dma_wait3A_181 = arith.constant 0 : i32
    %dma_wait3A_182 = arith.constant 0 : i32
    %dma_wait3A_183 = arith.constant 0 : i32
    %dma_wait3A_184 = tpu.memref_slice %arg6[%arg1, %dma_wait3A_180, %dma_wait3A_181, %dma_wait3A_182, %dma_wait3A_183] : memref<16x1x1x16x1024xf32, #tpu.memory_space<vmem_shared>> -> memref<1x1x1x16x1024xf32, #tpu.memory_space<vmem_shared>>
    %dma_wait3A_185 = tpu.memref_squeeze %dma_wait3A_184 : memref<1x1x1x16x1024xf32, #tpu.memory_space<vmem_shared>> -> memref<1x16x1024xf32, #tpu.memory_space<vmem_shared>>
    %dma_wait3A_186 = arith.constant 0 : i32
    %dma_wait3A_187 = arith.constant 0 : i32
    %dma_wait3A_188 = arith.constant 0 : i32
    %dma_wait3A_189 = tpu.memref_slice %arg2[%dma_wait3A_186, %dma_wait3A_187, %dma_wait3A_188] : memref<1600x32x1024xf32, #tpu.memory_space<hbm>> -> memref<1x16x1024xf32, #tpu.memory_space<hbm>>
    tpu.wait_dma2 semaphore(%arg16 : memref<!tpu.dma_semaphore, #tpu.memory_space<semaphore_mem>>) src(%dma_wait3A_189 : memref<1x16x1024xf32, #tpu.memory_space<hbm>>) dst(%dma_wait3A_185 : memref<1x16x1024xf32, #tpu.memory_space<vmem_shared>>)
    %add3A_190 = arith.constant 7 : i32
    %add3A_191 = arith.addi %mul3A_2, %add3A_190 : i32
    %dma_start3A_192 = arith.constant 0 : i32
    %dma_start3A_193 = arith.constant 0 : i32
    %dma_start3A_194 = arith.constant 0 : i32
    %dma_start3A_195 = tpu.memref_slice %arg4[%add3A_191, %dma_start3A_193, %dma_start3A_194] : memref<1600x32x1024xf32, #tpu.memory_space<hbm>> -> memref<1x16x1024xf32, #tpu.memory_space<hbm>>
    %dma_start3A_196 = arith.constant 0 : i32
    %dma_start3A_197 = arith.constant 0 : i32
    %dma_start3A_198 = arith.constant 0 : i32
    %dma_start3A_199 = tpu.memref_slice %arg6[%arg1, %dma_start3A_192, %dma_start3A_196, %dma_start3A_197, %dma_start3A_198] : memref<16x1x1x16x1024xf32, #tpu.memory_space<vmem_shared>> -> memref<1x1x1x16x1024xf32, #tpu.memory_space<vmem_shared>>
    %dma_start3A_200 = tpu.memref_squeeze %dma_start3A_199 : memref<1x1x1x16x1024xf32, #tpu.memory_space<vmem_shared>> -> memref<1x16x1024xf32, #tpu.memory_space<vmem_shared>>
    tpu.enqueue_dma source(%dma_start3A_200 : memref<1x16x1024xf32, #tpu.memory_space<vmem_shared>>) target(%dma_start3A_195 : memref<1x16x1024xf32, #tpu.memory_space<hbm>>) target_semaphore(%arg17 : memref<!tpu.dma_semaphore, #tpu.memory_space<semaphore_mem>>)
    %dma_wait3A_201 = arith.constant 0 : i32
    %dma_wait3A_202 = arith.constant 0 : i32
    %dma_wait3A_203 = arith.constant 0 : i32
    %dma_wait3A_204 = tpu.memref_slice %arg2[%dma_wait3A_201, %dma_wait3A_202, %dma_wait3A_203] : memref<1600x32x1024xf32, #tpu.memory_space<hbm>> -> memref<1x32x1024xf32, #tpu.memory_space<hbm>>
    %dma_wait3A_205 = arith.constant 0 : i32
    %dma_wait3A_206 = arith.constant 0 : i32
    %dma_wait3A_207 = arith.constant 0 : i32
    %dma_wait3A_208 = tpu.memref_slice %arg2[%dma_wait3A_205, %dma_wait3A_206, %dma_wait3A_207] : memref<1600x32x1024xf32, #tpu.memory_space<hbm>> -> memref<1x32x1024xf32, #tpu.memory_space<hbm>>
    tpu.wait_dma2 semaphore(%arg11 : memref<!tpu.dma_semaphore, #tpu.memory_space<semaphore_mem>>) src(%dma_wait3A_208 : memref<1x32x1024xf32, #tpu.memory_space<hbm>>) dst(%arg8 : memref<1x32x1024xf32, #tpu.memory_space<vmem>>)
    %add3A_209 = arith.constant 1 : i32
    %add3A_210 = arith.addi %mul3A_2, %add3A_209 : i32
    %dma_start3A_211 = arith.constant 0 : i32
    %dma_start3A_212 = arith.constant 0 : i32
    %dma_start3A_213 = tpu.memref_slice %arg4[%add3A_210, %dma_start3A_211, %dma_start3A_212] : memref<1600x32x1024xf32, #tpu.memory_space<hbm>> -> memref<1x32x1024xf32, #tpu.memory_space<hbm>>
    %dma_start3A_214 = arith.constant 0 : i32
    %dma_start3A_215 = arith.constant 0 : i32
    %dma_start3A_216 = tpu.memref_slice %arg4[%add3A_210, %dma_start3A_214, %dma_start3A_215] : memref<1600x32x1024xf32, #tpu.memory_space<hbm>> -> memref<1x32x1024xf32, #tpu.memory_space<hbm>>
    tpu.enqueue_dma source(%arg8 : memref<1x32x1024xf32, #tpu.memory_space<vmem>>) target(%dma_start3A_216 : memref<1x32x1024xf32, #tpu.memory_space<hbm>>) target_semaphore(%arg14 : memref<!tpu.dma_semaphore, #tpu.memory_space<semaphore_mem>>)
    %dma_wait3A_217 = arith.constant 0 : i32
    %dma_wait3A_218 = arith.constant 0 : i32
    %dma_wait3A_219 = tpu.memref_slice %arg4[%mul3A_2, %dma_wait3A_217, %dma_wait3A_218] : memref<1600x32x1024xf32, #tpu.memory_space<hbm>> -> memref<1x32x1024xf32, #tpu.memory_space<hbm>>
    %dma_wait3A_220 = arith.constant 0 : i32
    %dma_wait3A_221 = arith.constant 0 : i32
    %dma_wait3A_222 = tpu.memref_slice %arg4[%mul3A_2, %dma_wait3A_220, %dma_wait3A_221] : memref<1600x32x1024xf32, #tpu.memory_space<hbm>> -> memref<1x32x1024xf32, #tpu.memory_space<hbm>>
    tpu.wait_dma2 semaphore(%arg13 : memref<!tpu.dma_semaphore, #tpu.memory_space<semaphore_mem>>) src(%arg7 : memref<1x32x1024xf32, #tpu.memory_space<vmem>>) dst(%dma_wait3A_222 : memref<1x32x1024xf32, #tpu.memory_space<hbm>>)
    %add3A_223 = arith.constant 4 : i32
    %add3A_224 = arith.addi %sub3A_21, %add3A_223 : i32
    %get3A_225 = arith.index_cast %add3A_224 : i32 to index
    %get3A_226 = tpu.vector_load %arg5[%get3A_225] {strides = array<i32>} : memref<72xi32, #tpu.memory_space<vmem>>, vector<16xi32>,
    %get3A_227 = vector.shape_cast %get3A_226 : vector<16xi32> to vector<16xi32>
    %slice3A_228 = vector.extract_strided_slice %get3A_227 {offsets = [0], sizes = [1], strides = [1]} : vector<16xi32> to vector<1xi32>
    %squeeze3A_229 = vector.extract %slice3A_228[0] : i32 from vector<1xi32>
    %dma_start3A_230 = arith.constant 0 : i32
    %dma_start3A_231 = arith.constant 0 : i32
    %dma_start3A_232 = tpu.memref_slice %arg2[%squeeze3A_229, %dma_start3A_230, %dma_start3A_231] : memref<1600x32x1024xf32, #tpu.memory_space<hbm>> -> memref<1x32x1024xf32, #tpu.memory_space<hbm>>
    %dma_start3A_233 = arith.constant 0 : i32
    %dma_start3A_234 = arith.constant 0 : i32
    %dma_start3A_235 = tpu.memref_slice %arg2[%squeeze3A_229, %dma_start3A_233, %dma_start3A_234] : memref<1600x32x1024xf32, #tpu.memory_space<hbm>> -> memref<1x32x1024xf32, #tpu.memory_space<hbm>>
    tpu.enqueue_dma source(%dma_start3A_235 : memref<1x32x1024xf32, #tpu.memory_space<hbm>>) target(%arg7 : memref<1x32x1024xf32, #tpu.memory_space<vmem>>) target_semaphore(%arg10 : memref<!tpu.dma_semaphore, #tpu.memory_space<semaphore_mem>>)
    %dma_wait3A_236 = arith.constant 0 : i32
    %dma_wait3A_237 = arith.constant 0 : i32
    %dma_wait3A_238 = arith.constant 0 : i32
    %dma_wait3A_239 = tpu.memref_slice %arg4[%mul3A_2, %dma_wait3A_237, %dma_wait3A_238] : memref<1600x32x1024xf32, #tpu.memory_space<hbm>> -> memref<1x16x1024xf32, #tpu.memory_space<hbm>>
    %dma_wait3A_240 = arith.constant 0 : i32
    %dma_wait3A_241 = arith.constant 0 : i32
    %dma_wait3A_242 = arith.constant 0 : i32
    %dma_wait3A_243 = tpu.memref_slice %arg6[%arg1, %dma_wait3A_236, %dma_wait3A_240, %dma_wait3A_241, %dma_wait3A_242] : memref<16x1x1x16x1024xf32, #tpu.memory_space<vmem_shared>> -> memref<1x1x1x16x1024xf32, #tpu.memory_space<vmem_shared>>
    %dma_wait3A_244 = tpu.memref_squeeze %dma_wait3A_243 : memref<1x1x1x16x1024xf32, #tpu.memory_space<vmem_shared>> -> memref<1x16x1024xf32, #tpu.memory_space<vmem_shared>>
    tpu.wait_dma2 semaphore(%arg17 : memref<!tpu.dma_semaphore, #tpu.memory_space<semaphore_mem>>) src(%dma_wait3A_244 : memref<1x16x1024xf32, #tpu.memory_space<vmem_shared>>) dst(%dma_wait3A_239 : memref<1x16x1024xf32, #tpu.memory_space<hbm>>)
    %add3A_245 = arith.constant 7 : i32
    %add3A_246 = arith.addi %sub3A_21, %add3A_245 : i32
    %get3A_247 = arith.index_cast %add3A_246 : i32 to index
    %get3A_248 = tpu.vector_load %arg5[%get3A_247] {strides = array<i32>} : memref<72xi32, #tpu.memory_space<vmem>>, vector<16xi32>,
    %get3A_249 = vector.shape_cast %get3A_248 : vector<16xi32> to vector<16xi32>
    %slice3A_250 = vector.extract_strided_slice %get3A_249 {offsets = [0], sizes = [1], strides = [1]} : vector<16xi32> to vector<1xi32>
    %squeeze3A_251 = vector.extract %slice3A_250[0] : i32 from vector<1xi32>
    %dma_start3A_252 = arith.constant 0 : i32
    %dma_start3A_253 = arith.constant 0 : i32
    %dma_start3A_254 = arith.constant 0 : i32
    %dma_start3A_255 = arith.constant 0 : i32
    %dma_start3A_256 = tpu.memref_slice %arg6[%arg1, %dma_start3A_252, %dma_start3A_253, %dma_start3A_254, %dma_start3A_255] : memref<16x1x1x16x1024xf32, #tpu.memory_space<vmem_shared>> -> memref<1x1x1x16x1024xf32, #tpu.memory_space<vmem_shared>>
    %dma_start3A_257 = tpu.memref_squeeze %dma_start3A_256 : memref<1x1x1x16x1024xf32, #tpu.memory_space<vmem_shared>> -> memref<1x16x1024xf32, #tpu.memory_space<vmem_shared>>
    %dma_start3A_258 = arith.constant 16 : i32
    %dma_start3A_259 = arith.constant 0 : i32
    %dma_start3A_260 = tpu.memref_slice %arg2[%squeeze3A_251, %dma_start3A_258, %dma_start3A_259] : memref<1600x32x1024xf32, #tpu.memory_space<hbm>> -> memref<1x16x1024xf32, #tpu.memory_space<hbm>>
    tpu.enqueue_dma source(%dma_start3A_260 : memref<1x16x1024xf32, #tpu.memory_space<hbm>>) target(%dma_start3A_257 : memref<1x16x1024xf32, #tpu.memory_space<vmem_shared>>) target_semaphore(%arg16 : memref<!tpu.dma_semaphore, #tpu.memory_space<semaphore_mem>>)
    %dma_wait3A_261 = arith.constant 0 : i32
    %dma_wait3A_262 = arith.constant 0 : i32
    %dma_wait3A_263 = arith.constant 0 : i32
    %dma_wait3A_264 = arith.constant 0 : i32
    %dma_wait3A_265 = tpu.memref_slice %arg6[%arg1, %dma_wait3A_261, %dma_wait3A_262, %dma_wait3A_263, %dma_wait3A_264] : memref<16x1x1x16x1024xf32, #tpu.memory_space<vmem_shared>> -> memref<1x1x1x16x1024xf32, #tpu.memory_space<vmem_shared>>
    %dma_wait3A_266 = tpu.memref_squeeze %dma_wait3A_265 : memref<1x1x1x16x1024xf32, #tpu.memory_space<vmem_shared>> -> memref<1x16x1024xf32, #tpu.memory_space<vmem_shared>>
    %dma_wait3A_267 = arith.constant 0 : i32
    %dma_wait3A_268 = arith.constant 0 : i32
    %dma_wait3A_269 = arith.constant 0 : i32
    %dma_wait3A_270 = tpu.memref_slice %arg2[%dma_wait3A_267, %dma_wait3A_268, %dma_wait3A_269] : memref<1600x32x1024xf32, #tpu.memory_space<hbm>> -> memref<1x16x1024xf32, #tpu.memory_space<hbm>>
    tpu.wait_dma2 semaphore(%arg16 : memref<!tpu.dma_semaphore, #tpu.memory_space<semaphore_mem>>) src(%dma_wait3A_270 : memref<1x16x1024xf32, #tpu.memory_space<hbm>>) dst(%dma_wait3A_266 : memref<1x16x1024xf32, #tpu.memory_space<vmem_shared>>)
    %add3A_271 = arith.constant 7 : i32
    %add3A_272 = arith.addi %mul3A_2, %add3A_271 : i32
    %dma_start3A_273 = arith.constant 0 : i32
    %dma_start3A_274 = arith.constant 16 : i32
    %dma_start3A_275 = arith.constant 0 : i32
    %dma_start3A_276 = tpu.memref_slice %arg4[%add3A_272, %dma_start3A_274, %dma_start3A_275] : memref<1600x32x1024xf32, #tpu.memory_space<hbm>> -> memref<1x16x1024xf32, #tpu.memory_space<hbm>>
    %dma_start3A_277 = arith.constant 0 : i32
    %dma_start3A_278 = arith.constant 0 : i32
    %dma_start3A_279 = arith.constant 0 : i32
    %dma_start3A_280 = tpu.memref_slice %arg6[%arg1, %dma_start3A_273, %dma_start3A_277, %dma_start3A_278, %dma_start3A_279] : memref<16x1x1x16x1024xf32, #tpu.memory_space<vmem_shared>> -> memref<1x1x1x16x1024xf32, #tpu.memory_space<vmem_shared>>
    %dma_start3A_281 = tpu.memref_squeeze %dma_start3A_280 : memref<1x1x1x16x1024xf32, #tpu.memory_space<vmem_shared>> -> memref<1x16x1024xf32, #tpu.memory_space<vmem_shared>>
    tpu.enqueue_dma source(%dma_start3A_281 : memref<1x16x1024xf32, #tpu.memory_space<vmem_shared>>) target(%dma_start3A_276 : memref<1x16x1024xf32, #tpu.memory_space<hbm>>) target_semaphore(%arg17 : memref<!tpu.dma_semaphore, #tpu.memory_space<semaphore_mem>>)
    %dma_wait3A_282 = arith.constant 0 : i32
    %dma_wait3A_283 = arith.constant 0 : i32
    %dma_wait3A_284 = arith.constant 0 : i32
    %dma_wait3A_285 = tpu.memref_slice %arg2[%dma_wait3A_282, %dma_wait3A_283, %dma_wait3A_284] : memref<1600x32x1024xf32, #tpu.memory_space<hbm>> -> memref<1x32x1024xf32, #tpu.memory_space<hbm>>
    %dma_wait3A_286 = arith.constant 0 : i32
    %dma_wait3A_287 = arith.constant 0 : i32
    %dma_wait3A_288 = arith.constant 0 : i32
    %dma_wait3A_289 = tpu.memref_slice %arg2[%dma_wait3A_286, %dma_wait3A_287, %dma_wait3A_288] : memref<1600x32x1024xf32, #tpu.memory_space<hbm>> -> memref<1x32x1024xf32, #tpu.memory_space<hbm>>
    tpu.wait_dma2 semaphore(%arg12 : memref<!tpu.dma_semaphore, #tpu.memory_space<semaphore_mem>>) src(%dma_wait3A_289 : memref<1x32x1024xf32, #tpu.memory_space<hbm>>) dst(%arg9 : memref<1x32x1024xf32, #tpu.memory_space<vmem>>)
    %add3A_290 = arith.constant 2 : i32
    %add3A_291 = arith.addi %mul3A_2, %add3A_290 : i32
    %dma_start3A_292 = arith.constant 0 : i32
    %dma_start3A_293 = arith.constant 0 : i32
    %dma_start3A_294 = tpu.memref_slice %arg4[%add3A_291, %dma_start3A_292, %dma_start3A_293] : memref<1600x32x1024xf32, #tpu.memory_space<hbm>> -> memref<1x32x1024xf32, #tpu.memory_space<hbm>>
    %dma_start3A_295 = arith.constant 0 : i32
    %dma_start3A_296 = arith.constant 0 : i32
    %dma_start3A_297 = tpu.memref_slice %arg4[%add3A_291, %dma_start3A_295, %dma_start3A_296] : memref<1600x32x1024xf32, #tpu.memory_space<hbm>> -> memref<1x32x1024xf32, #tpu.memory_space<hbm>>
    tpu.enqueue_dma source(%arg9 : memref<1x32x1024xf32, #tpu.memory_space<vmem>>) target(%dma_start3A_297 : memref<1x32x1024xf32, #tpu.memory_space<hbm>>) target_semaphore(%arg15 : memref<!tpu.dma_semaphore, #tpu.memory_space<semaphore_mem>>)
    %dma_wait3A_298 = arith.constant 0 : i32
    %dma_wait3A_299 = arith.constant 0 : i32
    %dma_wait3A_300 = tpu.memref_slice %arg4[%mul3A_2, %dma_wait3A_298, %dma_wait3A_299] : memref<1600x32x1024xf32, #tpu.memory_space<hbm>> -> memref<1x32x1024xf32, #tpu.memory_space<hbm>>
    %dma_wait3A_301 = arith.constant 0 : i32
    %dma_wait3A_302 = arith.constant 0 : i32
    %dma_wait3A_303 = tpu.memref_slice %arg4[%mul3A_2, %dma_wait3A_301, %dma_wait3A_302] : memref<1600x32x1024xf32, #tpu.memory_space<hbm>> -> memref<1x32x1024xf32, #tpu.memory_space<hbm>>
    tpu.wait_dma2 semaphore(%arg14 : memref<!tpu.dma_semaphore, #tpu.memory_space<semaphore_mem>>) src(%arg8 : memref<1x32x1024xf32, #tpu.memory_space<vmem>>) dst(%dma_wait3A_303 : memref<1x32x1024xf32, #tpu.memory_space<hbm>>)
    %add3A_304 = arith.constant 5 : i32
    %add3A_305 = arith.addi %sub3A_21, %add3A_304 : i32
    %get3A_306 = arith.index_cast %add3A_305 : i32 to index
    %get3A_307 = tpu.vector_load %arg5[%get3A_306] {strides = array<i32>} : memref<72xi32, #tpu.memory_space<vmem>>, vector<16xi32>,
    %get3A_308 = vector.shape_cast %get3A_307 : vector<16xi32> to vector<16xi32>
    %slice3A_309 = vector.extract_strided_slice %get3A_308 {offsets = [0], sizes = [1], strides = [1]} : vector<16xi32> to vector<1xi32>
    %squeeze3A_310 = vector.extract %slice3A_309[0] : i32 from vector<1xi32>
    %dma_start3A_311 = arith.constant 0 : i32
    %dma_start3A_312 = arith.constant 0 : i32
    %dma_start3A_313 = tpu.memref_slice %arg2[%squeeze3A_310, %dma_start3A_311, %dma_start3A_312] : memref<1600x32x1024xf32, #tpu.memory_space<hbm>> -> memref<1x32x1024xf32, #tpu.memory_space<hbm>>
    %dma_start3A_314 = arith.constant 0 : i32
    %dma_start3A_315 = arith.constant 0 : i32
    %dma_start3A_316 = tpu.memref_slice %arg2[%squeeze3A_310, %dma_start3A_314, %dma_start3A_315] : memref<1600x32x1024xf32, #tpu.memory_space<hbm>> -> memref<1x32x1024xf32, #tpu.memory_space<hbm>>
    tpu.enqueue_dma source(%dma_start3A_316 : memref<1x32x1024xf32, #tpu.memory_space<hbm>>) target(%arg8 : memref<1x32x1024xf32, #tpu.memory_space<vmem>>) target_semaphore(%arg11 : memref<!tpu.dma_semaphore, #tpu.memory_space<semaphore_mem>>)
    %dma_wait3A_317 = arith.constant 0 : i32
    %dma_wait3A_318 = arith.constant 0 : i32
    %dma_wait3A_319 = arith.constant 0 : i32
    %dma_wait3A_320 = tpu.memref_slice %arg4[%mul3A_2, %dma_wait3A_318, %dma_wait3A_319] : memref<1600x32x1024xf32, #tpu.memory_space<hbm>> -> memref<1x16x1024xf32, #tpu.memory_space<hbm>>
    %dma_wait3A_321 = arith.constant 0 : i32
    %dma_wait3A_322 = arith.constant 0 : i32
    %dma_wait3A_323 = arith.constant 0 : i32
    %dma_wait3A_324 = tpu.memref_slice %arg6[%arg1, %dma_wait3A_317, %dma_wait3A_321, %dma_wait3A_322, %dma_wait3A_323] : memref<16x1x1x16x1024xf32, #tpu.memory_space<vmem_shared>> -> memref<1x1x1x16x1024xf32, #tpu.memory_space<vmem_shared>>
    %dma_wait3A_325 = tpu.memref_squeeze %dma_wait3A_324 : memref<1x1x1x16x1024xf32, #tpu.memory_space<vmem_shared>> -> memref<1x16x1024xf32, #tpu.memory_space<vmem_shared>>
    tpu.wait_dma2 semaphore(%arg17 : memref<!tpu.dma_semaphore, #tpu.memory_space<semaphore_mem>>) src(%dma_wait3A_325 : memref<1x16x1024xf32, #tpu.memory_space<vmem_shared>>) dst(%dma_wait3A_320 : memref<1x16x1024xf32, #tpu.memory_space<hbm>>)
    %add3A_326 = arith.constant 11 : i32
    %add3A_327 = arith.addi %sub3A_21, %add3A_326 : i32
    %get3A_328 = arith.index_cast %add3A_327 : i32 to index
    %get3A_329 = tpu.vector_load %arg5[%get3A_328] {strides = array<i32>} : memref<72xi32, #tpu.memory_space<vmem>>, vector<16xi32>,
    %get3A_330 = vector.shape_cast %get3A_329 : vector<16xi32> to vector<16xi32>
    %slice3A_331 = vector.extract_strided_slice %get3A_330 {offsets = [0], sizes = [1], strides = [1]} : vector<16xi32> to vector<1xi32>
    %squeeze3A_332 = vector.extract %slice3A_331[0] : i32 from vector<1xi32>
    %dma_start3A_333 = arith.constant 0 : i32
    %dma_start3A_334 = arith.constant 0 : i32
    %dma_start3A_335 = arith.constant 0 : i32
    %dma_start3A_336 = arith.constant 0 : i32
    %dma_start3A_337 = tpu.memref_slice %arg6[%arg1, %dma_start3A_333, %dma_start3A_334, %dma_start3A_335, %dma_start3A_336] : memref<16x1x1x16x1024xf32, #tpu.memory_space<vmem_shared>> -> memref<1x1x1x16x1024xf32, #tpu.memory_space<vmem_shared>>
    %dma_start3A_338 = tpu.memref_squeeze %dma_start3A_337 : memref<1x1x1x16x1024xf32, #tpu.memory_space<vmem_shared>> -> memref<1x16x1024xf32, #tpu.memory_space<vmem_shared>>
    %dma_start3A_339 = arith.constant 0 : i32
    %dma_start3A_340 = arith.constant 0 : i32
    %dma_start3A_341 = tpu.memref_slice %arg2[%squeeze3A_332, %dma_start3A_339, %dma_start3A_340] : memref<1600x32x1024xf32, #tpu.memory_space<hbm>> -> memref<1x16x1024xf32, #tpu.memory_space<hbm>>
    tpu.enqueue_dma source(%dma_start3A_341 : memref<1x16x1024xf32, #tpu.memory_space<hbm>>) target(%dma_start3A_338 : memref<1x16x1024xf32, #tpu.memory_space<vmem_shared>>) target_semaphore(%arg16 : memref<!tpu.dma_semaphore, #tpu.memory_space<semaphore_mem>>)
    %dma_wait3A_342 = arith.constant 0 : i32
    %dma_wait3A_343 = arith.constant 0 : i32
    %dma_wait3A_344 = arith.constant 0 : i32
    %dma_wait3A_345 = arith.constant 0 : i32
    %dma_wait3A_346 = tpu.memref_slice %arg6[%arg1, %dma_wait3A_342, %dma_wait3A_343, %dma_wait3A_344, %dma_wait3A_345] : memref<16x1x1x16x1024xf32, #tpu.memory_space<vmem_shared>> -> memref<1x1x1x16x1024xf32, #tpu.memory_space<vmem_shared>>
    %dma_wait3A_347 = tpu.memref_squeeze %dma_wait3A_346 : memref<1x1x1x16x1024xf32, #tpu.memory_space<vmem_shared>> -> memref<1x16x1024xf32, #tpu.memory_space<vmem_shared>>
    %dma_wait3A_348 = arith.constant 0 : i32
    %dma_wait3A_349 = arith.constant 0 : i32
    %dma_wait3A_350 = arith.constant 0 : i32
    %dma_wait3A_351 = tpu.memref_slice %arg2[%dma_wait3A_348, %dma_wait3A_349, %dma_wait3A_350] : memref<1600x32x1024xf32, #tpu.memory_space<hbm>> -> memref<1x16x1024xf32, #tpu.memory_space<hbm>>
    tpu.wait_dma2 semaphore(%arg16 : memref<!tpu.dma_semaphore, #tpu.memory_space<semaphore_mem>>) src(%dma_wait3A_351 : memref<1x16x1024xf32, #tpu.memory_space<hbm>>) dst(%dma_wait3A_347 : memref<1x16x1024xf32, #tpu.memory_space<vmem_shared>>)
    %add3A_352 = arith.constant 11 : i32
    %add3A_353 = arith.addi %mul3A_2, %add3A_352 : i32
    %dma_start3A_354 = arith.constant 0 : i32
    %dma_start3A_355 = arith.constant 0 : i32
    %dma_start3A_356 = arith.constant 0 : i32
    %dma_start3A_357 = tpu.memref_slice %arg4[%add3A_353, %dma_start3A_355, %dma_start3A_356] : memref<1600x32x1024xf32, #tpu.memory_space<hbm>> -> memref<1x16x1024xf32, #tpu.memory_space<hbm>>
    %dma_start3A_358 = arith.constant 0 : i32
    %dma_start3A_359 = arith.constant 0 : i32
    %dma_start3A_360 = arith.constant 0 : i32
    %dma_start3A_361 = tpu.memref_slice %arg6[%arg1, %dma_start3A_354, %dma_start3A_358, %dma_start3A_359, %dma_start3A_360] : memref<16x1x1x16x1024xf32, #tpu.memory_space<vmem_shared>> -> memref<1x1x1x16x1024xf32, #tpu.memory_space<vmem_shared>>
    %dma_start3A_362 = tpu.memref_squeeze %dma_start3A_361 : memref<1x1x1x16x1024xf32, #tpu.memory_space<vmem_shared>> -> memref<1x16x1024xf32, #tpu.memory_space<vmem_shared>>
    tpu.enqueue_dma source(%dma_start3A_362 : memref<1x16x1024xf32, #tpu.memory_space<vmem_shared>>) target(%dma_start3A_357 : memref<1x16x1024xf32, #tpu.memory_space<hbm>>) target_semaphore(%arg17 : memref<!tpu.dma_semaphore, #tpu.memory_space<semaphore_mem>>)
    %dma_wait3A_363 = arith.constant 0 : i32
    %dma_wait3A_364 = arith.constant 0 : i32
    %dma_wait3A_365 = arith.constant 0 : i32
    %dma_wait3A_366 = tpu.memref_slice %arg2[%dma_wait3A_363, %dma_wait3A_364, %dma_wait3A_365] : memref<1600x32x1024xf32, #tpu.memory_space<hbm>> -> memref<1x32x1024xf32, #tpu.memory_space<hbm>>
    %dma_wait3A_367 = arith.constant 0 : i32
    %dma_wait3A_368 = arith.constant 0 : i32
    %dma_wait3A_369 = arith.constant 0 : i32
    %dma_wait3A_370 = tpu.memref_slice %arg2[%dma_wait3A_367, %dma_wait3A_368, %dma_wait3A_369] : memref<1600x32x1024xf32, #tpu.memory_space<hbm>> -> memref<1x32x1024xf32, #tpu.memory_space<hbm>>
    tpu.wait_dma2 semaphore(%arg10 : memref<!tpu.dma_semaphore, #tpu.memory_space<semaphore_mem>>) src(%dma_wait3A_370 : memref<1x32x1024xf32, #tpu.memory_space<hbm>>) dst(%arg7 : memref<1x32x1024xf32, #tpu.memory_space<vmem>>)
    %add3A_371 = arith.constant 4 : i32
    %add3A_372 = arith.addi %mul3A_2, %add3A_371 : i32
    %dma_start3A_373 = arith.constant 0 : i32
    %dma_start3A_374 = arith.constant 0 : i32
    %dma_start3A_375 = tpu.memref_slice %arg4[%add3A_372, %dma_start3A_373, %dma_start3A_374] : memref<1600x32x1024xf32, #tpu.memory_space<hbm>> -> memref<1x32x1024xf32, #tpu.memory_space<hbm>>
    %dma_start3A_376 = arith.constant 0 : i32
    %dma_start3A_377 = arith.constant 0 : i32
    %dma_start3A_378 = tpu.memref_slice %arg4[%add3A_372, %dma_start3A_376, %dma_start3A_377] : memref<1600x32x1024xf32, #tpu.memory_space<hbm>> -> memref<1x32x1024xf32, #tpu.memory_space<hbm>>
    tpu.enqueue_dma source(%arg7 : memref<1x32x1024xf32, #tpu.memory_space<vmem>>) target(%dma_start3A_378 : memref<1x32x1024xf32, #tpu.memory_space<hbm>>) target_semaphore(%arg13 : memref<!tpu.dma_semaphore, #tpu.memory_space<semaphore_mem>>)
    %dma_wait3A_379 = arith.constant 0 : i32
    %dma_wait3A_380 = arith.constant 0 : i32
    %dma_wait3A_381 = tpu.memref_slice %arg4[%mul3A_2, %dma_wait3A_379, %dma_wait3A_380] : memref<1600x32x1024xf32, #tpu.memory_space<hbm>> -> memref<1x32x1024xf32, #tpu.memory_space<hbm>>
    %dma_wait3A_382 = arith.constant 0 : i32
    %dma_wait3A_383 = arith.constant 0 : i32
    %dma_wait3A_384 = tpu.memref_slice %arg4[%mul3A_2, %dma_wait3A_382, %dma_wait3A_383] : memref<1600x32x1024xf32, #tpu.memory_space<hbm>> -> memref<1x32x1024xf32, #tpu.memory_space<hbm>>
    tpu.wait_dma2 semaphore(%arg15 : memref<!tpu.dma_semaphore, #tpu.memory_space<semaphore_mem>>) src(%arg9 : memref<1x32x1024xf32, #tpu.memory_space<vmem>>) dst(%dma_wait3A_384 : memref<1x32x1024xf32, #tpu.memory_space<hbm>>)
    %add3A_385 = arith.constant 6 : i32
    %add3A_386 = arith.addi %sub3A_21, %add3A_385 : i32
    %get3A_387 = arith.index_cast %add3A_386 : i32 to index
    %get3A_388 = tpu.vector_load %arg5[%get3A_387] {strides = array<i32>} : memref<72xi32, #tpu.memory_space<vmem>>, vector<16xi32>,
    %get3A_389 = vector.shape_cast %get3A_388 : vector<16xi32> to vector<16xi32>
    %slice3A_390 = vector.extract_strided_slice %get3A_389 {offsets = [0], sizes = [1], strides = [1]} : vector<16xi32> to vector<1xi32>
    %squeeze3A_391 = vector.extract %slice3A_390[0] : i32 from vector<1xi32>
    %dma_start3A_392 = arith.constant 0 : i32
    %dma_start3A_393 = arith.constant 0 : i32
    %dma_start3A_394 = tpu.memref_slice %arg2[%squeeze3A_391, %dma_start3A_392, %dma_start3A_393] : memref<1600x32x1024xf32, #tpu.memory_space<hbm>> -> memref<1x32x1024xf32, #tpu.memory_space<hbm>>
    %dma_start3A_395 = arith.constant 0 : i32
    %dma_start3A_396 = arith.constant 0 : i32
    %dma_start3A_397 = tpu.memref_slice %arg2[%squeeze3A_391, %dma_start3A_395, %dma_start3A_396] : memref<1600x32x1024xf32, #tpu.memory_space<hbm>> -> memref<1x32x1024xf32, #tpu.memory_space<hbm>>
    tpu.enqueue_dma source(%dma_start3A_397 : memref<1x32x1024xf32, #tpu.memory_space<hbm>>) target(%arg9 : memref<1x32x1024xf32, #tpu.memory_space<vmem>>) target_semaphore(%arg12 : memref<!tpu.dma_semaphore, #tpu.memory_space<semaphore_mem>>)
    %dma_wait3A_398 = arith.constant 0 : i32
    %dma_wait3A_399 = arith.constant 0 : i32
    %dma_wait3A_400 = arith.constant 0 : i32
    %dma_wait3A_401 = tpu.memref_slice %arg4[%mul3A_2, %dma_wait3A_399, %dma_wait3A_400] : memref<1600x32x1024xf32, #tpu.memory_space<hbm>> -> memref<1x16x1024xf32, #tpu.memory_space<hbm>>
    %dma_wait3A_402 = arith.constant 0 : i32
    %dma_wait3A_403 = arith.constant 0 : i32
    %dma_wait3A_404 = arith.constant 0 : i32
    %dma_wait3A_405 = tpu.memref_slice %arg6[%arg1, %dma_wait3A_398, %dma_wait3A_402, %dma_wait3A_403, %dma_wait3A_404] : memref<16x1x1x16x1024xf32, #tpu.memory_space<vmem_shared>> -> memref<1x1x1x16x1024xf32, #tpu.memory_space<vmem_shared>>
    %dma_wait3A_406 = tpu.memref_squeeze %dma_wait3A_405 : memref<1x1x1x16x1024xf32, #tpu.memory_space<vmem_shared>> -> memref<1x16x1024xf32, #tpu.memory_space<vmem_shared>>
    tpu.wait_dma2 semaphore(%arg17 : memref<!tpu.dma_semaphore, #tpu.memory_space<semaphore_mem>>) src(%dma_wait3A_406 : memref<1x16x1024xf32, #tpu.memory_space<vmem_shared>>) dst(%dma_wait3A_401 : memref<1x16x1024xf32, #tpu.memory_space<hbm>>)
    %add3A_407 = arith.constant 11 : i32
    %add3A_408 = arith.addi %sub3A_21, %add3A_407 : i32
    %get3A_409 = arith.index_cast %add3A_408 : i32 to index
    %get3A_410 = tpu.vector_load %arg5[%get3A_409] {strides = array<i32>} : memref<72xi32, #tpu.memory_space<vmem>>, vector<16xi32>,
    %get3A_411 = vector.shape_cast %get3A_410 : vector<16xi32> to vector<16xi32>
    %slice3A_412 = vector.extract_strided_slice %get3A_411 {offsets = [0], sizes = [1], strides = [1]} : vector<16xi32> to vector<1xi32>
    %squeeze3A_413 = vector.extract %slice3A_412[0] : i32 from vector<1xi32>
    %dma_start3A_414 = arith.constant 0 : i32
    %dma_start3A_415 = arith.constant 0 : i32
    %dma_start3A_416 = arith.constant 0 : i32
    %dma_start3A_417 = arith.constant 0 : i32
    %dma_start3A_418 = tpu.memref_slice %arg6[%arg1, %dma_start3A_414, %dma_start3A_415, %dma_start3A_416, %dma_start3A_417] : memref<16x1x1x16x1024xf32, #tpu.memory_space<vmem_shared>> -> memref<1x1x1x16x1024xf32, #tpu.memory_space<vmem_shared>>
    %dma_start3A_419 = tpu.memref_squeeze %dma_start3A_418 : memref<1x1x1x16x1024xf32, #tpu.memory_space<vmem_shared>> -> memref<1x16x1024xf32, #tpu.memory_space<vmem_shared>>
    %dma_start3A_420 = arith.constant 16 : i32
    %dma_start3A_421 = arith.constant 0 : i32
    %dma_start3A_422 = tpu.memref_slice %arg2[%squeeze3A_413, %dma_start3A_420, %dma_start3A_421] : memref<1600x32x1024xf32, #tpu.memory_space<hbm>> -> memref<1x16x1024xf32, #tpu.memory_space<hbm>>
    tpu.enqueue_dma source(%dma_start3A_422 : memref<1x16x1024xf32, #tpu.memory_space<hbm>>) target(%dma_start3A_419 : memref<1x16x1024xf32, #tpu.memory_space<vmem_shared>>) target_semaphore(%arg16 : memref<!tpu.dma_semaphore, #tpu.memory_space<semaphore_mem>>)
    %dma_wait3A_423 = arith.constant 0 : i32
    %dma_wait3A_424 = arith.constant 0 : i32
    %dma_wait3A_425 = arith.constant 0 : i32
    %dma_wait3A_426 = arith.constant 0 : i32
    %dma_wait3A_427 = tpu.memref_slice %arg6[%arg1, %dma_wait3A_423, %dma_wait3A_424, %dma_wait3A_425, %dma_wait3A_426] : memref<16x1x1x16x1024xf32, #tpu.memory_space<vmem_shared>> -> memref<1x1x1x16x1024xf32, #tpu.memory_space<vmem_shared>>
    %dma_wait3A_428 = tpu.memref_squeeze %dma_wait3A_427 : memref<1x1x1x16x1024xf32, #tpu.memory_space<vmem_shared>> -> memref<1x16x1024xf32, #tpu.memory_space<vmem_shared>>
    %dma_wait3A_429 = arith.constant 0 : i32
    %dma_wait3A_430 = arith.constant 0 : i32
    %dma_wait3A_431 = arith.constant 0 : i32
    %dma_wait3A_432 = tpu.memref_slice %arg2[%dma_wait3A_429, %dma_wait3A_430, %dma_wait3A_431] : memref<1600x32x1024xf32, #tpu.memory_space<hbm>> -> memref<1x16x1024xf32, #tpu.memory_space<hbm>>
    tpu.wait_dma2 semaphore(%arg16 : memref<!tpu.dma_semaphore, #tpu.memory_space<semaphore_mem>>) src(%dma_wait3A_432 : memref<1x16x1024xf32, #tpu.memory_space<hbm>>) dst(%dma_wait3A_428 : memref<1x16x1024xf32, #tpu.memory_space<vmem_shared>>)
    %add3A_433 = arith.constant 11 : i32
    %add3A_434 = arith.addi %mul3A_2, %add3A_433 : i32
    %dma_start3A_435 = arith.constant 0 : i32
    %dma_start3A_436 = arith.constant 16 : i32
    %dma_start3A_437 = arith.constant 0 : i32
    %dma_start3A_438 = tpu.memref_slice %arg4[%add3A_434, %dma_start3A_436, %dma_start3A_437] : memref<1600x32x1024xf32, #tpu.memory_space<hbm>> -> memref<1x16x1024xf32, #tpu.memory_space<hbm>>
    %dma_start3A_439 = arith.constant 0 : i32
    %dma_start3A_440 = arith.constant 0 : i32
    %dma_start3A_441 = arith.constant 0 : i32
    %dma_start3A_442 = tpu.memref_slice %arg6[%arg1, %dma_start3A_435, %dma_start3A_439, %dma_start3A_440, %dma_start3A_441] : memref<16x1x1x16x1024xf32, #tpu.memory_space<vmem_shared>> -> memref<1x1x1x16x1024xf32, #tpu.memory_space<vmem_shared>>
    %dma_start3A_443 = tpu.memref_squeeze %dma_start3A_442 : memref<1x1x1x16x1024xf32, #tpu.memory_space<vmem_shared>> -> memref<1x16x1024xf32, #tpu.memory_space<vmem_shared>>
    tpu.enqueue_dma source(%dma_start3A_443 : memref<1x16x1024xf32, #tpu.memory_space<vmem_shared>>) target(%dma_start3A_438 : memref<1x16x1024xf32, #tpu.memory_space<hbm>>) target_semaphore(%arg17 : memref<!tpu.dma_semaphore, #tpu.memory_space<semaphore_mem>>)
    %dma_wait3A_444 = arith.constant 0 : i32
    %dma_wait3A_445 = arith.constant 0 : i32
    %dma_wait3A_446 = arith.constant 0 : i32
    %dma_wait3A_447 = tpu.memref_slice %arg2[%dma_wait3A_444, %dma_wait3A_445, %dma_wait3A_446] : memref<1600x32x1024xf32, #tpu.memory_space<hbm>> -> memref<1x32x1024xf32, #tpu.memory_space<hbm>>
    %dma_wait3A_448 = arith.constant 0 : i32
    %dma_wait3A_449 = arith.constant 0 : i32
    %dma_wait3A_450 = arith.constant 0 : i32
    %dma_wait3A_451 = tpu.memref_slice %arg2[%dma_wait3A_448, %dma_wait3A_449, %dma_wait3A_450] : memref<1600x32x1024xf32, #tpu.memory_space<hbm>> -> memref<1x32x1024xf32, #tpu.memory_space<hbm>>
    tpu.wait_dma2 semaphore(%arg11 : memref<!tpu.dma_semaphore, #tpu.memory_space<semaphore_mem>>) src(%dma_wait3A_451 : memref<1x32x1024xf32, #tpu.memory_space<hbm>>) dst(%arg8 : memref<1x32x1024xf32, #tpu.memory_space<vmem>>)
    %add3A_452 = arith.constant 5 : i32
    %add3A_453 = arith.addi %mul3A_2, %add3A_452 : i32
    %dma_start3A_454 = arith.constant 0 : i32
    %dma_start3A_455 = arith.constant 0 : i32
    %dma_start3A_456 = tpu.memref_slice %arg4[%add3A_453, %dma_start3A_454, %dma_start3A_455] : memref<1600x32x1024xf32, #tpu.memory_space<hbm>> -> memref<1x32x1024xf32, #tpu.memory_space<hbm>>
    %dma_start3A_457 = arith.constant 0 : i32
    %dma_start3A_458 = arith.constant 0 : i32
    %dma_start3A_459 = tpu.memref_slice %arg4[%add3A_453, %dma_start3A_457, %dma_start3A_458] : memref<1600x32x1024xf32, #tpu.memory_space<hbm>> -> memref<1x32x1024xf32, #tpu.memory_space<hbm>>
    tpu.enqueue_dma source(%arg8 : memref<1x32x1024xf32, #tpu.memory_space<vmem>>) target(%dma_start3A_459 : memref<1x32x1024xf32, #tpu.memory_space<hbm>>) target_semaphore(%arg14 : memref<!tpu.dma_semaphore, #tpu.memory_space<semaphore_mem>>)
    %dma_wait3A_460 = arith.constant 0 : i32
    %dma_wait3A_461 = arith.constant 0 : i32
    %dma_wait3A_462 = tpu.memref_slice %arg4[%mul3A_2, %dma_wait3A_460, %dma_wait3A_461] : memref<1600x32x1024xf32, #tpu.memory_space<hbm>> -> memref<1x32x1024xf32, #tpu.memory_space<hbm>>
    %dma_wait3A_463 = arith.constant 0 : i32
    %dma_wait3A_464 = arith.constant 0 : i32
    %dma_wait3A_465 = tpu.memref_slice %arg4[%mul3A_2, %dma_wait3A_463, %dma_wait3A_464] : memref<1600x32x1024xf32, #tpu.memory_space<hbm>> -> memref<1x32x1024xf32, #tpu.memory_space<hbm>>
    tpu.wait_dma2 semaphore(%arg13 : memref<!tpu.dma_semaphore, #tpu.memory_space<semaphore_mem>>) src(%arg7 : memref<1x32x1024xf32, #tpu.memory_space<vmem>>) dst(%dma_wait3A_465 : memref<1x32x1024xf32, #tpu.memory_space<hbm>>)
    %add3A_466 = arith.constant 8 : i32
    %add3A_467 = arith.addi %sub3A_21, %add3A_466 : i32
    %get3A_468 = arith.index_cast %add3A_467 : i32 to index
    %get3A_469 = tpu.vector_load %arg5[%get3A_468] {strides = array<i32>} : memref<72xi32, #tpu.memory_space<vmem>>, vector<16xi32>,
    %get3A_470 = vector.shape_cast %get3A_469 : vector<16xi32> to vector<16xi32>
    %slice3A_471 = vector.extract_strided_slice %get3A_470 {offsets = [0], sizes = [1], strides = [1]} : vector<16xi32> to vector<1xi32>
    %squeeze3A_472 = vector.extract %slice3A_471[0] : i32 from vector<1xi32>
    %dma_start3A_473 = arith.constant 0 : i32
    %dma_start3A_474 = arith.constant 0 : i32
    %dma_start3A_475 = tpu.memref_slice %arg2[%squeeze3A_472, %dma_start3A_473, %dma_start3A_474] : memref<1600x32x1024xf32, #tpu.memory_space<hbm>> -> memref<1x32x1024xf32, #tpu.memory_space<hbm>>
    %dma_start3A_476 = arith.constant 0 : i32
    %dma_start3A_477 = arith.constant 0 : i32
    %dma_start3A_478 = tpu.memref_slice %arg2[%squeeze3A_472, %dma_start3A_476, %dma_start3A_477] : memref<1600x32x1024xf32, #tpu.memory_space<hbm>> -> memref<1x32x1024xf32, #tpu.memory_space<hbm>>
    tpu.enqueue_dma source(%dma_start3A_478 : memref<1x32x1024xf32, #tpu.memory_space<hbm>>) target(%arg7 : memref<1x32x1024xf32, #tpu.memory_space<vmem>>) target_semaphore(%arg10 : memref<!tpu.dma_semaphore, #tpu.memory_space<semaphore_mem>>)
    %dma_wait3A_479 = arith.constant 0 : i32
    %dma_wait3A_480 = arith.constant 0 : i32
    %dma_wait3A_481 = arith.constant 0 : i32
    %dma_wait3A_482 = tpu.memref_slice %arg4[%mul3A_2, %dma_wait3A_480, %dma_wait3A_481] : memref<1600x32x1024xf32, #tpu.memory_space<hbm>> -> memref<1x16x1024xf32, #tpu.memory_space<hbm>>
    %dma_wait3A_483 = arith.constant 0 : i32
    %dma_wait3A_484 = arith.constant 0 : i32
    %dma_wait3A_485 = arith.constant 0 : i32
    %dma_wait3A_486 = tpu.memref_slice %arg6[%arg1, %dma_wait3A_479, %dma_wait3A_483, %dma_wait3A_484, %dma_wait3A_485] : memref<16x1x1x16x1024xf32, #tpu.memory_space<vmem_shared>> -> memref<1x1x1x16x1024xf32, #tpu.memory_space<vmem_shared>>
    %dma_wait3A_487 = tpu.memref_squeeze %dma_wait3A_486 : memref<1x1x1x16x1024xf32, #tpu.memory_space<vmem_shared>> -> memref<1x16x1024xf32, #tpu.memory_space<vmem_shared>>
    tpu.wait_dma2 semaphore(%arg17 : memref<!tpu.dma_semaphore, #tpu.memory_space<semaphore_mem>>) src(%dma_wait3A_487 : memref<1x16x1024xf32, #tpu.memory_space<vmem_shared>>) dst(%dma_wait3A_482 : memref<1x16x1024xf32, #tpu.memory_space<hbm>>)
    %add3A_488 = arith.constant 15 : i32
    %add3A_489 = arith.addi %sub3A_21, %add3A_488 : i32
    %get3A_490 = arith.index_cast %add3A_489 : i32 to index
    %get3A_491 = tpu.vector_load %arg5[%get3A_490] {strides = array<i32>} : memref<72xi32, #tpu.memory_space<vmem>>, vector<16xi32>,
    %get3A_492 = vector.shape_cast %get3A_491 : vector<16xi32> to vector<16xi32>
    %slice3A_493 = vector.extract_strided_slice %get3A_492 {offsets = [0], sizes = [1], strides = [1]} : vector<16xi32> to vector<1xi32>
    %squeeze3A_494 = vector.extract %slice3A_493[0] : i32 from vector<1xi32>
    %dma_start3A_495 = arith.constant 0 : i32
    %dma_start3A_496 = arith.constant 0 : i32
    %dma_start3A_497 = arith.constant 0 : i32
    %dma_start3A_498 = arith.constant 0 : i32
    %dma_start3A_499 = tpu.memref_slice %arg6[%arg1, %dma_start3A_495, %dma_start3A_496, %dma_start3A_497, %dma_start3A_498] : memref<16x1x1x16x1024xf32, #tpu.memory_space<vmem_shared>> -> memref<1x1x1x16x1024xf32, #tpu.memory_space<vmem_shared>>
    %dma_start3A_500 = tpu.memref_squeeze %dma_start3A_499 : memref<1x1x1x16x1024xf32, #tpu.memory_space<vmem_shared>> -> memref<1x16x1024xf32, #tpu.memory_space<vmem_shared>>
    %dma_start3A_501 = arith.constant 0 : i32
    %dma_start3A_502 = arith.constant 0 : i32
    %dma_start3A_503 = tpu.memref_slice %arg2[%squeeze3A_494, %dma_start3A_501, %dma_start3A_502] : memref<1600x32x1024xf32, #tpu.memory_space<hbm>> -> memref<1x16x1024xf32, #tpu.memory_space<hbm>>
    tpu.enqueue_dma source(%dma_start3A_503 : memref<1x16x1024xf32, #tpu.memory_space<hbm>>) target(%dma_start3A_500 : memref<1x16x1024xf32, #tpu.memory_space<vmem_shared>>) target_semaphore(%arg16 : memref<!tpu.dma_semaphore, #tpu.memory_space<semaphore_mem>>)
    %dma_wait3A_504 = arith.constant 0 : i32
    %dma_wait3A_505 = arith.constant 0 : i32
    %dma_wait3A_506 = arith.constant 0 : i32
    %dma_wait3A_507 = arith.constant 0 : i32
    %dma_wait3A_508 = tpu.memref_slice %arg6[%arg1, %dma_wait3A_504, %dma_wait3A_505, %dma_wait3A_506, %dma_wait3A_507] : memref<16x1x1x16x1024xf32, #tpu.memory_space<vmem_shared>> -> memref<1x1x1x16x1024xf32, #tpu.memory_space<vmem_shared>>
    %dma_wait3A_509 = tpu.memref_squeeze %dma_wait3A_508 : memref<1x1x1x16x1024xf32, #tpu.memory_space<vmem_shared>> -> memref<1x16x1024xf32, #tpu.memory_space<vmem_shared>>
    %dma_wait3A_510 = arith.constant 0 : i32
    %dma_wait3A_511 = arith.constant 0 : i32
    %dma_wait3A_512 = arith.constant 0 : i32
    %dma_wait3A_513 = tpu.memref_slice %arg2[%dma_wait3A_510, %dma_wait3A_511, %dma_wait3A_512] : memref<1600x32x1024xf32, #tpu.memory_space<hbm>> -> memref<1x16x1024xf32, #tpu.memory_space<hbm>>
    tpu.wait_dma2 semaphore(%arg16 : memref<!tpu.dma_semaphore, #tpu.memory_space<semaphore_mem>>) src(%dma_wait3A_513 : memref<1x16x1024xf32, #tpu.memory_space<hbm>>) dst(%dma_wait3A_509 : memref<1x16x1024xf32, #tpu.memory_space<vmem_shared>>)
    %add3A_514 = arith.constant 15 : i32
    %add3A_515 = arith.addi %mul3A_2, %add3A_514 : i32
    %dma_start3A_516 = arith.constant 0 : i32
    %dma_start3A_517 = arith.constant 0 : i32
    %dma_start3A_518 = arith.constant 0 : i32
    %dma_start3A_519 = tpu.memref_slice %arg4[%add3A_515, %dma_start3A_517, %dma_start3A_518] : memref<1600x32x1024xf32, #tpu.memory_space<hbm>> -> memref<1x16x1024xf32, #tpu.memory_space<hbm>>
    %dma_start3A_520 = arith.constant 0 : i32
    %dma_start3A_521 = arith.constant 0 : i32
    %dma_start3A_522 = arith.constant 0 : i32
    %dma_start3A_523 = tpu.memref_slice %arg6[%arg1, %dma_start3A_516, %dma_start3A_520, %dma_start3A_521, %dma_start3A_522] : memref<16x1x1x16x1024xf32, #tpu.memory_space<vmem_shared>> -> memref<1x1x1x16x1024xf32, #tpu.memory_space<vmem_shared>>
    %dma_start3A_524 = tpu.memref_squeeze %dma_start3A_523 : memref<1x1x1x16x1024xf32, #tpu.memory_space<vmem_shared>> -> memref<1x16x1024xf32, #tpu.memory_space<vmem_shared>>
    tpu.enqueue_dma source(%dma_start3A_524 : memref<1x16x1024xf32, #tpu.memory_space<vmem_shared>>) target(%dma_start3A_519 : memref<1x16x1024xf32, #tpu.memory_space<hbm>>) target_semaphore(%arg17 : memref<!tpu.dma_semaphore, #tpu.memory_space<semaphore_mem>>)
    %dma_wait3A_525 = arith.constant 0 : i32
    %dma_wait3A_526 = arith.constant 0 : i32
    %dma_wait3A_527 = arith.constant 0 : i32
    %dma_wait3A_528 = tpu.memref_slice %arg2[%dma_wait3A_525, %dma_wait3A_526, %dma_wait3A_527] : memref<1600x32x1024xf32, #tpu.memory_space<hbm>> -> memref<1x32x1024xf32, #tpu.memory_space<hbm>>
    %dma_wait3A_529 = arith.constant 0 : i32
    %dma_wait3A_530 = arith.constant 0 : i32
    %dma_wait3A_531 = arith.constant 0 : i32
    %dma_wait3A_532 = tpu.memref_slice %arg2[%dma_wait3A_529, %dma_wait3A_530, %dma_wait3A_531] : memref<1600x32x1024xf32, #tpu.memory_space<hbm>> -> memref<1x32x1024xf32, #tpu.memory_space<hbm>>
    tpu.wait_dma2 semaphore(%arg12 : memref<!tpu.dma_semaphore, #tpu.memory_space<semaphore_mem>>) src(%dma_wait3A_532 : memref<1x32x1024xf32, #tpu.memory_space<hbm>>) dst(%arg9 : memref<1x32x1024xf32, #tpu.memory_space<vmem>>)
    %add3A_533 = arith.constant 6 : i32
    %add3A_534 = arith.addi %mul3A_2, %add3A_533 : i32
    %dma_start3A_535 = arith.constant 0 : i32
    %dma_start3A_536 = arith.constant 0 : i32
    %dma_start3A_537 = tpu.memref_slice %arg4[%add3A_534, %dma_start3A_535, %dma_start3A_536] : memref<1600x32x1024xf32, #tpu.memory_space<hbm>> -> memref<1x32x1024xf32, #tpu.memory_space<hbm>>
    %dma_start3A_538 = arith.constant 0 : i32
    %dma_start3A_539 = arith.constant 0 : i32
    %dma_start3A_540 = tpu.memref_slice %arg4[%add3A_534, %dma_start3A_538, %dma_start3A_539] : memref<1600x32x1024xf32, #tpu.memory_space<hbm>> -> memref<1x32x1024xf32, #tpu.memory_space<hbm>>
    tpu.enqueue_dma source(%arg9 : memref<1x32x1024xf32, #tpu.memory_space<vmem>>) target(%dma_start3A_540 : memref<1x32x1024xf32, #tpu.memory_space<hbm>>) target_semaphore(%arg15 : memref<!tpu.dma_semaphore, #tpu.memory_space<semaphore_mem>>)
    %dma_wait3A_541 = arith.constant 0 : i32
    %dma_wait3A_542 = arith.constant 0 : i32
    %dma_wait3A_543 = tpu.memref_slice %arg4[%mul3A_2, %dma_wait3A_541, %dma_wait3A_542] : memref<1600x32x1024xf32, #tpu.memory_space<hbm>> -> memref<1x32x1024xf32, #tpu.memory_space<hbm>>
    %dma_wait3A_544 = arith.constant 0 : i32
    %dma_wait3A_545 = arith.constant 0 : i32
    %dma_wait3A_546 = tpu.memref_slice %arg4[%mul3A_2, %dma_wait3A_544, %dma_wait3A_545] : memref<1600x32x1024xf32, #tpu.memory_space<hbm>> -> memref<1x32x1024xf32, #tpu.memory_space<hbm>>
    tpu.wait_dma2 semaphore(%arg14 : memref<!tpu.dma_semaphore, #tpu.memory_space<semaphore_mem>>) src(%arg8 : memref<1x32x1024xf32, #tpu.memory_space<vmem>>) dst(%dma_wait3A_546 : memref<1x32x1024xf32, #tpu.memory_space<hbm>>)
    %add3A_547 = arith.constant 9 : i32
    %add3A_548 = arith.addi %sub3A_21, %add3A_547 : i32
    %get3A_549 = arith.index_cast %add3A_548 : i32 to index
    %get3A_550 = tpu.vector_load %arg5[%get3A_549] {strides = array<i32>} : memref<72xi32, #tpu.memory_space<vmem>>, vector<16xi32>,
    %get3A_551 = vector.shape_cast %get3A_550 : vector<16xi32> to vector<16xi32>
    %slice3A_552 = vector.extract_strided_slice %get3A_551 {offsets = [0], sizes = [1], strides = [1]} : vector<16xi32> to vector<1xi32>
    %squeeze3A_553 = vector.extract %slice3A_552[0] : i32 from vector<1xi32>
    %dma_start3A_554 = arith.constant 0 : i32
    %dma_start3A_555 = arith.constant 0 : i32
    %dma_start3A_556 = tpu.memref_slice %arg2[%squeeze3A_553, %dma_start3A_554, %dma_start3A_555] : memref<1600x32x1024xf32, #tpu.memory_space<hbm>> -> memref<1x32x1024xf32, #tpu.memory_space<hbm>>
    %dma_start3A_557 = arith.constant 0 : i32
    %dma_start3A_558 = arith.constant 0 : i32
    %dma_start3A_559 = tpu.memref_slice %arg2[%squeeze3A_553, %dma_start3A_557, %dma_start3A_558] : memref<1600x32x1024xf32, #tpu.memory_space<hbm>> -> memref<1x32x1024xf32, #tpu.memory_space<hbm>>
    tpu.enqueue_dma source(%dma_start3A_559 : memref<1x32x1024xf32, #tpu.memory_space<hbm>>) target(%arg8 : memref<1x32x1024xf32, #tpu.memory_space<vmem>>) target_semaphore(%arg11 : memref<!tpu.dma_semaphore, #tpu.memory_space<semaphore_mem>>)
    %dma_wait3A_560 = arith.constant 0 : i32
    %dma_wait3A_561 = arith.constant 0 : i32
    %dma_wait3A_562 = arith.constant 0 : i32
    %dma_wait3A_563 = tpu.memref_slice %arg4[%mul3A_2, %dma_wait3A_561, %dma_wait3A_562] : memref<1600x32x1024xf32, #tpu.memory_space<hbm>> -> memref<1x16x1024xf32, #tpu.memory_space<hbm>>
    %dma_wait3A_564 = arith.constant 0 : i32
    %dma_wait3A_565 = arith.constant 0 : i32
    %dma_wait3A_566 = arith.constant 0 : i32
    %dma_wait3A_567 = tpu.memref_slice %arg6[%arg1, %dma_wait3A_560, %dma_wait3A_564, %dma_wait3A_565, %dma_wait3A_566] : memref<16x1x1x16x1024xf32, #tpu.memory_space<vmem_shared>> -> memref<1x1x1x16x1024xf32, #tpu.memory_space<vmem_shared>>
    %dma_wait3A_568 = tpu.memref_squeeze %dma_wait3A_567 : memref<1x1x1x16x1024xf32, #tpu.memory_space<vmem_shared>> -> memref<1x16x1024xf32, #tpu.memory_space<vmem_shared>>
    tpu.wait_dma2 semaphore(%arg17 : memref<!tpu.dma_semaphore, #tpu.memory_space<semaphore_mem>>) src(%dma_wait3A_568 : memref<1x16x1024xf32, #tpu.memory_space<vmem_shared>>) dst(%dma_wait3A_563 : memref<1x16x1024xf32, #tpu.memory_space<hbm>>)
    %add3A_569 = arith.constant 15 : i32
    %add3A_570 = arith.addi %sub3A_21, %add3A_569 : i32
    %get3A_571 = arith.index_cast %add3A_570 : i32 to index
    %get3A_572 = tpu.vector_load %arg5[%get3A_571] {strides = array<i32>} : memref<72xi32, #tpu.memory_space<vmem>>, vector<16xi32>,
    %get3A_573 = vector.shape_cast %get3A_572 : vector<16xi32> to vector<16xi32>
    %slice3A_574 = vector.extract_strided_slice %get3A_573 {offsets = [0], sizes = [1], strides = [1]} : vector<16xi32> to vector<1xi32>
    %squeeze3A_575 = vector.extract %slice3A_574[0] : i32 from vector<1xi32>
    %dma_start3A_576 = arith.constant 0 : i32
    %dma_start3A_577 = arith.constant 0 : i32
    %dma_start3A_578 = arith.constant 0 : i32
    %dma_start3A_579 = arith.constant 0 : i32
    %dma_start3A_580 = tpu.memref_slice %arg6[%arg1, %dma_start3A_576, %dma_start3A_577, %dma_start3A_578, %dma_start3A_579] : memref<16x1x1x16x1024xf32, #tpu.memory_space<vmem_shared>> -> memref<1x1x1x16x1024xf32, #tpu.memory_space<vmem_shared>>
    %dma_start3A_581 = tpu.memref_squeeze %dma_start3A_580 : memref<1x1x1x16x1024xf32, #tpu.memory_space<vmem_shared>> -> memref<1x16x1024xf32, #tpu.memory_space<vmem_shared>>
    %dma_start3A_582 = arith.constant 16 : i32
    %dma_start3A_583 = arith.constant 0 : i32
    %dma_start3A_584 = tpu.memref_slice %arg2[%squeeze3A_575, %dma_start3A_582, %dma_start3A_583] : memref<1600x32x1024xf32, #tpu.memory_space<hbm>> -> memref<1x16x1024xf32, #tpu.memory_space<hbm>>
    tpu.enqueue_dma source(%dma_start3A_584 : memref<1x16x1024xf32, #tpu.memory_space<hbm>>) target(%dma_start3A_581 : memref<1x16x1024xf32, #tpu.memory_space<vmem_shared>>) target_semaphore(%arg16 : memref<!tpu.dma_semaphore, #tpu.memory_space<semaphore_mem>>)
    %dma_wait3A_585 = arith.constant 0 : i32
    %dma_wait3A_586 = arith.constant 0 : i32
    %dma_wait3A_587 = arith.constant 0 : i32
    %dma_wait3A_588 = arith.constant 0 : i32
    %dma_wait3A_589 = tpu.memref_slice %arg6[%arg1, %dma_wait3A_585, %dma_wait3A_586, %dma_wait3A_587, %dma_wait3A_588] : memref<16x1x1x16x1024xf32, #tpu.memory_space<vmem_shared>> -> memref<1x1x1x16x1024xf32, #tpu.memory_space<vmem_shared>>
    %dma_wait3A_590 = tpu.memref_squeeze %dma_wait3A_589 : memref<1x1x1x16x1024xf32, #tpu.memory_space<vmem_shared>> -> memref<1x16x1024xf32, #tpu.memory_space<vmem_shared>>
    %dma_wait3A_591 = arith.constant 0 : i32
    %dma_wait3A_592 = arith.constant 0 : i32
    %dma_wait3A_593 = arith.constant 0 : i32
    %dma_wait3A_594 = tpu.memref_slice %arg2[%dma_wait3A_591, %dma_wait3A_592, %dma_wait3A_593] : memref<1600x32x1024xf32, #tpu.memory_space<hbm>> -> memref<1x16x1024xf32, #tpu.memory_space<hbm>>
    tpu.wait_dma2 semaphore(%arg16 : memref<!tpu.dma_semaphore, #tpu.memory_space<semaphore_mem>>) src(%dma_wait3A_594 : memref<1x16x1024xf32, #tpu.memory_space<hbm>>) dst(%dma_wait3A_590 : memref<1x16x1024xf32, #tpu.memory_space<vmem_shared>>)
    %add3A_595 = arith.constant 15 : i32
    %add3A_596 = arith.addi %mul3A_2, %add3A_595 : i32
    %dma_start3A_597 = arith.constant 0 : i32
    %dma_start3A_598 = arith.constant 16 : i32
    %dma_start3A_599 = arith.constant 0 : i32
    %dma_start3A_600 = tpu.memref_slice %arg4[%add3A_596, %dma_start3A_598, %dma_start3A_599] : memref<1600x32x1024xf32, #tpu.memory_space<hbm>> -> memref<1x16x1024xf32, #tpu.memory_space<hbm>>
    %dma_start3A_601 = arith.constant 0 : i32
    %dma_start3A_602 = arith.constant 0 : i32
    %dma_start3A_603 = arith.constant 0 : i32
    %dma_start3A_604 = tpu.memref_slice %arg6[%arg1, %dma_start3A_597, %dma_start3A_601, %dma_start3A_602, %dma_start3A_603] : memref<16x1x1x16x1024xf32, #tpu.memory_space<vmem_shared>> -> memref<1x1x1x16x1024xf32, #tpu.memory_space<vmem_shared>>
    %dma_start3A_605 = tpu.memref_squeeze %dma_start3A_604 : memref<1x1x1x16x1024xf32, #tpu.memory_space<vmem_shared>> -> memref<1x16x1024xf32, #tpu.memory_space<vmem_shared>>
    tpu.enqueue_dma source(%dma_start3A_605 : memref<1x16x1024xf32, #tpu.memory_space<vmem_shared>>) target(%dma_start3A_600 : memref<1x16x1024xf32, #tpu.memory_space<hbm>>) target_semaphore(%arg17 : memref<!tpu.dma_semaphore, #tpu.memory_space<semaphore_mem>>)
    %dma_wait3A_606 = arith.constant 0 : i32
    %dma_wait3A_607 = arith.constant 0 : i32
    %dma_wait3A_608 = arith.constant 0 : i32
    %dma_wait3A_609 = tpu.memref_slice %arg2[%dma_wait3A_606, %dma_wait3A_607, %dma_wait3A_608] : memref<1600x32x1024xf32, #tpu.memory_space<hbm>> -> memref<1x32x1024xf32, #tpu.memory_space<hbm>>
    %dma_wait3A_610 = arith.constant 0 : i32
    %dma_wait3A_611 = arith.constant 0 : i32
    %dma_wait3A_612 = arith.constant 0 : i32
    %dma_wait3A_613 = tpu.memref_slice %arg2[%dma_wait3A_610, %dma_wait3A_611, %dma_wait3A_612] : memref<1600x32x1024xf32, #tpu.memory_space<hbm>> -> memref<1x32x1024xf32, #tpu.memory_space<hbm>>
    tpu.wait_dma2 semaphore(%arg10 : memref<!tpu.dma_semaphore, #tpu.memory_space<semaphore_mem>>) src(%dma_wait3A_613 : memref<1x32x1024xf32, #tpu.memory_space<hbm>>) dst(%arg7 : memref<1x32x1024xf32, #tpu.memory_space<vmem>>)
    %add3A_614 = arith.constant 8 : i32
    %add3A_615 = arith.addi %mul3A_2, %add3A_614 : i32
    %dma_start3A_616 = arith.constant 0 : i32
    %dma_start3A_617 = arith.constant 0 : i32
    %dma_start3A_618 = tpu.memref_slice %arg4[%add3A_615, %dma_start3A_616, %dma_start3A_617] : memref<1600x32x1024xf32, #tpu.memory_space<hbm>> -> memref<1x32x1024xf32, #tpu.memory_space<hbm>>
    %dma_start3A_619 = arith.constant 0 : i32
    %dma_start3A_620 = arith.constant 0 : i32
    %dma_start3A_621 = tpu.memref_slice %arg4[%add3A_615, %dma_start3A_619, %dma_start3A_620] : memref<1600x32x1024xf32, #tpu.memory_space<hbm>> -> memref<1x32x1024xf32, #tpu.memory_space<hbm>>
    tpu.enqueue_dma source(%arg7 : memref<1x32x1024xf32, #tpu.memory_space<vmem>>) target(%dma_start3A_621 : memref<1x32x1024xf32, #tpu.memory_space<hbm>>) target_semaphore(%arg13 : memref<!tpu.dma_semaphore, #tpu.memory_space<semaphore_mem>>)
    %dma_wait3A_622 = arith.constant 0 : i32
    %dma_wait3A_623 = arith.constant 0 : i32
    %dma_wait3A_624 = tpu.memref_slice %arg4[%mul3A_2, %dma_wait3A_622, %dma_wait3A_623] : memref<1600x32x1024xf32, #tpu.memory_space<hbm>> -> memref<1x32x1024xf32, #tpu.memory_space<hbm>>
    %dma_wait3A_625 = arith.constant 0 : i32
    %dma_wait3A_626 = arith.constant 0 : i32
    %dma_wait3A_627 = tpu.memref_slice %arg4[%mul3A_2, %dma_wait3A_625, %dma_wait3A_626] : memref<1600x32x1024xf32, #tpu.memory_space<hbm>> -> memref<1x32x1024xf32, #tpu.memory_space<hbm>>
    tpu.wait_dma2 semaphore(%arg15 : memref<!tpu.dma_semaphore, #tpu.memory_space<semaphore_mem>>) src(%arg9 : memref<1x32x1024xf32, #tpu.memory_space<vmem>>) dst(%dma_wait3A_627 : memref<1x32x1024xf32, #tpu.memory_space<hbm>>)
    %add3A_628 = arith.constant 10 : i32
    %add3A_629 = arith.addi %sub3A_21, %add3A_628 : i32
    %get3A_630 = arith.index_cast %add3A_629 : i32 to index
    %get3A_631 = tpu.vector_load %arg5[%get3A_630] {strides = array<i32>} : memref<72xi32, #tpu.memory_space<vmem>>, vector<16xi32>,
    %get3A_632 = vector.shape_cast %get3A_631 : vector<16xi32> to vector<16xi32>
    %slice3A_633 = vector.extract_strided_slice %get3A_632 {offsets = [0], sizes = [1], strides = [1]} : vector<16xi32> to vector<1xi32>
    %squeeze3A_634 = vector.extract %slice3A_633[0] : i32 from vector<1xi32>
    %dma_start3A_635 = arith.constant 0 : i32
    %dma_start3A_636 = arith.constant 0 : i32
    %dma_start3A_637 = tpu.memref_slice %arg2[%squeeze3A_634, %dma_start3A_635, %dma_start3A_636] : memref<1600x32x1024xf32, #tpu.memory_space<hbm>> -> memref<1x32x1024xf32, #tpu.memory_space<hbm>>
    %dma_start3A_638 = arith.constant 0 : i32
    %dma_start3A_639 = arith.constant 0 : i32
    %dma_start3A_640 = tpu.memref_slice %arg2[%squeeze3A_634, %dma_start3A_638, %dma_start3A_639] : memref<1600x32x1024xf32, #tpu.memory_space<hbm>> -> memref<1x32x1024xf32, #tpu.memory_space<hbm>>
    tpu.enqueue_dma source(%dma_start3A_640 : memref<1x32x1024xf32, #tpu.memory_space<hbm>>) target(%arg9 : memref<1x32x1024xf32, #tpu.memory_space<vmem>>) target_semaphore(%arg12 : memref<!tpu.dma_semaphore, #tpu.memory_space<semaphore_mem>>)
    %dma_wait3A_641 = arith.constant 0 : i32
    %dma_wait3A_642 = arith.constant 0 : i32
    %dma_wait3A_643 = arith.constant 0 : i32
    %dma_wait3A_644 = tpu.memref_slice %arg4[%mul3A_2, %dma_wait3A_642, %dma_wait3A_643] : memref<1600x32x1024xf32, #tpu.memory_space<hbm>> -> memref<1x16x1024xf32, #tpu.memory_space<hbm>>
    %dma_wait3A_645 = arith.constant 0 : i32
    %dma_wait3A_646 = arith.constant 0 : i32
    %dma_wait3A_647 = arith.constant 0 : i32
    %dma_wait3A_648 = tpu.memref_slice %arg6[%arg1, %dma_wait3A_641, %dma_wait3A_645, %dma_wait3A_646, %dma_wait3A_647] : memref<16x1x1x16x1024xf32, #tpu.memory_space<vmem_shared>> -> memref<1x1x1x16x1024xf32, #tpu.memory_space<vmem_shared>>
    %dma_wait3A_649 = tpu.memref_squeeze %dma_wait3A_648 : memref<1x1x1x16x1024xf32, #tpu.memory_space<vmem_shared>> -> memref<1x16x1024xf32, #tpu.memory_space<vmem_shared>>
    tpu.wait_dma2 semaphore(%arg17 : memref<!tpu.dma_semaphore, #tpu.memory_space<semaphore_mem>>) src(%dma_wait3A_649 : memref<1x16x1024xf32, #tpu.memory_space<vmem_shared>>) dst(%dma_wait3A_644 : memref<1x16x1024xf32, #tpu.memory_space<hbm>>)
    %add3A_650 = arith.constant 19 : i32
    %add3A_651 = arith.addi %sub3A_21, %add3A_650 : i32
    %get3A_652 = arith.index_cast %add3A_651 : i32 to index
    %get3A_653 = tpu.vector_load %arg5[%get3A_652] {strides = array<i32>} : memref<72xi32, #tpu.memory_space<vmem>>, vector<16xi32>,
    %get3A_654 = vector.shape_cast %get3A_653 : vector<16xi32> to vector<16xi32>
    %slice3A_655 = vector.extract_strided_slice %get3A_654 {offsets = [0], sizes = [1], strides = [1]} : vector<16xi32> to vector<1xi32>
    %squeeze3A_656 = vector.extract %slice3A_655[0] : i32 from vector<1xi32>
    %dma_start3A_657 = arith.constant 0 : i32
    %dma_start3A_658 = arith.constant 0 : i32
    %dma_start3A_659 = arith.constant 0 : i32
    %dma_start3A_660 = arith.constant 0 : i32
    %dma_start3A_661 = tpu.memref_slice %arg6[%arg1, %dma_start3A_657, %dma_start3A_658, %dma_start3A_659, %dma_start3A_660] : memref<16x1x1x16x1024xf32, #tpu.memory_space<vmem_shared>> -> memref<1x1x1x16x1024xf32, #tpu.memory_space<vmem_shared>>
    %dma_start3A_662 = tpu.memref_squeeze %dma_start3A_661 : memref<1x1x1x16x1024xf32, #tpu.memory_space<vmem_shared>> -> memref<1x16x1024xf32, #tpu.memory_space<vmem_shared>>
    %dma_start3A_663 = arith.constant 0 : i32
    %dma_start3A_664 = arith.constant 0 : i32
    %dma_start3A_665 = tpu.memref_slice %arg2[%squeeze3A_656, %dma_start3A_663, %dma_start3A_664] : memref<1600x32x1024xf32, #tpu.memory_space<hbm>> -> memref<1x16x1024xf32, #tpu.memory_space<hbm>>
    tpu.enqueue_dma source(%dma_start3A_665 : memref<1x16x1024xf32, #tpu.memory_space<hbm>>) target(%dma_start3A_662 : memref<1x16x1024xf32, #tpu.memory_space<vmem_shared>>) target_semaphore(%arg16 : memref<!tpu.dma_semaphore, #tpu.memory_space<semaphore_mem>>)
    %dma_wait3A_666 = arith.constant 0 : i32
    %dma_wait3A_667 = arith.constant 0 : i32
    %dma_wait3A_668 = arith.constant 0 : i32
    %dma_wait3A_669 = arith.constant 0 : i32
    %dma_wait3A_670 = tpu.memref_slice %arg6[%arg1, %dma_wait3A_666, %dma_wait3A_667, %dma_wait3A_668, %dma_wait3A_669] : memref<16x1x1x16x1024xf32, #tpu.memory_space<vmem_shared>> -> memref<1x1x1x16x1024xf32, #tpu.memory_space<vmem_shared>>
    %dma_wait3A_671 = tpu.memref_squeeze %dma_wait3A_670 : memref<1x1x1x16x1024xf32, #tpu.memory_space<vmem_shared>> -> memref<1x16x1024xf32, #tpu.memory_space<vmem_shared>>
    %dma_wait3A_672 = arith.constant 0 : i32
    %dma_wait3A_673 = arith.constant 0 : i32
    %dma_wait3A_674 = arith.constant 0 : i32
    %dma_wait3A_675 = tpu.memref_slice %arg2[%dma_wait3A_672, %dma_wait3A_673, %dma_wait3A_674] : memref<1600x32x1024xf32, #tpu.memory_space<hbm>> -> memref<1x16x1024xf32, #tpu.memory_space<hbm>>
    tpu.wait_dma2 semaphore(%arg16 : memref<!tpu.dma_semaphore, #tpu.memory_space<semaphore_mem>>) src(%dma_wait3A_675 : memref<1x16x1024xf32, #tpu.memory_space<hbm>>) dst(%dma_wait3A_671 : memref<1x16x1024xf32, #tpu.memory_space<vmem_shared>>)
    %add3A_676 = arith.constant 19 : i32
    %add3A_677 = arith.addi %mul3A_2, %add3A_676 : i32
    %dma_start3A_678 = arith.constant 0 : i32
    %dma_start3A_679 = arith.constant 0 : i32
    %dma_start3A_680 = arith.constant 0 : i32
    %dma_start3A_681 = tpu.memref_slice %arg4[%add3A_677, %dma_start3A_679, %dma_start3A_680] : memref<1600x32x1024xf32, #tpu.memory_space<hbm>> -> memref<1x16x1024xf32, #tpu.memory_space<hbm>>
    %dma_start3A_682 = arith.constant 0 : i32
    %dma_start3A_683 = arith.constant 0 : i32
    %dma_start3A_684 = arith.constant 0 : i32
    %dma_start3A_685 = tpu.memref_slice %arg6[%arg1, %dma_start3A_678, %dma_start3A_682, %dma_start3A_683, %dma_start3A_684] : memref<16x1x1x16x1024xf32, #tpu.memory_space<vmem_shared>> -> memref<1x1x1x16x1024xf32, #tpu.memory_space<vmem_shared>>
    %dma_start3A_686 = tpu.memref_squeeze %dma_start3A_685 : memref<1x1x1x16x1024xf32, #tpu.memory_space<vmem_shared>> -> memref<1x16x1024xf32, #tpu.memory_space<vmem_shared>>
    tpu.enqueue_dma source(%dma_start3A_686 : memref<1x16x1024xf32, #tpu.memory_space<vmem_shared>>) target(%dma_start3A_681 : memref<1x16x1024xf32, #tpu.memory_space<hbm>>) target_semaphore(%arg17 : memref<!tpu.dma_semaphore, #tpu.memory_space<semaphore_mem>>)
    %dma_wait3A_687 = arith.constant 0 : i32
    %dma_wait3A_688 = arith.constant 0 : i32
    %dma_wait3A_689 = arith.constant 0 : i32
    %dma_wait3A_690 = tpu.memref_slice %arg2[%dma_wait3A_687, %dma_wait3A_688, %dma_wait3A_689] : memref<1600x32x1024xf32, #tpu.memory_space<hbm>> -> memref<1x32x1024xf32, #tpu.memory_space<hbm>>
    %dma_wait3A_691 = arith.constant 0 : i32
    %dma_wait3A_692 = arith.constant 0 : i32
    %dma_wait3A_693 = arith.constant 0 : i32
    %dma_wait3A_694 = tpu.memref_slice %arg2[%dma_wait3A_691, %dma_wait3A_692, %dma_wait3A_693] : memref<1600x32x1024xf32, #tpu.memory_space<hbm>> -> memref<1x32x1024xf32, #tpu.memory_space<hbm>>
    tpu.wait_dma2 semaphore(%arg11 : memref<!tpu.dma_semaphore, #tpu.memory_space<semaphore_mem>>) src(%dma_wait3A_694 : memref<1x32x1024xf32, #tpu.memory_space<hbm>>) dst(%arg8 : memref<1x32x1024xf32, #tpu.memory_space<vmem>>)
    %add3A_695 = arith.constant 9 : i32
    %add3A_696 = arith.addi %mul3A_2, %add3A_695 : i32
    %dma_start3A_697 = arith.constant 0 : i32
    %dma_start3A_698 = arith.constant 0 : i32
    %dma_start3A_699 = tpu.memref_slice %arg4[%add3A_696, %dma_start3A_697, %dma_start3A_698] : memref<1600x32x1024xf32, #tpu.memory_space<hbm>> -> memref<1x32x1024xf32, #tpu.memory_space<hbm>>
    %dma_start3A_700 = arith.constant 0 : i32
    %dma_start3A_701 = arith.constant 0 : i32
    %dma_start3A_702 = tpu.memref_slice %arg4[%add3A_696, %dma_start3A_700, %dma_start3A_701] : memref<1600x32x1024xf32, #tpu.memory_space<hbm>> -> memref<1x32x1024xf32, #tpu.memory_space<hbm>>
    tpu.enqueue_dma source(%arg8 : memref<1x32x1024xf32, #tpu.memory_space<vmem>>) target(%dma_start3A_702 : memref<1x32x1024xf32, #tpu.memory_space<hbm>>) target_semaphore(%arg14 : memref<!tpu.dma_semaphore, #tpu.memory_space<semaphore_mem>>)
    %dma_wait3A_703 = arith.constant 0 : i32
    %dma_wait3A_704 = arith.constant 0 : i32
    %dma_wait3A_705 = tpu.memref_slice %arg4[%mul3A_2, %dma_wait3A_703, %dma_wait3A_704] : memref<1600x32x1024xf32, #tpu.memory_space<hbm>> -> memref<1x32x1024xf32, #tpu.memory_space<hbm>>
    %dma_wait3A_706 = arith.constant 0 : i32
    %dma_wait3A_707 = arith.constant 0 : i32
    %dma_wait3A_708 = tpu.memref_slice %arg4[%mul3A_2, %dma_wait3A_706, %dma_wait3A_707] : memref<1600x32x1024xf32, #tpu.memory_space<hbm>> -> memref<1x32x1024xf32, #tpu.memory_space<hbm>>
    tpu.wait_dma2 semaphore(%arg13 : memref<!tpu.dma_semaphore, #tpu.memory_space<semaphore_mem>>) src(%arg7 : memref<1x32x1024xf32, #tpu.memory_space<vmem>>) dst(%dma_wait3A_708 : memref<1x32x1024xf32, #tpu.memory_space<hbm>>)
    %add3A_709 = arith.constant 12 : i32
    %add3A_710 = arith.addi %sub3A_21, %add3A_709 : i32
    %get3A_711 = arith.index_cast %add3A_710 : i32 to index
    %get3A_712 = tpu.vector_load %arg5[%get3A_711] {strides = array<i32>} : memref<72xi32, #tpu.memory_space<vmem>>, vector<16xi32>,
    %get3A_713 = vector.shape_cast %get3A_712 : vector<16xi32> to vector<16xi32>
    %slice3A_714 = vector.extract_strided_slice %get3A_713 {offsets = [0], sizes = [1], strides = [1]} : vector<16xi32> to vector<1xi32>
    %squeeze3A_715 = vector.extract %slice3A_714[0] : i32 from vector<1xi32>
    %dma_start3A_716 = arith.constant 0 : i32
    %dma_start3A_717 = arith.constant 0 : i32
    %dma_start3A_718 = tpu.memref_slice %arg2[%squeeze3A_715, %dma_start3A_716, %dma_start3A_717] : memref<1600x32x1024xf32, #tpu.memory_space<hbm>> -> memref<1x32x1024xf32, #tpu.memory_space<hbm>>
    %dma_start3A_719 = arith.constant 0 : i32
    %dma_start3A_720 = arith.constant 0 : i32
    %dma_start3A_721 = tpu.memref_slice %arg2[%squeeze3A_715, %dma_start3A_719, %dma_start3A_720] : memref<1600x32x1024xf32, #tpu.memory_space<hbm>> -> memref<1x32x1024xf32, #tpu.memory_space<hbm>>
    tpu.enqueue_dma source(%dma_start3A_721 : memref<1x32x1024xf32, #tpu.memory_space<hbm>>) target(%arg7 : memref<1x32x1024xf32, #tpu.memory_space<vmem>>) target_semaphore(%arg10 : memref<!tpu.dma_semaphore, #tpu.memory_space<semaphore_mem>>)
    %dma_wait3A_722 = arith.constant 0 : i32
    %dma_wait3A_723 = arith.constant 0 : i32
    %dma_wait3A_724 = arith.constant 0 : i32
    %dma_wait3A_725 = tpu.memref_slice %arg4[%mul3A_2, %dma_wait3A_723, %dma_wait3A_724] : memref<1600x32x1024xf32, #tpu.memory_space<hbm>> -> memref<1x16x1024xf32, #tpu.memory_space<hbm>>
    %dma_wait3A_726 = arith.constant 0 : i32
    %dma_wait3A_727 = arith.constant 0 : i32
    %dma_wait3A_728 = arith.constant 0 : i32
    %dma_wait3A_729 = tpu.memref_slice %arg6[%arg1, %dma_wait3A_722, %dma_wait3A_726, %dma_wait3A_727, %dma_wait3A_728] : memref<16x1x1x16x1024xf32, #tpu.memory_space<vmem_shared>> -> memref<1x1x1x16x1024xf32, #tpu.memory_space<vmem_shared>>
    %dma_wait3A_730 = tpu.memref_squeeze %dma_wait3A_729 : memref<1x1x1x16x1024xf32, #tpu.memory_space<vmem_shared>> -> memref<1x16x1024xf32, #tpu.memory_space<vmem_shared>>
    tpu.wait_dma2 semaphore(%arg17 : memref<!tpu.dma_semaphore, #tpu.memory_space<semaphore_mem>>) src(%dma_wait3A_730 : memref<1x16x1024xf32, #tpu.memory_space<vmem_shared>>) dst(%dma_wait3A_725 : memref<1x16x1024xf32, #tpu.memory_space<hbm>>)
    %add3A_731 = arith.constant 19 : i32
    %add3A_732 = arith.addi %sub3A_21, %add3A_731 : i32
    %get3A_733 = arith.index_cast %add3A_732 : i32 to index
    %get3A_734 = tpu.vector_load %arg5[%get3A_733] {strides = array<i32>} : memref<72xi32, #tpu.memory_space<vmem>>, vector<16xi32>,
    %get3A_735 = vector.shape_cast %get3A_734 : vector<16xi32> to vector<16xi32>
    %slice3A_736 = vector.extract_strided_slice %get3A_735 {offsets = [0], sizes = [1], strides = [1]} : vector<16xi32> to vector<1xi32>
    %squeeze3A_737 = vector.extract %slice3A_736[0] : i32 from vector<1xi32>
    %dma_start3A_738 = arith.constant 0 : i32
    %dma_start3A_739 = arith.constant 0 : i32
    %dma_start3A_740 = arith.constant 0 : i32
    %dma_start3A_741 = arith.constant 0 : i32
    %dma_start3A_742 = tpu.memref_slice %arg6[%arg1, %dma_start3A_738, %dma_start3A_739, %dma_start3A_740, %dma_start3A_741] : memref<16x1x1x16x1024xf32, #tpu.memory_space<vmem_shared>> -> memref<1x1x1x16x1024xf32, #tpu.memory_space<vmem_shared>>
    %dma_start3A_743 = tpu.memref_squeeze %dma_start3A_742 : memref<1x1x1x16x1024xf32, #tpu.memory_space<vmem_shared>> -> memref<1x16x1024xf32, #tpu.memory_space<vmem_shared>>
    %dma_start3A_744 = arith.constant 16 : i32
    %dma_start3A_745 = arith.constant 0 : i32
    %dma_start3A_746 = tpu.memref_slice %arg2[%squeeze3A_737, %dma_start3A_744, %dma_start3A_745] : memref<1600x32x1024xf32, #tpu.memory_space<hbm>> -> memref<1x16x1024xf32, #tpu.memory_space<hbm>>
    tpu.enqueue_dma source(%dma_start3A_746 : memref<1x16x1024xf32, #tpu.memory_space<hbm>>) target(%dma_start3A_743 : memref<1x16x1024xf32, #tpu.memory_space<vmem_shared>>) target_semaphore(%arg16 : memref<!tpu.dma_semaphore, #tpu.memory_space<semaphore_mem>>)
    %dma_wait3A_747 = arith.constant 0 : i32
    %dma_wait3A_748 = arith.constant 0 : i32
    %dma_wait3A_749 = arith.constant 0 : i32
    %dma_wait3A_750 = arith.constant 0 : i32
    %dma_wait3A_751 = tpu.memref_slice %arg6[%arg1, %dma_wait3A_747, %dma_wait3A_748, %dma_wait3A_749, %dma_wait3A_750] : memref<16x1x1x16x1024xf32, #tpu.memory_space<vmem_shared>> -> memref<1x1x1x16x1024xf32, #tpu.memory_space<vmem_shared>>
    %dma_wait3A_752 = tpu.memref_squeeze %dma_wait3A_751 : memref<1x1x1x16x1024xf32, #tpu.memory_space<vmem_shared>> -> memref<1x16x1024xf32, #tpu.memory_space<vmem_shared>>
    %dma_wait3A_753 = arith.constant 0 : i32
    %dma_wait3A_754 = arith.constant 0 : i32
    %dma_wait3A_755 = arith.constant 0 : i32
    %dma_wait3A_756 = tpu.memref_slice %arg2[%dma_wait3A_753, %dma_wait3A_754, %dma_wait3A_755] : memref<1600x32x1024xf32, #tpu.memory_space<hbm>> -> memref<1x16x1024xf32, #tpu.memory_space<hbm>>
    tpu.wait_dma2 semaphore(%arg16 : memref<!tpu.dma_semaphore, #tpu.memory_space<semaphore_mem>>) src(%dma_wait3A_756 : memref<1x16x1024xf32, #tpu.memory_space<hbm>>) dst(%dma_wait3A_752 : memref<1x16x1024xf32, #tpu.memory_space<vmem_shared>>)
    %add3A_757 = arith.constant 19 : i32
    %add3A_758 = arith.addi %mul3A_2, %add3A_757 : i32
    %dma_start3A_759 = arith.constant 0 : i32
    %dma_start3A_760 = arith.constant 16 : i32
    %dma_start3A_761 = arith.constant 0 : i32
    %dma_start3A_762 = tpu.memref_slice %arg4[%add3A_758, %dma_start3A_760, %dma_start3A_761] : memref<1600x32x1024xf32, #tpu.memory_space<hbm>> -> memref<1x16x1024xf32, #tpu.memory_space<hbm>>
    %dma_start3A_763 = arith.constant 0 : i32
    %dma_start3A_764 = arith.constant 0 : i32
    %dma_start3A_765 = arith.constant 0 : i32
    %dma_start3A_766 = tpu.memref_slice %arg6[%arg1, %dma_start3A_759, %dma_start3A_763, %dma_start3A_764, %dma_start3A_765] : memref<16x1x1x16x1024xf32, #tpu.memory_space<vmem_shared>> -> memref<1x1x1x16x1024xf32, #tpu.memory_space<vmem_shared>>
    %dma_start3A_767 = tpu.memref_squeeze %dma_start3A_766 : memref<1x1x1x16x1024xf32, #tpu.memory_space<vmem_shared>> -> memref<1x16x1024xf32, #tpu.memory_space<vmem_shared>>
    tpu.enqueue_dma source(%dma_start3A_767 : memref<1x16x1024xf32, #tpu.memory_space<vmem_shared>>) target(%dma_start3A_762 : memref<1x16x1024xf32, #tpu.memory_space<hbm>>) target_semaphore(%arg17 : memref<!tpu.dma_semaphore, #tpu.memory_space<semaphore_mem>>)
    %dma_wait3A_768 = arith.constant 0 : i32
    %dma_wait3A_769 = arith.constant 0 : i32
    %dma_wait3A_770 = arith.constant 0 : i32
    %dma_wait3A_771 = tpu.memref_slice %arg2[%dma_wait3A_768, %dma_wait3A_769, %dma_wait3A_770] : memref<1600x32x1024xf32, #tpu.memory_space<hbm>> -> memref<1x32x1024xf32, #tpu.memory_space<hbm>>
    %dma_wait3A_772 = arith.constant 0 : i32
    %dma_wait3A_773 = arith.constant 0 : i32
    %dma_wait3A_774 = arith.constant 0 : i32
    %dma_wait3A_775 = tpu.memref_slice %arg2[%dma_wait3A_772, %dma_wait3A_773, %dma_wait3A_774] : memref<1600x32x1024xf32, #tpu.memory_space<hbm>> -> memref<1x32x1024xf32, #tpu.memory_space<hbm>>
    tpu.wait_dma2 semaphore(%arg12 : memref<!tpu.dma_semaphore, #tpu.memory_space<semaphore_mem>>) src(%dma_wait3A_775 : memref<1x32x1024xf32, #tpu.memory_space<hbm>>) dst(%arg9 : memref<1x32x1024xf32, #tpu.memory_space<vmem>>)
    %add3A_776 = arith.constant 10 : i32
    %add3A_777 = arith.addi %mul3A_2, %add3A_776 : i32
    %dma_start3A_778 = arith.constant 0 : i32
    %dma_start3A_779 = arith.constant 0 : i32
    %dma_start3A_780 = tpu.memref_slice %arg4[%add3A_777, %dma_start3A_778, %dma_start3A_779] : memref<1600x32x1024xf32, #tpu.memory_space<hbm>> -> memref<1x32x1024xf32, #tpu.memory_space<hbm>>
    %dma_start3A_781 = arith.constant 0 : i32
    %dma_start3A_782 = arith.constant 0 : i32
    %dma_start3A_783 = tpu.memref_slice %arg4[%add3A_777, %dma_start3A_781, %dma_start3A_782] : memref<1600x32x1024xf32, #tpu.memory_space<hbm>> -> memref<1x32x1024xf32, #tpu.memory_space<hbm>>
    tpu.enqueue_dma source(%arg9 : memref<1x32x1024xf32, #tpu.memory_space<vmem>>) target(%dma_start3A_783 : memref<1x32x1024xf32, #tpu.memory_space<hbm>>) target_semaphore(%arg15 : memref<!tpu.dma_semaphore, #tpu.memory_space<semaphore_mem>>)
    %dma_wait3A_784 = arith.constant 0 : i32
    %dma_wait3A_785 = arith.constant 0 : i32
    %dma_wait3A_786 = tpu.memref_slice %arg4[%mul3A_2, %dma_wait3A_784, %dma_wait3A_785] : memref<1600x32x1024xf32, #tpu.memory_space<hbm>> -> memref<1x32x1024xf32, #tpu.memory_space<hbm>>
    %dma_wait3A_787 = arith.constant 0 : i32
    %dma_wait3A_788 = arith.constant 0 : i32
    %dma_wait3A_789 = tpu.memref_slice %arg4[%mul3A_2, %dma_wait3A_787, %dma_wait3A_788] : memref<1600x32x1024xf32, #tpu.memory_space<hbm>> -> memref<1x32x1024xf32, #tpu.memory_space<hbm>>
    tpu.wait_dma2 semaphore(%arg14 : memref<!tpu.dma_semaphore, #tpu.memory_space<semaphore_mem>>) src(%arg8 : memref<1x32x1024xf32, #tpu.memory_space<vmem>>) dst(%dma_wait3A_789 : memref<1x32x1024xf32, #tpu.memory_space<hbm>>)
    %add3A_790 = arith.constant 13 : i32
    %add3A_791 = arith.addi %sub3A_21, %add3A_790 : i32
    %get3A_792 = arith.index_cast %add3A_791 : i32 to index
    %get3A_793 = tpu.vector_load %arg5[%get3A_792] {strides = array<i32>} : memref<72xi32, #tpu.memory_space<vmem>>, vector<16xi32>,
    %get3A_794 = vector.shape_cast %get3A_793 : vector<16xi32> to vector<16xi32>
    %slice3A_795 = vector.extract_strided_slice %get3A_794 {offsets = [0], sizes = [1], strides = [1]} : vector<16xi32> to vector<1xi32>
    %squeeze3A_796 = vector.extract %slice3A_795[0] : i32 from vector<1xi32>
    %dma_start3A_797 = arith.constant 0 : i32
    %dma_start3A_798 = arith.constant 0 : i32
    %dma_start3A_799 = tpu.memref_slice %arg2[%squeeze3A_796, %dma_start3A_797, %dma_start3A_798] : memref<1600x32x1024xf32, #tpu.memory_space<hbm>> -> memref<1x32x1024xf32, #tpu.memory_space<hbm>>
    %dma_start3A_800 = arith.constant 0 : i32
    %dma_start3A_801 = arith.constant 0 : i32
    %dma_start3A_802 = tpu.memref_slice %arg2[%squeeze3A_796, %dma_start3A_800, %dma_start3A_801] : memref<1600x32x1024xf32, #tpu.memory_space<hbm>> -> memref<1x32x1024xf32, #tpu.memory_space<hbm>>
    tpu.enqueue_dma source(%dma_start3A_802 : memref<1x32x1024xf32, #tpu.memory_space<hbm>>) target(%arg8 : memref<1x32x1024xf32, #tpu.memory_space<vmem>>) target_semaphore(%arg11 : memref<!tpu.dma_semaphore, #tpu.memory_space<semaphore_mem>>)
    %dma_wait3A_803 = arith.constant 0 : i32
    %dma_wait3A_804 = arith.constant 0 : i32
    %dma_wait3A_805 = arith.constant 0 : i32
    %dma_wait3A_806 = tpu.memref_slice %arg4[%mul3A_2, %dma_wait3A_804, %dma_wait3A_805] : memref<1600x32x1024xf32, #tpu.memory_space<hbm>> -> memref<1x16x1024xf32, #tpu.memory_space<hbm>>
    %dma_wait3A_807 = arith.constant 0 : i32
    %dma_wait3A_808 = arith.constant 0 : i32
    %dma_wait3A_809 = arith.constant 0 : i32
    %dma_wait3A_810 = tpu.memref_slice %arg6[%arg1, %dma_wait3A_803, %dma_wait3A_807, %dma_wait3A_808, %dma_wait3A_809] : memref<16x1x1x16x1024xf32, #tpu.memory_space<vmem_shared>> -> memref<1x1x1x16x1024xf32, #tpu.memory_space<vmem_shared>>
    %dma_wait3A_811 = tpu.memref_squeeze %dma_wait3A_810 : memref<1x1x1x16x1024xf32, #tpu.memory_space<vmem_shared>> -> memref<1x16x1024xf32, #tpu.memory_space<vmem_shared>>
    tpu.wait_dma2 semaphore(%arg17 : memref<!tpu.dma_semaphore, #tpu.memory_space<semaphore_mem>>) src(%dma_wait3A_811 : memref<1x16x1024xf32, #tpu.memory_space<vmem_shared>>) dst(%dma_wait3A_806 : memref<1x16x1024xf32, #tpu.memory_space<hbm>>)
    %add3A_812 = arith.constant 23 : i32
    %add3A_813 = arith.addi %sub3A_21, %add3A_812 : i32
    %get3A_814 = arith.index_cast %add3A_813 : i32 to index
    %get3A_815 = tpu.vector_load %arg5[%get3A_814] {strides = array<i32>} : memref<72xi32, #tpu.memory_space<vmem>>, vector<16xi32>,
    %get3A_816 = vector.shape_cast %get3A_815 : vector<16xi32> to vector<16xi32>
    %slice3A_817 = vector.extract_strided_slice %get3A_816 {offsets = [0], sizes = [1], strides = [1]} : vector<16xi32> to vector<1xi32>
    %squeeze3A_818 = vector.extract %slice3A_817[0] : i32 from vector<1xi32>
    %dma_start3A_819 = arith.constant 0 : i32
    %dma_start3A_820 = arith.constant 0 : i32
    %dma_start3A_821 = arith.constant 0 : i32
    %dma_start3A_822 = arith.constant 0 : i32
    %dma_start3A_823 = tpu.memref_slice %arg6[%arg1, %dma_start3A_819, %dma_start3A_820, %dma_start3A_821, %dma_start3A_822] : memref<16x1x1x16x1024xf32, #tpu.memory_space<vmem_shared>> -> memref<1x1x1x16x1024xf32, #tpu.memory_space<vmem_shared>>
    %dma_start3A_824 = tpu.memref_squeeze %dma_start3A_823 : memref<1x1x1x16x1024xf32, #tpu.memory_space<vmem_shared>> -> memref<1x16x1024xf32, #tpu.memory_space<vmem_shared>>
    %dma_start3A_825 = arith.constant 0 : i32
    %dma_start3A_826 = arith.constant 0 : i32
    %dma_start3A_827 = tpu.memref_slice %arg2[%squeeze3A_818, %dma_start3A_825, %dma_start3A_826] : memref<1600x32x1024xf32, #tpu.memory_space<hbm>> -> memref<1x16x1024xf32, #tpu.memory_space<hbm>>
    tpu.enqueue_dma source(%dma_start3A_827 : memref<1x16x1024xf32, #tpu.memory_space<hbm>>) target(%dma_start3A_824 : memref<1x16x1024xf32, #tpu.memory_space<vmem_shared>>) target_semaphore(%arg16 : memref<!tpu.dma_semaphore, #tpu.memory_space<semaphore_mem>>)
    %dma_wait3A_828 = arith.constant 0 : i32
    %dma_wait3A_829 = arith.constant 0 : i32
    %dma_wait3A_830 = arith.constant 0 : i32
    %dma_wait3A_831 = arith.constant 0 : i32
    %dma_wait3A_832 = tpu.memref_slice %arg6[%arg1, %dma_wait3A_828, %dma_wait3A_829, %dma_wait3A_830, %dma_wait3A_831] : memref<16x1x1x16x1024xf32, #tpu.memory_space<vmem_shared>> -> memref<1x1x1x16x1024xf32, #tpu.memory_space<vmem_shared>>
    %dma_wait3A_833 = tpu.memref_squeeze %dma_wait3A_832 : memref<1x1x1x16x1024xf32, #tpu.memory_space<vmem_shared>> -> memref<1x16x1024xf32, #tpu.memory_space<vmem_shared>>
    %dma_wait3A_834 = arith.constant 0 : i32
    %dma_wait3A_835 = arith.constant 0 : i32
    %dma_wait3A_836 = arith.constant 0 : i32
    %dma_wait3A_837 = tpu.memref_slice %arg2[%dma_wait3A_834, %dma_wait3A_835, %dma_wait3A_836] : memref<1600x32x1024xf32, #tpu.memory_space<hbm>> -> memref<1x16x1024xf32, #tpu.memory_space<hbm>>
    tpu.wait_dma2 semaphore(%arg16 : memref<!tpu.dma_semaphore, #tpu.memory_space<semaphore_mem>>) src(%dma_wait3A_837 : memref<1x16x1024xf32, #tpu.memory_space<hbm>>) dst(%dma_wait3A_833 : memref<1x16x1024xf32, #tpu.memory_space<vmem_shared>>)
    %add3A_838 = arith.constant 23 : i32
    %add3A_839 = arith.addi %mul3A_2, %add3A_838 : i32
    %dma_start3A_840 = arith.constant 0 : i32
    %dma_start3A_841 = arith.constant 0 : i32
    %dma_start3A_842 = arith.constant 0 : i32
    %dma_start3A_843 = tpu.memref_slice %arg4[%add3A_839, %dma_start3A_841, %dma_start3A_842] : memref<1600x32x1024xf32, #tpu.memory_space<hbm>> -> memref<1x16x1024xf32, #tpu.memory_space<hbm>>
    %dma_start3A_844 = arith.constant 0 : i32
    %dma_start3A_845 = arith.constant 0 : i32
    %dma_start3A_846 = arith.constant 0 : i32
    %dma_start3A_847 = tpu.memref_slice %arg6[%arg1, %dma_start3A_840, %dma_start3A_844, %dma_start3A_845, %dma_start3A_846] : memref<16x1x1x16x1024xf32, #tpu.memory_space<vmem_shared>> -> memref<1x1x1x16x1024xf32, #tpu.memory_space<vmem_shared>>
    %dma_start3A_848 = tpu.memref_squeeze %dma_start3A_847 : memref<1x1x1x16x1024xf32, #tpu.memory_space<vmem_shared>> -> memref<1x16x1024xf32, #tpu.memory_space<vmem_shared>>
    tpu.enqueue_dma source(%dma_start3A_848 : memref<1x16x1024xf32, #tpu.memory_space<vmem_shared>>) target(%dma_start3A_843 : memref<1x16x1024xf32, #tpu.memory_space<hbm>>) target_semaphore(%arg17 : memref<!tpu.dma_semaphore, #tpu.memory_space<semaphore_mem>>)
    %dma_wait3A_849 = arith.constant 0 : i32
    %dma_wait3A_850 = arith.constant 0 : i32
    %dma_wait3A_851 = arith.constant 0 : i32
    %dma_wait3A_852 = tpu.memref_slice %arg2[%dma_wait3A_849, %dma_wait3A_850, %dma_wait3A_851] : memref<1600x32x1024xf32, #tpu.memory_space<hbm>> -> memref<1x32x1024xf32, #tpu.memory_space<hbm>>
    %dma_wait3A_853 = arith.constant 0 : i32
    %dma_wait3A_854 = arith.constant 0 : i32
    %dma_wait3A_855 = arith.constant 0 : i32
    %dma_wait3A_856 = tpu.memref_slice %arg2[%dma_wait3A_853, %dma_wait3A_854, %dma_wait3A_855] : memref<1600x32x1024xf32, #tpu.memory_space<hbm>> -> memref<1x32x1024xf32, #tpu.memory_space<hbm>>
    tpu.wait_dma2 semaphore(%arg10 : memref<!tpu.dma_semaphore, #tpu.memory_space<semaphore_mem>>) src(%dma_wait3A_856 : memref<1x32x1024xf32, #tpu.memory_space<hbm>>) dst(%arg7 : memref<1x32x1024xf32, #tpu.memory_space<vmem>>)
    %add3A_857 = arith.constant 12 : i32
    %add3A_858 = arith.addi %mul3A_2, %add3A_857 : i32
    %dma_start3A_859 = arith.constant 0 : i32
    %dma_start3A_860 = arith.constant 0 : i32
    %dma_start3A_861 = tpu.memref_slice %arg4[%add3A_858, %dma_start3A_859, %dma_start3A_860] : memref<1600x32x1024xf32, #tpu.memory_space<hbm>> -> memref<1x32x1024xf32, #tpu.memory_space<hbm>>
    %dma_start3A_862 = arith.constant 0 : i32
    %dma_start3A_863 = arith.constant 0 : i32
    %dma_start3A_864 = tpu.memref_slice %arg4[%add3A_858, %dma_start3A_862, %dma_start3A_863] : memref<1600x32x1024xf32, #tpu.memory_space<hbm>> -> memref<1x32x1024xf32, #tpu.memory_space<hbm>>
    tpu.enqueue_dma source(%arg7 : memref<1x32x1024xf32, #tpu.memory_space<vmem>>) target(%dma_start3A_864 : memref<1x32x1024xf32, #tpu.memory_space<hbm>>) target_semaphore(%arg13 : memref<!tpu.dma_semaphore, #tpu.memory_space<semaphore_mem>>)
    %dma_wait3A_865 = arith.constant 0 : i32
    %dma_wait3A_866 = arith.constant 0 : i32
    %dma_wait3A_867 = tpu.memref_slice %arg4[%mul3A_2, %dma_wait3A_865, %dma_wait3A_866] : memref<1600x32x1024xf32, #tpu.memory_space<hbm>> -> memref<1x32x1024xf32, #tpu.memory_space<hbm>>
    %dma_wait3A_868 = arith.constant 0 : i32
    %dma_wait3A_869 = arith.constant 0 : i32
    %dma_wait3A_870 = tpu.memref_slice %arg4[%mul3A_2, %dma_wait3A_868, %dma_wait3A_869] : memref<1600x32x1024xf32, #tpu.memory_space<hbm>> -> memref<1x32x1024xf32, #tpu.memory_space<hbm>>
    tpu.wait_dma2 semaphore(%arg15 : memref<!tpu.dma_semaphore, #tpu.memory_space<semaphore_mem>>) src(%arg9 : memref<1x32x1024xf32, #tpu.memory_space<vmem>>) dst(%dma_wait3A_870 : memref<1x32x1024xf32, #tpu.memory_space<hbm>>)
    %add3A_871 = arith.constant 14 : i32
    %add3A_872 = arith.addi %sub3A_21, %add3A_871 : i32
    %get3A_873 = arith.index_cast %add3A_872 : i32 to index
    %get3A_874 = tpu.vector_load %arg5[%get3A_873] {strides = array<i32>} : memref<72xi32, #tpu.memory_space<vmem>>, vector<16xi32>,
    %get3A_875 = vector.shape_cast %get3A_874 : vector<16xi32> to vector<16xi32>
    %slice3A_876 = vector.extract_strided_slice %get3A_875 {offsets = [0], sizes = [1], strides = [1]} : vector<16xi32> to vector<1xi32>
    %squeeze3A_877 = vector.extract %slice3A_876[0] : i32 from vector<1xi32>
    %dma_start3A_878 = arith.constant 0 : i32
    %dma_start3A_879 = arith.constant 0 : i32
    %dma_start3A_880 = tpu.memref_slice %arg2[%squeeze3A_877, %dma_start3A_878, %dma_start3A_879] : memref<1600x32x1024xf32, #tpu.memory_space<hbm>> -> memref<1x32x1024xf32, #tpu.memory_space<hbm>>
    %dma_start3A_881 = arith.constant 0 : i32
    %dma_start3A_882 = arith.constant 0 : i32
    %dma_start3A_883 = tpu.memref_slice %arg2[%squeeze3A_877, %dma_start3A_881, %dma_start3A_882] : memref<1600x32x1024xf32, #tpu.memory_space<hbm>> -> memref<1x32x1024xf32, #tpu.memory_space<hbm>>
    tpu.enqueue_dma source(%dma_start3A_883 : memref<1x32x1024xf32, #tpu.memory_space<hbm>>) target(%arg9 : memref<1x32x1024xf32, #tpu.memory_space<vmem>>) target_semaphore(%arg12 : memref<!tpu.dma_semaphore, #tpu.memory_space<semaphore_mem>>)
    %dma_wait3A_884 = arith.constant 0 : i32
    %dma_wait3A_885 = arith.constant 0 : i32
    %dma_wait3A_886 = arith.constant 0 : i32
    %dma_wait3A_887 = tpu.memref_slice %arg4[%mul3A_2, %dma_wait3A_885, %dma_wait3A_886] : memref<1600x32x1024xf32, #tpu.memory_space<hbm>> -> memref<1x16x1024xf32, #tpu.memory_space<hbm>>
    %dma_wait3A_888 = arith.constant 0 : i32
    %dma_wait3A_889 = arith.constant 0 : i32
    %dma_wait3A_890 = arith.constant 0 : i32
    %dma_wait3A_891 = tpu.memref_slice %arg6[%arg1, %dma_wait3A_884, %dma_wait3A_888, %dma_wait3A_889, %dma_wait3A_890] : memref<16x1x1x16x1024xf32, #tpu.memory_space<vmem_shared>> -> memref<1x1x1x16x1024xf32, #tpu.memory_space<vmem_shared>>
    %dma_wait3A_892 = tpu.memref_squeeze %dma_wait3A_891 : memref<1x1x1x16x1024xf32, #tpu.memory_space<vmem_shared>> -> memref<1x16x1024xf32, #tpu.memory_space<vmem_shared>>
    tpu.wait_dma2 semaphore(%arg17 : memref<!tpu.dma_semaphore, #tpu.memory_space<semaphore_mem>>) src(%dma_wait3A_892 : memref<1x16x1024xf32, #tpu.memory_space<vmem_shared>>) dst(%dma_wait3A_887 : memref<1x16x1024xf32, #tpu.memory_space<hbm>>)
    %add3A_893 = arith.constant 23 : i32
    %add3A_894 = arith.addi %sub3A_21, %add3A_893 : i32
    %get3A_895 = arith.index_cast %add3A_894 : i32 to index
    %get3A_896 = tpu.vector_load %arg5[%get3A_895] {strides = array<i32>} : memref<72xi32, #tpu.memory_space<vmem>>, vector<16xi32>,
    %get3A_897 = vector.shape_cast %get3A_896 : vector<16xi32> to vector<16xi32>
    %slice3A_898 = vector.extract_strided_slice %get3A_897 {offsets = [0], sizes = [1], strides = [1]} : vector<16xi32> to vector<1xi32>
    %squeeze3A_899 = vector.extract %slice3A_898[0] : i32 from vector<1xi32>
    %dma_start3A_900 = arith.constant 0 : i32
    %dma_start3A_901 = arith.constant 0 : i32
    %dma_start3A_902 = arith.constant 0 : i32
    %dma_start3A_903 = arith.constant 0 : i32
    %dma_start3A_904 = tpu.memref_slice %arg6[%arg1, %dma_start3A_900, %dma_start3A_901, %dma_start3A_902, %dma_start3A_903] : memref<16x1x1x16x1024xf32, #tpu.memory_space<vmem_shared>> -> memref<1x1x1x16x1024xf32, #tpu.memory_space<vmem_shared>>
    %dma_start3A_905 = tpu.memref_squeeze %dma_start3A_904 : memref<1x1x1x16x1024xf32, #tpu.memory_space<vmem_shared>> -> memref<1x16x1024xf32, #tpu.memory_space<vmem_shared>>
    %dma_start3A_906 = arith.constant 16 : i32
    %dma_start3A_907 = arith.constant 0 : i32
    %dma_start3A_908 = tpu.memref_slice %arg2[%squeeze3A_899, %dma_start3A_906, %dma_start3A_907] : memref<1600x32x1024xf32, #tpu.memory_space<hbm>> -> memref<1x16x1024xf32, #tpu.memory_space<hbm>>
    tpu.enqueue_dma source(%dma_start3A_908 : memref<1x16x1024xf32, #tpu.memory_space<hbm>>) target(%dma_start3A_905 : memref<1x16x1024xf32, #tpu.memory_space<vmem_shared>>) target_semaphore(%arg16 : memref<!tpu.dma_semaphore, #tpu.memory_space<semaphore_mem>>)
    %dma_wait3A_909 = arith.constant 0 : i32
    %dma_wait3A_910 = arith.constant 0 : i32
    %dma_wait3A_911 = arith.constant 0 : i32
    %dma_wait3A_912 = arith.constant 0 : i32
    %dma_wait3A_913 = tpu.memref_slice %arg6[%arg1, %dma_wait3A_909, %dma_wait3A_910, %dma_wait3A_911, %dma_wait3A_912] : memref<16x1x1x16x1024xf32, #tpu.memory_space<vmem_shared>> -> memref<1x1x1x16x1024xf32, #tpu.memory_space<vmem_shared>>
    %dma_wait3A_914 = tpu.memref_squeeze %dma_wait3A_913 : memref<1x1x1x16x1024xf32, #tpu.memory_space<vmem_shared>> -> memref<1x16x1024xf32, #tpu.memory_space<vmem_shared>>
    %dma_wait3A_915 = arith.constant 0 : i32
    %dma_wait3A_916 = arith.constant 0 : i32
    %dma_wait3A_917 = arith.constant 0 : i32
    %dma_wait3A_918 = tpu.memref_slice %arg2[%dma_wait3A_915, %dma_wait3A_916, %dma_wait3A_917] : memref<1600x32x1024xf32, #tpu.memory_space<hbm>> -> memref<1x16x1024xf32, #tpu.memory_space<hbm>>
    tpu.wait_dma2 semaphore(%arg16 : memref<!tpu.dma_semaphore, #tpu.memory_space<semaphore_mem>>) src(%dma_wait3A_918 : memref<1x16x1024xf32, #tpu.memory_space<hbm>>) dst(%dma_wait3A_914 : memref<1x16x1024xf32, #tpu.memory_space<vmem_shared>>)
    %add3A_919 = arith.constant 23 : i32
    %add3A_920 = arith.addi %mul3A_2, %add3A_919 : i32
    %dma_start3A_921 = arith.constant 0 : i32
    %dma_start3A_922 = arith.constant 16 : i32
    %dma_start3A_923 = arith.constant 0 : i32
    %dma_start3A_924 = tpu.memref_slice %arg4[%add3A_920, %dma_start3A_922, %dma_start3A_923] : memref<1600x32x1024xf32, #tpu.memory_space<hbm>> -> memref<1x16x1024xf32, #tpu.memory_space<hbm>>
    %dma_start3A_925 = arith.constant 0 : i32
    %dma_start3A_926 = arith.constant 0 : i32
    %dma_start3A_927 = arith.constant 0 : i32
    %dma_start3A_928 = tpu.memref_slice %arg6[%arg1, %dma_start3A_921, %dma_start3A_925, %dma_start3A_926, %dma_start3A_927] : memref<16x1x1x16x1024xf32, #tpu.memory_space<vmem_shared>> -> memref<1x1x1x16x1024xf32, #tpu.memory_space<vmem_shared>>
    %dma_start3A_929 = tpu.memref_squeeze %dma_start3A_928 : memref<1x1x1x16x1024xf32, #tpu.memory_space<vmem_shared>> -> memref<1x16x1024xf32, #tpu.memory_space<vmem_shared>>
    tpu.enqueue_dma source(%dma_start3A_929 : memref<1x16x1024xf32, #tpu.memory_space<vmem_shared>>) target(%dma_start3A_924 : memref<1x16x1024xf32, #tpu.memory_space<hbm>>) target_semaphore(%arg17 : memref<!tpu.dma_semaphore, #tpu.memory_space<semaphore_mem>>)
    %dma_wait3A_930 = arith.constant 0 : i32
    %dma_wait3A_931 = arith.constant 0 : i32
    %dma_wait3A_932 = arith.constant 0 : i32
    %dma_wait3A_933 = tpu.memref_slice %arg2[%dma_wait3A_930, %dma_wait3A_931, %dma_wait3A_932] : memref<1600x32x1024xf32, #tpu.memory_space<hbm>> -> memref<1x32x1024xf32, #tpu.memory_space<hbm>>
    %dma_wait3A_934 = arith.constant 0 : i32
    %dma_wait3A_935 = arith.constant 0 : i32
    %dma_wait3A_936 = arith.constant 0 : i32
    %dma_wait3A_937 = tpu.memref_slice %arg2[%dma_wait3A_934, %dma_wait3A_935, %dma_wait3A_936] : memref<1600x32x1024xf32, #tpu.memory_space<hbm>> -> memref<1x32x1024xf32, #tpu.memory_space<hbm>>
    tpu.wait_dma2 semaphore(%arg11 : memref<!tpu.dma_semaphore, #tpu.memory_space<semaphore_mem>>) src(%dma_wait3A_937 : memref<1x32x1024xf32, #tpu.memory_space<hbm>>) dst(%arg8 : memref<1x32x1024xf32, #tpu.memory_space<vmem>>)
    %add3A_938 = arith.constant 13 : i32
    %add3A_939 = arith.addi %mul3A_2, %add3A_938 : i32
    %dma_start3A_940 = arith.constant 0 : i32
    %dma_start3A_941 = arith.constant 0 : i32
    %dma_start3A_942 = tpu.memref_slice %arg4[%add3A_939, %dma_start3A_940, %dma_start3A_941] : memref<1600x32x1024xf32, #tpu.memory_space<hbm>> -> memref<1x32x1024xf32, #tpu.memory_space<hbm>>
    %dma_start3A_943 = arith.constant 0 : i32
    %dma_start3A_944 = arith.constant 0 : i32
    %dma_start3A_945 = tpu.memref_slice %arg4[%add3A_939, %dma_start3A_943, %dma_start3A_944] : memref<1600x32x1024xf32, #tpu.memory_space<hbm>> -> memref<1x32x1024xf32, #tpu.memory_space<hbm>>
    tpu.enqueue_dma source(%arg8 : memref<1x32x1024xf32, #tpu.memory_space<vmem>>) target(%dma_start3A_945 : memref<1x32x1024xf32, #tpu.memory_space<hbm>>) target_semaphore(%arg14 : memref<!tpu.dma_semaphore, #tpu.memory_space<semaphore_mem>>)
    %dma_wait3A_946 = arith.constant 0 : i32
    %dma_wait3A_947 = arith.constant 0 : i32
    %dma_wait3A_948 = tpu.memref_slice %arg4[%mul3A_2, %dma_wait3A_946, %dma_wait3A_947] : memref<1600x32x1024xf32, #tpu.memory_space<hbm>> -> memref<1x32x1024xf32, #tpu.memory_space<hbm>>
    %dma_wait3A_949 = arith.constant 0 : i32
    %dma_wait3A_950 = arith.constant 0 : i32
    %dma_wait3A_951 = tpu.memref_slice %arg4[%mul3A_2, %dma_wait3A_949, %dma_wait3A_950] : memref<1600x32x1024xf32, #tpu.memory_space<hbm>> -> memref<1x32x1024xf32, #tpu.memory_space<hbm>>
    tpu.wait_dma2 semaphore(%arg13 : memref<!tpu.dma_semaphore, #tpu.memory_space<semaphore_mem>>) src(%arg7 : memref<1x32x1024xf32, #tpu.memory_space<vmem>>) dst(%dma_wait3A_951 : memref<1x32x1024xf32, #tpu.memory_space<hbm>>)
    %add3A_952 = arith.constant 16 : i32
    %add3A_953 = arith.addi %sub3A_21, %add3A_952 : i32
    %get3A_954 = arith.index_cast %add3A_953 : i32 to index
    %get3A_955 = tpu.vector_load %arg5[%get3A_954] {strides = array<i32>} : memref<72xi32, #tpu.memory_space<vmem>>, vector<16xi32>,
    %get3A_956 = vector.shape_cast %get3A_955 : vector<16xi32> to vector<16xi32>
    %slice3A_957 = vector.extract_strided_slice %get3A_956 {offsets = [0], sizes = [1], strides = [1]} : vector<16xi32> to vector<1xi32>
    %squeeze3A_958 = vector.extract %slice3A_957[0] : i32 from vector<1xi32>
    %dma_start3A_959 = arith.constant 0 : i32
    %dma_start3A_960 = arith.constant 0 : i32
    %dma_start3A_961 = tpu.memref_slice %arg2[%squeeze3A_958, %dma_start3A_959, %dma_start3A_960] : memref<1600x32x1024xf32, #tpu.memory_space<hbm>> -> memref<1x32x1024xf32, #tpu.memory_space<hbm>>
    %dma_start3A_962 = arith.constant 0 : i32
    %dma_start3A_963 = arith.constant 0 : i32
    %dma_start3A_964 = tpu.memref_slice %arg2[%squeeze3A_958, %dma_start3A_962, %dma_start3A_963] : memref<1600x32x1024xf32, #tpu.memory_space<hbm>> -> memref<1x32x1024xf32, #tpu.memory_space<hbm>>
    tpu.enqueue_dma source(%dma_start3A_964 : memref<1x32x1024xf32, #tpu.memory_space<hbm>>) target(%arg7 : memref<1x32x1024xf32, #tpu.memory_space<vmem>>) target_semaphore(%arg10 : memref<!tpu.dma_semaphore, #tpu.memory_space<semaphore_mem>>)
    %dma_wait3A_965 = arith.constant 0 : i32
    %dma_wait3A_966 = arith.constant 0 : i32
    %dma_wait3A_967 = arith.constant 0 : i32
    %dma_wait3A_968 = tpu.memref_slice %arg4[%mul3A_2, %dma_wait3A_966, %dma_wait3A_967] : memref<1600x32x1024xf32, #tpu.memory_space<hbm>> -> memref<1x16x1024xf32, #tpu.memory_space<hbm>>
    %dma_wait3A_969 = arith.constant 0 : i32
    %dma_wait3A_970 = arith.constant 0 : i32
    %dma_wait3A_971 = arith.constant 0 : i32
    %dma_wait3A_972 = tpu.memref_slice %arg6[%arg1, %dma_wait3A_965, %dma_wait3A_969, %dma_wait3A_970, %dma_wait3A_971] : memref<16x1x1x16x1024xf32, #tpu.memory_space<vmem_shared>> -> memref<1x1x1x16x1024xf32, #tpu.memory_space<vmem_shared>>
    %dma_wait3A_973 = tpu.memref_squeeze %dma_wait3A_972 : memref<1x1x1x16x1024xf32, #tpu.memory_space<vmem_shared>> -> memref<1x16x1024xf32, #tpu.memory_space<vmem_shared>>
    tpu.wait_dma2 semaphore(%arg17 : memref<!tpu.dma_semaphore, #tpu.memory_space<semaphore_mem>>) src(%dma_wait3A_973 : memref<1x16x1024xf32, #tpu.memory_space<vmem_shared>>) dst(%dma_wait3A_968 : memref<1x16x1024xf32, #tpu.memory_space<hbm>>)
    %add3A_974 = arith.constant 27 : i32
    %add3A_975 = arith.addi %sub3A_21, %add3A_974 : i32
    %get3A_976 = arith.index_cast %add3A_975 : i32 to index
    %get3A_977 = tpu.vector_load %arg5[%get3A_976] {strides = array<i32>} : memref<72xi32, #tpu.memory_space<vmem>>, vector<16xi32>,
    %get3A_978 = vector.shape_cast %get3A_977 : vector<16xi32> to vector<16xi32>
    %slice3A_979 = vector.extract_strided_slice %get3A_978 {offsets = [0], sizes = [1], strides = [1]} : vector<16xi32> to vector<1xi32>
    %squeeze3A_980 = vector.extract %slice3A_979[0] : i32 from vector<1xi32>
    %dma_start3A_981 = arith.constant 0 : i32
    %dma_start3A_982 = arith.constant 0 : i32
    %dma_start3A_983 = arith.constant 0 : i32
    %dma_start3A_984 = arith.constant 0 : i32
    %dma_start3A_985 = tpu.memref_slice %arg6[%arg1, %dma_start3A_981, %dma_start3A_982, %dma_start3A_983, %dma_start3A_984] : memref<16x1x1x16x1024xf32, #tpu.memory_space<vmem_shared>> -> memref<1x1x1x16x1024xf32, #tpu.memory_space<vmem_shared>>
    %dma_start3A_986 = tpu.memref_squeeze %dma_start3A_985 : memref<1x1x1x16x1024xf32, #tpu.memory_space<vmem_shared>> -> memref<1x16x1024xf32, #tpu.memory_space<vmem_shared>>
    %dma_start3A_987 = arith.constant 0 : i32
    %dma_start3A_988 = arith.constant 0 : i32
    %dma_start3A_989 = tpu.memref_slice %arg2[%squeeze3A_980, %dma_start3A_987, %dma_start3A_988] : memref<1600x32x1024xf32, #tpu.memory_space<hbm>> -> memref<1x16x1024xf32, #tpu.memory_space<hbm>>
    tpu.enqueue_dma source(%dma_start3A_989 : memref<1x16x1024xf32, #tpu.memory_space<hbm>>) target(%dma_start3A_986 : memref<1x16x1024xf32, #tpu.memory_space<vmem_shared>>) target_semaphore(%arg16 : memref<!tpu.dma_semaphore, #tpu.memory_space<semaphore_mem>>)
    %dma_wait3A_990 = arith.constant 0 : i32
    %dma_wait3A_991 = arith.constant 0 : i32
    %dma_wait3A_992 = arith.constant 0 : i32
    %dma_wait3A_993 = arith.constant 0 : i32
    %dma_wait3A_994 = tpu.memref_slice %arg6[%arg1, %dma_wait3A_990, %dma_wait3A_991, %dma_wait3A_992, %dma_wait3A_993] : memref<16x1x1x16x1024xf32, #tpu.memory_space<vmem_shared>> -> memref<1x1x1x16x1024xf32, #tpu.memory_space<vmem_shared>>
    %dma_wait3A_995 = tpu.memref_squeeze %dma_wait3A_994 : memref<1x1x1x16x1024xf32, #tpu.memory_space<vmem_shared>> -> memref<1x16x1024xf32, #tpu.memory_space<vmem_shared>>
    %dma_wait3A_996 = arith.constant 0 : i32
    %dma_wait3A_997 = arith.constant 0 : i32
    %dma_wait3A_998 = arith.constant 0 : i32
    %dma_wait3A_999 = tpu.memref_slice %arg2[%dma_wait3A_996, %dma_wait3A_997, %dma_wait3A_998] : memref<1600x32x1024xf32, #tpu.memory_space<hbm>> -> memref<1x16x1024xf32, #tpu.memory_space<hbm>>
    tpu.wait_dma2 semaphore(%arg16 : memref<!tpu.dma_semaphore, #tpu.memory_space<semaphore_mem>>) src(%dma_wait3A_999 : memref<1x16x1024xf32, #tpu.memory_space<hbm>>) dst(%dma_wait3A_995 : memref<1x16x1024xf32, #tpu.memory_space<vmem_shared>>)
    %add3A_1000 = arith.constant 27 : i32
    %add3A_1001 = arith.addi %mul3A_2, %add3A_1000 : i32
    %dma_start3A_1002 = arith.constant 0 : i32
    %dma_start3A_1003 = arith.constant 0 : i32
    %dma_start3A_1004 = arith.constant 0 : i32
    %dma_start3A_1005 = tpu.memref_slice %arg4[%add3A_1001, %dma_start3A_1003, %dma_start3A_1004] : memref<1600x32x1024xf32, #tpu.memory_space<hbm>> -> memref<1x16x1024xf32, #tpu.memory_space<hbm>>
    %dma_start3A_1006 = arith.constant 0 : i32
    %dma_start3A_1007 = arith.constant 0 : i32
    %dma_start3A_1008 = arith.constant 0 : i32
    %dma_start3A_1009 = tpu.memref_slice %arg6[%arg1, %dma_start3A_1002, %dma_start3A_1006, %dma_start3A_1007, %dma_start3A_1008] : memref<16x1x1x16x1024xf32, #tpu.memory_space<vmem_shared>> -> memref<1x1x1x16x1024xf32, #tpu.memory_space<vmem_shared>>
    %dma_start3A_1010 = tpu.memref_squeeze %dma_start3A_1009 : memref<1x1x1x16x1024xf32, #tpu.memory_space<vmem_shared>> -> memref<1x16x1024xf32, #tpu.memory_space<vmem_shared>>
    tpu.enqueue_dma source(%dma_start3A_1010 : memref<1x16x1024xf32, #tpu.memory_space<vmem_shared>>) target(%dma_start3A_1005 : memref<1x16x1024xf32, #tpu.memory_space<hbm>>) target_semaphore(%arg17 : memref<!tpu.dma_semaphore, #tpu.memory_space<semaphore_mem>>)
    %dma_wait3A_1011 = arith.constant 0 : i32
    %dma_wait3A_1012 = arith.constant 0 : i32
    %dma_wait3A_1013 = arith.constant 0 : i32
    %dma_wait3A_1014 = tpu.memref_slice %arg2[%dma_wait3A_1011, %dma_wait3A_1012, %dma_wait3A_1013] : memref<1600x32x1024xf32, #tpu.memory_space<hbm>> -> memref<1x32x1024xf32, #tpu.memory_space<hbm>>
    %dma_wait3A_1015 = arith.constant 0 : i32
    %dma_wait3A_1016 = arith.constant 0 : i32
    %dma_wait3A_1017 = arith.constant 0 : i32
    %dma_wait3A_1018 = tpu.memref_slice %arg2[%dma_wait3A_1015, %dma_wait3A_1016, %dma_wait3A_1017] : memref<1600x32x1024xf32, #tpu.memory_space<hbm>> -> memref<1x32x1024xf32, #tpu.memory_space<hbm>>
    tpu.wait_dma2 semaphore(%arg12 : memref<!tpu.dma_semaphore, #tpu.memory_space<semaphore_mem>>) src(%dma_wait3A_1018 : memref<1x32x1024xf32, #tpu.memory_space<hbm>>) dst(%arg9 : memref<1x32x1024xf32, #tpu.memory_space<vmem>>)
    %add3A_1019 = arith.constant 14 : i32
    %add3A_1020 = arith.addi %mul3A_2, %add3A_1019 : i32
    %dma_start3A_1021 = arith.constant 0 : i32
    %dma_start3A_1022 = arith.constant 0 : i32
    %dma_start3A_1023 = tpu.memref_slice %arg4[%add3A_1020, %dma_start3A_1021, %dma_start3A_1022] : memref<1600x32x1024xf32, #tpu.memory_space<hbm>> -> memref<1x32x1024xf32, #tpu.memory_space<hbm>>
    %dma_start3A_1024 = arith.constant 0 : i32
    %dma_start3A_1025 = arith.constant 0 : i32
    %dma_start3A_1026 = tpu.memref_slice %arg4[%add3A_1020, %dma_start3A_1024, %dma_start3A_1025] : memref<1600x32x1024xf32, #tpu.memory_space<hbm>> -> memref<1x32x1024xf32, #tpu.memory_space<hbm>>
    tpu.enqueue_dma source(%arg9 : memref<1x32x1024xf32, #tpu.memory_space<vmem>>) target(%dma_start3A_1026 : memref<1x32x1024xf32, #tpu.memory_space<hbm>>) target_semaphore(%arg15 : memref<!tpu.dma_semaphore, #tpu.memory_space<semaphore_mem>>)
    %dma_wait3A_1027 = arith.constant 0 : i32
    %dma_wait3A_1028 = arith.constant 0 : i32
    %dma_wait3A_1029 = tpu.memref_slice %arg4[%mul3A_2, %dma_wait3A_1027, %dma_wait3A_1028] : memref<1600x32x1024xf32, #tpu.memory_space<hbm>> -> memref<1x32x1024xf32, #tpu.memory_space<hbm>>
    %dma_wait3A_1030 = arith.constant 0 : i32
    %dma_wait3A_1031 = arith.constant 0 : i32
    %dma_wait3A_1032 = tpu.memref_slice %arg4[%mul3A_2, %dma_wait3A_1030, %dma_wait3A_1031] : memref<1600x32x1024xf32, #tpu.memory_space<hbm>> -> memref<1x32x1024xf32, #tpu.memory_space<hbm>>
    tpu.wait_dma2 semaphore(%arg14 : memref<!tpu.dma_semaphore, #tpu.memory_space<semaphore_mem>>) src(%arg8 : memref<1x32x1024xf32, #tpu.memory_space<vmem>>) dst(%dma_wait3A_1032 : memref<1x32x1024xf32, #tpu.memory_space<hbm>>)
    %add3A_1033 = arith.constant 17 : i32
    %add3A_1034 = arith.addi %sub3A_21, %add3A_1033 : i32
    %get3A_1035 = arith.index_cast %add3A_1034 : i32 to index
    %get3A_1036 = tpu.vector_load %arg5[%get3A_1035] {strides = array<i32>} : memref<72xi32, #tpu.memory_space<vmem>>, vector<16xi32>,
    %get3A_1037 = vector.shape_cast %get3A_1036 : vector<16xi32> to vector<16xi32>
    %slice3A_1038 = vector.extract_strided_slice %get3A_1037 {offsets = [0], sizes = [1], strides = [1]} : vector<16xi32> to vector<1xi32>
    %squeeze3A_1039 = vector.extract %slice3A_1038[0] : i32 from vector<1xi32>
    %dma_start3A_1040 = arith.constant 0 : i32
    %dma_start3A_1041 = arith.constant 0 : i32
    %dma_start3A_1042 = tpu.memref_slice %arg2[%squeeze3A_1039, %dma_start3A_1040, %dma_start3A_1041] : memref<1600x32x1024xf32, #tpu.memory_space<hbm>> -> memref<1x32x1024xf32, #tpu.memory_space<hbm>>
    %dma_start3A_1043 = arith.constant 0 : i32
    %dma_start3A_1044 = arith.constant 0 : i32
    %dma_start3A_1045 = tpu.memref_slice %arg2[%squeeze3A_1039, %dma_start3A_1043, %dma_start3A_1044] : memref<1600x32x1024xf32, #tpu.memory_space<hbm>> -> memref<1x32x1024xf32, #tpu.memory_space<hbm>>
    tpu.enqueue_dma source(%dma_start3A_1045 : memref<1x32x1024xf32, #tpu.memory_space<hbm>>) target(%arg8 : memref<1x32x1024xf32, #tpu.memory_space<vmem>>) target_semaphore(%arg11 : memref<!tpu.dma_semaphore, #tpu.memory_space<semaphore_mem>>)
    %dma_wait3A_1046 = arith.constant 0 : i32
    %dma_wait3A_1047 = arith.constant 0 : i32
    %dma_wait3A_1048 = arith.constant 0 : i32
    %dma_wait3A_1049 = tpu.memref_slice %arg4[%mul3A_2, %dma_wait3A_1047, %dma_wait3A_1048] : memref<1600x32x1024xf32, #tpu.memory_space<hbm>> -> memref<1x16x1024xf32, #tpu.memory_space<hbm>>
    %dma_wait3A_1050 = arith.constant 0 : i32
    %dma_wait3A_1051 = arith.constant 0 : i32
    %dma_wait3A_1052 = arith.constant 0 : i32
    %dma_wait3A_1053 = tpu.memref_slice %arg6[%arg1, %dma_wait3A_1046, %dma_wait3A_1050, %dma_wait3A_1051, %dma_wait3A_1052] : memref<16x1x1x16x1024xf32, #tpu.memory_space<vmem_shared>> -> memref<1x1x1x16x1024xf32, #tpu.memory_space<vmem_shared>>
    %dma_wait3A_1054 = tpu.memref_squeeze %dma_wait3A_1053 : memref<1x1x1x16x1024xf32, #tpu.memory_space<vmem_shared>> -> memref<1x16x1024xf32, #tpu.memory_space<vmem_shared>>
    tpu.wait_dma2 semaphore(%arg17 : memref<!tpu.dma_semaphore, #tpu.memory_space<semaphore_mem>>) src(%dma_wait3A_1054 : memref<1x16x1024xf32, #tpu.memory_space<vmem_shared>>) dst(%dma_wait3A_1049 : memref<1x16x1024xf32, #tpu.memory_space<hbm>>)
    %add3A_1055 = arith.constant 27 : i32
    %add3A_1056 = arith.addi %sub3A_21, %add3A_1055 : i32
    %get3A_1057 = arith.index_cast %add3A_1056 : i32 to index
    %get3A_1058 = tpu.vector_load %arg5[%get3A_1057] {strides = array<i32>} : memref<72xi32, #tpu.memory_space<vmem>>, vector<16xi32>,
    %get3A_1059 = vector.shape_cast %get3A_1058 : vector<16xi32> to vector<16xi32>
    %slice3A_1060 = vector.extract_strided_slice %get3A_1059 {offsets = [0], sizes = [1], strides = [1]} : vector<16xi32> to vector<1xi32>
    %squeeze3A_1061 = vector.extract %slice3A_1060[0] : i32 from vector<1xi32>
    %dma_start3A_1062 = arith.constant 0 : i32
    %dma_start3A_1063 = arith.constant 0 : i32
    %dma_start3A_1064 = arith.constant 0 : i32
    %dma_start3A_1065 = arith.constant 0 : i32
    %dma_start3A_1066 = tpu.memref_slice %arg6[%arg1, %dma_start3A_1062, %dma_start3A_1063, %dma_start3A_1064, %dma_start3A_1065] : memref<16x1x1x16x1024xf32, #tpu.memory_space<vmem_shared>> -> memref<1x1x1x16x1024xf32, #tpu.memory_space<vmem_shared>>
    %dma_start3A_1067 = tpu.memref_squeeze %dma_start3A_1066 : memref<1x1x1x16x1024xf32, #tpu.memory_space<vmem_shared>> -> memref<1x16x1024xf32, #tpu.memory_space<vmem_shared>>
    %dma_start3A_1068 = arith.constant 16 : i32
    %dma_start3A_1069 = arith.constant 0 : i32
    %dma_start3A_1070 = tpu.memref_slice %arg2[%squeeze3A_1061, %dma_start3A_1068, %dma_start3A_1069] : memref<1600x32x1024xf32, #tpu.memory_space<hbm>> -> memref<1x16x1024xf32, #tpu.memory_space<hbm>>
    tpu.enqueue_dma source(%dma_start3A_1070 : memref<1x16x1024xf32, #tpu.memory_space<hbm>>) target(%dma_start3A_1067 : memref<1x16x1024xf32, #tpu.memory_space<vmem_shared>>) target_semaphore(%arg16 : memref<!tpu.dma_semaphore, #tpu.memory_space<semaphore_mem>>)
    %dma_wait3A_1071 = arith.constant 0 : i32
    %dma_wait3A_1072 = arith.constant 0 : i32
    %dma_wait3A_1073 = arith.constant 0 : i32
    %dma_wait3A_1074 = arith.constant 0 : i32
    %dma_wait3A_1075 = tpu.memref_slice %arg6[%arg1, %dma_wait3A_1071, %dma_wait3A_1072, %dma_wait3A_1073, %dma_wait3A_1074] : memref<16x1x1x16x1024xf32, #tpu.memory_space<vmem_shared>> -> memref<1x1x1x16x1024xf32, #tpu.memory_space<vmem_shared>>
    %dma_wait3A_1076 = tpu.memref_squeeze %dma_wait3A_1075 : memref<1x1x1x16x1024xf32, #tpu.memory_space<vmem_shared>> -> memref<1x16x1024xf32, #tpu.memory_space<vmem_shared>>
    %dma_wait3A_1077 = arith.constant 0 : i32
    %dma_wait3A_1078 = arith.constant 0 : i32
    %dma_wait3A_1079 = arith.constant 0 : i32
    %dma_wait3A_1080 = tpu.memref_slice %arg2[%dma_wait3A_1077, %dma_wait3A_1078, %dma_wait3A_1079] : memref<1600x32x1024xf32, #tpu.memory_space<hbm>> -> memref<1x16x1024xf32, #tpu.memory_space<hbm>>
    tpu.wait_dma2 semaphore(%arg16 : memref<!tpu.dma_semaphore, #tpu.memory_space<semaphore_mem>>) src(%dma_wait3A_1080 : memref<1x16x1024xf32, #tpu.memory_space<hbm>>) dst(%dma_wait3A_1076 : memref<1x16x1024xf32, #tpu.memory_space<vmem_shared>>)
    %add3A_1081 = arith.constant 27 : i32
    %add3A_1082 = arith.addi %mul3A_2, %add3A_1081 : i32
    %dma_start3A_1083 = arith.constant 0 : i32
    %dma_start3A_1084 = arith.constant 16 : i32
    %dma_start3A_1085 = arith.constant 0 : i32
    %dma_start3A_1086 = tpu.memref_slice %arg4[%add3A_1082, %dma_start3A_1084, %dma_start3A_1085] : memref<1600x32x1024xf32, #tpu.memory_space<hbm>> -> memref<1x16x1024xf32, #tpu.memory_space<hbm>>
    %dma_start3A_1087 = arith.constant 0 : i32
    %dma_start3A_1088 = arith.constant 0 : i32
    %dma_start3A_1089 = arith.constant 0 : i32
    %dma_start3A_1090 = tpu.memref_slice %arg6[%arg1, %dma_start3A_1083, %dma_start3A_1087, %dma_start3A_1088, %dma_start3A_1089] : memref<16x1x1x16x1024xf32, #tpu.memory_space<vmem_shared>> -> memref<1x1x1x16x1024xf32, #tpu.memory_space<vmem_shared>>
    %dma_start3A_1091 = tpu.memref_squeeze %dma_start3A_1090 : memref<1x1x1x16x1024xf32, #tpu.memory_space<vmem_shared>> -> memref<1x16x1024xf32, #tpu.memory_space<vmem_shared>>
    tpu.enqueue_dma source(%dma_start3A_1091 : memref<1x16x1024xf32, #tpu.memory_space<vmem_shared>>) target(%dma_start3A_1086 : memref<1x16x1024xf32, #tpu.memory_space<hbm>>) target_semaphore(%arg17 : memref<!tpu.dma_semaphore, #tpu.memory_space<semaphore_mem>>)
    %dma_wait3A_1092 = arith.constant 0 : i32
    %dma_wait3A_1093 = arith.constant 0 : i32
    %dma_wait3A_1094 = arith.constant 0 : i32
    %dma_wait3A_1095 = tpu.memref_slice %arg2[%dma_wait3A_1092, %dma_wait3A_1093, %dma_wait3A_1094] : memref<1600x32x1024xf32, #tpu.memory_space<hbm>> -> memref<1x32x1024xf32, #tpu.memory_space<hbm>>
    %dma_wait3A_1096 = arith.constant 0 : i32
    %dma_wait3A_1097 = arith.constant 0 : i32
    %dma_wait3A_1098 = arith.constant 0 : i32
    %dma_wait3A_1099 = tpu.memref_slice %arg2[%dma_wait3A_1096, %dma_wait3A_1097, %dma_wait3A_1098] : memref<1600x32x1024xf32, #tpu.memory_space<hbm>> -> memref<1x32x1024xf32, #tpu.memory_space<hbm>>
    tpu.wait_dma2 semaphore(%arg10 : memref<!tpu.dma_semaphore, #tpu.memory_space<semaphore_mem>>) src(%dma_wait3A_1099 : memref<1x32x1024xf32, #tpu.memory_space<hbm>>) dst(%arg7 : memref<1x32x1024xf32, #tpu.memory_space<vmem>>)
    %add3A_1100 = arith.constant 16 : i32
    %add3A_1101 = arith.addi %mul3A_2, %add3A_1100 : i32
    %dma_start3A_1102 = arith.constant 0 : i32
    %dma_start3A_1103 = arith.constant 0 : i32
    %dma_start3A_1104 = tpu.memref_slice %arg4[%add3A_1101, %dma_start3A_1102, %dma_start3A_1103] : memref<1600x32x1024xf32, #tpu.memory_space<hbm>> -> memref<1x32x1024xf32, #tpu.memory_space<hbm>>
    %dma_start3A_1105 = arith.constant 0 : i32
    %dma_start3A_1106 = arith.constant 0 : i32
    %dma_start3A_1107 = tpu.memref_slice %arg4[%add3A_1101, %dma_start3A_1105, %dma_start3A_1106] : memref<1600x32x1024xf32, #tpu.memory_space<hbm>> -> memref<1x32x1024xf32, #tpu.memory_space<hbm>>
    tpu.enqueue_dma source(%arg7 : memref<1x32x1024xf32, #tpu.memory_space<vmem>>) target(%dma_start3A_1107 : memref<1x32x1024xf32, #tpu.memory_space<hbm>>) target_semaphore(%arg13 : memref<!tpu.dma_semaphore, #tpu.memory_space<semaphore_mem>>)
    %dma_wait3A_1108 = arith.constant 0 : i32
    %dma_wait3A_1109 = arith.constant 0 : i32
    %dma_wait3A_1110 = tpu.memref_slice %arg4[%mul3A_2, %dma_wait3A_1108, %dma_wait3A_1109] : memref<1600x32x1024xf32, #tpu.memory_space<hbm>> -> memref<1x32x1024xf32, #tpu.memory_space<hbm>>
    %dma_wait3A_1111 = arith.constant 0 : i32
    %dma_wait3A_1112 = arith.constant 0 : i32
    %dma_wait3A_1113 = tpu.memref_slice %arg4[%mul3A_2, %dma_wait3A_1111, %dma_wait3A_1112] : memref<1600x32x1024xf32, #tpu.memory_space<hbm>> -> memref<1x32x1024xf32, #tpu.memory_space<hbm>>
    tpu.wait_dma2 semaphore(%arg15 : memref<!tpu.dma_semaphore, #tpu.memory_space<semaphore_mem>>) src(%arg9 : memref<1x32x1024xf32, #tpu.memory_space<vmem>>) dst(%dma_wait3A_1113 : memref<1x32x1024xf32, #tpu.memory_space<hbm>>)
    %add3A_1114 = arith.constant 18 : i32
    %add3A_1115 = arith.addi %sub3A_21, %add3A_1114 : i32
    %get3A_1116 = arith.index_cast %add3A_1115 : i32 to index
    %get3A_1117 = tpu.vector_load %arg5[%get3A_1116] {strides = array<i32>} : memref<72xi32, #tpu.memory_space<vmem>>, vector<16xi32>,
    %get3A_1118 = vector.shape_cast %get3A_1117 : vector<16xi32> to vector<16xi32>
    %slice3A_1119 = vector.extract_strided_slice %get3A_1118 {offsets = [0], sizes = [1], strides = [1]} : vector<16xi32> to vector<1xi32>
    %squeeze3A_1120 = vector.extract %slice3A_1119[0] : i32 from vector<1xi32>
    %dma_start3A_1121 = arith.constant 0 : i32
    %dma_start3A_1122 = arith.constant 0 : i32
    %dma_start3A_1123 = tpu.memref_slice %arg2[%squeeze3A_1120, %dma_start3A_1121, %dma_start3A_1122] : memref<1600x32x1024xf32, #tpu.memory_space<hbm>> -> memref<1x32x1024xf32, #tpu.memory_space<hbm>>
    %dma_start3A_1124 = arith.constant 0 : i32
    %dma_start3A_1125 = arith.constant 0 : i32
    %dma_start3A_1126 = tpu.memref_slice %arg2[%squeeze3A_1120, %dma_start3A_1124, %dma_start3A_1125] : memref<1600x32x1024xf32, #tpu.memory_space<hbm>> -> memref<1x32x1024xf32, #tpu.memory_space<hbm>>
    tpu.enqueue_dma source(%dma_start3A_1126 : memref<1x32x1024xf32, #tpu.memory_space<hbm>>) target(%arg9 : memref<1x32x1024xf32, #tpu.memory_space<vmem>>) target_semaphore(%arg12 : memref<!tpu.dma_semaphore, #tpu.memory_space<semaphore_mem>>)
    %dma_wait3A_1127 = arith.constant 0 : i32
    %dma_wait3A_1128 = arith.constant 0 : i32
    %dma_wait3A_1129 = arith.constant 0 : i32
    %dma_wait3A_1130 = tpu.memref_slice %arg4[%mul3A_2, %dma_wait3A_1128, %dma_wait3A_1129] : memref<1600x32x1024xf32, #tpu.memory_space<hbm>> -> memref<1x16x1024xf32, #tpu.memory_space<hbm>>
    %dma_wait3A_1131 = arith.constant 0 : i32
    %dma_wait3A_1132 = arith.constant 0 : i32
    %dma_wait3A_1133 = arith.constant 0 : i32
    %dma_wait3A_1134 = tpu.memref_slice %arg6[%arg1, %dma_wait3A_1127, %dma_wait3A_1131, %dma_wait3A_1132, %dma_wait3A_1133] : memref<16x1x1x16x1024xf32, #tpu.memory_space<vmem_shared>> -> memref<1x1x1x16x1024xf32, #tpu.memory_space<vmem_shared>>
    %dma_wait3A_1135 = tpu.memref_squeeze %dma_wait3A_1134 : memref<1x1x1x16x1024xf32, #tpu.memory_space<vmem_shared>> -> memref<1x16x1024xf32, #tpu.memory_space<vmem_shared>>
    tpu.wait_dma2 semaphore(%arg17 : memref<!tpu.dma_semaphore, #tpu.memory_space<semaphore_mem>>) src(%dma_wait3A_1135 : memref<1x16x1024xf32, #tpu.memory_space<vmem_shared>>) dst(%dma_wait3A_1130 : memref<1x16x1024xf32, #tpu.memory_space<hbm>>)
    %add3A_1136 = arith.constant 31 : i32
    %add3A_1137 = arith.addi %sub3A_21, %add3A_1136 : i32
    %get3A_1138 = arith.index_cast %add3A_1137 : i32 to index
    %get3A_1139 = tpu.vector_load %arg5[%get3A_1138] {strides = array<i32>} : memref<72xi32, #tpu.memory_space<vmem>>, vector<16xi32>,
    %get3A_1140 = vector.shape_cast %get3A_1139 : vector<16xi32> to vector<16xi32>
    %slice3A_1141 = vector.extract_strided_slice %get3A_1140 {offsets = [0], sizes = [1], strides = [1]} : vector<16xi32> to vector<1xi32>
    %squeeze3A_1142 = vector.extract %slice3A_1141[0] : i32 from vector<1xi32>
    %dma_start3A_1143 = arith.constant 0 : i32
    %dma_start3A_1144 = arith.constant 0 : i32
    %dma_start3A_1145 = arith.constant 0 : i32
    %dma_start3A_1146 = arith.constant 0 : i32
    %dma_start3A_1147 = tpu.memref_slice %arg6[%arg1, %dma_start3A_1143, %dma_start3A_1144, %dma_start3A_1145, %dma_start3A_1146] : memref<16x1x1x16x1024xf32, #tpu.memory_space<vmem_shared>> -> memref<1x1x1x16x1024xf32, #tpu.memory_space<vmem_shared>>
    %dma_start3A_1148 = tpu.memref_squeeze %dma_start3A_1147 : memref<1x1x1x16x1024xf32, #tpu.memory_space<vmem_shared>> -> memref<1x16x1024xf32, #tpu.memory_space<vmem_shared>>
    %dma_start3A_1149 = arith.constant 0 : i32
    %dma_start3A_1150 = arith.constant 0 : i32
    %dma_start3A_1151 = tpu.memref_slice %arg2[%squeeze3A_1142, %dma_start3A_1149, %dma_start3A_1150] : memref<1600x32x1024xf32, #tpu.memory_space<hbm>> -> memref<1x16x1024xf32, #tpu.memory_space<hbm>>
    tpu.enqueue_dma source(%dma_start3A_1151 : memref<1x16x1024xf32, #tpu.memory_space<hbm>>) target(%dma_start3A_1148 : memref<1x16x1024xf32, #tpu.memory_space<vmem_shared>>) target_semaphore(%arg16 : memref<!tpu.dma_semaphore, #tpu.memory_space<semaphore_mem>>)
    %dma_wait3A_1152 = arith.constant 0 : i32
    %dma_wait3A_1153 = arith.constant 0 : i32
    %dma_wait3A_1154 = arith.constant 0 : i32
    %dma_wait3A_1155 = arith.constant 0 : i32
    %dma_wait3A_1156 = tpu.memref_slice %arg6[%arg1, %dma_wait3A_1152, %dma_wait3A_1153, %dma_wait3A_1154, %dma_wait3A_1155] : memref<16x1x1x16x1024xf32, #tpu.memory_space<vmem_shared>> -> memref<1x1x1x16x1024xf32, #tpu.memory_space<vmem_shared>>
    %dma_wait3A_1157 = tpu.memref_squeeze %dma_wait3A_1156 : memref<1x1x1x16x1024xf32, #tpu.memory_space<vmem_shared>> -> memref<1x16x1024xf32, #tpu.memory_space<vmem_shared>>
    %dma_wait3A_1158 = arith.constant 0 : i32
    %dma_wait3A_1159 = arith.constant 0 : i32
    %dma_wait3A_1160 = arith.constant 0 : i32
    %dma_wait3A_1161 = tpu.memref_slice %arg2[%dma_wait3A_1158, %dma_wait3A_1159, %dma_wait3A_1160] : memref<1600x32x1024xf32, #tpu.memory_space<hbm>> -> memref<1x16x1024xf32, #tpu.memory_space<hbm>>
    tpu.wait_dma2 semaphore(%arg16 : memref<!tpu.dma_semaphore, #tpu.memory_space<semaphore_mem>>) src(%dma_wait3A_1161 : memref<1x16x1024xf32, #tpu.memory_space<hbm>>) dst(%dma_wait3A_1157 : memref<1x16x1024xf32, #tpu.memory_space<vmem_shared>>)
    %add3A_1162 = arith.constant 31 : i32
    %add3A_1163 = arith.addi %mul3A_2, %add3A_1162 : i32
    %dma_start3A_1164 = arith.constant 0 : i32
    %dma_start3A_1165 = arith.constant 0 : i32
    %dma_start3A_1166 = arith.constant 0 : i32
    %dma_start3A_1167 = tpu.memref_slice %arg4[%add3A_1163, %dma_start3A_1165, %dma_start3A_1166] : memref<1600x32x1024xf32, #tpu.memory_space<hbm>> -> memref<1x16x1024xf32, #tpu.memory_space<hbm>>
    %dma_start3A_1168 = arith.constant 0 : i32
    %dma_start3A_1169 = arith.constant 0 : i32
    %dma_start3A_1170 = arith.constant 0 : i32
    %dma_start3A_1171 = tpu.memref_slice %arg6[%arg1, %dma_start3A_1164, %dma_start3A_1168, %dma_start3A_1169, %dma_start3A_1170] : memref<16x1x1x16x1024xf32, #tpu.memory_space<vmem_shared>> -> memref<1x1x1x16x1024xf32, #tpu.memory_space<vmem_shared>>
    %dma_start3A_1172 = tpu.memref_squeeze %dma_start3A_1171 : memref<1x1x1x16x1024xf32, #tpu.memory_space<vmem_shared>> -> memref<1x16x1024xf32, #tpu.memory_space<vmem_shared>>
    tpu.enqueue_dma source(%dma_start3A_1172 : memref<1x16x1024xf32, #tpu.memory_space<vmem_shared>>) target(%dma_start3A_1167 : memref<1x16x1024xf32, #tpu.memory_space<hbm>>) target_semaphore(%arg17 : memref<!tpu.dma_semaphore, #tpu.memory_space<semaphore_mem>>)
    %dma_wait3A_1173 = arith.constant 0 : i32
    %dma_wait3A_1174 = arith.constant 0 : i32
    %dma_wait3A_1175 = arith.constant 0 : i32
    %dma_wait3A_1176 = tpu.memref_slice %arg2[%dma_wait3A_1173, %dma_wait3A_1174, %dma_wait3A_1175] : memref<1600x32x1024xf32, #tpu.memory_space<hbm>> -> memref<1x32x1024xf32, #tpu.memory_space<hbm>>
    %dma_wait3A_1177 = arith.constant 0 : i32
    %dma_wait3A_1178 = arith.constant 0 : i32
    %dma_wait3A_1179 = arith.constant 0 : i32
    %dma_wait3A_1180 = tpu.memref_slice %arg2[%dma_wait3A_1177, %dma_wait3A_1178, %dma_wait3A_1179] : memref<1600x32x1024xf32, #tpu.memory_space<hbm>> -> memref<1x32x1024xf32, #tpu.memory_space<hbm>>
    tpu.wait_dma2 semaphore(%arg11 : memref<!tpu.dma_semaphore, #tpu.memory_space<semaphore_mem>>) src(%dma_wait3A_1180 : memref<1x32x1024xf32, #tpu.memory_space<hbm>>) dst(%arg8 : memref<1x32x1024xf32, #tpu.memory_space<vmem>>)
    %add3A_1181 = arith.constant 17 : i32
    %add3A_1182 = arith.addi %mul3A_2, %add3A_1181 : i32
    %dma_start3A_1183 = arith.constant 0 : i32
    %dma_start3A_1184 = arith.constant 0 : i32
    %dma_start3A_1185 = tpu.memref_slice %arg4[%add3A_1182, %dma_start3A_1183, %dma_start3A_1184] : memref<1600x32x1024xf32, #tpu.memory_space<hbm>> -> memref<1x32x1024xf32, #tpu.memory_space<hbm>>
    %dma_start3A_1186 = arith.constant 0 : i32
    %dma_start3A_1187 = arith.constant 0 : i32
    %dma_start3A_1188 = tpu.memref_slice %arg4[%add3A_1182, %dma_start3A_1186, %dma_start3A_1187] : memref<1600x32x1024xf32, #tpu.memory_space<hbm>> -> memref<1x32x1024xf32, #tpu.memory_space<hbm>>
    tpu.enqueue_dma source(%arg8 : memref<1x32x1024xf32, #tpu.memory_space<vmem>>) target(%dma_start3A_1188 : memref<1x32x1024xf32, #tpu.memory_space<hbm>>) target_semaphore(%arg14 : memref<!tpu.dma_semaphore, #tpu.memory_space<semaphore_mem>>)
    %dma_wait3A_1189 = arith.constant 0 : i32
    %dma_wait3A_1190 = arith.constant 0 : i32
    %dma_wait3A_1191 = tpu.memref_slice %arg4[%mul3A_2, %dma_wait3A_1189, %dma_wait3A_1190] : memref<1600x32x1024xf32, #tpu.memory_space<hbm>> -> memref<1x32x1024xf32, #tpu.memory_space<hbm>>
    %dma_wait3A_1192 = arith.constant 0 : i32
    %dma_wait3A_1193 = arith.constant 0 : i32
    %dma_wait3A_1194 = tpu.memref_slice %arg4[%mul3A_2, %dma_wait3A_1192, %dma_wait3A_1193] : memref<1600x32x1024xf32, #tpu.memory_space<hbm>> -> memref<1x32x1024xf32, #tpu.memory_space<hbm>>
    tpu.wait_dma2 semaphore(%arg13 : memref<!tpu.dma_semaphore, #tpu.memory_space<semaphore_mem>>) src(%arg7 : memref<1x32x1024xf32, #tpu.memory_space<vmem>>) dst(%dma_wait3A_1194 : memref<1x32x1024xf32, #tpu.memory_space<hbm>>)
    %add3A_1195 = arith.constant 20 : i32
    %add3A_1196 = arith.addi %sub3A_21, %add3A_1195 : i32
    %get3A_1197 = arith.index_cast %add3A_1196 : i32 to index
    %get3A_1198 = tpu.vector_load %arg5[%get3A_1197] {strides = array<i32>} : memref<72xi32, #tpu.memory_space<vmem>>, vector<16xi32>,
    %get3A_1199 = vector.shape_cast %get3A_1198 : vector<16xi32> to vector<16xi32>
    %slice3A_1200 = vector.extract_strided_slice %get3A_1199 {offsets = [0], sizes = [1], strides = [1]} : vector<16xi32> to vector<1xi32>
    %squeeze3A_1201 = vector.extract %slice3A_1200[0] : i32 from vector<1xi32>
    %dma_start3A_1202 = arith.constant 0 : i32
    %dma_start3A_1203 = arith.constant 0 : i32
    %dma_start3A_1204 = tpu.memref_slice %arg2[%squeeze3A_1201, %dma_start3A_1202, %dma_start3A_1203] : memref<1600x32x1024xf32, #tpu.memory_space<hbm>> -> memref<1x32x1024xf32, #tpu.memory_space<hbm>>
    %dma_start3A_1205 = arith.constant 0 : i32
    %dma_start3A_1206 = arith.constant 0 : i32
    %dma_start3A_1207 = tpu.memref_slice %arg2[%squeeze3A_1201, %dma_start3A_1205, %dma_start3A_1206] : memref<1600x32x1024xf32, #tpu.memory_space<hbm>> -> memref<1x32x1024xf32, #tpu.memory_space<hbm>>
    tpu.enqueue_dma source(%dma_start3A_1207 : memref<1x32x1024xf32, #tpu.memory_space<hbm>>) target(%arg7 : memref<1x32x1024xf32, #tpu.memory_space<vmem>>) target_semaphore(%arg10 : memref<!tpu.dma_semaphore, #tpu.memory_space<semaphore_mem>>)
    %dma_wait3A_1208 = arith.constant 0 : i32
    %dma_wait3A_1209 = arith.constant 0 : i32
    %dma_wait3A_1210 = arith.constant 0 : i32
    %dma_wait3A_1211 = tpu.memref_slice %arg4[%mul3A_2, %dma_wait3A_1209, %dma_wait3A_1210] : memref<1600x32x1024xf32, #tpu.memory_space<hbm>> -> memref<1x16x1024xf32, #tpu.memory_space<hbm>>
    %dma_wait3A_1212 = arith.constant 0 : i32
    %dma_wait3A_1213 = arith.constant 0 : i32
    %dma_wait3A_1214 = arith.constant 0 : i32
    %dma_wait3A_1215 = tpu.memref_slice %arg6[%arg1, %dma_wait3A_1208, %dma_wait3A_1212, %dma_wait3A_1213, %dma_wait3A_1214] : memref<16x1x1x16x1024xf32, #tpu.memory_space<vmem_shared>> -> memref<1x1x1x16x1024xf32, #tpu.memory_space<vmem_shared>>
    %dma_wait3A_1216 = tpu.memref_squeeze %dma_wait3A_1215 : memref<1x1x1x16x1024xf32, #tpu.memory_space<vmem_shared>> -> memref<1x16x1024xf32, #tpu.memory_space<vmem_shared>>
    tpu.wait_dma2 semaphore(%arg17 : memref<!tpu.dma_semaphore, #tpu.memory_space<semaphore_mem>>) src(%dma_wait3A_1216 : memref<1x16x1024xf32, #tpu.memory_space<vmem_shared>>) dst(%dma_wait3A_1211 : memref<1x16x1024xf32, #tpu.memory_space<hbm>>)
    %add3A_1217 = arith.constant 31 : i32
    %add3A_1218 = arith.addi %sub3A_21, %add3A_1217 : i32
    %get3A_1219 = arith.index_cast %add3A_1218 : i32 to index
    %get3A_1220 = tpu.vector_load %arg5[%get3A_1219] {strides = array<i32>} : memref<72xi32, #tpu.memory_space<vmem>>, vector<16xi32>,
    %get3A_1221 = vector.shape_cast %get3A_1220 : vector<16xi32> to vector<16xi32>
    %slice3A_1222 = vector.extract_strided_slice %get3A_1221 {offsets = [0], sizes = [1], strides = [1]} : vector<16xi32> to vector<1xi32>
    %squeeze3A_1223 = vector.extract %slice3A_1222[0] : i32 from vector<1xi32>
    %dma_start3A_1224 = arith.constant 0 : i32
    %dma_start3A_1225 = arith.constant 0 : i32
    %dma_start3A_1226 = arith.constant 0 : i32
    %dma_start3A_1227 = arith.constant 0 : i32
    %dma_start3A_1228 = tpu.memref_slice %arg6[%arg1, %dma_start3A_1224, %dma_start3A_1225, %dma_start3A_1226, %dma_start3A_1227] : memref<16x1x1x16x1024xf32, #tpu.memory_space<vmem_shared>> -> memref<1x1x1x16x1024xf32, #tpu.memory_space<vmem_shared>>
    %dma_start3A_1229 = tpu.memref_squeeze %dma_start3A_1228 : memref<1x1x1x16x1024xf32, #tpu.memory_space<vmem_shared>> -> memref<1x16x1024xf32, #tpu.memory_space<vmem_shared>>
    %dma_start3A_1230 = arith.constant 16 : i32
    %dma_start3A_1231 = arith.constant 0 : i32
    %dma_start3A_1232 = tpu.memref_slice %arg2[%squeeze3A_1223, %dma_start3A_1230, %dma_start3A_1231] : memref<1600x32x1024xf32, #tpu.memory_space<hbm>> -> memref<1x16x1024xf32, #tpu.memory_space<hbm>>
    tpu.enqueue_dma source(%dma_start3A_1232 : memref<1x16x1024xf32, #tpu.memory_space<hbm>>) target(%dma_start3A_1229 : memref<1x16x1024xf32, #tpu.memory_space<vmem_shared>>) target_semaphore(%arg16 : memref<!tpu.dma_semaphore, #tpu.memory_space<semaphore_mem>>)
    %dma_wait3A_1233 = arith.constant 0 : i32
    %dma_wait3A_1234 = arith.constant 0 : i32
    %dma_wait3A_1235 = arith.constant 0 : i32
    %dma_wait3A_1236 = arith.constant 0 : i32
    %dma_wait3A_1237 = tpu.memref_slice %arg6[%arg1, %dma_wait3A_1233, %dma_wait3A_1234, %dma_wait3A_1235, %dma_wait3A_1236] : memref<16x1x1x16x1024xf32, #tpu.memory_space<vmem_shared>> -> memref<1x1x1x16x1024xf32, #tpu.memory_space<vmem_shared>>
    %dma_wait3A_1238 = tpu.memref_squeeze %dma_wait3A_1237 : memref<1x1x1x16x1024xf32, #tpu.memory_space<vmem_shared>> -> memref<1x16x1024xf32, #tpu.memory_space<vmem_shared>>
    %dma_wait3A_1239 = arith.constant 0 : i32
    %dma_wait3A_1240 = arith.constant 0 : i32
    %dma_wait3A_1241 = arith.constant 0 : i32
    %dma_wait3A_1242 = tpu.memref_slice %arg2[%dma_wait3A_1239, %dma_wait3A_1240, %dma_wait3A_1241] : memref<1600x32x1024xf32, #tpu.memory_space<hbm>> -> memref<1x16x1024xf32, #tpu.memory_space<hbm>>
    tpu.wait_dma2 semaphore(%arg16 : memref<!tpu.dma_semaphore, #tpu.memory_space<semaphore_mem>>) src(%dma_wait3A_1242 : memref<1x16x1024xf32, #tpu.memory_space<hbm>>) dst(%dma_wait3A_1238 : memref<1x16x1024xf32, #tpu.memory_space<vmem_shared>>)
    %add3A_1243 = arith.constant 31 : i32
    %add3A_1244 = arith.addi %mul3A_2, %add3A_1243 : i32
    %dma_start3A_1245 = arith.constant 0 : i32
    %dma_start3A_1246 = arith.constant 16 : i32
    %dma_start3A_1247 = arith.constant 0 : i32
    %dma_start3A_1248 = tpu.memref_slice %arg4[%add3A_1244, %dma_start3A_1246, %dma_start3A_1247] : memref<1600x32x1024xf32, #tpu.memory_space<hbm>> -> memref<1x16x1024xf32, #tpu.memory_space<hbm>>
    %dma_start3A_1249 = arith.constant 0 : i32
    %dma_start3A_1250 = arith.constant 0 : i32
    %dma_start3A_1251 = arith.constant 0 : i32
    %dma_start3A_1252 = tpu.memref_slice %arg6[%arg1, %dma_start3A_1245, %dma_start3A_1249, %dma_start3A_1250, %dma_start3A_1251] : memref<16x1x1x16x1024xf32, #tpu.memory_space<vmem_shared>> -> memref<1x1x1x16x1024xf32, #tpu.memory_space<vmem_shared>>
    %dma_start3A_1253 = tpu.memref_squeeze %dma_start3A_1252 : memref<1x1x1x16x1024xf32, #tpu.memory_space<vmem_shared>> -> memref<1x16x1024xf32, #tpu.memory_space<vmem_shared>>
    tpu.enqueue_dma source(%dma_start3A_1253 : memref<1x16x1024xf32, #tpu.memory_space<vmem_shared>>) target(%dma_start3A_1248 : memref<1x16x1024xf32, #tpu.memory_space<hbm>>) target_semaphore(%arg17 : memref<!tpu.dma_semaphore, #tpu.memory_space<semaphore_mem>>)
    %dma_wait3A_1254 = arith.constant 0 : i32
    %dma_wait3A_1255 = arith.constant 0 : i32
    %dma_wait3A_1256 = arith.constant 0 : i32
    %dma_wait3A_1257 = tpu.memref_slice %arg2[%dma_wait3A_1254, %dma_wait3A_1255, %dma_wait3A_1256] : memref<1600x32x1024xf32, #tpu.memory_space<hbm>> -> memref<1x32x1024xf32, #tpu.memory_space<hbm>>
    %dma_wait3A_1258 = arith.constant 0 : i32
    %dma_wait3A_1259 = arith.constant 0 : i32
    %dma_wait3A_1260 = arith.constant 0 : i32
    %dma_wait3A_1261 = tpu.memref_slice %arg2[%dma_wait3A_1258, %dma_wait3A_1259, %dma_wait3A_1260] : memref<1600x32x1024xf32, #tpu.memory_space<hbm>> -> memref<1x32x1024xf32, #tpu.memory_space<hbm>>
    tpu.wait_dma2 semaphore(%arg12 : memref<!tpu.dma_semaphore, #tpu.memory_space<semaphore_mem>>) src(%dma_wait3A_1261 : memref<1x32x1024xf32, #tpu.memory_space<hbm>>) dst(%arg9 : memref<1x32x1024xf32, #tpu.memory_space<vmem>>)
    %add3A_1262 = arith.constant 18 : i32
    %add3A_1263 = arith.addi %mul3A_2, %add3A_1262 : i32
    %dma_start3A_1264 = arith.constant 0 : i32
    %dma_start3A_1265 = arith.constant 0 : i32
    %dma_start3A_1266 = tpu.memref_slice %arg4[%add3A_1263, %dma_start3A_1264, %dma_start3A_1265] : memref<1600x32x1024xf32, #tpu.memory_space<hbm>> -> memref<1x32x1024xf32, #tpu.memory_space<hbm>>
    %dma_start3A_1267 = arith.constant 0 : i32
    %dma_start3A_1268 = arith.constant 0 : i32
    %dma_start3A_1269 = tpu.memref_slice %arg4[%add3A_1263, %dma_start3A_1267, %dma_start3A_1268] : memref<1600x32x1024xf32, #tpu.memory_space<hbm>> -> memref<1x32x1024xf32, #tpu.memory_space<hbm>>
    tpu.enqueue_dma source(%arg9 : memref<1x32x1024xf32, #tpu.memory_space<vmem>>) target(%dma_start3A_1269 : memref<1x32x1024xf32, #tpu.memory_space<hbm>>) target_semaphore(%arg15 : memref<!tpu.dma_semaphore, #tpu.memory_space<semaphore_mem>>)
    %dma_wait3A_1270 = arith.constant 0 : i32
    %dma_wait3A_1271 = arith.constant 0 : i32
    %dma_wait3A_1272 = tpu.memref_slice %arg4[%mul3A_2, %dma_wait3A_1270, %dma_wait3A_1271] : memref<1600x32x1024xf32, #tpu.memory_space<hbm>> -> memref<1x32x1024xf32, #tpu.memory_space<hbm>>
    %dma_wait3A_1273 = arith.constant 0 : i32
    %dma_wait3A_1274 = arith.constant 0 : i32
    %dma_wait3A_1275 = tpu.memref_slice %arg4[%mul3A_2, %dma_wait3A_1273, %dma_wait3A_1274] : memref<1600x32x1024xf32, #tpu.memory_space<hbm>> -> memref<1x32x1024xf32, #tpu.memory_space<hbm>>
    tpu.wait_dma2 semaphore(%arg14 : memref<!tpu.dma_semaphore, #tpu.memory_space<semaphore_mem>>) src(%arg8 : memref<1x32x1024xf32, #tpu.memory_space<vmem>>) dst(%dma_wait3A_1275 : memref<1x32x1024xf32, #tpu.memory_space<hbm>>)
    %add3A_1276 = arith.constant 21 : i32
    %add3A_1277 = arith.addi %sub3A_21, %add3A_1276 : i32
    %get3A_1278 = arith.index_cast %add3A_1277 : i32 to index
    %get3A_1279 = tpu.vector_load %arg5[%get3A_1278] {strides = array<i32>} : memref<72xi32, #tpu.memory_space<vmem>>, vector<16xi32>,
    %get3A_1280 = vector.shape_cast %get3A_1279 : vector<16xi32> to vector<16xi32>
    %slice3A_1281 = vector.extract_strided_slice %get3A_1280 {offsets = [0], sizes = [1], strides = [1]} : vector<16xi32> to vector<1xi32>
    %squeeze3A_1282 = vector.extract %slice3A_1281[0] : i32 from vector<1xi32>
    %dma_start3A_1283 = arith.constant 0 : i32
    %dma_start3A_1284 = arith.constant 0 : i32
    %dma_start3A_1285 = tpu.memref_slice %arg2[%squeeze3A_1282, %dma_start3A_1283, %dma_start3A_1284] : memref<1600x32x1024xf32, #tpu.memory_space<hbm>> -> memref<1x32x1024xf32, #tpu.memory_space<hbm>>
    %dma_start3A_1286 = arith.constant 0 : i32
    %dma_start3A_1287 = arith.constant 0 : i32
    %dma_start3A_1288 = tpu.memref_slice %arg2[%squeeze3A_1282, %dma_start3A_1286, %dma_start3A_1287] : memref<1600x32x1024xf32, #tpu.memory_space<hbm>> -> memref<1x32x1024xf32, #tpu.memory_space<hbm>>
    tpu.enqueue_dma source(%dma_start3A_1288 : memref<1x32x1024xf32, #tpu.memory_space<hbm>>) target(%arg8 : memref<1x32x1024xf32, #tpu.memory_space<vmem>>) target_semaphore(%arg11 : memref<!tpu.dma_semaphore, #tpu.memory_space<semaphore_mem>>)
    %dma_wait3A_1289 = arith.constant 0 : i32
    %dma_wait3A_1290 = arith.constant 0 : i32
    %dma_wait3A_1291 = arith.constant 0 : i32
    %dma_wait3A_1292 = tpu.memref_slice %arg4[%mul3A_2, %dma_wait3A_1290, %dma_wait3A_1291] : memref<1600x32x1024xf32, #tpu.memory_space<hbm>> -> memref<1x16x1024xf32, #tpu.memory_space<hbm>>
    %dma_wait3A_1293 = arith.constant 0 : i32
    %dma_wait3A_1294 = arith.constant 0 : i32
    %dma_wait3A_1295 = arith.constant 0 : i32
    %dma_wait3A_1296 = tpu.memref_slice %arg6[%arg1, %dma_wait3A_1289, %dma_wait3A_1293, %dma_wait3A_1294, %dma_wait3A_1295] : memref<16x1x1x16x1024xf32, #tpu.memory_space<vmem_shared>> -> memref<1x1x1x16x1024xf32, #tpu.memory_space<vmem_shared>>
    %dma_wait3A_1297 = tpu.memref_squeeze %dma_wait3A_1296 : memref<1x1x1x16x1024xf32, #tpu.memory_space<vmem_shared>> -> memref<1x16x1024xf32, #tpu.memory_space<vmem_shared>>
    tpu.wait_dma2 semaphore(%arg17 : memref<!tpu.dma_semaphore, #tpu.memory_space<semaphore_mem>>) src(%dma_wait3A_1297 : memref<1x16x1024xf32, #tpu.memory_space<vmem_shared>>) dst(%dma_wait3A_1292 : memref<1x16x1024xf32, #tpu.memory_space<hbm>>)
    %add3A_1298 = arith.constant 35 : i32
    %add3A_1299 = arith.addi %sub3A_21, %add3A_1298 : i32
    %get3A_1300 = arith.index_cast %add3A_1299 : i32 to index
    %get3A_1301 = tpu.vector_load %arg5[%get3A_1300] {strides = array<i32>} : memref<72xi32, #tpu.memory_space<vmem>>, vector<16xi32>,
    %get3A_1302 = vector.shape_cast %get3A_1301 : vector<16xi32> to vector<16xi32>
    %slice3A_1303 = vector.extract_strided_slice %get3A_1302 {offsets = [0], sizes = [1], strides = [1]} : vector<16xi32> to vector<1xi32>
    %squeeze3A_1304 = vector.extract %slice3A_1303[0] : i32 from vector<1xi32>
    %dma_start3A_1305 = arith.constant 0 : i32
    %dma_start3A_1306 = arith.constant 0 : i32
    %dma_start3A_1307 = arith.constant 0 : i32
    %dma_start3A_1308 = arith.constant 0 : i32
    %dma_start3A_1309 = tpu.memref_slice %arg6[%arg1, %dma_start3A_1305, %dma_start3A_1306, %dma_start3A_1307, %dma_start3A_1308] : memref<16x1x1x16x1024xf32, #tpu.memory_space<vmem_shared>> -> memref<1x1x1x16x1024xf32, #tpu.memory_space<vmem_shared>>
    %dma_start3A_1310 = tpu.memref_squeeze %dma_start3A_1309 : memref<1x1x1x16x1024xf32, #tpu.memory_space<vmem_shared>> -> memref<1x16x1024xf32, #tpu.memory_space<vmem_shared>>
    %dma_start3A_1311 = arith.constant 0 : i32
    %dma_start3A_1312 = arith.constant 0 : i32
    %dma_start3A_1313 = tpu.memref_slice %arg2[%squeeze3A_1304, %dma_start3A_1311, %dma_start3A_1312] : memref<1600x32x1024xf32, #tpu.memory_space<hbm>> -> memref<1x16x1024xf32, #tpu.memory_space<hbm>>
    tpu.enqueue_dma source(%dma_start3A_1313 : memref<1x16x1024xf32, #tpu.memory_space<hbm>>) target(%dma_start3A_1310 : memref<1x16x1024xf32, #tpu.memory_space<vmem_shared>>) target_semaphore(%arg16 : memref<!tpu.dma_semaphore, #tpu.memory_space<semaphore_mem>>)
    %dma_wait3A_1314 = arith.constant 0 : i32
    %dma_wait3A_1315 = arith.constant 0 : i32
    %dma_wait3A_1316 = arith.constant 0 : i32
    %dma_wait3A_1317 = arith.constant 0 : i32
    %dma_wait3A_1318 = tpu.memref_slice %arg6[%arg1, %dma_wait3A_1314, %dma_wait3A_1315, %dma_wait3A_1316, %dma_wait3A_1317] : memref<16x1x1x16x1024xf32, #tpu.memory_space<vmem_shared>> -> memref<1x1x1x16x1024xf32, #tpu.memory_space<vmem_shared>>
    %dma_wait3A_1319 = tpu.memref_squeeze %dma_wait3A_1318 : memref<1x1x1x16x1024xf32, #tpu.memory_space<vmem_shared>> -> memref<1x16x1024xf32, #tpu.memory_space<vmem_shared>>
    %dma_wait3A_1320 = arith.constant 0 : i32
    %dma_wait3A_1321 = arith.constant 0 : i32
    %dma_wait3A_1322 = arith.constant 0 : i32
    %dma_wait3A_1323 = tpu.memref_slice %arg2[%dma_wait3A_1320, %dma_wait3A_1321, %dma_wait3A_1322] : memref<1600x32x1024xf32, #tpu.memory_space<hbm>> -> memref<1x16x1024xf32, #tpu.memory_space<hbm>>
    tpu.wait_dma2 semaphore(%arg16 : memref<!tpu.dma_semaphore, #tpu.memory_space<semaphore_mem>>) src(%dma_wait3A_1323 : memref<1x16x1024xf32, #tpu.memory_space<hbm>>) dst(%dma_wait3A_1319 : memref<1x16x1024xf32, #tpu.memory_space<vmem_shared>>)
    %add3A_1324 = arith.constant 35 : i32
    %add3A_1325 = arith.addi %mul3A_2, %add3A_1324 : i32
    %dma_start3A_1326 = arith.constant 0 : i32
    %dma_start3A_1327 = arith.constant 0 : i32
    %dma_start3A_1328 = arith.constant 0 : i32
    %dma_start3A_1329 = tpu.memref_slice %arg4[%add3A_1325, %dma_start3A_1327, %dma_start3A_1328] : memref<1600x32x1024xf32, #tpu.memory_space<hbm>> -> memref<1x16x1024xf32, #tpu.memory_space<hbm>>
    %dma_start3A_1330 = arith.constant 0 : i32
    %dma_start3A_1331 = arith.constant 0 : i32
    %dma_start3A_1332 = arith.constant 0 : i32
    %dma_start3A_1333 = tpu.memref_slice %arg6[%arg1, %dma_start3A_1326, %dma_start3A_1330, %dma_start3A_1331, %dma_start3A_1332] : memref<16x1x1x16x1024xf32, #tpu.memory_space<vmem_shared>> -> memref<1x1x1x16x1024xf32, #tpu.memory_space<vmem_shared>>
    %dma_start3A_1334 = tpu.memref_squeeze %dma_start3A_1333 : memref<1x1x1x16x1024xf32, #tpu.memory_space<vmem_shared>> -> memref<1x16x1024xf32, #tpu.memory_space<vmem_shared>>
    tpu.enqueue_dma source(%dma_start3A_1334 : memref<1x16x1024xf32, #tpu.memory_space<vmem_shared>>) target(%dma_start3A_1329 : memref<1x16x1024xf32, #tpu.memory_space<hbm>>) target_semaphore(%arg17 : memref<!tpu.dma_semaphore, #tpu.memory_space<semaphore_mem>>)
    %dma_wait3A_1335 = arith.constant 0 : i32
    %dma_wait3A_1336 = arith.constant 0 : i32
    %dma_wait3A_1337 = arith.constant 0 : i32
    %dma_wait3A_1338 = tpu.memref_slice %arg2[%dma_wait3A_1335, %dma_wait3A_1336, %dma_wait3A_1337] : memref<1600x32x1024xf32, #tpu.memory_space<hbm>> -> memref<1x32x1024xf32, #tpu.memory_space<hbm>>
    %dma_wait3A_1339 = arith.constant 0 : i32
    %dma_wait3A_1340 = arith.constant 0 : i32
    %dma_wait3A_1341 = arith.constant 0 : i32
    %dma_wait3A_1342 = tpu.memref_slice %arg2[%dma_wait3A_1339, %dma_wait3A_1340, %dma_wait3A_1341] : memref<1600x32x1024xf32, #tpu.memory_space<hbm>> -> memref<1x32x1024xf32, #tpu.memory_space<hbm>>
    tpu.wait_dma2 semaphore(%arg10 : memref<!tpu.dma_semaphore, #tpu.memory_space<semaphore_mem>>) src(%dma_wait3A_1342 : memref<1x32x1024xf32, #tpu.memory_space<hbm>>) dst(%arg7 : memref<1x32x1024xf32, #tpu.memory_space<vmem>>)
    %add3A_1343 = arith.constant 20 : i32
    %add3A_1344 = arith.addi %mul3A_2, %add3A_1343 : i32
    %dma_start3A_1345 = arith.constant 0 : i32
    %dma_start3A_1346 = arith.constant 0 : i32
    %dma_start3A_1347 = tpu.memref_slice %arg4[%add3A_1344, %dma_start3A_1345, %dma_start3A_1346] : memref<1600x32x1024xf32, #tpu.memory_space<hbm>> -> memref<1x32x1024xf32, #tpu.memory_space<hbm>>
    %dma_start3A_1348 = arith.constant 0 : i32
    %dma_start3A_1349 = arith.constant 0 : i32
    %dma_start3A_1350 = tpu.memref_slice %arg4[%add3A_1344, %dma_start3A_1348, %dma_start3A_1349] : memref<1600x32x1024xf32, #tpu.memory_space<hbm>> -> memref<1x32x1024xf32, #tpu.memory_space<hbm>>
    tpu.enqueue_dma source(%arg7 : memref<1x32x1024xf32, #tpu.memory_space<vmem>>) target(%dma_start3A_1350 : memref<1x32x1024xf32, #tpu.memory_space<hbm>>) target_semaphore(%arg13 : memref<!tpu.dma_semaphore, #tpu.memory_space<semaphore_mem>>)
    %dma_wait3A_1351 = arith.constant 0 : i32
    %dma_wait3A_1352 = arith.constant 0 : i32
    %dma_wait3A_1353 = tpu.memref_slice %arg4[%mul3A_2, %dma_wait3A_1351, %dma_wait3A_1352] : memref<1600x32x1024xf32, #tpu.memory_space<hbm>> -> memref<1x32x1024xf32, #tpu.memory_space<hbm>>
    %dma_wait3A_1354 = arith.constant 0 : i32
    %dma_wait3A_1355 = arith.constant 0 : i32
    %dma_wait3A_1356 = tpu.memref_slice %arg4[%mul3A_2, %dma_wait3A_1354, %dma_wait3A_1355] : memref<1600x32x1024xf32, #tpu.memory_space<hbm>> -> memref<1x32x1024xf32, #tpu.memory_space<hbm>>
    tpu.wait_dma2 semaphore(%arg15 : memref<!tpu.dma_semaphore, #tpu.memory_space<semaphore_mem>>) src(%arg9 : memref<1x32x1024xf32, #tpu.memory_space<vmem>>) dst(%dma_wait3A_1356 : memref<1x32x1024xf32, #tpu.memory_space<hbm>>)
    %add3A_1357 = arith.constant 22 : i32
    %add3A_1358 = arith.addi %sub3A_21, %add3A_1357 : i32
    %get3A_1359 = arith.index_cast %add3A_1358 : i32 to index
    %get3A_1360 = tpu.vector_load %arg5[%get3A_1359] {strides = array<i32>} : memref<72xi32, #tpu.memory_space<vmem>>, vector<16xi32>,
    %get3A_1361 = vector.shape_cast %get3A_1360 : vector<16xi32> to vector<16xi32>
    %slice3A_1362 = vector.extract_strided_slice %get3A_1361 {offsets = [0], sizes = [1], strides = [1]} : vector<16xi32> to vector<1xi32>
    %squeeze3A_1363 = vector.extract %slice3A_1362[0] : i32 from vector<1xi32>
    %dma_start3A_1364 = arith.constant 0 : i32
    %dma_start3A_1365 = arith.constant 0 : i32
    %dma_start3A_1366 = tpu.memref_slice %arg2[%squeeze3A_1363, %dma_start3A_1364, %dma_start3A_1365] : memref<1600x32x1024xf32, #tpu.memory_space<hbm>> -> memref<1x32x1024xf32, #tpu.memory_space<hbm>>
    %dma_start3A_1367 = arith.constant 0 : i32
    %dma_start3A_1368 = arith.constant 0 : i32
    %dma_start3A_1369 = tpu.memref_slice %arg2[%squeeze3A_1363, %dma_start3A_1367, %dma_start3A_1368] : memref<1600x32x1024xf32, #tpu.memory_space<hbm>> -> memref<1x32x1024xf32, #tpu.memory_space<hbm>>
    tpu.enqueue_dma source(%dma_start3A_1369 : memref<1x32x1024xf32, #tpu.memory_space<hbm>>) target(%arg9 : memref<1x32x1024xf32, #tpu.memory_space<vmem>>) target_semaphore(%arg12 : memref<!tpu.dma_semaphore, #tpu.memory_space<semaphore_mem>>)
    %dma_wait3A_1370 = arith.constant 0 : i32
    %dma_wait3A_1371 = arith.constant 0 : i32
    %dma_wait3A_1372 = arith.constant 0 : i32
    %dma_wait3A_1373 = tpu.memref_slice %arg4[%mul3A_2, %dma_wait3A_1371, %dma_wait3A_1372] : memref<1600x32x1024xf32, #tpu.memory_space<hbm>> -> memref<1x16x1024xf32, #tpu.memory_space<hbm>>
    %dma_wait3A_1374 = arith.constant 0 : i32
    %dma_wait3A_1375 = arith.constant 0 : i32
    %dma_wait3A_1376 = arith.constant 0 : i32
    %dma_wait3A_1377 = tpu.memref_slice %arg6[%arg1, %dma_wait3A_1370, %dma_wait3A_1374, %dma_wait3A_1375, %dma_wait3A_1376] : memref<16x1x1x16x1024xf32, #tpu.memory_space<vmem_shared>> -> memref<1x1x1x16x1024xf32, #tpu.memory_space<vmem_shared>>
    %dma_wait3A_1378 = tpu.memref_squeeze %dma_wait3A_1377 : memref<1x1x1x16x1024xf32, #tpu.memory_space<vmem_shared>> -> memref<1x16x1024xf32, #tpu.memory_space<vmem_shared>>
    tpu.wait_dma2 semaphore(%arg17 : memref<!tpu.dma_semaphore, #tpu.memory_space<semaphore_mem>>) src(%dma_wait3A_1378 : memref<1x16x1024xf32, #tpu.memory_space<vmem_shared>>) dst(%dma_wait3A_1373 : memref<1x16x1024xf32, #tpu.memory_space<hbm>>)
    %add3A_1379 = arith.constant 35 : i32
    %add3A_1380 = arith.addi %sub3A_21, %add3A_1379 : i32
    %get3A_1381 = arith.index_cast %add3A_1380 : i32 to index
    %get3A_1382 = tpu.vector_load %arg5[%get3A_1381] {strides = array<i32>} : memref<72xi32, #tpu.memory_space<vmem>>, vector<16xi32>,
    %get3A_1383 = vector.shape_cast %get3A_1382 : vector<16xi32> to vector<16xi32>
    %slice3A_1384 = vector.extract_strided_slice %get3A_1383 {offsets = [0], sizes = [1], strides = [1]} : vector<16xi32> to vector<1xi32>
    %squeeze3A_1385 = vector.extract %slice3A_1384[0] : i32 from vector<1xi32>
    %dma_start3A_1386 = arith.constant 0 : i32
    %dma_start3A_1387 = arith.constant 0 : i32
    %dma_start3A_1388 = arith.constant 0 : i32
    %dma_start3A_1389 = arith.constant 0 : i32
    %dma_start3A_1390 = tpu.memref_slice %arg6[%arg1, %dma_start3A_1386, %dma_start3A_1387, %dma_start3A_1388, %dma_start3A_1389] : memref<16x1x1x16x1024xf32, #tpu.memory_space<vmem_shared>> -> memref<1x1x1x16x1024xf32, #tpu.memory_space<vmem_shared>>
    %dma_start3A_1391 = tpu.memref_squeeze %dma_start3A_1390 : memref<1x1x1x16x1024xf32, #tpu.memory_space<vmem_shared>> -> memref<1x16x1024xf32, #tpu.memory_space<vmem_shared>>
    %dma_start3A_1392 = arith.constant 16 : i32
    %dma_start3A_1393 = arith.constant 0 : i32
    %dma_start3A_1394 = tpu.memref_slice %arg2[%squeeze3A_1385, %dma_start3A_1392, %dma_start3A_1393] : memref<1600x32x1024xf32, #tpu.memory_space<hbm>> -> memref<1x16x1024xf32, #tpu.memory_space<hbm>>
    tpu.enqueue_dma source(%dma_start3A_1394 : memref<1x16x1024xf32, #tpu.memory_space<hbm>>) target(%dma_start3A_1391 : memref<1x16x1024xf32, #tpu.memory_space<vmem_shared>>) target_semaphore(%arg16 : memref<!tpu.dma_semaphore, #tpu.memory_space<semaphore_mem>>)
    %dma_wait3A_1395 = arith.constant 0 : i32
    %dma_wait3A_1396 = arith.constant 0 : i32
    %dma_wait3A_1397 = arith.constant 0 : i32
    %dma_wait3A_1398 = arith.constant 0 : i32
    %dma_wait3A_1399 = tpu.memref_slice %arg6[%arg1, %dma_wait3A_1395, %dma_wait3A_1396, %dma_wait3A_1397, %dma_wait3A_1398] : memref<16x1x1x16x1024xf32, #tpu.memory_space<vmem_shared>> -> memref<1x1x1x16x1024xf32, #tpu.memory_space<vmem_shared>>
    %dma_wait3A_1400 = tpu.memref_squeeze %dma_wait3A_1399 : memref<1x1x1x16x1024xf32, #tpu.memory_space<vmem_shared>> -> memref<1x16x1024xf32, #tpu.memory_space<vmem_shared>>
    %dma_wait3A_1401 = arith.constant 0 : i32
    %dma_wait3A_1402 = arith.constant 0 : i32
    %dma_wait3A_1403 = arith.constant 0 : i32
    %dma_wait3A_1404 = tpu.memref_slice %arg2[%dma_wait3A_1401, %dma_wait3A_1402, %dma_wait3A_1403] : memref<1600x32x1024xf32, #tpu.memory_space<hbm>> -> memref<1x16x1024xf32, #tpu.memory_space<hbm>>
    tpu.wait_dma2 semaphore(%arg16 : memref<!tpu.dma_semaphore, #tpu.memory_space<semaphore_mem>>) src(%dma_wait3A_1404 : memref<1x16x1024xf32, #tpu.memory_space<hbm>>) dst(%dma_wait3A_1400 : memref<1x16x1024xf32, #tpu.memory_space<vmem_shared>>)
    %add3A_1405 = arith.constant 35 : i32
    %add3A_1406 = arith.addi %mul3A_2, %add3A_1405 : i32
    %dma_start3A_1407 = arith.constant 0 : i32
    %dma_start3A_1408 = arith.constant 16 : i32
    %dma_start3A_1409 = arith.constant 0 : i32
    %dma_start3A_1410 = tpu.memref_slice %arg4[%add3A_1406, %dma_start3A_1408, %dma_start3A_1409] : memref<1600x32x1024xf32, #tpu.memory_space<hbm>> -> memref<1x16x1024xf32, #tpu.memory_space<hbm>>
    %dma_start3A_1411 = arith.constant 0 : i32
    %dma_start3A_1412 = arith.constant 0 : i32
    %dma_start3A_1413 = arith.constant 0 : i32
    %dma_start3A_1414 = tpu.memref_slice %arg6[%arg1, %dma_start3A_1407, %dma_start3A_1411, %dma_start3A_1412, %dma_start3A_1413] : memref<16x1x1x16x1024xf32, #tpu.memory_space<vmem_shared>> -> memref<1x1x1x16x1024xf32, #tpu.memory_space<vmem_shared>>
    %dma_start3A_1415 = tpu.memref_squeeze %dma_start3A_1414 : memref<1x1x1x16x1024xf32, #tpu.memory_space<vmem_shared>> -> memref<1x16x1024xf32, #tpu.memory_space<vmem_shared>>
    tpu.enqueue_dma source(%dma_start3A_1415 : memref<1x16x1024xf32, #tpu.memory_space<vmem_shared>>) target(%dma_start3A_1410 : memref<1x16x1024xf32, #tpu.memory_space<hbm>>) target_semaphore(%arg17 : memref<!tpu.dma_semaphore, #tpu.memory_space<semaphore_mem>>)
    %dma_wait3A_1416 = arith.constant 0 : i32
    %dma_wait3A_1417 = arith.constant 0 : i32
    %dma_wait3A_1418 = arith.constant 0 : i32
    %dma_wait3A_1419 = tpu.memref_slice %arg2[%dma_wait3A_1416, %dma_wait3A_1417, %dma_wait3A_1418] : memref<1600x32x1024xf32, #tpu.memory_space<hbm>> -> memref<1x32x1024xf32, #tpu.memory_space<hbm>>
    %dma_wait3A_1420 = arith.constant 0 : i32
    %dma_wait3A_1421 = arith.constant 0 : i32
    %dma_wait3A_1422 = arith.constant 0 : i32
    %dma_wait3A_1423 = tpu.memref_slice %arg2[%dma_wait3A_1420, %dma_wait3A_1421, %dma_wait3A_1422] : memref<1600x32x1024xf32, #tpu.memory_space<hbm>> -> memref<1x32x1024xf32, #tpu.memory_space<hbm>>
    tpu.wait_dma2 semaphore(%arg11 : memref<!tpu.dma_semaphore, #tpu.memory_space<semaphore_mem>>) src(%dma_wait3A_1423 : memref<1x32x1024xf32, #tpu.memory_space<hbm>>) dst(%arg8 : memref<1x32x1024xf32, #tpu.memory_space<vmem>>)
    %add3A_1424 = arith.constant 21 : i32
    %add3A_1425 = arith.addi %mul3A_2, %add3A_1424 : i32
    %dma_start3A_1426 = arith.constant 0 : i32
    %dma_start3A_1427 = arith.constant 0 : i32
    %dma_start3A_1428 = tpu.memref_slice %arg4[%add3A_1425, %dma_start3A_1426, %dma_start3A_1427] : memref<1600x32x1024xf32, #tpu.memory_space<hbm>> -> memref<1x32x1024xf32, #tpu.memory_space<hbm>>
    %dma_start3A_1429 = arith.constant 0 : i32
    %dma_start3A_1430 = arith.constant 0 : i32
    %dma_start3A_1431 = tpu.memref_slice %arg4[%add3A_1425, %dma_start3A_1429, %dma_start3A_1430] : memref<1600x32x1024xf32, #tpu.memory_space<hbm>> -> memref<1x32x1024xf32, #tpu.memory_space<hbm>>
    tpu.enqueue_dma source(%arg8 : memref<1x32x1024xf32, #tpu.memory_space<vmem>>) target(%dma_start3A_1431 : memref<1x32x1024xf32, #tpu.memory_space<hbm>>) target_semaphore(%arg14 : memref<!tpu.dma_semaphore, #tpu.memory_space<semaphore_mem>>)
    %dma_wait3A_1432 = arith.constant 0 : i32
    %dma_wait3A_1433 = arith.constant 0 : i32
    %dma_wait3A_1434 = tpu.memref_slice %arg4[%mul3A_2, %dma_wait3A_1432, %dma_wait3A_1433] : memref<1600x32x1024xf32, #tpu.memory_space<hbm>> -> memref<1x32x1024xf32, #tpu.memory_space<hbm>>
    %dma_wait3A_1435 = arith.constant 0 : i32
    %dma_wait3A_1436 = arith.constant 0 : i32
    %dma_wait3A_1437 = tpu.memref_slice %arg4[%mul3A_2, %dma_wait3A_1435, %dma_wait3A_1436] : memref<1600x32x1024xf32, #tpu.memory_space<hbm>> -> memref<1x32x1024xf32, #tpu.memory_space<hbm>>
    tpu.wait_dma2 semaphore(%arg13 : memref<!tpu.dma_semaphore, #tpu.memory_space<semaphore_mem>>) src(%arg7 : memref<1x32x1024xf32, #tpu.memory_space<vmem>>) dst(%dma_wait3A_1437 : memref<1x32x1024xf32, #tpu.memory_space<hbm>>)
    %add3A_1438 = arith.constant 24 : i32
    %add3A_1439 = arith.addi %sub3A_21, %add3A_1438 : i32
    %get3A_1440 = arith.index_cast %add3A_1439 : i32 to index
    %get3A_1441 = tpu.vector_load %arg5[%get3A_1440] {strides = array<i32>} : memref<72xi32, #tpu.memory_space<vmem>>, vector<16xi32>,
    %get3A_1442 = vector.shape_cast %get3A_1441 : vector<16xi32> to vector<16xi32>
    %slice3A_1443 = vector.extract_strided_slice %get3A_1442 {offsets = [0], sizes = [1], strides = [1]} : vector<16xi32> to vector<1xi32>
    %squeeze3A_1444 = vector.extract %slice3A_1443[0] : i32 from vector<1xi32>
    %dma_start3A_1445 = arith.constant 0 : i32
    %dma_start3A_1446 = arith.constant 0 : i32
    %dma_start3A_1447 = tpu.memref_slice %arg2[%squeeze3A_1444, %dma_start3A_1445, %dma_start3A_1446] : memref<1600x32x1024xf32, #tpu.memory_space<hbm>> -> memref<1x32x1024xf32, #tpu.memory_space<hbm>>
    %dma_start3A_1448 = arith.constant 0 : i32
    %dma_start3A_1449 = arith.constant 0 : i32
    %dma_start3A_1450 = tpu.memref_slice %arg2[%squeeze3A_1444, %dma_start3A_1448, %dma_start3A_1449] : memref<1600x32x1024xf32, #tpu.memory_space<hbm>> -> memref<1x32x1024xf32, #tpu.memory_space<hbm>>
    tpu.enqueue_dma source(%dma_start3A_1450 : memref<1x32x1024xf32, #tpu.memory_space<hbm>>) target(%arg7 : memref<1x32x1024xf32, #tpu.memory_space<vmem>>) target_semaphore(%arg10 : memref<!tpu.dma_semaphore, #tpu.memory_space<semaphore_mem>>)
    %dma_wait3A_1451 = arith.constant 0 : i32
    %dma_wait3A_1452 = arith.constant 0 : i32
    %dma_wait3A_1453 = arith.constant 0 : i32
    %dma_wait3A_1454 = tpu.memref_slice %arg4[%mul3A_2, %dma_wait3A_1452, %dma_wait3A_1453] : memref<1600x32x1024xf32, #tpu.memory_space<hbm>> -> memref<1x16x1024xf32, #tpu.memory_space<hbm>>
    %dma_wait3A_1455 = arith.constant 0 : i32
    %dma_wait3A_1456 = arith.constant 0 : i32
    %dma_wait3A_1457 = arith.constant 0 : i32
    %dma_wait3A_1458 = tpu.memref_slice %arg6[%arg1, %dma_wait3A_1451, %dma_wait3A_1455, %dma_wait3A_1456, %dma_wait3A_1457] : memref<16x1x1x16x1024xf32, #tpu.memory_space<vmem_shared>> -> memref<1x1x1x16x1024xf32, #tpu.memory_space<vmem_shared>>
    %dma_wait3A_1459 = tpu.memref_squeeze %dma_wait3A_1458 : memref<1x1x1x16x1024xf32, #tpu.memory_space<vmem_shared>> -> memref<1x16x1024xf32, #tpu.memory_space<vmem_shared>>
    tpu.wait_dma2 semaphore(%arg17 : memref<!tpu.dma_semaphore, #tpu.memory_space<semaphore_mem>>) src(%dma_wait3A_1459 : memref<1x16x1024xf32, #tpu.memory_space<vmem_shared>>) dst(%dma_wait3A_1454 : memref<1x16x1024xf32, #tpu.memory_space<hbm>>)
    %add3A_1460 = arith.constant 39 : i32
    %add3A_1461 = arith.addi %sub3A_21, %add3A_1460 : i32
    %get3A_1462 = arith.index_cast %add3A_1461 : i32 to index
    %get3A_1463 = tpu.vector_load %arg5[%get3A_1462] {strides = array<i32>} : memref<72xi32, #tpu.memory_space<vmem>>, vector<16xi32>,
    %get3A_1464 = vector.shape_cast %get3A_1463 : vector<16xi32> to vector<16xi32>
    %slice3A_1465 = vector.extract_strided_slice %get3A_1464 {offsets = [0], sizes = [1], strides = [1]} : vector<16xi32> to vector<1xi32>
    %squeeze3A_1466 = vector.extract %slice3A_1465[0] : i32 from vector<1xi32>
    %dma_start3A_1467 = arith.constant 0 : i32
    %dma_start3A_1468 = arith.constant 0 : i32
    %dma_start3A_1469 = arith.constant 0 : i32
    %dma_start3A_1470 = arith.constant 0 : i32
    %dma_start3A_1471 = tpu.memref_slice %arg6[%arg1, %dma_start3A_1467, %dma_start3A_1468, %dma_start3A_1469, %dma_start3A_1470] : memref<16x1x1x16x1024xf32, #tpu.memory_space<vmem_shared>> -> memref<1x1x1x16x1024xf32, #tpu.memory_space<vmem_shared>>
    %dma_start3A_1472 = tpu.memref_squeeze %dma_start3A_1471 : memref<1x1x1x16x1024xf32, #tpu.memory_space<vmem_shared>> -> memref<1x16x1024xf32, #tpu.memory_space<vmem_shared>>
    %dma_start3A_1473 = arith.constant 0 : i32
    %dma_start3A_1474 = arith.constant 0 : i32
    %dma_start3A_1475 = tpu.memref_slice %arg2[%squeeze3A_1466, %dma_start3A_1473, %dma_start3A_1474] : memref<1600x32x1024xf32, #tpu.memory_space<hbm>> -> memref<1x16x1024xf32, #tpu.memory_space<hbm>>
    tpu.enqueue_dma source(%dma_start3A_1475 : memref<1x16x1024xf32, #tpu.memory_space<hbm>>) target(%dma_start3A_1472 : memref<1x16x1024xf32, #tpu.memory_space<vmem_shared>>) target_semaphore(%arg16 : memref<!tpu.dma_semaphore, #tpu.memory_space<semaphore_mem>>)
    %dma_wait3A_1476 = arith.constant 0 : i32
    %dma_wait3A_1477 = arith.constant 0 : i32
    %dma_wait3A_1478 = arith.constant 0 : i32
    %dma_wait3A_1479 = arith.constant 0 : i32
    %dma_wait3A_1480 = tpu.memref_slice %arg6[%arg1, %dma_wait3A_1476, %dma_wait3A_1477, %dma_wait3A_1478, %dma_wait3A_1479] : memref<16x1x1x16x1024xf32, #tpu.memory_space<vmem_shared>> -> memref<1x1x1x16x1024xf32, #tpu.memory_space<vmem_shared>>
    %dma_wait3A_1481 = tpu.memref_squeeze %dma_wait3A_1480 : memref<1x1x1x16x1024xf32, #tpu.memory_space<vmem_shared>> -> memref<1x16x1024xf32, #tpu.memory_space<vmem_shared>>
    %dma_wait3A_1482 = arith.constant 0 : i32
    %dma_wait3A_1483 = arith.constant 0 : i32
    %dma_wait3A_1484 = arith.constant 0 : i32
    %dma_wait3A_1485 = tpu.memref_slice %arg2[%dma_wait3A_1482, %dma_wait3A_1483, %dma_wait3A_1484] : memref<1600x32x1024xf32, #tpu.memory_space<hbm>> -> memref<1x16x1024xf32, #tpu.memory_space<hbm>>
    tpu.wait_dma2 semaphore(%arg16 : memref<!tpu.dma_semaphore, #tpu.memory_space<semaphore_mem>>) src(%dma_wait3A_1485 : memref<1x16x1024xf32, #tpu.memory_space<hbm>>) dst(%dma_wait3A_1481 : memref<1x16x1024xf32, #tpu.memory_space<vmem_shared>>)
    %add3A_1486 = arith.constant 39 : i32
    %add3A_1487 = arith.addi %mul3A_2, %add3A_1486 : i32
    %dma_start3A_1488 = arith.constant 0 : i32
    %dma_start3A_1489 = arith.constant 0 : i32
    %dma_start3A_1490 = arith.constant 0 : i32
    %dma_start3A_1491 = tpu.memref_slice %arg4[%add3A_1487, %dma_start3A_1489, %dma_start3A_1490] : memref<1600x32x1024xf32, #tpu.memory_space<hbm>> -> memref<1x16x1024xf32, #tpu.memory_space<hbm>>
    %dma_start3A_1492 = arith.constant 0 : i32
    %dma_start3A_1493 = arith.constant 0 : i32
    %dma_start3A_1494 = arith.constant 0 : i32
    %dma_start3A_1495 = tpu.memref_slice %arg6[%arg1, %dma_start3A_1488, %dma_start3A_1492, %dma_start3A_1493, %dma_start3A_1494] : memref<16x1x1x16x1024xf32, #tpu.memory_space<vmem_shared>> -> memref<1x1x1x16x1024xf32, #tpu.memory_space<vmem_shared>>
    %dma_start3A_1496 = tpu.memref_squeeze %dma_start3A_1495 : memref<1x1x1x16x1024xf32, #tpu.memory_space<vmem_shared>> -> memref<1x16x1024xf32, #tpu.memory_space<vmem_shared>>
    tpu.enqueue_dma source(%dma_start3A_1496 : memref<1x16x1024xf32, #tpu.memory_space<vmem_shared>>) target(%dma_start3A_1491 : memref<1x16x1024xf32, #tpu.memory_space<hbm>>) target_semaphore(%arg17 : memref<!tpu.dma_semaphore, #tpu.memory_space<semaphore_mem>>)
    %dma_wait3A_1497 = arith.constant 0 : i32
    %dma_wait3A_1498 = arith.constant 0 : i32
    %dma_wait3A_1499 = arith.constant 0 : i32
    %dma_wait3A_1500 = tpu.memref_slice %arg2[%dma_wait3A_1497, %dma_wait3A_1498, %dma_wait3A_1499] : memref<1600x32x1024xf32, #tpu.memory_space<hbm>> -> memref<1x32x1024xf32, #tpu.memory_space<hbm>>
    %dma_wait3A_1501 = arith.constant 0 : i32
    %dma_wait3A_1502 = arith.constant 0 : i32
    %dma_wait3A_1503 = arith.constant 0 : i32
    %dma_wait3A_1504 = tpu.memref_slice %arg2[%dma_wait3A_1501, %dma_wait3A_1502, %dma_wait3A_1503] : memref<1600x32x1024xf32, #tpu.memory_space<hbm>> -> memref<1x32x1024xf32, #tpu.memory_space<hbm>>
    tpu.wait_dma2 semaphore(%arg12 : memref<!tpu.dma_semaphore, #tpu.memory_space<semaphore_mem>>) src(%dma_wait3A_1504 : memref<1x32x1024xf32, #tpu.memory_space<hbm>>) dst(%arg9 : memref<1x32x1024xf32, #tpu.memory_space<vmem>>)
    %add3A_1505 = arith.constant 22 : i32
    %add3A_1506 = arith.addi %mul3A_2, %add3A_1505 : i32
    %dma_start3A_1507 = arith.constant 0 : i32
    %dma_start3A_1508 = arith.constant 0 : i32
    %dma_start3A_1509 = tpu.memref_slice %arg4[%add3A_1506, %dma_start3A_1507, %dma_start3A_1508] : memref<1600x32x1024xf32, #tpu.memory_space<hbm>> -> memref<1x32x1024xf32, #tpu.memory_space<hbm>>
    %dma_start3A_1510 = arith.constant 0 : i32
    %dma_start3A_1511 = arith.constant 0 : i32
    %dma_start3A_1512 = tpu.memref_slice %arg4[%add3A_1506, %dma_start3A_1510, %dma_start3A_1511] : memref<1600x32x1024xf32, #tpu.memory_space<hbm>> -> memref<1x32x1024xf32, #tpu.memory_space<hbm>>
    tpu.enqueue_dma source(%arg9 : memref<1x32x1024xf32, #tpu.memory_space<vmem>>) target(%dma_start3A_1512 : memref<1x32x1024xf32, #tpu.memory_space<hbm>>) target_semaphore(%arg15 : memref<!tpu.dma_semaphore, #tpu.memory_space<semaphore_mem>>)
    %dma_wait3A_1513 = arith.constant 0 : i32
    %dma_wait3A_1514 = arith.constant 0 : i32
    %dma_wait3A_1515 = tpu.memref_slice %arg4[%mul3A_2, %dma_wait3A_1513, %dma_wait3A_1514] : memref<1600x32x1024xf32, #tpu.memory_space<hbm>> -> memref<1x32x1024xf32, #tpu.memory_space<hbm>>
    %dma_wait3A_1516 = arith.constant 0 : i32
    %dma_wait3A_1517 = arith.constant 0 : i32
    %dma_wait3A_1518 = tpu.memref_slice %arg4[%mul3A_2, %dma_wait3A_1516, %dma_wait3A_1517] : memref<1600x32x1024xf32, #tpu.memory_space<hbm>> -> memref<1x32x1024xf32, #tpu.memory_space<hbm>>
    tpu.wait_dma2 semaphore(%arg14 : memref<!tpu.dma_semaphore, #tpu.memory_space<semaphore_mem>>) src(%arg8 : memref<1x32x1024xf32, #tpu.memory_space<vmem>>) dst(%dma_wait3A_1518 : memref<1x32x1024xf32, #tpu.memory_space<hbm>>)
    %add3A_1519 = arith.constant 25 : i32
    %add3A_1520 = arith.addi %sub3A_21, %add3A_1519 : i32
    %get3A_1521 = arith.index_cast %add3A_1520 : i32 to index
    %get3A_1522 = tpu.vector_load %arg5[%get3A_1521] {strides = array<i32>} : memref<72xi32, #tpu.memory_space<vmem>>, vector<16xi32>,
    %get3A_1523 = vector.shape_cast %get3A_1522 : vector<16xi32> to vector<16xi32>
    %slice3A_1524 = vector.extract_strided_slice %get3A_1523 {offsets = [0], sizes = [1], strides = [1]} : vector<16xi32> to vector<1xi32>
    %squeeze3A_1525 = vector.extract %slice3A_1524[0] : i32 from vector<1xi32>
    %dma_start3A_1526 = arith.constant 0 : i32
    %dma_start3A_1527 = arith.constant 0 : i32
    %dma_start3A_1528 = tpu.memref_slice %arg2[%squeeze3A_1525, %dma_start3A_1526, %dma_start3A_1527] : memref<1600x32x1024xf32, #tpu.memory_space<hbm>> -> memref<1x32x1024xf32, #tpu.memory_space<hbm>>
    %dma_start3A_1529 = arith.constant 0 : i32
    %dma_start3A_1530 = arith.constant 0 : i32
    %dma_start3A_1531 = tpu.memref_slice %arg2[%squeeze3A_1525, %dma_start3A_1529, %dma_start3A_1530] : memref<1600x32x1024xf32, #tpu.memory_space<hbm>> -> memref<1x32x1024xf32, #tpu.memory_space<hbm>>
    tpu.enqueue_dma source(%dma_start3A_1531 : memref<1x32x1024xf32, #tpu.memory_space<hbm>>) target(%arg8 : memref<1x32x1024xf32, #tpu.memory_space<vmem>>) target_semaphore(%arg11 : memref<!tpu.dma_semaphore, #tpu.memory_space<semaphore_mem>>)
    %dma_wait3A_1532 = arith.constant 0 : i32
    %dma_wait3A_1533 = arith.constant 0 : i32
    %dma_wait3A_1534 = arith.constant 0 : i32
    %dma_wait3A_1535 = tpu.memref_slice %arg4[%mul3A_2, %dma_wait3A_1533, %dma_wait3A_1534] : memref<1600x32x1024xf32, #tpu.memory_space<hbm>> -> memref<1x16x1024xf32, #tpu.memory_space<hbm>>
    %dma_wait3A_1536 = arith.constant 0 : i32
    %dma_wait3A_1537 = arith.constant 0 : i32
    %dma_wait3A_1538 = arith.constant 0 : i32
    %dma_wait3A_1539 = tpu.memref_slice %arg6[%arg1, %dma_wait3A_1532, %dma_wait3A_1536, %dma_wait3A_1537, %dma_wait3A_1538] : memref<16x1x1x16x1024xf32, #tpu.memory_space<vmem_shared>> -> memref<1x1x1x16x1024xf32, #tpu.memory_space<vmem_shared>>
    %dma_wait3A_1540 = tpu.memref_squeeze %dma_wait3A_1539 : memref<1x1x1x16x1024xf32, #tpu.memory_space<vmem_shared>> -> memref<1x16x1024xf32, #tpu.memory_space<vmem_shared>>
    tpu.wait_dma2 semaphore(%arg17 : memref<!tpu.dma_semaphore, #tpu.memory_space<semaphore_mem>>) src(%dma_wait3A_1540 : memref<1x16x1024xf32, #tpu.memory_space<vmem_shared>>) dst(%dma_wait3A_1535 : memref<1x16x1024xf32, #tpu.memory_space<hbm>>)
    %add3A_1541 = arith.constant 39 : i32
    %add3A_1542 = arith.addi %sub3A_21, %add3A_1541 : i32
    %get3A_1543 = arith.index_cast %add3A_1542 : i32 to index
    %get3A_1544 = tpu.vector_load %arg5[%get3A_1543] {strides = array<i32>} : memref<72xi32, #tpu.memory_space<vmem>>, vector<16xi32>,
    %get3A_1545 = vector.shape_cast %get3A_1544 : vector<16xi32> to vector<16xi32>
    %slice3A_1546 = vector.extract_strided_slice %get3A_1545 {offsets = [0], sizes = [1], strides = [1]} : vector<16xi32> to vector<1xi32>
    %squeeze3A_1547 = vector.extract %slice3A_1546[0] : i32 from vector<1xi32>
    %dma_start3A_1548 = arith.constant 0 : i32
    %dma_start3A_1549 = arith.constant 0 : i32
    %dma_start3A_1550 = arith.constant 0 : i32
    %dma_start3A_1551 = arith.constant 0 : i32
    %dma_start3A_1552 = tpu.memref_slice %arg6[%arg1, %dma_start3A_1548, %dma_start3A_1549, %dma_start3A_1550, %dma_start3A_1551] : memref<16x1x1x16x1024xf32, #tpu.memory_space<vmem_shared>> -> memref<1x1x1x16x1024xf32, #tpu.memory_space<vmem_shared>>
    %dma_start3A_1553 = tpu.memref_squeeze %dma_start3A_1552 : memref<1x1x1x16x1024xf32, #tpu.memory_space<vmem_shared>> -> memref<1x16x1024xf32, #tpu.memory_space<vmem_shared>>
    %dma_start3A_1554 = arith.constant 16 : i32
    %dma_start3A_1555 = arith.constant 0 : i32
    %dma_start3A_1556 = tpu.memref_slice %arg2[%squeeze3A_1547, %dma_start3A_1554, %dma_start3A_1555] : memref<1600x32x1024xf32, #tpu.memory_space<hbm>> -> memref<1x16x1024xf32, #tpu.memory_space<hbm>>
    tpu.enqueue_dma source(%dma_start3A_1556 : memref<1x16x1024xf32, #tpu.memory_space<hbm>>) target(%dma_start3A_1553 : memref<1x16x1024xf32, #tpu.memory_space<vmem_shared>>) target_semaphore(%arg16 : memref<!tpu.dma_semaphore, #tpu.memory_space<semaphore_mem>>)
    %dma_wait3A_1557 = arith.constant 0 : i32
    %dma_wait3A_1558 = arith.constant 0 : i32
    %dma_wait3A_1559 = arith.constant 0 : i32
    %dma_wait3A_1560 = arith.constant 0 : i32
    %dma_wait3A_1561 = tpu.memref_slice %arg6[%arg1, %dma_wait3A_1557, %dma_wait3A_1558, %dma_wait3A_1559, %dma_wait3A_1560] : memref<16x1x1x16x1024xf32, #tpu.memory_space<vmem_shared>> -> memref<1x1x1x16x1024xf32, #tpu.memory_space<vmem_shared>>
    %dma_wait3A_1562 = tpu.memref_squeeze %dma_wait3A_1561 : memref<1x1x1x16x1024xf32, #tpu.memory_space<vmem_shared>> -> memref<1x16x1024xf32, #tpu.memory_space<vmem_shared>>
    %dma_wait3A_1563 = arith.constant 0 : i32
    %dma_wait3A_1564 = arith.constant 0 : i32
    %dma_wait3A_1565 = arith.constant 0 : i32
    %dma_wait3A_1566 = tpu.memref_slice %arg2[%dma_wait3A_1563, %dma_wait3A_1564, %dma_wait3A_1565] : memref<1600x32x1024xf32, #tpu.memory_space<hbm>> -> memref<1x16x1024xf32, #tpu.memory_space<hbm>>
    tpu.wait_dma2 semaphore(%arg16 : memref<!tpu.dma_semaphore, #tpu.memory_space<semaphore_mem>>) src(%dma_wait3A_1566 : memref<1x16x1024xf32, #tpu.memory_space<hbm>>) dst(%dma_wait3A_1562 : memref<1x16x1024xf32, #tpu.memory_space<vmem_shared>>)
    %add3A_1567 = arith.constant 39 : i32
    %add3A_1568 = arith.addi %mul3A_2, %add3A_1567 : i32
    %dma_start3A_1569 = arith.constant 0 : i32
    %dma_start3A_1570 = arith.constant 16 : i32
    %dma_start3A_1571 = arith.constant 0 : i32
    %dma_start3A_1572 = tpu.memref_slice %arg4[%add3A_1568, %dma_start3A_1570, %dma_start3A_1571] : memref<1600x32x1024xf32, #tpu.memory_space<hbm>> -> memref<1x16x1024xf32, #tpu.memory_space<hbm>>
    %dma_start3A_1573 = arith.constant 0 : i32
    %dma_start3A_1574 = arith.constant 0 : i32
    %dma_start3A_1575 = arith.constant 0 : i32
    %dma_start3A_1576 = tpu.memref_slice %arg6[%arg1, %dma_start3A_1569, %dma_start3A_1573, %dma_start3A_1574, %dma_start3A_1575] : memref<16x1x1x16x1024xf32, #tpu.memory_space<vmem_shared>> -> memref<1x1x1x16x1024xf32, #tpu.memory_space<vmem_shared>>
    %dma_start3A_1577 = tpu.memref_squeeze %dma_start3A_1576 : memref<1x1x1x16x1024xf32, #tpu.memory_space<vmem_shared>> -> memref<1x16x1024xf32, #tpu.memory_space<vmem_shared>>
    tpu.enqueue_dma source(%dma_start3A_1577 : memref<1x16x1024xf32, #tpu.memory_space<vmem_shared>>) target(%dma_start3A_1572 : memref<1x16x1024xf32, #tpu.memory_space<hbm>>) target_semaphore(%arg17 : memref<!tpu.dma_semaphore, #tpu.memory_space<semaphore_mem>>)
    %dma_wait3A_1578 = arith.constant 0 : i32
    %dma_wait3A_1579 = arith.constant 0 : i32
    %dma_wait3A_1580 = arith.constant 0 : i32
    %dma_wait3A_1581 = tpu.memref_slice %arg2[%dma_wait3A_1578, %dma_wait3A_1579, %dma_wait3A_1580] : memref<1600x32x1024xf32, #tpu.memory_space<hbm>> -> memref<1x32x1024xf32, #tpu.memory_space<hbm>>
    %dma_wait3A_1582 = arith.constant 0 : i32
    %dma_wait3A_1583 = arith.constant 0 : i32
    %dma_wait3A_1584 = arith.constant 0 : i32
    %dma_wait3A_1585 = tpu.memref_slice %arg2[%dma_wait3A_1582, %dma_wait3A_1583, %dma_wait3A_1584] : memref<1600x32x1024xf32, #tpu.memory_space<hbm>> -> memref<1x32x1024xf32, #tpu.memory_space<hbm>>
    tpu.wait_dma2 semaphore(%arg10 : memref<!tpu.dma_semaphore, #tpu.memory_space<semaphore_mem>>) src(%dma_wait3A_1585 : memref<1x32x1024xf32, #tpu.memory_space<hbm>>) dst(%arg7 : memref<1x32x1024xf32, #tpu.memory_space<vmem>>)
    %add3A_1586 = arith.constant 24 : i32
    %add3A_1587 = arith.addi %mul3A_2, %add3A_1586 : i32
    %dma_start3A_1588 = arith.constant 0 : i32
    %dma_start3A_1589 = arith.constant 0 : i32
    %dma_start3A_1590 = tpu.memref_slice %arg4[%add3A_1587, %dma_start3A_1588, %dma_start3A_1589] : memref<1600x32x1024xf32, #tpu.memory_space<hbm>> -> memref<1x32x1024xf32, #tpu.memory_space<hbm>>
    %dma_start3A_1591 = arith.constant 0 : i32
    %dma_start3A_1592 = arith.constant 0 : i32
    %dma_start3A_1593 = tpu.memref_slice %arg4[%add3A_1587, %dma_start3A_1591, %dma_start3A_1592] : memref<1600x32x1024xf32, #tpu.memory_space<hbm>> -> memref<1x32x1024xf32, #tpu.memory_space<hbm>>
    tpu.enqueue_dma source(%arg7 : memref<1x32x1024xf32, #tpu.memory_space<vmem>>) target(%dma_start3A_1593 : memref<1x32x1024xf32, #tpu.memory_space<hbm>>) target_semaphore(%arg13 : memref<!tpu.dma_semaphore, #tpu.memory_space<semaphore_mem>>)
    %dma_wait3A_1594 = arith.constant 0 : i32
    %dma_wait3A_1595 = arith.constant 0 : i32
    %dma_wait3A_1596 = tpu.memref_slice %arg4[%mul3A_2, %dma_wait3A_1594, %dma_wait3A_1595] : memref<1600x32x1024xf32, #tpu.memory_space<hbm>> -> memref<1x32x1024xf32, #tpu.memory_space<hbm>>
    %dma_wait3A_1597 = arith.constant 0 : i32
    %dma_wait3A_1598 = arith.constant 0 : i32
    %dma_wait3A_1599 = tpu.memref_slice %arg4[%mul3A_2, %dma_wait3A_1597, %dma_wait3A_1598] : memref<1600x32x1024xf32, #tpu.memory_space<hbm>> -> memref<1x32x1024xf32, #tpu.memory_space<hbm>>
    tpu.wait_dma2 semaphore(%arg15 : memref<!tpu.dma_semaphore, #tpu.memory_space<semaphore_mem>>) src(%arg9 : memref<1x32x1024xf32, #tpu.memory_space<vmem>>) dst(%dma_wait3A_1599 : memref<1x32x1024xf32, #tpu.memory_space<hbm>>)
    %add3A_1600 = arith.constant 26 : i32
    %add3A_1601 = arith.addi %sub3A_21, %add3A_1600 : i32
    %get3A_1602 = arith.index_cast %add3A_1601 : i32 to index
    %get3A_1603 = tpu.vector_load %arg5[%get3A_1602] {strides = array<i32>} : memref<72xi32, #tpu.memory_space<vmem>>, vector<16xi32>,
    %get3A_1604 = vector.shape_cast %get3A_1603 : vector<16xi32> to vector<16xi32>
    %slice3A_1605 = vector.extract_strided_slice %get3A_1604 {offsets = [0], sizes = [1], strides = [1]} : vector<16xi32> to vector<1xi32>
    %squeeze3A_1606 = vector.extract %slice3A_1605[0] : i32 from vector<1xi32>
    %dma_start3A_1607 = arith.constant 0 : i32
    %dma_start3A_1608 = arith.constant 0 : i32
    %dma_start3A_1609 = tpu.memref_slice %arg2[%squeeze3A_1606, %dma_start3A_1607, %dma_start3A_1608] : memref<1600x32x1024xf32, #tpu.memory_space<hbm>> -> memref<1x32x1024xf32, #tpu.memory_space<hbm>>
    %dma_start3A_1610 = arith.constant 0 : i32
    %dma_start3A_1611 = arith.constant 0 : i32
    %dma_start3A_1612 = tpu.memref_slice %arg2[%squeeze3A_1606, %dma_start3A_1610, %dma_start3A_1611] : memref<1600x32x1024xf32, #tpu.memory_space<hbm>> -> memref<1x32x1024xf32, #tpu.memory_space<hbm>>
    tpu.enqueue_dma source(%dma_start3A_1612 : memref<1x32x1024xf32, #tpu.memory_space<hbm>>) target(%arg9 : memref<1x32x1024xf32, #tpu.memory_space<vmem>>) target_semaphore(%arg12 : memref<!tpu.dma_semaphore, #tpu.memory_space<semaphore_mem>>)
    %dma_wait3A_1613 = arith.constant 0 : i32
    %dma_wait3A_1614 = arith.constant 0 : i32
    %dma_wait3A_1615 = arith.constant 0 : i32
    %dma_wait3A_1616 = tpu.memref_slice %arg4[%mul3A_2, %dma_wait3A_1614, %dma_wait3A_1615] : memref<1600x32x1024xf32, #tpu.memory_space<hbm>> -> memref<1x16x1024xf32, #tpu.memory_space<hbm>>
    %dma_wait3A_1617 = arith.constant 0 : i32
    %dma_wait3A_1618 = arith.constant 0 : i32
    %dma_wait3A_1619 = arith.constant 0 : i32
    %dma_wait3A_1620 = tpu.memref_slice %arg6[%arg1, %dma_wait3A_1613, %dma_wait3A_1617, %dma_wait3A_1618, %dma_wait3A_1619] : memref<16x1x1x16x1024xf32, #tpu.memory_space<vmem_shared>> -> memref<1x1x1x16x1024xf32, #tpu.memory_space<vmem_shared>>
    %dma_wait3A_1621 = tpu.memref_squeeze %dma_wait3A_1620 : memref<1x1x1x16x1024xf32, #tpu.memory_space<vmem_shared>> -> memref<1x16x1024xf32, #tpu.memory_space<vmem_shared>>
    tpu.wait_dma2 semaphore(%arg17 : memref<!tpu.dma_semaphore, #tpu.memory_space<semaphore_mem>>) src(%dma_wait3A_1621 : memref<1x16x1024xf32, #tpu.memory_space<vmem_shared>>) dst(%dma_wait3A_1616 : memref<1x16x1024xf32, #tpu.memory_space<hbm>>)
    %add3A_1622 = arith.constant 43 : i32
    %add3A_1623 = arith.addi %sub3A_21, %add3A_1622 : i32
    %get3A_1624 = arith.index_cast %add3A_1623 : i32 to index
    %get3A_1625 = tpu.vector_load %arg5[%get3A_1624] {strides = array<i32>} : memref<72xi32, #tpu.memory_space<vmem>>, vector<16xi32>,
    %get3A_1626 = vector.shape_cast %get3A_1625 : vector<16xi32> to vector<16xi32>
    %slice3A_1627 = vector.extract_strided_slice %get3A_1626 {offsets = [0], sizes = [1], strides = [1]} : vector<16xi32> to vector<1xi32>
    %squeeze3A_1628 = vector.extract %slice3A_1627[0] : i32 from vector<1xi32>
    %dma_start3A_1629 = arith.constant 0 : i32
    %dma_start3A_1630 = arith.constant 0 : i32
    %dma_start3A_1631 = arith.constant 0 : i32
    %dma_start3A_1632 = arith.constant 0 : i32
    %dma_start3A_1633 = tpu.memref_slice %arg6[%arg1, %dma_start3A_1629, %dma_start3A_1630, %dma_start3A_1631, %dma_start3A_1632] : memref<16x1x1x16x1024xf32, #tpu.memory_space<vmem_shared>> -> memref<1x1x1x16x1024xf32, #tpu.memory_space<vmem_shared>>
    %dma_start3A_1634 = tpu.memref_squeeze %dma_start3A_1633 : memref<1x1x1x16x1024xf32, #tpu.memory_space<vmem_shared>> -> memref<1x16x1024xf32, #tpu.memory_space<vmem_shared>>
    %dma_start3A_1635 = arith.constant 0 : i32
    %dma_start3A_1636 = arith.constant 0 : i32
    %dma_start3A_1637 = tpu.memref_slice %arg2[%squeeze3A_1628, %dma_start3A_1635, %dma_start3A_1636] : memref<1600x32x1024xf32, #tpu.memory_space<hbm>> -> memref<1x16x1024xf32, #tpu.memory_space<hbm>>
    tpu.enqueue_dma source(%dma_start3A_1637 : memref<1x16x1024xf32, #tpu.memory_space<hbm>>) target(%dma_start3A_1634 : memref<1x16x1024xf32, #tpu.memory_space<vmem_shared>>) target_semaphore(%arg16 : memref<!tpu.dma_semaphore, #tpu.memory_space<semaphore_mem>>)
    %dma_wait3A_1638 = arith.constant 0 : i32
    %dma_wait3A_1639 = arith.constant 0 : i32
    %dma_wait3A_1640 = arith.constant 0 : i32
    %dma_wait3A_1641 = arith.constant 0 : i32
    %dma_wait3A_1642 = tpu.memref_slice %arg6[%arg1, %dma_wait3A_1638, %dma_wait3A_1639, %dma_wait3A_1640, %dma_wait3A_1641] : memref<16x1x1x16x1024xf32, #tpu.memory_space<vmem_shared>> -> memref<1x1x1x16x1024xf32, #tpu.memory_space<vmem_shared>>
    %dma_wait3A_1643 = tpu.memref_squeeze %dma_wait3A_1642 : memref<1x1x1x16x1024xf32, #tpu.memory_space<vmem_shared>> -> memref<1x16x1024xf32, #tpu.memory_space<vmem_shared>>
    %dma_wait3A_1644 = arith.constant 0 : i32
    %dma_wait3A_1645 = arith.constant 0 : i32
    %dma_wait3A_1646 = arith.constant 0 : i32
    %dma_wait3A_1647 = tpu.memref_slice %arg2[%dma_wait3A_1644, %dma_wait3A_1645, %dma_wait3A_1646] : memref<1600x32x1024xf32, #tpu.memory_space<hbm>> -> memref<1x16x1024xf32, #tpu.memory_space<hbm>>
    tpu.wait_dma2 semaphore(%arg16 : memref<!tpu.dma_semaphore, #tpu.memory_space<semaphore_mem>>) src(%dma_wait3A_1647 : memref<1x16x1024xf32, #tpu.memory_space<hbm>>) dst(%dma_wait3A_1643 : memref<1x16x1024xf32, #tpu.memory_space<vmem_shared>>)
    %add3A_1648 = arith.constant 43 : i32
    %add3A_1649 = arith.addi %mul3A_2, %add3A_1648 : i32
    %dma_start3A_1650 = arith.constant 0 : i32
    %dma_start3A_1651 = arith.constant 0 : i32
    %dma_start3A_1652 = arith.constant 0 : i32
    %dma_start3A_1653 = tpu.memref_slice %arg4[%add3A_1649, %dma_start3A_1651, %dma_start3A_1652] : memref<1600x32x1024xf32, #tpu.memory_space<hbm>> -> memref<1x16x1024xf32, #tpu.memory_space<hbm>>
    %dma_start3A_1654 = arith.constant 0 : i32
    %dma_start3A_1655 = arith.constant 0 : i32
    %dma_start3A_1656 = arith.constant 0 : i32
    %dma_start3A_1657 = tpu.memref_slice %arg6[%arg1, %dma_start3A_1650, %dma_start3A_1654, %dma_start3A_1655, %dma_start3A_1656] : memref<16x1x1x16x1024xf32, #tpu.memory_space<vmem_shared>> -> memref<1x1x1x16x1024xf32, #tpu.memory_space<vmem_shared>>
    %dma_start3A_1658 = tpu.memref_squeeze %dma_start3A_1657 : memref<1x1x1x16x1024xf32, #tpu.memory_space<vmem_shared>> -> memref<1x16x1024xf32, #tpu.memory_space<vmem_shared>>
    tpu.enqueue_dma source(%dma_start3A_1658 : memref<1x16x1024xf32, #tpu.memory_space<vmem_shared>>) target(%dma_start3A_1653 : memref<1x16x1024xf32, #tpu.memory_space<hbm>>) target_semaphore(%arg17 : memref<!tpu.dma_semaphore, #tpu.memory_space<semaphore_mem>>)
    %dma_wait3A_1659 = arith.constant 0 : i32
    %dma_wait3A_1660 = arith.constant 0 : i32
    %dma_wait3A_1661 = arith.constant 0 : i32
    %dma_wait3A_1662 = tpu.memref_slice %arg2[%dma_wait3A_1659, %dma_wait3A_1660, %dma_wait3A_1661] : memref<1600x32x1024xf32, #tpu.memory_space<hbm>> -> memref<1x32x1024xf32, #tpu.memory_space<hbm>>
    %dma_wait3A_1663 = arith.constant 0 : i32
    %dma_wait3A_1664 = arith.constant 0 : i32
    %dma_wait3A_1665 = arith.constant 0 : i32
    %dma_wait3A_1666 = tpu.memref_slice %arg2[%dma_wait3A_1663, %dma_wait3A_1664, %dma_wait3A_1665] : memref<1600x32x1024xf32, #tpu.memory_space<hbm>> -> memref<1x32x1024xf32, #tpu.memory_space<hbm>>
    tpu.wait_dma2 semaphore(%arg11 : memref<!tpu.dma_semaphore, #tpu.memory_space<semaphore_mem>>) src(%dma_wait3A_1666 : memref<1x32x1024xf32, #tpu.memory_space<hbm>>) dst(%arg8 : memref<1x32x1024xf32, #tpu.memory_space<vmem>>)
    %add3A_1667 = arith.constant 25 : i32
    %add3A_1668 = arith.addi %mul3A_2, %add3A_1667 : i32
    %dma_start3A_1669 = arith.constant 0 : i32
    %dma_start3A_1670 = arith.constant 0 : i32
    %dma_start3A_1671 = tpu.memref_slice %arg4[%add3A_1668, %dma_start3A_1669, %dma_start3A_1670] : memref<1600x32x1024xf32, #tpu.memory_space<hbm>> -> memref<1x32x1024xf32, #tpu.memory_space<hbm>>
    %dma_start3A_1672 = arith.constant 0 : i32
    %dma_start3A_1673 = arith.constant 0 : i32
    %dma_start3A_1674 = tpu.memref_slice %arg4[%add3A_1668, %dma_start3A_1672, %dma_start3A_1673] : memref<1600x32x1024xf32, #tpu.memory_space<hbm>> -> memref<1x32x1024xf32, #tpu.memory_space<hbm>>
    tpu.enqueue_dma source(%arg8 : memref<1x32x1024xf32, #tpu.memory_space<vmem>>) target(%dma_start3A_1674 : memref<1x32x1024xf32, #tpu.memory_space<hbm>>) target_semaphore(%arg14 : memref<!tpu.dma_semaphore, #tpu.memory_space<semaphore_mem>>)
    %dma_wait3A_1675 = arith.constant 0 : i32
    %dma_wait3A_1676 = arith.constant 0 : i32
    %dma_wait3A_1677 = tpu.memref_slice %arg4[%mul3A_2, %dma_wait3A_1675, %dma_wait3A_1676] : memref<1600x32x1024xf32, #tpu.memory_space<hbm>> -> memref<1x32x1024xf32, #tpu.memory_space<hbm>>
    %dma_wait3A_1678 = arith.constant 0 : i32
    %dma_wait3A_1679 = arith.constant 0 : i32
    %dma_wait3A_1680 = tpu.memref_slice %arg4[%mul3A_2, %dma_wait3A_1678, %dma_wait3A_1679] : memref<1600x32x1024xf32, #tpu.memory_space<hbm>> -> memref<1x32x1024xf32, #tpu.memory_space<hbm>>
    tpu.wait_dma2 semaphore(%arg13 : memref<!tpu.dma_semaphore, #tpu.memory_space<semaphore_mem>>) src(%arg7 : memref<1x32x1024xf32, #tpu.memory_space<vmem>>) dst(%dma_wait3A_1680 : memref<1x32x1024xf32, #tpu.memory_space<hbm>>)
    %add3A_1681 = arith.constant 28 : i32
    %add3A_1682 = arith.addi %sub3A_21, %add3A_1681 : i32
    %get3A_1683 = arith.index_cast %add3A_1682 : i32 to index
    %get3A_1684 = tpu.vector_load %arg5[%get3A_1683] {strides = array<i32>} : memref<72xi32, #tpu.memory_space<vmem>>, vector<16xi32>,
    %get3A_1685 = vector.shape_cast %get3A_1684 : vector<16xi32> to vector<16xi32>
    %slice3A_1686 = vector.extract_strided_slice %get3A_1685 {offsets = [0], sizes = [1], strides = [1]} : vector<16xi32> to vector<1xi32>
    %squeeze3A_1687 = vector.extract %slice3A_1686[0] : i32 from vector<1xi32>
    %dma_start3A_1688 = arith.constant 0 : i32
    %dma_start3A_1689 = arith.constant 0 : i32
    %dma_start3A_1690 = tpu.memref_slice %arg2[%squeeze3A_1687, %dma_start3A_1688, %dma_start3A_1689] : memref<1600x32x1024xf32, #tpu.memory_space<hbm>> -> memref<1x32x1024xf32, #tpu.memory_space<hbm>>
    %dma_start3A_1691 = arith.constant 0 : i32
    %dma_start3A_1692 = arith.constant 0 : i32
    %dma_start3A_1693 = tpu.memref_slice %arg2[%squeeze3A_1687, %dma_start3A_1691, %dma_start3A_1692] : memref<1600x32x1024xf32, #tpu.memory_space<hbm>> -> memref<1x32x1024xf32, #tpu.memory_space<hbm>>
    tpu.enqueue_dma source(%dma_start3A_1693 : memref<1x32x1024xf32, #tpu.memory_space<hbm>>) target(%arg7 : memref<1x32x1024xf32, #tpu.memory_space<vmem>>) target_semaphore(%arg10 : memref<!tpu.dma_semaphore, #tpu.memory_space<semaphore_mem>>)
    %dma_wait3A_1694 = arith.constant 0 : i32
    %dma_wait3A_1695 = arith.constant 0 : i32
    %dma_wait3A_1696 = arith.constant 0 : i32
    %dma_wait3A_1697 = tpu.memref_slice %arg4[%mul3A_2, %dma_wait3A_1695, %dma_wait3A_1696] : memref<1600x32x1024xf32, #tpu.memory_space<hbm>> -> memref<1x16x1024xf32, #tpu.memory_space<hbm>>
    %dma_wait3A_1698 = arith.constant 0 : i32
    %dma_wait3A_1699 = arith.constant 0 : i32
    %dma_wait3A_1700 = arith.constant 0 : i32
    %dma_wait3A_1701 = tpu.memref_slice %arg6[%arg1, %dma_wait3A_1694, %dma_wait3A_1698, %dma_wait3A_1699, %dma_wait3A_1700] : memref<16x1x1x16x1024xf32, #tpu.memory_space<vmem_shared>> -> memref<1x1x1x16x1024xf32, #tpu.memory_space<vmem_shared>>
    %dma_wait3A_1702 = tpu.memref_squeeze %dma_wait3A_1701 : memref<1x1x1x16x1024xf32, #tpu.memory_space<vmem_shared>> -> memref<1x16x1024xf32, #tpu.memory_space<vmem_shared>>
    tpu.wait_dma2 semaphore(%arg17 : memref<!tpu.dma_semaphore, #tpu.memory_space<semaphore_mem>>) src(%dma_wait3A_1702 : memref<1x16x1024xf32, #tpu.memory_space<vmem_shared>>) dst(%dma_wait3A_1697 : memref<1x16x1024xf32, #tpu.memory_space<hbm>>)
    %add3A_1703 = arith.constant 43 : i32
    %add3A_1704 = arith.addi %sub3A_21, %add3A_1703 : i32
    %get3A_1705 = arith.index_cast %add3A_1704 : i32 to index
    %get3A_1706 = tpu.vector_load %arg5[%get3A_1705] {strides = array<i32>} : memref<72xi32, #tpu.memory_space<vmem>>, vector<16xi32>,
    %get3A_1707 = vector.shape_cast %get3A_1706 : vector<16xi32> to vector<16xi32>
    %slice3A_1708 = vector.extract_strided_slice %get3A_1707 {offsets = [0], sizes = [1], strides = [1]} : vector<16xi32> to vector<1xi32>
    %squeeze3A_1709 = vector.extract %slice3A_1708[0] : i32 from vector<1xi32>
    %dma_start3A_1710 = arith.constant 0 : i32
    %dma_start3A_1711 = arith.constant 0 : i32
    %dma_start3A_1712 = arith.constant 0 : i32
    %dma_start3A_1713 = arith.constant 0 : i32
    %dma_start3A_1714 = tpu.memref_slice %arg6[%arg1, %dma_start3A_1710, %dma_start3A_1711, %dma_start3A_1712, %dma_start3A_1713] : memref<16x1x1x16x1024xf32, #tpu.memory_space<vmem_shared>> -> memref<1x1x1x16x1024xf32, #tpu.memory_space<vmem_shared>>
    %dma_start3A_1715 = tpu.memref_squeeze %dma_start3A_1714 : memref<1x1x1x16x1024xf32, #tpu.memory_space<vmem_shared>> -> memref<1x16x1024xf32, #tpu.memory_space<vmem_shared>>
    %dma_start3A_1716 = arith.constant 16 : i32
    %dma_start3A_1717 = arith.constant 0 : i32
    %dma_start3A_1718 = tpu.memref_slice %arg2[%squeeze3A_1709, %dma_start3A_1716, %dma_start3A_1717] : memref<1600x32x1024xf32, #tpu.memory_space<hbm>> -> memref<1x16x1024xf32, #tpu.memory_space<hbm>>
    tpu.enqueue_dma source(%dma_start3A_1718 : memref<1x16x1024xf32, #tpu.memory_space<hbm>>) target(%dma_start3A_1715 : memref<1x16x1024xf32, #tpu.memory_space<vmem_shared>>) target_semaphore(%arg16 : memref<!tpu.dma_semaphore, #tpu.memory_space<semaphore_mem>>)
    %dma_wait3A_1719 = arith.constant 0 : i32
    %dma_wait3A_1720 = arith.constant 0 : i32
    %dma_wait3A_1721 = arith.constant 0 : i32
    %dma_wait3A_1722 = arith.constant 0 : i32
    %dma_wait3A_1723 = tpu.memref_slice %arg6[%arg1, %dma_wait3A_1719, %dma_wait3A_1720, %dma_wait3A_1721, %dma_wait3A_1722] : memref<16x1x1x16x1024xf32, #tpu.memory_space<vmem_shared>> -> memref<1x1x1x16x1024xf32, #tpu.memory_space<vmem_shared>>
    %dma_wait3A_1724 = tpu.memref_squeeze %dma_wait3A_1723 : memref<1x1x1x16x1024xf32, #tpu.memory_space<vmem_shared>> -> memref<1x16x1024xf32, #tpu.memory_space<vmem_shared>>
    %dma_wait3A_1725 = arith.constant 0 : i32
    %dma_wait3A_1726 = arith.constant 0 : i32
    %dma_wait3A_1727 = arith.constant 0 : i32
    %dma_wait3A_1728 = tpu.memref_slice %arg2[%dma_wait3A_1725, %dma_wait3A_1726, %dma_wait3A_1727] : memref<1600x32x1024xf32, #tpu.memory_space<hbm>> -> memref<1x16x1024xf32, #tpu.memory_space<hbm>>
    tpu.wait_dma2 semaphore(%arg16 : memref<!tpu.dma_semaphore, #tpu.memory_space<semaphore_mem>>) src(%dma_wait3A_1728 : memref<1x16x1024xf32, #tpu.memory_space<hbm>>) dst(%dma_wait3A_1724 : memref<1x16x1024xf32, #tpu.memory_space<vmem_shared>>)
    %add3A_1729 = arith.constant 43 : i32
    %add3A_1730 = arith.addi %mul3A_2, %add3A_1729 : i32
    %dma_start3A_1731 = arith.constant 0 : i32
    %dma_start3A_1732 = arith.constant 16 : i32
    %dma_start3A_1733 = arith.constant 0 : i32
    %dma_start3A_1734 = tpu.memref_slice %arg4[%add3A_1730, %dma_start3A_1732, %dma_start3A_1733] : memref<1600x32x1024xf32, #tpu.memory_space<hbm>> -> memref<1x16x1024xf32, #tpu.memory_space<hbm>>
    %dma_start3A_1735 = arith.constant 0 : i32
    %dma_start3A_1736 = arith.constant 0 : i32
    %dma_start3A_1737 = arith.constant 0 : i32
    %dma_start3A_1738 = tpu.memref_slice %arg6[%arg1, %dma_start3A_1731, %dma_start3A_1735, %dma_start3A_1736, %dma_start3A_1737] : memref<16x1x1x16x1024xf32, #tpu.memory_space<vmem_shared>> -> memref<1x1x1x16x1024xf32, #tpu.memory_space<vmem_shared>>
    %dma_start3A_1739 = tpu.memref_squeeze %dma_start3A_1738 : memref<1x1x1x16x1024xf32, #tpu.memory_space<vmem_shared>> -> memref<1x16x1024xf32, #tpu.memory_space<vmem_shared>>
    tpu.enqueue_dma source(%dma_start3A_1739 : memref<1x16x1024xf32, #tpu.memory_space<vmem_shared>>) target(%dma_start3A_1734 : memref<1x16x1024xf32, #tpu.memory_space<hbm>>) target_semaphore(%arg17 : memref<!tpu.dma_semaphore, #tpu.memory_space<semaphore_mem>>)
    %dma_wait3A_1740 = arith.constant 0 : i32
    %dma_wait3A_1741 = arith.constant 0 : i32
    %dma_wait3A_1742 = arith.constant 0 : i32
    %dma_wait3A_1743 = tpu.memref_slice %arg2[%dma_wait3A_1740, %dma_wait3A_1741, %dma_wait3A_1742] : memref<1600x32x1024xf32, #tpu.memory_space<hbm>> -> memref<1x32x1024xf32, #tpu.memory_space<hbm>>
    %dma_wait3A_1744 = arith.constant 0 : i32
    %dma_wait3A_1745 = arith.constant 0 : i32
    %dma_wait3A_1746 = arith.constant 0 : i32
    %dma_wait3A_1747 = tpu.memref_slice %arg2[%dma_wait3A_1744, %dma_wait3A_1745, %dma_wait3A_1746] : memref<1600x32x1024xf32, #tpu.memory_space<hbm>> -> memref<1x32x1024xf32, #tpu.memory_space<hbm>>
    tpu.wait_dma2 semaphore(%arg12 : memref<!tpu.dma_semaphore, #tpu.memory_space<semaphore_mem>>) src(%dma_wait3A_1747 : memref<1x32x1024xf32, #tpu.memory_space<hbm>>) dst(%arg9 : memref<1x32x1024xf32, #tpu.memory_space<vmem>>)
    %add3A_1748 = arith.constant 26 : i32
    %add3A_1749 = arith.addi %mul3A_2, %add3A_1748 : i32
    %dma_start3A_1750 = arith.constant 0 : i32
    %dma_start3A_1751 = arith.constant 0 : i32
    %dma_start3A_1752 = tpu.memref_slice %arg4[%add3A_1749, %dma_start3A_1750, %dma_start3A_1751] : memref<1600x32x1024xf32, #tpu.memory_space<hbm>> -> memref<1x32x1024xf32, #tpu.memory_space<hbm>>
    %dma_start3A_1753 = arith.constant 0 : i32
    %dma_start3A_1754 = arith.constant 0 : i32
    %dma_start3A_1755 = tpu.memref_slice %arg4[%add3A_1749, %dma_start3A_1753, %dma_start3A_1754] : memref<1600x32x1024xf32, #tpu.memory_space<hbm>> -> memref<1x32x1024xf32, #tpu.memory_space<hbm>>
    tpu.enqueue_dma source(%arg9 : memref<1x32x1024xf32, #tpu.memory_space<vmem>>) target(%dma_start3A_1755 : memref<1x32x1024xf32, #tpu.memory_space<hbm>>) target_semaphore(%arg15 : memref<!tpu.dma_semaphore, #tpu.memory_space<semaphore_mem>>)
    %dma_wait3A_1756 = arith.constant 0 : i32
    %dma_wait3A_1757 = arith.constant 0 : i32
    %dma_wait3A_1758 = tpu.memref_slice %arg4[%mul3A_2, %dma_wait3A_1756, %dma_wait3A_1757] : memref<1600x32x1024xf32, #tpu.memory_space<hbm>> -> memref<1x32x1024xf32, #tpu.memory_space<hbm>>
    %dma_wait3A_1759 = arith.constant 0 : i32
    %dma_wait3A_1760 = arith.constant 0 : i32
    %dma_wait3A_1761 = tpu.memref_slice %arg4[%mul3A_2, %dma_wait3A_1759, %dma_wait3A_1760] : memref<1600x32x1024xf32, #tpu.memory_space<hbm>> -> memref<1x32x1024xf32, #tpu.memory_space<hbm>>
    tpu.wait_dma2 semaphore(%arg14 : memref<!tpu.dma_semaphore, #tpu.memory_space<semaphore_mem>>) src(%arg8 : memref<1x32x1024xf32, #tpu.memory_space<vmem>>) dst(%dma_wait3A_1761 : memref<1x32x1024xf32, #tpu.memory_space<hbm>>)
    %add3A_1762 = arith.constant 29 : i32
    %add3A_1763 = arith.addi %sub3A_21, %add3A_1762 : i32
    %get3A_1764 = arith.index_cast %add3A_1763 : i32 to index
    %get3A_1765 = tpu.vector_load %arg5[%get3A_1764] {strides = array<i32>} : memref<72xi32, #tpu.memory_space<vmem>>, vector<16xi32>,
    %get3A_1766 = vector.shape_cast %get3A_1765 : vector<16xi32> to vector<16xi32>
    %slice3A_1767 = vector.extract_strided_slice %get3A_1766 {offsets = [0], sizes = [1], strides = [1]} : vector<16xi32> to vector<1xi32>
    %squeeze3A_1768 = vector.extract %slice3A_1767[0] : i32 from vector<1xi32>
    %dma_start3A_1769 = arith.constant 0 : i32
    %dma_start3A_1770 = arith.constant 0 : i32
    %dma_start3A_1771 = tpu.memref_slice %arg2[%squeeze3A_1768, %dma_start3A_1769, %dma_start3A_1770] : memref<1600x32x1024xf32, #tpu.memory_space<hbm>> -> memref<1x32x1024xf32, #tpu.memory_space<hbm>>
    %dma_start3A_1772 = arith.constant 0 : i32
    %dma_start3A_1773 = arith.constant 0 : i32
    %dma_start3A_1774 = tpu.memref_slice %arg2[%squeeze3A_1768, %dma_start3A_1772, %dma_start3A_1773] : memref<1600x32x1024xf32, #tpu.memory_space<hbm>> -> memref<1x32x1024xf32, #tpu.memory_space<hbm>>
    tpu.enqueue_dma source(%dma_start3A_1774 : memref<1x32x1024xf32, #tpu.memory_space<hbm>>) target(%arg8 : memref<1x32x1024xf32, #tpu.memory_space<vmem>>) target_semaphore(%arg11 : memref<!tpu.dma_semaphore, #tpu.memory_space<semaphore_mem>>)
    %dma_wait3A_1775 = arith.constant 0 : i32
    %dma_wait3A_1776 = arith.constant 0 : i32
    %dma_wait3A_1777 = arith.constant 0 : i32
    %dma_wait3A_1778 = tpu.memref_slice %arg4[%mul3A_2, %dma_wait3A_1776, %dma_wait3A_1777] : memref<1600x32x1024xf32, #tpu.memory_space<hbm>> -> memref<1x16x1024xf32, #tpu.memory_space<hbm>>
    %dma_wait3A_1779 = arith.constant 0 : i32
    %dma_wait3A_1780 = arith.constant 0 : i32
    %dma_wait3A_1781 = arith.constant 0 : i32
    %dma_wait3A_1782 = tpu.memref_slice %arg6[%arg1, %dma_wait3A_1775, %dma_wait3A_1779, %dma_wait3A_1780, %dma_wait3A_1781] : memref<16x1x1x16x1024xf32, #tpu.memory_space<vmem_shared>> -> memref<1x1x1x16x1024xf32, #tpu.memory_space<vmem_shared>>
    %dma_wait3A_1783 = tpu.memref_squeeze %dma_wait3A_1782 : memref<1x1x1x16x1024xf32, #tpu.memory_space<vmem_shared>> -> memref<1x16x1024xf32, #tpu.memory_space<vmem_shared>>
    tpu.wait_dma2 semaphore(%arg17 : memref<!tpu.dma_semaphore, #tpu.memory_space<semaphore_mem>>) src(%dma_wait3A_1783 : memref<1x16x1024xf32, #tpu.memory_space<vmem_shared>>) dst(%dma_wait3A_1778 : memref<1x16x1024xf32, #tpu.memory_space<hbm>>)
    %add3A_1784 = arith.constant 47 : i32
    %add3A_1785 = arith.addi %sub3A_21, %add3A_1784 : i32
    %get3A_1786 = arith.index_cast %add3A_1785 : i32 to index
    %get3A_1787 = tpu.vector_load %arg5[%get3A_1786] {strides = array<i32>} : memref<72xi32, #tpu.memory_space<vmem>>, vector<16xi32>,
    %get3A_1788 = vector.shape_cast %get3A_1787 : vector<16xi32> to vector<16xi32>
    %slice3A_1789 = vector.extract_strided_slice %get3A_1788 {offsets = [0], sizes = [1], strides = [1]} : vector<16xi32> to vector<1xi32>
    %squeeze3A_1790 = vector.extract %slice3A_1789[0] : i32 from vector<1xi32>
    %dma_start3A_1791 = arith.constant 0 : i32
    %dma_start3A_1792 = arith.constant 0 : i32
    %dma_start3A_1793 = arith.constant 0 : i32
    %dma_start3A_1794 = arith.constant 0 : i32
    %dma_start3A_1795 = tpu.memref_slice %arg6[%arg1, %dma_start3A_1791, %dma_start3A_1792, %dma_start3A_1793, %dma_start3A_1794] : memref<16x1x1x16x1024xf32, #tpu.memory_space<vmem_shared>> -> memref<1x1x1x16x1024xf32, #tpu.memory_space<vmem_shared>>
    %dma_start3A_1796 = tpu.memref_squeeze %dma_start3A_1795 : memref<1x1x1x16x1024xf32, #tpu.memory_space<vmem_shared>> -> memref<1x16x1024xf32, #tpu.memory_space<vmem_shared>>
    %dma_start3A_1797 = arith.constant 0 : i32
    %dma_start3A_1798 = arith.constant 0 : i32
    %dma_start3A_1799 = tpu.memref_slice %arg2[%squeeze3A_1790, %dma_start3A_1797, %dma_start3A_1798] : memref<1600x32x1024xf32, #tpu.memory_space<hbm>> -> memref<1x16x1024xf32, #tpu.memory_space<hbm>>
    tpu.enqueue_dma source(%dma_start3A_1799 : memref<1x16x1024xf32, #tpu.memory_space<hbm>>) target(%dma_start3A_1796 : memref<1x16x1024xf32, #tpu.memory_space<vmem_shared>>) target_semaphore(%arg16 : memref<!tpu.dma_semaphore, #tpu.memory_space<semaphore_mem>>)
    %dma_wait3A_1800 = arith.constant 0 : i32
    %dma_wait3A_1801 = arith.constant 0 : i32
    %dma_wait3A_1802 = arith.constant 0 : i32
    %dma_wait3A_1803 = arith.constant 0 : i32
    %dma_wait3A_1804 = tpu.memref_slice %arg6[%arg1, %dma_wait3A_1800, %dma_wait3A_1801, %dma_wait3A_1802, %dma_wait3A_1803] : memref<16x1x1x16x1024xf32, #tpu.memory_space<vmem_shared>> -> memref<1x1x1x16x1024xf32, #tpu.memory_space<vmem_shared>>
    %dma_wait3A_1805 = tpu.memref_squeeze %dma_wait3A_1804 : memref<1x1x1x16x1024xf32, #tpu.memory_space<vmem_shared>> -> memref<1x16x1024xf32, #tpu.memory_space<vmem_shared>>
    %dma_wait3A_1806 = arith.constant 0 : i32
    %dma_wait3A_1807 = arith.constant 0 : i32
    %dma_wait3A_1808 = arith.constant 0 : i32
    %dma_wait3A_1809 = tpu.memref_slice %arg2[%dma_wait3A_1806, %dma_wait3A_1807, %dma_wait3A_1808] : memref<1600x32x1024xf32, #tpu.memory_space<hbm>> -> memref<1x16x1024xf32, #tpu.memory_space<hbm>>
    tpu.wait_dma2 semaphore(%arg16 : memref<!tpu.dma_semaphore, #tpu.memory_space<semaphore_mem>>) src(%dma_wait3A_1809 : memref<1x16x1024xf32, #tpu.memory_space<hbm>>) dst(%dma_wait3A_1805 : memref<1x16x1024xf32, #tpu.memory_space<vmem_shared>>)
    %add3A_1810 = arith.constant 47 : i32
    %add3A_1811 = arith.addi %mul3A_2, %add3A_1810 : i32
    %dma_start3A_1812 = arith.constant 0 : i32
    %dma_start3A_1813 = arith.constant 0 : i32
    %dma_start3A_1814 = arith.constant 0 : i32
    %dma_start3A_1815 = tpu.memref_slice %arg4[%add3A_1811, %dma_start3A_1813, %dma_start3A_1814] : memref<1600x32x1024xf32, #tpu.memory_space<hbm>> -> memref<1x16x1024xf32, #tpu.memory_space<hbm>>
    %dma_start3A_1816 = arith.constant 0 : i32
    %dma_start3A_1817 = arith.constant 0 : i32
    %dma_start3A_1818 = arith.constant 0 : i32
    %dma_start3A_1819 = tpu.memref_slice %arg6[%arg1, %dma_start3A_1812, %dma_start3A_1816, %dma_start3A_1817, %dma_start3A_1818] : memref<16x1x1x16x1024xf32, #tpu.memory_space<vmem_shared>> -> memref<1x1x1x16x1024xf32, #tpu.memory_space<vmem_shared>>
    %dma_start3A_1820 = tpu.memref_squeeze %dma_start3A_1819 : memref<1x1x1x16x1024xf32, #tpu.memory_space<vmem_shared>> -> memref<1x16x1024xf32, #tpu.memory_space<vmem_shared>>
    tpu.enqueue_dma source(%dma_start3A_1820 : memref<1x16x1024xf32, #tpu.memory_space<vmem_shared>>) target(%dma_start3A_1815 : memref<1x16x1024xf32, #tpu.memory_space<hbm>>) target_semaphore(%arg17 : memref<!tpu.dma_semaphore, #tpu.memory_space<semaphore_mem>>)
    %dma_wait3A_1821 = arith.constant 0 : i32
    %dma_wait3A_1822 = arith.constant 0 : i32
    %dma_wait3A_1823 = arith.constant 0 : i32
    %dma_wait3A_1824 = tpu.memref_slice %arg2[%dma_wait3A_1821, %dma_wait3A_1822, %dma_wait3A_1823] : memref<1600x32x1024xf32, #tpu.memory_space<hbm>> -> memref<1x32x1024xf32, #tpu.memory_space<hbm>>
    %dma_wait3A_1825 = arith.constant 0 : i32
    %dma_wait3A_1826 = arith.constant 0 : i32
    %dma_wait3A_1827 = arith.constant 0 : i32
    %dma_wait3A_1828 = tpu.memref_slice %arg2[%dma_wait3A_1825, %dma_wait3A_1826, %dma_wait3A_1827] : memref<1600x32x1024xf32, #tpu.memory_space<hbm>> -> memref<1x32x1024xf32, #tpu.memory_space<hbm>>
    tpu.wait_dma2 semaphore(%arg10 : memref<!tpu.dma_semaphore, #tpu.memory_space<semaphore_mem>>) src(%dma_wait3A_1828 : memref<1x32x1024xf32, #tpu.memory_space<hbm>>) dst(%arg7 : memref<1x32x1024xf32, #tpu.memory_space<vmem>>)
    %add3A_1829 = arith.constant 28 : i32
    %add3A_1830 = arith.addi %mul3A_2, %add3A_1829 : i32
    %dma_start3A_1831 = arith.constant 0 : i32
    %dma_start3A_1832 = arith.constant 0 : i32
    %dma_start3A_1833 = tpu.memref_slice %arg4[%add3A_1830, %dma_start3A_1831, %dma_start3A_1832] : memref<1600x32x1024xf32, #tpu.memory_space<hbm>> -> memref<1x32x1024xf32, #tpu.memory_space<hbm>>
    %dma_start3A_1834 = arith.constant 0 : i32
    %dma_start3A_1835 = arith.constant 0 : i32
    %dma_start3A_1836 = tpu.memref_slice %arg4[%add3A_1830, %dma_start3A_1834, %dma_start3A_1835] : memref<1600x32x1024xf32, #tpu.memory_space<hbm>> -> memref<1x32x1024xf32, #tpu.memory_space<hbm>>
    tpu.enqueue_dma source(%arg7 : memref<1x32x1024xf32, #tpu.memory_space<vmem>>) target(%dma_start3A_1836 : memref<1x32x1024xf32, #tpu.memory_space<hbm>>) target_semaphore(%arg13 : memref<!tpu.dma_semaphore, #tpu.memory_space<semaphore_mem>>)
    %dma_wait3A_1837 = arith.constant 0 : i32
    %dma_wait3A_1838 = arith.constant 0 : i32
    %dma_wait3A_1839 = tpu.memref_slice %arg4[%mul3A_2, %dma_wait3A_1837, %dma_wait3A_1838] : memref<1600x32x1024xf32, #tpu.memory_space<hbm>> -> memref<1x32x1024xf32, #tpu.memory_space<hbm>>
    %dma_wait3A_1840 = arith.constant 0 : i32
    %dma_wait3A_1841 = arith.constant 0 : i32
    %dma_wait3A_1842 = tpu.memref_slice %arg4[%mul3A_2, %dma_wait3A_1840, %dma_wait3A_1841] : memref<1600x32x1024xf32, #tpu.memory_space<hbm>> -> memref<1x32x1024xf32, #tpu.memory_space<hbm>>
    tpu.wait_dma2 semaphore(%arg15 : memref<!tpu.dma_semaphore, #tpu.memory_space<semaphore_mem>>) src(%arg9 : memref<1x32x1024xf32, #tpu.memory_space<vmem>>) dst(%dma_wait3A_1842 : memref<1x32x1024xf32, #tpu.memory_space<hbm>>)
    %add3A_1843 = arith.constant 30 : i32
    %add3A_1844 = arith.addi %sub3A_21, %add3A_1843 : i32
    %get3A_1845 = arith.index_cast %add3A_1844 : i32 to index
    %get3A_1846 = tpu.vector_load %arg5[%get3A_1845] {strides = array<i32>} : memref<72xi32, #tpu.memory_space<vmem>>, vector<16xi32>,
    %get3A_1847 = vector.shape_cast %get3A_1846 : vector<16xi32> to vector<16xi32>
    %slice3A_1848 = vector.extract_strided_slice %get3A_1847 {offsets = [0], sizes = [1], strides = [1]} : vector<16xi32> to vector<1xi32>
    %squeeze3A_1849 = vector.extract %slice3A_1848[0] : i32 from vector<1xi32>
    %dma_start3A_1850 = arith.constant 0 : i32
    %dma_start3A_1851 = arith.constant 0 : i32
    %dma_start3A_1852 = tpu.memref_slice %arg2[%squeeze3A_1849, %dma_start3A_1850, %dma_start3A_1851] : memref<1600x32x1024xf32, #tpu.memory_space<hbm>> -> memref<1x32x1024xf32, #tpu.memory_space<hbm>>
    %dma_start3A_1853 = arith.constant 0 : i32
    %dma_start3A_1854 = arith.constant 0 : i32
    %dma_start3A_1855 = tpu.memref_slice %arg2[%squeeze3A_1849, %dma_start3A_1853, %dma_start3A_1854] : memref<1600x32x1024xf32, #tpu.memory_space<hbm>> -> memref<1x32x1024xf32, #tpu.memory_space<hbm>>
    tpu.enqueue_dma source(%dma_start3A_1855 : memref<1x32x1024xf32, #tpu.memory_space<hbm>>) target(%arg9 : memref<1x32x1024xf32, #tpu.memory_space<vmem>>) target_semaphore(%arg12 : memref<!tpu.dma_semaphore, #tpu.memory_space<semaphore_mem>>)
    %dma_wait3A_1856 = arith.constant 0 : i32
    %dma_wait3A_1857 = arith.constant 0 : i32
    %dma_wait3A_1858 = arith.constant 0 : i32
    %dma_wait3A_1859 = tpu.memref_slice %arg4[%mul3A_2, %dma_wait3A_1857, %dma_wait3A_1858] : memref<1600x32x1024xf32, #tpu.memory_space<hbm>> -> memref<1x16x1024xf32, #tpu.memory_space<hbm>>
    %dma_wait3A_1860 = arith.constant 0 : i32
    %dma_wait3A_1861 = arith.constant 0 : i32
    %dma_wait3A_1862 = arith.constant 0 : i32
    %dma_wait3A_1863 = tpu.memref_slice %arg6[%arg1, %dma_wait3A_1856, %dma_wait3A_1860, %dma_wait3A_1861, %dma_wait3A_1862] : memref<16x1x1x16x1024xf32, #tpu.memory_space<vmem_shared>> -> memref<1x1x1x16x1024xf32, #tpu.memory_space<vmem_shared>>
    %dma_wait3A_1864 = tpu.memref_squeeze %dma_wait3A_1863 : memref<1x1x1x16x1024xf32, #tpu.memory_space<vmem_shared>> -> memref<1x16x1024xf32, #tpu.memory_space<vmem_shared>>
    tpu.wait_dma2 semaphore(%arg17 : memref<!tpu.dma_semaphore, #tpu.memory_space<semaphore_mem>>) src(%dma_wait3A_1864 : memref<1x16x1024xf32, #tpu.memory_space<vmem_shared>>) dst(%dma_wait3A_1859 : memref<1x16x1024xf32, #tpu.memory_space<hbm>>)
    %add3A_1865 = arith.constant 47 : i32
    %add3A_1866 = arith.addi %sub3A_21, %add3A_1865 : i32
    %get3A_1867 = arith.index_cast %add3A_1866 : i32 to index
    %get3A_1868 = tpu.vector_load %arg5[%get3A_1867] {strides = array<i32>} : memref<72xi32, #tpu.memory_space<vmem>>, vector<16xi32>,
    %get3A_1869 = vector.shape_cast %get3A_1868 : vector<16xi32> to vector<16xi32>
    %slice3A_1870 = vector.extract_strided_slice %get3A_1869 {offsets = [0], sizes = [1], strides = [1]} : vector<16xi32> to vector<1xi32>
    %squeeze3A_1871 = vector.extract %slice3A_1870[0] : i32 from vector<1xi32>
    %dma_start3A_1872 = arith.constant 0 : i32
    %dma_start3A_1873 = arith.constant 0 : i32
    %dma_start3A_1874 = arith.constant 0 : i32
    %dma_start3A_1875 = arith.constant 0 : i32
    %dma_start3A_1876 = tpu.memref_slice %arg6[%arg1, %dma_start3A_1872, %dma_start3A_1873, %dma_start3A_1874, %dma_start3A_1875] : memref<16x1x1x16x1024xf32, #tpu.memory_space<vmem_shared>> -> memref<1x1x1x16x1024xf32, #tpu.memory_space<vmem_shared>>
    %dma_start3A_1877 = tpu.memref_squeeze %dma_start3A_1876 : memref<1x1x1x16x1024xf32, #tpu.memory_space<vmem_shared>> -> memref<1x16x1024xf32, #tpu.memory_space<vmem_shared>>
    %dma_start3A_1878 = arith.constant 16 : i32
    %dma_start3A_1879 = arith.constant 0 : i32
    %dma_start3A_1880 = tpu.memref_slice %arg2[%squeeze3A_1871, %dma_start3A_1878, %dma_start3A_1879] : memref<1600x32x1024xf32, #tpu.memory_space<hbm>> -> memref<1x16x1024xf32, #tpu.memory_space<hbm>>
    tpu.enqueue_dma source(%dma_start3A_1880 : memref<1x16x1024xf32, #tpu.memory_space<hbm>>) target(%dma_start3A_1877 : memref<1x16x1024xf32, #tpu.memory_space<vmem_shared>>) target_semaphore(%arg16 : memref<!tpu.dma_semaphore, #tpu.memory_space<semaphore_mem>>)
    %dma_wait3A_1881 = arith.constant 0 : i32
    %dma_wait3A_1882 = arith.constant 0 : i32
    %dma_wait3A_1883 = arith.constant 0 : i32
    %dma_wait3A_1884 = arith.constant 0 : i32
    %dma_wait3A_1885 = tpu.memref_slice %arg6[%arg1, %dma_wait3A_1881, %dma_wait3A_1882, %dma_wait3A_1883, %dma_wait3A_1884] : memref<16x1x1x16x1024xf32, #tpu.memory_space<vmem_shared>> -> memref<1x1x1x16x1024xf32, #tpu.memory_space<vmem_shared>>
    %dma_wait3A_1886 = tpu.memref_squeeze %dma_wait3A_1885 : memref<1x1x1x16x1024xf32, #tpu.memory_space<vmem_shared>> -> memref<1x16x1024xf32, #tpu.memory_space<vmem_shared>>
    %dma_wait3A_1887 = arith.constant 0 : i32
    %dma_wait3A_1888 = arith.constant 0 : i32
    %dma_wait3A_1889 = arith.constant 0 : i32
    %dma_wait3A_1890 = tpu.memref_slice %arg2[%dma_wait3A_1887, %dma_wait3A_1888, %dma_wait3A_1889] : memref<1600x32x1024xf32, #tpu.memory_space<hbm>> -> memref<1x16x1024xf32, #tpu.memory_space<hbm>>
    tpu.wait_dma2 semaphore(%arg16 : memref<!tpu.dma_semaphore, #tpu.memory_space<semaphore_mem>>) src(%dma_wait3A_1890 : memref<1x16x1024xf32, #tpu.memory_space<hbm>>) dst(%dma_wait3A_1886 : memref<1x16x1024xf32, #tpu.memory_space<vmem_shared>>)
    %add3A_1891 = arith.constant 47 : i32
    %add3A_1892 = arith.addi %mul3A_2, %add3A_1891 : i32
    %dma_start3A_1893 = arith.constant 0 : i32
    %dma_start3A_1894 = arith.constant 16 : i32
    %dma_start3A_1895 = arith.constant 0 : i32
    %dma_start3A_1896 = tpu.memref_slice %arg4[%add3A_1892, %dma_start3A_1894, %dma_start3A_1895] : memref<1600x32x1024xf32, #tpu.memory_space<hbm>> -> memref<1x16x1024xf32, #tpu.memory_space<hbm>>
    %dma_start3A_1897 = arith.constant 0 : i32
    %dma_start3A_1898 = arith.constant 0 : i32
    %dma_start3A_1899 = arith.constant 0 : i32
    %dma_start3A_1900 = tpu.memref_slice %arg6[%arg1, %dma_start3A_1893, %dma_start3A_1897, %dma_start3A_1898, %dma_start3A_1899] : memref<16x1x1x16x1024xf32, #tpu.memory_space<vmem_shared>> -> memref<1x1x1x16x1024xf32, #tpu.memory_space<vmem_shared>>
    %dma_start3A_1901 = tpu.memref_squeeze %dma_start3A_1900 : memref<1x1x1x16x1024xf32, #tpu.memory_space<vmem_shared>> -> memref<1x16x1024xf32, #tpu.memory_space<vmem_shared>>
    tpu.enqueue_dma source(%dma_start3A_1901 : memref<1x16x1024xf32, #tpu.memory_space<vmem_shared>>) target(%dma_start3A_1896 : memref<1x16x1024xf32, #tpu.memory_space<hbm>>) target_semaphore(%arg17 : memref<!tpu.dma_semaphore, #tpu.memory_space<semaphore_mem>>)
    %dma_wait3A_1902 = arith.constant 0 : i32
    %dma_wait3A_1903 = arith.constant 0 : i32
    %dma_wait3A_1904 = arith.constant 0 : i32
    %dma_wait3A_1905 = tpu.memref_slice %arg2[%dma_wait3A_1902, %dma_wait3A_1903, %dma_wait3A_1904] : memref<1600x32x1024xf32, #tpu.memory_space<hbm>> -> memref<1x32x1024xf32, #tpu.memory_space<hbm>>
    %dma_wait3A_1906 = arith.constant 0 : i32
    %dma_wait3A_1907 = arith.constant 0 : i32
    %dma_wait3A_1908 = arith.constant 0 : i32
    %dma_wait3A_1909 = tpu.memref_slice %arg2[%dma_wait3A_1906, %dma_wait3A_1907, %dma_wait3A_1908] : memref<1600x32x1024xf32, #tpu.memory_space<hbm>> -> memref<1x32x1024xf32, #tpu.memory_space<hbm>>
    tpu.wait_dma2 semaphore(%arg11 : memref<!tpu.dma_semaphore, #tpu.memory_space<semaphore_mem>>) src(%dma_wait3A_1909 : memref<1x32x1024xf32, #tpu.memory_space<hbm>>) dst(%arg8 : memref<1x32x1024xf32, #tpu.memory_space<vmem>>)
    %add3A_1910 = arith.constant 29 : i32
    %add3A_1911 = arith.addi %mul3A_2, %add3A_1910 : i32
    %dma_start3A_1912 = arith.constant 0 : i32
    %dma_start3A_1913 = arith.constant 0 : i32
    %dma_start3A_1914 = tpu.memref_slice %arg4[%add3A_1911, %dma_start3A_1912, %dma_start3A_1913] : memref<1600x32x1024xf32, #tpu.memory_space<hbm>> -> memref<1x32x1024xf32, #tpu.memory_space<hbm>>
    %dma_start3A_1915 = arith.constant 0 : i32
    %dma_start3A_1916 = arith.constant 0 : i32
    %dma_start3A_1917 = tpu.memref_slice %arg4[%add3A_1911, %dma_start3A_1915, %dma_start3A_1916] : memref<1600x32x1024xf32, #tpu.memory_space<hbm>> -> memref<1x32x1024xf32, #tpu.memory_space<hbm>>
    tpu.enqueue_dma source(%arg8 : memref<1x32x1024xf32, #tpu.memory_space<vmem>>) target(%dma_start3A_1917 : memref<1x32x1024xf32, #tpu.memory_space<hbm>>) target_semaphore(%arg14 : memref<!tpu.dma_semaphore, #tpu.memory_space<semaphore_mem>>)
    %dma_wait3A_1918 = arith.constant 0 : i32
    %dma_wait3A_1919 = arith.constant 0 : i32
    %dma_wait3A_1920 = tpu.memref_slice %arg4[%mul3A_2, %dma_wait3A_1918, %dma_wait3A_1919] : memref<1600x32x1024xf32, #tpu.memory_space<hbm>> -> memref<1x32x1024xf32, #tpu.memory_space<hbm>>
    %dma_wait3A_1921 = arith.constant 0 : i32
    %dma_wait3A_1922 = arith.constant 0 : i32
    %dma_wait3A_1923 = tpu.memref_slice %arg4[%mul3A_2, %dma_wait3A_1921, %dma_wait3A_1922] : memref<1600x32x1024xf32, #tpu.memory_space<hbm>> -> memref<1x32x1024xf32, #tpu.memory_space<hbm>>
    tpu.wait_dma2 semaphore(%arg13 : memref<!tpu.dma_semaphore, #tpu.memory_space<semaphore_mem>>) src(%arg7 : memref<1x32x1024xf32, #tpu.memory_space<vmem>>) dst(%dma_wait3A_1923 : memref<1x32x1024xf32, #tpu.memory_space<hbm>>)
    %add3A_1924 = arith.constant 32 : i32
    %add3A_1925 = arith.addi %sub3A_21, %add3A_1924 : i32
    %get3A_1926 = arith.index_cast %add3A_1925 : i32 to index
    %get3A_1927 = tpu.vector_load %arg5[%get3A_1926] {strides = array<i32>} : memref<72xi32, #tpu.memory_space<vmem>>, vector<16xi32>,
    %get3A_1928 = vector.shape_cast %get3A_1927 : vector<16xi32> to vector<16xi32>
    %slice3A_1929 = vector.extract_strided_slice %get3A_1928 {offsets = [0], sizes = [1], strides = [1]} : vector<16xi32> to vector<1xi32>
    %squeeze3A_1930 = vector.extract %slice3A_1929[0] : i32 from vector<1xi32>
    %dma_start3A_1931 = arith.constant 0 : i32
    %dma_start3A_1932 = arith.constant 0 : i32
    %dma_start3A_1933 = tpu.memref_slice %arg2[%squeeze3A_1930, %dma_start3A_1931, %dma_start3A_1932] : memref<1600x32x1024xf32, #tpu.memory_space<hbm>> -> memref<1x32x1024xf32, #tpu.memory_space<hbm>>
    %dma_start3A_1934 = arith.constant 0 : i32
    %dma_start3A_1935 = arith.constant 0 : i32
    %dma_start3A_1936 = tpu.memref_slice %arg2[%squeeze3A_1930, %dma_start3A_1934, %dma_start3A_1935] : memref<1600x32x1024xf32, #tpu.memory_space<hbm>> -> memref<1x32x1024xf32, #tpu.memory_space<hbm>>
    tpu.enqueue_dma source(%dma_start3A_1936 : memref<1x32x1024xf32, #tpu.memory_space<hbm>>) target(%arg7 : memref<1x32x1024xf32, #tpu.memory_space<vmem>>) target_semaphore(%arg10 : memref<!tpu.dma_semaphore, #tpu.memory_space<semaphore_mem>>)
    %dma_wait3A_1937 = arith.constant 0 : i32
    %dma_wait3A_1938 = arith.constant 0 : i32
    %dma_wait3A_1939 = arith.constant 0 : i32
    %dma_wait3A_1940 = tpu.memref_slice %arg2[%dma_wait3A_1937, %dma_wait3A_1938, %dma_wait3A_1939] : memref<1600x32x1024xf32, #tpu.memory_space<hbm>> -> memref<1x32x1024xf32, #tpu.memory_space<hbm>>
    %dma_wait3A_1941 = arith.constant 0 : i32
    %dma_wait3A_1942 = arith.constant 0 : i32
    %dma_wait3A_1943 = arith.constant 0 : i32
    %dma_wait3A_1944 = tpu.memref_slice %arg2[%dma_wait3A_1941, %dma_wait3A_1942, %dma_wait3A_1943] : memref<1600x32x1024xf32, #tpu.memory_space<hbm>> -> memref<1x32x1024xf32, #tpu.memory_space<hbm>>
    tpu.wait_dma2 semaphore(%arg12 : memref<!tpu.dma_semaphore, #tpu.memory_space<semaphore_mem>>) src(%dma_wait3A_1944 : memref<1x32x1024xf32, #tpu.memory_space<hbm>>) dst(%arg9 : memref<1x32x1024xf32, #tpu.memory_space<vmem>>)
    %add3A_1945 = arith.constant 30 : i32
    %add3A_1946 = arith.addi %mul3A_2, %add3A_1945 : i32
    %dma_start3A_1947 = arith.constant 0 : i32
    %dma_start3A_1948 = arith.constant 0 : i32
    %dma_start3A_1949 = tpu.memref_slice %arg4[%add3A_1946, %dma_start3A_1947, %dma_start3A_1948] : memref<1600x32x1024xf32, #tpu.memory_space<hbm>> -> memref<1x32x1024xf32, #tpu.memory_space<hbm>>
    %dma_start3A_1950 = arith.constant 0 : i32
    %dma_start3A_1951 = arith.constant 0 : i32
    %dma_start3A_1952 = tpu.memref_slice %arg4[%add3A_1946, %dma_start3A_1950, %dma_start3A_1951] : memref<1600x32x1024xf32, #tpu.memory_space<hbm>> -> memref<1x32x1024xf32, #tpu.memory_space<hbm>>
    tpu.enqueue_dma source(%arg9 : memref<1x32x1024xf32, #tpu.memory_space<vmem>>) target(%dma_start3A_1952 : memref<1x32x1024xf32, #tpu.memory_space<hbm>>) target_semaphore(%arg15 : memref<!tpu.dma_semaphore, #tpu.memory_space<semaphore_mem>>)
    %dma_wait3A_1953 = arith.constant 0 : i32
    %dma_wait3A_1954 = arith.constant 0 : i32
    %dma_wait3A_1955 = tpu.memref_slice %arg4[%mul3A_2, %dma_wait3A_1953, %dma_wait3A_1954] : memref<1600x32x1024xf32, #tpu.memory_space<hbm>> -> memref<1x32x1024xf32, #tpu.memory_space<hbm>>
    %dma_wait3A_1956 = arith.constant 0 : i32
    %dma_wait3A_1957 = arith.constant 0 : i32
    %dma_wait3A_1958 = tpu.memref_slice %arg4[%mul3A_2, %dma_wait3A_1956, %dma_wait3A_1957] : memref<1600x32x1024xf32, #tpu.memory_space<hbm>> -> memref<1x32x1024xf32, #tpu.memory_space<hbm>>
    tpu.wait_dma2 semaphore(%arg14 : memref<!tpu.dma_semaphore, #tpu.memory_space<semaphore_mem>>) src(%arg8 : memref<1x32x1024xf32, #tpu.memory_space<vmem>>) dst(%dma_wait3A_1958 : memref<1x32x1024xf32, #tpu.memory_space<hbm>>)
    %add3A_1959 = arith.constant 33 : i32
    %add3A_1960 = arith.addi %sub3A_21, %add3A_1959 : i32
    %get3A_1961 = arith.index_cast %add3A_1960 : i32 to index
    %get3A_1962 = tpu.vector_load %arg5[%get3A_1961] {strides = array<i32>} : memref<72xi32, #tpu.memory_space<vmem>>, vector<16xi32>,
    %get3A_1963 = vector.shape_cast %get3A_1962 : vector<16xi32> to vector<16xi32>
    %slice3A_1964 = vector.extract_strided_slice %get3A_1963 {offsets = [0], sizes = [1], strides = [1]} : vector<16xi32> to vector<1xi32>
    %squeeze3A_1965 = vector.extract %slice3A_1964[0] : i32 from vector<1xi32>
    %dma_start3A_1966 = arith.constant 0 : i32
    %dma_start3A_1967 = arith.constant 0 : i32
    %dma_start3A_1968 = tpu.memref_slice %arg2[%squeeze3A_1965, %dma_start3A_1966, %dma_start3A_1967] : memref<1600x32x1024xf32, #tpu.memory_space<hbm>> -> memref<1x32x1024xf32, #tpu.memory_space<hbm>>
    %dma_start3A_1969 = arith.constant 0 : i32
    %dma_start3A_1970 = arith.constant 0 : i32
    %dma_start3A_1971 = tpu.memref_slice %arg2[%squeeze3A_1965, %dma_start3A_1969, %dma_start3A_1970] : memref<1600x32x1024xf32, #tpu.memory_space<hbm>> -> memref<1x32x1024xf32, #tpu.memory_space<hbm>>
    tpu.enqueue_dma source(%dma_start3A_1971 : memref<1x32x1024xf32, #tpu.memory_space<hbm>>) target(%arg8 : memref<1x32x1024xf32, #tpu.memory_space<vmem>>) target_semaphore(%arg11 : memref<!tpu.dma_semaphore, #tpu.memory_space<semaphore_mem>>)
    %dma_wait3A_1972 = arith.constant 0 : i32
    %dma_wait3A_1973 = arith.constant 0 : i32
    %dma_wait3A_1974 = arith.constant 0 : i32
    %dma_wait3A_1975 = tpu.memref_slice %arg2[%dma_wait3A_1972, %dma_wait3A_1973, %dma_wait3A_1974] : memref<1600x32x1024xf32, #tpu.memory_space<hbm>> -> memref<1x32x1024xf32, #tpu.memory_space<hbm>>
    %dma_wait3A_1976 = arith.constant 0 : i32
    %dma_wait3A_1977 = arith.constant 0 : i32
    %dma_wait3A_1978 = arith.constant 0 : i32
    %dma_wait3A_1979 = tpu.memref_slice %arg2[%dma_wait3A_1976, %dma_wait3A_1977, %dma_wait3A_1978] : memref<1600x32x1024xf32, #tpu.memory_space<hbm>> -> memref<1x32x1024xf32, #tpu.memory_space<hbm>>
    tpu.wait_dma2 semaphore(%arg10 : memref<!tpu.dma_semaphore, #tpu.memory_space<semaphore_mem>>) src(%dma_wait3A_1979 : memref<1x32x1024xf32, #tpu.memory_space<hbm>>) dst(%arg7 : memref<1x32x1024xf32, #tpu.memory_space<vmem>>)
    %add3A_1980 = arith.constant 32 : i32
    %add3A_1981 = arith.addi %mul3A_2, %add3A_1980 : i32
    %dma_start3A_1982 = arith.constant 0 : i32
    %dma_start3A_1983 = arith.constant 0 : i32
    %dma_start3A_1984 = tpu.memref_slice %arg4[%add3A_1981, %dma_start3A_1982, %dma_start3A_1983] : memref<1600x32x1024xf32, #tpu.memory_space<hbm>> -> memref<1x32x1024xf32, #tpu.memory_space<hbm>>
    %dma_start3A_1985 = arith.constant 0 : i32
    %dma_start3A_1986 = arith.constant 0 : i32
    %dma_start3A_1987 = tpu.memref_slice %arg4[%add3A_1981, %dma_start3A_1985, %dma_start3A_1986] : memref<1600x32x1024xf32, #tpu.memory_space<hbm>> -> memref<1x32x1024xf32, #tpu.memory_space<hbm>>
    tpu.enqueue_dma source(%arg7 : memref<1x32x1024xf32, #tpu.memory_space<vmem>>) target(%dma_start3A_1987 : memref<1x32x1024xf32, #tpu.memory_space<hbm>>) target_semaphore(%arg13 : memref<!tpu.dma_semaphore, #tpu.memory_space<semaphore_mem>>)
    %dma_wait3A_1988 = arith.constant 0 : i32
    %dma_wait3A_1989 = arith.constant 0 : i32
    %dma_wait3A_1990 = tpu.memref_slice %arg4[%mul3A_2, %dma_wait3A_1988, %dma_wait3A_1989] : memref<1600x32x1024xf32, #tpu.memory_space<hbm>> -> memref<1x32x1024xf32, #tpu.memory_space<hbm>>
    %dma_wait3A_1991 = arith.constant 0 : i32
    %dma_wait3A_1992 = arith.constant 0 : i32
    %dma_wait3A_1993 = tpu.memref_slice %arg4[%mul3A_2, %dma_wait3A_1991, %dma_wait3A_1992] : memref<1600x32x1024xf32, #tpu.memory_space<hbm>> -> memref<1x32x1024xf32, #tpu.memory_space<hbm>>
    tpu.wait_dma2 semaphore(%arg15 : memref<!tpu.dma_semaphore, #tpu.memory_space<semaphore_mem>>) src(%arg9 : memref<1x32x1024xf32, #tpu.memory_space<vmem>>) dst(%dma_wait3A_1993 : memref<1x32x1024xf32, #tpu.memory_space<hbm>>)
    %add3A_1994 = arith.constant 34 : i32
    %add3A_1995 = arith.addi %sub3A_21, %add3A_1994 : i32
    %get3A_1996 = arith.index_cast %add3A_1995 : i32 to index
    %get3A_1997 = tpu.vector_load %arg5[%get3A_1996] {strides = array<i32>} : memref<72xi32, #tpu.memory_space<vmem>>, vector<16xi32>,
    %get3A_1998 = vector.shape_cast %get3A_1997 : vector<16xi32> to vector<16xi32>
    %slice3A_1999 = vector.extract_strided_slice %get3A_1998 {offsets = [0], sizes = [1], strides = [1]} : vector<16xi32> to vector<1xi32>
    %squeeze3A_2000 = vector.extract %slice3A_1999[0] : i32 from vector<1xi32>
    %dma_start3A_2001 = arith.constant 0 : i32
    %dma_start3A_2002 = arith.constant 0 : i32
    %dma_start3A_2003 = tpu.memref_slice %arg2[%squeeze3A_2000, %dma_start3A_2001, %dma_start3A_2002] : memref<1600x32x1024xf32, #tpu.memory_space<hbm>> -> memref<1x32x1024xf32, #tpu.memory_space<hbm>>
    %dma_start3A_2004 = arith.constant 0 : i32
    %dma_start3A_2005 = arith.constant 0 : i32
    %dma_start3A_2006 = tpu.memref_slice %arg2[%squeeze3A_2000, %dma_start3A_2004, %dma_start3A_2005] : memref<1600x32x1024xf32, #tpu.memory_space<hbm>> -> memref<1x32x1024xf32, #tpu.memory_space<hbm>>
    tpu.enqueue_dma source(%dma_start3A_2006 : memref<1x32x1024xf32, #tpu.memory_space<hbm>>) target(%arg9 : memref<1x32x1024xf32, #tpu.memory_space<vmem>>) target_semaphore(%arg12 : memref<!tpu.dma_semaphore, #tpu.memory_space<semaphore_mem>>)
    %dma_wait3A_2007 = arith.constant 0 : i32
    %dma_wait3A_2008 = arith.constant 0 : i32
    %dma_wait3A_2009 = arith.constant 0 : i32
    %dma_wait3A_2010 = tpu.memref_slice %arg2[%dma_wait3A_2007, %dma_wait3A_2008, %dma_wait3A_2009] : memref<1600x32x1024xf32, #tpu.memory_space<hbm>> -> memref<1x32x1024xf32, #tpu.memory_space<hbm>>
    %dma_wait3A_2011 = arith.constant 0 : i32
    %dma_wait3A_2012 = arith.constant 0 : i32
    %dma_wait3A_2013 = arith.constant 0 : i32
    %dma_wait3A_2014 = tpu.memref_slice %arg2[%dma_wait3A_2011, %dma_wait3A_2012, %dma_wait3A_2013] : memref<1600x32x1024xf32, #tpu.memory_space<hbm>> -> memref<1x32x1024xf32, #tpu.memory_space<hbm>>
    tpu.wait_dma2 semaphore(%arg11 : memref<!tpu.dma_semaphore, #tpu.memory_space<semaphore_mem>>) src(%dma_wait3A_2014 : memref<1x32x1024xf32, #tpu.memory_space<hbm>>) dst(%arg8 : memref<1x32x1024xf32, #tpu.memory_space<vmem>>)
    %add3A_2015 = arith.constant 33 : i32
    %add3A_2016 = arith.addi %mul3A_2, %add3A_2015 : i32
    %dma_start3A_2017 = arith.constant 0 : i32
    %dma_start3A_2018 = arith.constant 0 : i32
    %dma_start3A_2019 = tpu.memref_slice %arg4[%add3A_2016, %dma_start3A_2017, %dma_start3A_2018] : memref<1600x32x1024xf32, #tpu.memory_space<hbm>> -> memref<1x32x1024xf32, #tpu.memory_space<hbm>>
    %dma_start3A_2020 = arith.constant 0 : i32
    %dma_start3A_2021 = arith.constant 0 : i32
    %dma_start3A_2022 = tpu.memref_slice %arg4[%add3A_2016, %dma_start3A_2020, %dma_start3A_2021] : memref<1600x32x1024xf32, #tpu.memory_space<hbm>> -> memref<1x32x1024xf32, #tpu.memory_space<hbm>>
    tpu.enqueue_dma source(%arg8 : memref<1x32x1024xf32, #tpu.memory_space<vmem>>) target(%dma_start3A_2022 : memref<1x32x1024xf32, #tpu.memory_space<hbm>>) target_semaphore(%arg14 : memref<!tpu.dma_semaphore, #tpu.memory_space<semaphore_mem>>)
    %dma_wait3A_2023 = arith.constant 0 : i32
    %dma_wait3A_2024 = arith.constant 0 : i32
    %dma_wait3A_2025 = tpu.memref_slice %arg4[%mul3A_2, %dma_wait3A_2023, %dma_wait3A_2024] : memref<1600x32x1024xf32, #tpu.memory_space<hbm>> -> memref<1x32x1024xf32, #tpu.memory_space<hbm>>
    %dma_wait3A_2026 = arith.constant 0 : i32
    %dma_wait3A_2027 = arith.constant 0 : i32
    %dma_wait3A_2028 = tpu.memref_slice %arg4[%mul3A_2, %dma_wait3A_2026, %dma_wait3A_2027] : memref<1600x32x1024xf32, #tpu.memory_space<hbm>> -> memref<1x32x1024xf32, #tpu.memory_space<hbm>>
    tpu.wait_dma2 semaphore(%arg13 : memref<!tpu.dma_semaphore, #tpu.memory_space<semaphore_mem>>) src(%arg7 : memref<1x32x1024xf32, #tpu.memory_space<vmem>>) dst(%dma_wait3A_2028 : memref<1x32x1024xf32, #tpu.memory_space<hbm>>)
    %add3A_2029 = arith.constant 36 : i32
    %add3A_2030 = arith.addi %sub3A_21, %add3A_2029 : i32
    %get3A_2031 = arith.index_cast %add3A_2030 : i32 to index
    %get3A_2032 = tpu.vector_load %arg5[%get3A_2031] {strides = array<i32>} : memref<72xi32, #tpu.memory_space<vmem>>, vector<16xi32>,
    %get3A_2033 = vector.shape_cast %get3A_2032 : vector<16xi32> to vector<16xi32>
    %slice3A_2034 = vector.extract_strided_slice %get3A_2033 {offsets = [0], sizes = [1], strides = [1]} : vector<16xi32> to vector<1xi32>
    %squeeze3A_2035 = vector.extract %slice3A_2034[0] : i32 from vector<1xi32>
    %dma_start3A_2036 = arith.constant 0 : i32
    %dma_start3A_2037 = arith.constant 0 : i32
    %dma_start3A_2038 = tpu.memref_slice %arg2[%squeeze3A_2035, %dma_start3A_2036, %dma_start3A_2037] : memref<1600x32x1024xf32, #tpu.memory_space<hbm>> -> memref<1x32x1024xf32, #tpu.memory_space<hbm>>
    %dma_start3A_2039 = arith.constant 0 : i32
    %dma_start3A_2040 = arith.constant 0 : i32
    %dma_start3A_2041 = tpu.memref_slice %arg2[%squeeze3A_2035, %dma_start3A_2039, %dma_start3A_2040] : memref<1600x32x1024xf32, #tpu.memory_space<hbm>> -> memref<1x32x1024xf32, #tpu.memory_space<hbm>>
    tpu.enqueue_dma source(%dma_start3A_2041 : memref<1x32x1024xf32, #tpu.memory_space<hbm>>) target(%arg7 : memref<1x32x1024xf32, #tpu.memory_space<vmem>>) target_semaphore(%arg10 : memref<!tpu.dma_semaphore, #tpu.memory_space<semaphore_mem>>)
    %dma_wait3A_2042 = arith.constant 0 : i32
    %dma_wait3A_2043 = arith.constant 0 : i32
    %dma_wait3A_2044 = arith.constant 0 : i32
    %dma_wait3A_2045 = tpu.memref_slice %arg2[%dma_wait3A_2042, %dma_wait3A_2043, %dma_wait3A_2044] : memref<1600x32x1024xf32, #tpu.memory_space<hbm>> -> memref<1x32x1024xf32, #tpu.memory_space<hbm>>
    %dma_wait3A_2046 = arith.constant 0 : i32
    %dma_wait3A_2047 = arith.constant 0 : i32
    %dma_wait3A_2048 = arith.constant 0 : i32
    %dma_wait3A_2049 = tpu.memref_slice %arg2[%dma_wait3A_2046, %dma_wait3A_2047, %dma_wait3A_2048] : memref<1600x32x1024xf32, #tpu.memory_space<hbm>> -> memref<1x32x1024xf32, #tpu.memory_space<hbm>>
    tpu.wait_dma2 semaphore(%arg12 : memref<!tpu.dma_semaphore, #tpu.memory_space<semaphore_mem>>) src(%dma_wait3A_2049 : memref<1x32x1024xf32, #tpu.memory_space<hbm>>) dst(%arg9 : memref<1x32x1024xf32, #tpu.memory_space<vmem>>)
    %add3A_2050 = arith.constant 34 : i32
    %add3A_2051 = arith.addi %mul3A_2, %add3A_2050 : i32
    %dma_start3A_2052 = arith.constant 0 : i32
    %dma_start3A_2053 = arith.constant 0 : i32
    %dma_start3A_2054 = tpu.memref_slice %arg4[%add3A_2051, %dma_start3A_2052, %dma_start3A_2053] : memref<1600x32x1024xf32, #tpu.memory_space<hbm>> -> memref<1x32x1024xf32, #tpu.memory_space<hbm>>
    %dma_start3A_2055 = arith.constant 0 : i32
    %dma_start3A_2056 = arith.constant 0 : i32
    %dma_start3A_2057 = tpu.memref_slice %arg4[%add3A_2051, %dma_start3A_2055, %dma_start3A_2056] : memref<1600x32x1024xf32, #tpu.memory_space<hbm>> -> memref<1x32x1024xf32, #tpu.memory_space<hbm>>
    tpu.enqueue_dma source(%arg9 : memref<1x32x1024xf32, #tpu.memory_space<vmem>>) target(%dma_start3A_2057 : memref<1x32x1024xf32, #tpu.memory_space<hbm>>) target_semaphore(%arg15 : memref<!tpu.dma_semaphore, #tpu.memory_space<semaphore_mem>>)
    %dma_wait3A_2058 = arith.constant 0 : i32
    %dma_wait3A_2059 = arith.constant 0 : i32
    %dma_wait3A_2060 = tpu.memref_slice %arg4[%mul3A_2, %dma_wait3A_2058, %dma_wait3A_2059] : memref<1600x32x1024xf32, #tpu.memory_space<hbm>> -> memref<1x32x1024xf32, #tpu.memory_space<hbm>>
    %dma_wait3A_2061 = arith.constant 0 : i32
    %dma_wait3A_2062 = arith.constant 0 : i32
    %dma_wait3A_2063 = tpu.memref_slice %arg4[%mul3A_2, %dma_wait3A_2061, %dma_wait3A_2062] : memref<1600x32x1024xf32, #tpu.memory_space<hbm>> -> memref<1x32x1024xf32, #tpu.memory_space<hbm>>
    tpu.wait_dma2 semaphore(%arg14 : memref<!tpu.dma_semaphore, #tpu.memory_space<semaphore_mem>>) src(%arg8 : memref<1x32x1024xf32, #tpu.memory_space<vmem>>) dst(%dma_wait3A_2063 : memref<1x32x1024xf32, #tpu.memory_space<hbm>>)
    %add3A_2064 = arith.constant 37 : i32
    %add3A_2065 = arith.addi %sub3A_21, %add3A_2064 : i32
    %get3A_2066 = arith.index_cast %add3A_2065 : i32 to index
    %get3A_2067 = tpu.vector_load %arg5[%get3A_2066] {strides = array<i32>} : memref<72xi32, #tpu.memory_space<vmem>>, vector<16xi32>,
    %get3A_2068 = vector.shape_cast %get3A_2067 : vector<16xi32> to vector<16xi32>
    %slice3A_2069 = vector.extract_strided_slice %get3A_2068 {offsets = [0], sizes = [1], strides = [1]} : vector<16xi32> to vector<1xi32>
    %squeeze3A_2070 = vector.extract %slice3A_2069[0] : i32 from vector<1xi32>
    %dma_start3A_2071 = arith.constant 0 : i32
    %dma_start3A_2072 = arith.constant 0 : i32
    %dma_start3A_2073 = tpu.memref_slice %arg2[%squeeze3A_2070, %dma_start3A_2071, %dma_start3A_2072] : memref<1600x32x1024xf32, #tpu.memory_space<hbm>> -> memref<1x32x1024xf32, #tpu.memory_space<hbm>>
    %dma_start3A_2074 = arith.constant 0 : i32
    %dma_start3A_2075 = arith.constant 0 : i32
    %dma_start3A_2076 = tpu.memref_slice %arg2[%squeeze3A_2070, %dma_start3A_2074, %dma_start3A_2075] : memref<1600x32x1024xf32, #tpu.memory_space<hbm>> -> memref<1x32x1024xf32, #tpu.memory_space<hbm>>
    tpu.enqueue_dma source(%dma_start3A_2076 : memref<1x32x1024xf32, #tpu.memory_space<hbm>>) target(%arg8 : memref<1x32x1024xf32, #tpu.memory_space<vmem>>) target_semaphore(%arg11 : memref<!tpu.dma_semaphore, #tpu.memory_space<semaphore_mem>>)
    %dma_wait3A_2077 = arith.constant 0 : i32
    %dma_wait3A_2078 = arith.constant 0 : i32
    %dma_wait3A_2079 = arith.constant 0 : i32
    %dma_wait3A_2080 = tpu.memref_slice %arg2[%dma_wait3A_2077, %dma_wait3A_2078, %dma_wait3A_2079] : memref<1600x32x1024xf32, #tpu.memory_space<hbm>> -> memref<1x32x1024xf32, #tpu.memory_space<hbm>>
    %dma_wait3A_2081 = arith.constant 0 : i32
    %dma_wait3A_2082 = arith.constant 0 : i32
    %dma_wait3A_2083 = arith.constant 0 : i32
    %dma_wait3A_2084 = tpu.memref_slice %arg2[%dma_wait3A_2081, %dma_wait3A_2082, %dma_wait3A_2083] : memref<1600x32x1024xf32, #tpu.memory_space<hbm>> -> memref<1x32x1024xf32, #tpu.memory_space<hbm>>
    tpu.wait_dma2 semaphore(%arg10 : memref<!tpu.dma_semaphore, #tpu.memory_space<semaphore_mem>>) src(%dma_wait3A_2084 : memref<1x32x1024xf32, #tpu.memory_space<hbm>>) dst(%arg7 : memref<1x32x1024xf32, #tpu.memory_space<vmem>>)
    %add3A_2085 = arith.constant 36 : i32
    %add3A_2086 = arith.addi %mul3A_2, %add3A_2085 : i32
    %dma_start3A_2087 = arith.constant 0 : i32
    %dma_start3A_2088 = arith.constant 0 : i32
    %dma_start3A_2089 = tpu.memref_slice %arg4[%add3A_2086, %dma_start3A_2087, %dma_start3A_2088] : memref<1600x32x1024xf32, #tpu.memory_space<hbm>> -> memref<1x32x1024xf32, #tpu.memory_space<hbm>>
    %dma_start3A_2090 = arith.constant 0 : i32
    %dma_start3A_2091 = arith.constant 0 : i32
    %dma_start3A_2092 = tpu.memref_slice %arg4[%add3A_2086, %dma_start3A_2090, %dma_start3A_2091] : memref<1600x32x1024xf32, #tpu.memory_space<hbm>> -> memref<1x32x1024xf32, #tpu.memory_space<hbm>>
    tpu.enqueue_dma source(%arg7 : memref<1x32x1024xf32, #tpu.memory_space<vmem>>) target(%dma_start3A_2092 : memref<1x32x1024xf32, #tpu.memory_space<hbm>>) target_semaphore(%arg13 : memref<!tpu.dma_semaphore, #tpu.memory_space<semaphore_mem>>)
    %dma_wait3A_2093 = arith.constant 0 : i32
    %dma_wait3A_2094 = arith.constant 0 : i32
    %dma_wait3A_2095 = tpu.memref_slice %arg4[%mul3A_2, %dma_wait3A_2093, %dma_wait3A_2094] : memref<1600x32x1024xf32, #tpu.memory_space<hbm>> -> memref<1x32x1024xf32, #tpu.memory_space<hbm>>
    %dma_wait3A_2096 = arith.constant 0 : i32
    %dma_wait3A_2097 = arith.constant 0 : i32
    %dma_wait3A_2098 = tpu.memref_slice %arg4[%mul3A_2, %dma_wait3A_2096, %dma_wait3A_2097] : memref<1600x32x1024xf32, #tpu.memory_space<hbm>> -> memref<1x32x1024xf32, #tpu.memory_space<hbm>>
    tpu.wait_dma2 semaphore(%arg15 : memref<!tpu.dma_semaphore, #tpu.memory_space<semaphore_mem>>) src(%arg9 : memref<1x32x1024xf32, #tpu.memory_space<vmem>>) dst(%dma_wait3A_2098 : memref<1x32x1024xf32, #tpu.memory_space<hbm>>)
    %add3A_2099 = arith.constant 38 : i32
    %add3A_2100 = arith.addi %sub3A_21, %add3A_2099 : i32
    %get3A_2101 = arith.index_cast %add3A_2100 : i32 to index
    %get3A_2102 = tpu.vector_load %arg5[%get3A_2101] {strides = array<i32>} : memref<72xi32, #tpu.memory_space<vmem>>, vector<16xi32>,
    %get3A_2103 = vector.shape_cast %get3A_2102 : vector<16xi32> to vector<16xi32>
    %slice3A_2104 = vector.extract_strided_slice %get3A_2103 {offsets = [0], sizes = [1], strides = [1]} : vector<16xi32> to vector<1xi32>
    %squeeze3A_2105 = vector.extract %slice3A_2104[0] : i32 from vector<1xi32>
    %dma_start3A_2106 = arith.constant 0 : i32
    %dma_start3A_2107 = arith.constant 0 : i32
    %dma_start3A_2108 = tpu.memref_slice %arg2[%squeeze3A_2105, %dma_start3A_2106, %dma_start3A_2107] : memref<1600x32x1024xf32, #tpu.memory_space<hbm>> -> memref<1x32x1024xf32, #tpu.memory_space<hbm>>
    %dma_start3A_2109 = arith.constant 0 : i32
    %dma_start3A_2110 = arith.constant 0 : i32
    %dma_start3A_2111 = tpu.memref_slice %arg2[%squeeze3A_2105, %dma_start3A_2109, %dma_start3A_2110] : memref<1600x32x1024xf32, #tpu.memory_space<hbm>> -> memref<1x32x1024xf32, #tpu.memory_space<hbm>>
    tpu.enqueue_dma source(%dma_start3A_2111 : memref<1x32x1024xf32, #tpu.memory_space<hbm>>) target(%arg9 : memref<1x32x1024xf32, #tpu.memory_space<vmem>>) target_semaphore(%arg12 : memref<!tpu.dma_semaphore, #tpu.memory_space<semaphore_mem>>)
    %dma_wait3A_2112 = arith.constant 0 : i32
    %dma_wait3A_2113 = arith.constant 0 : i32
    %dma_wait3A_2114 = arith.constant 0 : i32
    %dma_wait3A_2115 = tpu.memref_slice %arg2[%dma_wait3A_2112, %dma_wait3A_2113, %dma_wait3A_2114] : memref<1600x32x1024xf32, #tpu.memory_space<hbm>> -> memref<1x32x1024xf32, #tpu.memory_space<hbm>>
    %dma_wait3A_2116 = arith.constant 0 : i32
    %dma_wait3A_2117 = arith.constant 0 : i32
    %dma_wait3A_2118 = arith.constant 0 : i32
    %dma_wait3A_2119 = tpu.memref_slice %arg2[%dma_wait3A_2116, %dma_wait3A_2117, %dma_wait3A_2118] : memref<1600x32x1024xf32, #tpu.memory_space<hbm>> -> memref<1x32x1024xf32, #tpu.memory_space<hbm>>
    tpu.wait_dma2 semaphore(%arg11 : memref<!tpu.dma_semaphore, #tpu.memory_space<semaphore_mem>>) src(%dma_wait3A_2119 : memref<1x32x1024xf32, #tpu.memory_space<hbm>>) dst(%arg8 : memref<1x32x1024xf32, #tpu.memory_space<vmem>>)
    %add3A_2120 = arith.constant 37 : i32
    %add3A_2121 = arith.addi %mul3A_2, %add3A_2120 : i32
    %dma_start3A_2122 = arith.constant 0 : i32
    %dma_start3A_2123 = arith.constant 0 : i32
    %dma_start3A_2124 = tpu.memref_slice %arg4[%add3A_2121, %dma_start3A_2122, %dma_start3A_2123] : memref<1600x32x1024xf32, #tpu.memory_space<hbm>> -> memref<1x32x1024xf32, #tpu.memory_space<hbm>>
    %dma_start3A_2125 = arith.constant 0 : i32
    %dma_start3A_2126 = arith.constant 0 : i32
    %dma_start3A_2127 = tpu.memref_slice %arg4[%add3A_2121, %dma_start3A_2125, %dma_start3A_2126] : memref<1600x32x1024xf32, #tpu.memory_space<hbm>> -> memref<1x32x1024xf32, #tpu.memory_space<hbm>>
    tpu.enqueue_dma source(%arg8 : memref<1x32x1024xf32, #tpu.memory_space<vmem>>) target(%dma_start3A_2127 : memref<1x32x1024xf32, #tpu.memory_space<hbm>>) target_semaphore(%arg14 : memref<!tpu.dma_semaphore, #tpu.memory_space<semaphore_mem>>)
    %dma_wait3A_2128 = arith.constant 0 : i32
    %dma_wait3A_2129 = arith.constant 0 : i32
    %dma_wait3A_2130 = tpu.memref_slice %arg4[%mul3A_2, %dma_wait3A_2128, %dma_wait3A_2129] : memref<1600x32x1024xf32, #tpu.memory_space<hbm>> -> memref<1x32x1024xf32, #tpu.memory_space<hbm>>
    %dma_wait3A_2131 = arith.constant 0 : i32
    %dma_wait3A_2132 = arith.constant 0 : i32
    %dma_wait3A_2133 = tpu.memref_slice %arg4[%mul3A_2, %dma_wait3A_2131, %dma_wait3A_2132] : memref<1600x32x1024xf32, #tpu.memory_space<hbm>> -> memref<1x32x1024xf32, #tpu.memory_space<hbm>>
    tpu.wait_dma2 semaphore(%arg13 : memref<!tpu.dma_semaphore, #tpu.memory_space<semaphore_mem>>) src(%arg7 : memref<1x32x1024xf32, #tpu.memory_space<vmem>>) dst(%dma_wait3A_2133 : memref<1x32x1024xf32, #tpu.memory_space<hbm>>)
    %add3A_2134 = arith.constant 40 : i32
    %add3A_2135 = arith.addi %sub3A_21, %add3A_2134 : i32
    %get3A_2136 = arith.index_cast %add3A_2135 : i32 to index
    %get3A_2137 = tpu.vector_load %arg5[%get3A_2136] {strides = array<i32>} : memref<72xi32, #tpu.memory_space<vmem>>, vector<16xi32>,
    %get3A_2138 = vector.shape_cast %get3A_2137 : vector<16xi32> to vector<16xi32>
    %slice3A_2139 = vector.extract_strided_slice %get3A_2138 {offsets = [0], sizes = [1], strides = [1]} : vector<16xi32> to vector<1xi32>
    %squeeze3A_2140 = vector.extract %slice3A_2139[0] : i32 from vector<1xi32>
    %dma_start3A_2141 = arith.constant 0 : i32
    %dma_start3A_2142 = arith.constant 0 : i32
    %dma_start3A_2143 = tpu.memref_slice %arg2[%squeeze3A_2140, %dma_start3A_2141, %dma_start3A_2142] : memref<1600x32x1024xf32, #tpu.memory_space<hbm>> -> memref<1x32x1024xf32, #tpu.memory_space<hbm>>
    %dma_start3A_2144 = arith.constant 0 : i32
    %dma_start3A_2145 = arith.constant 0 : i32
    %dma_start3A_2146 = tpu.memref_slice %arg2[%squeeze3A_2140, %dma_start3A_2144, %dma_start3A_2145] : memref<1600x32x1024xf32, #tpu.memory_space<hbm>> -> memref<1x32x1024xf32, #tpu.memory_space<hbm>>
    tpu.enqueue_dma source(%dma_start3A_2146 : memref<1x32x1024xf32, #tpu.memory_space<hbm>>) target(%arg7 : memref<1x32x1024xf32, #tpu.memory_space<vmem>>) target_semaphore(%arg10 : memref<!tpu.dma_semaphore, #tpu.memory_space<semaphore_mem>>)
    %dma_wait3A_2147 = arith.constant 0 : i32
    %dma_wait3A_2148 = arith.constant 0 : i32
    %dma_wait3A_2149 = arith.constant 0 : i32
    %dma_wait3A_2150 = tpu.memref_slice %arg2[%dma_wait3A_2147, %dma_wait3A_2148, %dma_wait3A_2149] : memref<1600x32x1024xf32, #tpu.memory_space<hbm>> -> memref<1x32x1024xf32, #tpu.memory_space<hbm>>
    %dma_wait3A_2151 = arith.constant 0 : i32
    %dma_wait3A_2152 = arith.constant 0 : i32
    %dma_wait3A_2153 = arith.constant 0 : i32
    %dma_wait3A_2154 = tpu.memref_slice %arg2[%dma_wait3A_2151, %dma_wait3A_2152, %dma_wait3A_2153] : memref<1600x32x1024xf32, #tpu.memory_space<hbm>> -> memref<1x32x1024xf32, #tpu.memory_space<hbm>>
    tpu.wait_dma2 semaphore(%arg12 : memref<!tpu.dma_semaphore, #tpu.memory_space<semaphore_mem>>) src(%dma_wait3A_2154 : memref<1x32x1024xf32, #tpu.memory_space<hbm>>) dst(%arg9 : memref<1x32x1024xf32, #tpu.memory_space<vmem>>)
    %add3A_2155 = arith.constant 38 : i32
    %add3A_2156 = arith.addi %mul3A_2, %add3A_2155 : i32
    %dma_start3A_2157 = arith.constant 0 : i32
    %dma_start3A_2158 = arith.constant 0 : i32
    %dma_start3A_2159 = tpu.memref_slice %arg4[%add3A_2156, %dma_start3A_2157, %dma_start3A_2158] : memref<1600x32x1024xf32, #tpu.memory_space<hbm>> -> memref<1x32x1024xf32, #tpu.memory_space<hbm>>
    %dma_start3A_2160 = arith.constant 0 : i32
    %dma_start3A_2161 = arith.constant 0 : i32
    %dma_start3A_2162 = tpu.memref_slice %arg4[%add3A_2156, %dma_start3A_2160, %dma_start3A_2161] : memref<1600x32x1024xf32, #tpu.memory_space<hbm>> -> memref<1x32x1024xf32, #tpu.memory_space<hbm>>
    tpu.enqueue_dma source(%arg9 : memref<1x32x1024xf32, #tpu.memory_space<vmem>>) target(%dma_start3A_2162 : memref<1x32x1024xf32, #tpu.memory_space<hbm>>) target_semaphore(%arg15 : memref<!tpu.dma_semaphore, #tpu.memory_space<semaphore_mem>>)
    %dma_wait3A_2163 = arith.constant 0 : i32
    %dma_wait3A_2164 = arith.constant 0 : i32
    %dma_wait3A_2165 = tpu.memref_slice %arg4[%mul3A_2, %dma_wait3A_2163, %dma_wait3A_2164] : memref<1600x32x1024xf32, #tpu.memory_space<hbm>> -> memref<1x32x1024xf32, #tpu.memory_space<hbm>>
    %dma_wait3A_2166 = arith.constant 0 : i32
    %dma_wait3A_2167 = arith.constant 0 : i32
    %dma_wait3A_2168 = tpu.memref_slice %arg4[%mul3A_2, %dma_wait3A_2166, %dma_wait3A_2167] : memref<1600x32x1024xf32, #tpu.memory_space<hbm>> -> memref<1x32x1024xf32, #tpu.memory_space<hbm>>
    tpu.wait_dma2 semaphore(%arg14 : memref<!tpu.dma_semaphore, #tpu.memory_space<semaphore_mem>>) src(%arg8 : memref<1x32x1024xf32, #tpu.memory_space<vmem>>) dst(%dma_wait3A_2168 : memref<1x32x1024xf32, #tpu.memory_space<hbm>>)
    %add3A_2169 = arith.constant 41 : i32
    %add3A_2170 = arith.addi %sub3A_21, %add3A_2169 : i32
    %get3A_2171 = arith.index_cast %add3A_2170 : i32 to index
    %get3A_2172 = tpu.vector_load %arg5[%get3A_2171] {strides = array<i32>} : memref<72xi32, #tpu.memory_space<vmem>>, vector<16xi32>,
    %get3A_2173 = vector.shape_cast %get3A_2172 : vector<16xi32> to vector<16xi32>
    %slice3A_2174 = vector.extract_strided_slice %get3A_2173 {offsets = [0], sizes = [1], strides = [1]} : vector<16xi32> to vector<1xi32>
    %squeeze3A_2175 = vector.extract %slice3A_2174[0] : i32 from vector<1xi32>
    %dma_start3A_2176 = arith.constant 0 : i32
    %dma_start3A_2177 = arith.constant 0 : i32
    %dma_start3A_2178 = tpu.memref_slice %arg2[%squeeze3A_2175, %dma_start3A_2176, %dma_start3A_2177] : memref<1600x32x1024xf32, #tpu.memory_space<hbm>> -> memref<1x32x1024xf32, #tpu.memory_space<hbm>>
    %dma_start3A_2179 = arith.constant 0 : i32
    %dma_start3A_2180 = arith.constant 0 : i32
    %dma_start3A_2181 = tpu.memref_slice %arg2[%squeeze3A_2175, %dma_start3A_2179, %dma_start3A_2180] : memref<1600x32x1024xf32, #tpu.memory_space<hbm>> -> memref<1x32x1024xf32, #tpu.memory_space<hbm>>
    tpu.enqueue_dma source(%dma_start3A_2181 : memref<1x32x1024xf32, #tpu.memory_space<hbm>>) target(%arg8 : memref<1x32x1024xf32, #tpu.memory_space<vmem>>) target_semaphore(%arg11 : memref<!tpu.dma_semaphore, #tpu.memory_space<semaphore_mem>>)
    %dma_wait3A_2182 = arith.constant 0 : i32
    %dma_wait3A_2183 = arith.constant 0 : i32
    %dma_wait3A_2184 = arith.constant 0 : i32
    %dma_wait3A_2185 = tpu.memref_slice %arg2[%dma_wait3A_2182, %dma_wait3A_2183, %dma_wait3A_2184] : memref<1600x32x1024xf32, #tpu.memory_space<hbm>> -> memref<1x32x1024xf32, #tpu.memory_space<hbm>>
    %dma_wait3A_2186 = arith.constant 0 : i32
    %dma_wait3A_2187 = arith.constant 0 : i32
    %dma_wait3A_2188 = arith.constant 0 : i32
    %dma_wait3A_2189 = tpu.memref_slice %arg2[%dma_wait3A_2186, %dma_wait3A_2187, %dma_wait3A_2188] : memref<1600x32x1024xf32, #tpu.memory_space<hbm>> -> memref<1x32x1024xf32, #tpu.memory_space<hbm>>
    tpu.wait_dma2 semaphore(%arg10 : memref<!tpu.dma_semaphore, #tpu.memory_space<semaphore_mem>>) src(%dma_wait3A_2189 : memref<1x32x1024xf32, #tpu.memory_space<hbm>>) dst(%arg7 : memref<1x32x1024xf32, #tpu.memory_space<vmem>>)
    %add3A_2190 = arith.constant 40 : i32
    %add3A_2191 = arith.addi %mul3A_2, %add3A_2190 : i32
    %dma_start3A_2192 = arith.constant 0 : i32
    %dma_start3A_2193 = arith.constant 0 : i32
    %dma_start3A_2194 = tpu.memref_slice %arg4[%add3A_2191, %dma_start3A_2192, %dma_start3A_2193] : memref<1600x32x1024xf32, #tpu.memory_space<hbm>> -> memref<1x32x1024xf32, #tpu.memory_space<hbm>>
    %dma_start3A_2195 = arith.constant 0 : i32
    %dma_start3A_2196 = arith.constant 0 : i32
    %dma_start3A_2197 = tpu.memref_slice %arg4[%add3A_2191, %dma_start3A_2195, %dma_start3A_2196] : memref<1600x32x1024xf32, #tpu.memory_space<hbm>> -> memref<1x32x1024xf32, #tpu.memory_space<hbm>>
    tpu.enqueue_dma source(%arg7 : memref<1x32x1024xf32, #tpu.memory_space<vmem>>) target(%dma_start3A_2197 : memref<1x32x1024xf32, #tpu.memory_space<hbm>>) target_semaphore(%arg13 : memref<!tpu.dma_semaphore, #tpu.memory_space<semaphore_mem>>)
    %dma_wait3A_2198 = arith.constant 0 : i32
    %dma_wait3A_2199 = arith.constant 0 : i32
    %dma_wait3A_2200 = tpu.memref_slice %arg4[%mul3A_2, %dma_wait3A_2198, %dma_wait3A_2199] : memref<1600x32x1024xf32, #tpu.memory_space<hbm>> -> memref<1x32x1024xf32, #tpu.memory_space<hbm>>
    %dma_wait3A_2201 = arith.constant 0 : i32
    %dma_wait3A_2202 = arith.constant 0 : i32
    %dma_wait3A_2203 = tpu.memref_slice %arg4[%mul3A_2, %dma_wait3A_2201, %dma_wait3A_2202] : memref<1600x32x1024xf32, #tpu.memory_space<hbm>> -> memref<1x32x1024xf32, #tpu.memory_space<hbm>>
    tpu.wait_dma2 semaphore(%arg15 : memref<!tpu.dma_semaphore, #tpu.memory_space<semaphore_mem>>) src(%arg9 : memref<1x32x1024xf32, #tpu.memory_space<vmem>>) dst(%dma_wait3A_2203 : memref<1x32x1024xf32, #tpu.memory_space<hbm>>)
    %add3A_2204 = arith.constant 42 : i32
    %add3A_2205 = arith.addi %sub3A_21, %add3A_2204 : i32
    %get3A_2206 = arith.index_cast %add3A_2205 : i32 to index
    %get3A_2207 = tpu.vector_load %arg5[%get3A_2206] {strides = array<i32>} : memref<72xi32, #tpu.memory_space<vmem>>, vector<16xi32>,
    %get3A_2208 = vector.shape_cast %get3A_2207 : vector<16xi32> to vector<16xi32>
    %slice3A_2209 = vector.extract_strided_slice %get3A_2208 {offsets = [0], sizes = [1], strides = [1]} : vector<16xi32> to vector<1xi32>
    %squeeze3A_2210 = vector.extract %slice3A_2209[0] : i32 from vector<1xi32>
    %dma_start3A_2211 = arith.constant 0 : i32
    %dma_start3A_2212 = arith.constant 0 : i32
    %dma_start3A_2213 = tpu.memref_slice %arg2[%squeeze3A_2210, %dma_start3A_2211, %dma_start3A_2212] : memref<1600x32x1024xf32, #tpu.memory_space<hbm>> -> memref<1x32x1024xf32, #tpu.memory_space<hbm>>
    %dma_start3A_2214 = arith.constant 0 : i32
    %dma_start3A_2215 = arith.constant 0 : i32
    %dma_start3A_2216 = tpu.memref_slice %arg2[%squeeze3A_2210, %dma_start3A_2214, %dma_start3A_2215] : memref<1600x32x1024xf32, #tpu.memory_space<hbm>> -> memref<1x32x1024xf32, #tpu.memory_space<hbm>>
    tpu.enqueue_dma source(%dma_start3A_2216 : memref<1x32x1024xf32, #tpu.memory_space<hbm>>) target(%arg9 : memref<1x32x1024xf32, #tpu.memory_space<vmem>>) target_semaphore(%arg12 : memref<!tpu.dma_semaphore, #tpu.memory_space<semaphore_mem>>)
    %dma_wait3A_2217 = arith.constant 0 : i32
    %dma_wait3A_2218 = arith.constant 0 : i32
    %dma_wait3A_2219 = arith.constant 0 : i32
    %dma_wait3A_2220 = tpu.memref_slice %arg2[%dma_wait3A_2217, %dma_wait3A_2218, %dma_wait3A_2219] : memref<1600x32x1024xf32, #tpu.memory_space<hbm>> -> memref<1x32x1024xf32, #tpu.memory_space<hbm>>
    %dma_wait3A_2221 = arith.constant 0 : i32
    %dma_wait3A_2222 = arith.constant 0 : i32
    %dma_wait3A_2223 = arith.constant 0 : i32
    %dma_wait3A_2224 = tpu.memref_slice %arg2[%dma_wait3A_2221, %dma_wait3A_2222, %dma_wait3A_2223] : memref<1600x32x1024xf32, #tpu.memory_space<hbm>> -> memref<1x32x1024xf32, #tpu.memory_space<hbm>>
    tpu.wait_dma2 semaphore(%arg11 : memref<!tpu.dma_semaphore, #tpu.memory_space<semaphore_mem>>) src(%dma_wait3A_2224 : memref<1x32x1024xf32, #tpu.memory_space<hbm>>) dst(%arg8 : memref<1x32x1024xf32, #tpu.memory_space<vmem>>)
    %add3A_2225 = arith.constant 41 : i32
    %add3A_2226 = arith.addi %mul3A_2, %add3A_2225 : i32
    %dma_start3A_2227 = arith.constant 0 : i32
    %dma_start3A_2228 = arith.constant 0 : i32
    %dma_start3A_2229 = tpu.memref_slice %arg4[%add3A_2226, %dma_start3A_2227, %dma_start3A_2228] : memref<1600x32x1024xf32, #tpu.memory_space<hbm>> -> memref<1x32x1024xf32, #tpu.memory_space<hbm>>
    %dma_start3A_2230 = arith.constant 0 : i32
    %dma_start3A_2231 = arith.constant 0 : i32
    %dma_start3A_2232 = tpu.memref_slice %arg4[%add3A_2226, %dma_start3A_2230, %dma_start3A_2231] : memref<1600x32x1024xf32, #tpu.memory_space<hbm>> -> memref<1x32x1024xf32, #tpu.memory_space<hbm>>
    tpu.enqueue_dma source(%arg8 : memref<1x32x1024xf32, #tpu.memory_space<vmem>>) target(%dma_start3A_2232 : memref<1x32x1024xf32, #tpu.memory_space<hbm>>) target_semaphore(%arg14 : memref<!tpu.dma_semaphore, #tpu.memory_space<semaphore_mem>>)
    %dma_wait3A_2233 = arith.constant 0 : i32
    %dma_wait3A_2234 = arith.constant 0 : i32
    %dma_wait3A_2235 = tpu.memref_slice %arg4[%mul3A_2, %dma_wait3A_2233, %dma_wait3A_2234] : memref<1600x32x1024xf32, #tpu.memory_space<hbm>> -> memref<1x32x1024xf32, #tpu.memory_space<hbm>>
    %dma_wait3A_2236 = arith.constant 0 : i32
    %dma_wait3A_2237 = arith.constant 0 : i32
    %dma_wait3A_2238 = tpu.memref_slice %arg4[%mul3A_2, %dma_wait3A_2236, %dma_wait3A_2237] : memref<1600x32x1024xf32, #tpu.memory_space<hbm>> -> memref<1x32x1024xf32, #tpu.memory_space<hbm>>
    tpu.wait_dma2 semaphore(%arg13 : memref<!tpu.dma_semaphore, #tpu.memory_space<semaphore_mem>>) src(%arg7 : memref<1x32x1024xf32, #tpu.memory_space<vmem>>) dst(%dma_wait3A_2238 : memref<1x32x1024xf32, #tpu.memory_space<hbm>>)
    %add3A_2239 = arith.constant 44 : i32
    %add3A_2240 = arith.addi %sub3A_21, %add3A_2239 : i32
    %get3A_2241 = arith.index_cast %add3A_2240 : i32 to index
    %get3A_2242 = tpu.vector_load %arg5[%get3A_2241] {strides = array<i32>} : memref<72xi32, #tpu.memory_space<vmem>>, vector<16xi32>,
    %get3A_2243 = vector.shape_cast %get3A_2242 : vector<16xi32> to vector<16xi32>
    %slice3A_2244 = vector.extract_strided_slice %get3A_2243 {offsets = [0], sizes = [1], strides = [1]} : vector<16xi32> to vector<1xi32>
    %squeeze3A_2245 = vector.extract %slice3A_2244[0] : i32 from vector<1xi32>
    %dma_start3A_2246 = arith.constant 0 : i32
    %dma_start3A_2247 = arith.constant 0 : i32
    %dma_start3A_2248 = tpu.memref_slice %arg2[%squeeze3A_2245, %dma_start3A_2246, %dma_start3A_2247] : memref<1600x32x1024xf32, #tpu.memory_space<hbm>> -> memref<1x32x1024xf32, #tpu.memory_space<hbm>>
    %dma_start3A_2249 = arith.constant 0 : i32
    %dma_start3A_2250 = arith.constant 0 : i32
    %dma_start3A_2251 = tpu.memref_slice %arg2[%squeeze3A_2245, %dma_start3A_2249, %dma_start3A_2250] : memref<1600x32x1024xf32, #tpu.memory_space<hbm>> -> memref<1x32x1024xf32, #tpu.memory_space<hbm>>
    tpu.enqueue_dma source(%dma_start3A_2251 : memref<1x32x1024xf32, #tpu.memory_space<hbm>>) target(%arg7 : memref<1x32x1024xf32, #tpu.memory_space<vmem>>) target_semaphore(%arg10 : memref<!tpu.dma_semaphore, #tpu.memory_space<semaphore_mem>>)
    %dma_wait3A_2252 = arith.constant 0 : i32
    %dma_wait3A_2253 = arith.constant 0 : i32
    %dma_wait3A_2254 = arith.constant 0 : i32
    %dma_wait3A_2255 = tpu.memref_slice %arg2[%dma_wait3A_2252, %dma_wait3A_2253, %dma_wait3A_2254] : memref<1600x32x1024xf32, #tpu.memory_space<hbm>> -> memref<1x32x1024xf32, #tpu.memory_space<hbm>>
    %dma_wait3A_2256 = arith.constant 0 : i32
    %dma_wait3A_2257 = arith.constant 0 : i32
    %dma_wait3A_2258 = arith.constant 0 : i32
    %dma_wait3A_2259 = tpu.memref_slice %arg2[%dma_wait3A_2256, %dma_wait3A_2257, %dma_wait3A_2258] : memref<1600x32x1024xf32, #tpu.memory_space<hbm>> -> memref<1x32x1024xf32, #tpu.memory_space<hbm>>
    tpu.wait_dma2 semaphore(%arg12 : memref<!tpu.dma_semaphore, #tpu.memory_space<semaphore_mem>>) src(%dma_wait3A_2259 : memref<1x32x1024xf32, #tpu.memory_space<hbm>>) dst(%arg9 : memref<1x32x1024xf32, #tpu.memory_space<vmem>>)
    %add3A_2260 = arith.constant 42 : i32
    %add3A_2261 = arith.addi %mul3A_2, %add3A_2260 : i32
    %dma_start3A_2262 = arith.constant 0 : i32
    %dma_start3A_2263 = arith.constant 0 : i32
    %dma_start3A_2264 = tpu.memref_slice %arg4[%add3A_2261, %dma_start3A_2262, %dma_start3A_2263] : memref<1600x32x1024xf32, #tpu.memory_space<hbm>> -> memref<1x32x1024xf32, #tpu.memory_space<hbm>>
    %dma_start3A_2265 = arith.constant 0 : i32
    %dma_start3A_2266 = arith.constant 0 : i32
    %dma_start3A_2267 = tpu.memref_slice %arg4[%add3A_2261, %dma_start3A_2265, %dma_start3A_2266] : memref<1600x32x1024xf32, #tpu.memory_space<hbm>> -> memref<1x32x1024xf32, #tpu.memory_space<hbm>>
    tpu.enqueue_dma source(%arg9 : memref<1x32x1024xf32, #tpu.memory_space<vmem>>) target(%dma_start3A_2267 : memref<1x32x1024xf32, #tpu.memory_space<hbm>>) target_semaphore(%arg15 : memref<!tpu.dma_semaphore, #tpu.memory_space<semaphore_mem>>)
    %dma_wait3A_2268 = arith.constant 0 : i32
    %dma_wait3A_2269 = arith.constant 0 : i32
    %dma_wait3A_2270 = tpu.memref_slice %arg4[%mul3A_2, %dma_wait3A_2268, %dma_wait3A_2269] : memref<1600x32x1024xf32, #tpu.memory_space<hbm>> -> memref<1x32x1024xf32, #tpu.memory_space<hbm>>
    %dma_wait3A_2271 = arith.constant 0 : i32
    %dma_wait3A_2272 = arith.constant 0 : i32
    %dma_wait3A_2273 = tpu.memref_slice %arg4[%mul3A_2, %dma_wait3A_2271, %dma_wait3A_2272] : memref<1600x32x1024xf32, #tpu.memory_space<hbm>> -> memref<1x32x1024xf32, #tpu.memory_space<hbm>>
    tpu.wait_dma2 semaphore(%arg14 : memref<!tpu.dma_semaphore, #tpu.memory_space<semaphore_mem>>) src(%arg8 : memref<1x32x1024xf32, #tpu.memory_space<vmem>>) dst(%dma_wait3A_2273 : memref<1x32x1024xf32, #tpu.memory_space<hbm>>)
    %add3A_2274 = arith.constant 45 : i32
    %add3A_2275 = arith.addi %sub3A_21, %add3A_2274 : i32
    %get3A_2276 = arith.index_cast %add3A_2275 : i32 to index
    %get3A_2277 = tpu.vector_load %arg5[%get3A_2276] {strides = array<i32>} : memref<72xi32, #tpu.memory_space<vmem>>, vector<16xi32>,
    %get3A_2278 = vector.shape_cast %get3A_2277 : vector<16xi32> to vector<16xi32>
    %slice3A_2279 = vector.extract_strided_slice %get3A_2278 {offsets = [0], sizes = [1], strides = [1]} : vector<16xi32> to vector<1xi32>
    %squeeze3A_2280 = vector.extract %slice3A_2279[0] : i32 from vector<1xi32>
    %dma_start3A_2281 = arith.constant 0 : i32
    %dma_start3A_2282 = arith.constant 0 : i32
    %dma_start3A_2283 = tpu.memref_slice %arg2[%squeeze3A_2280, %dma_start3A_2281, %dma_start3A_2282] : memref<1600x32x1024xf32, #tpu.memory_space<hbm>> -> memref<1x32x1024xf32, #tpu.memory_space<hbm>>
    %dma_start3A_2284 = arith.constant 0 : i32
    %dma_start3A_2285 = arith.constant 0 : i32
    %dma_start3A_2286 = tpu.memref_slice %arg2[%squeeze3A_2280, %dma_start3A_2284, %dma_start3A_2285] : memref<1600x32x1024xf32, #tpu.memory_space<hbm>> -> memref<1x32x1024xf32, #tpu.memory_space<hbm>>
    tpu.enqueue_dma source(%dma_start3A_2286 : memref<1x32x1024xf32, #tpu.memory_space<hbm>>) target(%arg8 : memref<1x32x1024xf32, #tpu.memory_space<vmem>>) target_semaphore(%arg11 : memref<!tpu.dma_semaphore, #tpu.memory_space<semaphore_mem>>)
    %dma_wait3A_2287 = arith.constant 0 : i32
    %dma_wait3A_2288 = arith.constant 0 : i32
    %dma_wait3A_2289 = arith.constant 0 : i32
    %dma_wait3A_2290 = tpu.memref_slice %arg2[%dma_wait3A_2287, %dma_wait3A_2288, %dma_wait3A_2289] : memref<1600x32x1024xf32, #tpu.memory_space<hbm>> -> memref<1x32x1024xf32, #tpu.memory_space<hbm>>
    %dma_wait3A_2291 = arith.constant 0 : i32
    %dma_wait3A_2292 = arith.constant 0 : i32
    %dma_wait3A_2293 = arith.constant 0 : i32
    %dma_wait3A_2294 = tpu.memref_slice %arg2[%dma_wait3A_2291, %dma_wait3A_2292, %dma_wait3A_2293] : memref<1600x32x1024xf32, #tpu.memory_space<hbm>> -> memref<1x32x1024xf32, #tpu.memory_space<hbm>>
    tpu.wait_dma2 semaphore(%arg10 : memref<!tpu.dma_semaphore, #tpu.memory_space<semaphore_mem>>) src(%dma_wait3A_2294 : memref<1x32x1024xf32, #tpu.memory_space<hbm>>) dst(%arg7 : memref<1x32x1024xf32, #tpu.memory_space<vmem>>)
    %add3A_2295 = arith.constant 44 : i32
    %add3A_2296 = arith.addi %mul3A_2, %add3A_2295 : i32
    %dma_start3A_2297 = arith.constant 0 : i32
    %dma_start3A_2298 = arith.constant 0 : i32
    %dma_start3A_2299 = tpu.memref_slice %arg4[%add3A_2296, %dma_start3A_2297, %dma_start3A_2298] : memref<1600x32x1024xf32, #tpu.memory_space<hbm>> -> memref<1x32x1024xf32, #tpu.memory_space<hbm>>
    %dma_start3A_2300 = arith.constant 0 : i32
    %dma_start3A_2301 = arith.constant 0 : i32
    %dma_start3A_2302 = tpu.memref_slice %arg4[%add3A_2296, %dma_start3A_2300, %dma_start3A_2301] : memref<1600x32x1024xf32, #tpu.memory_space<hbm>> -> memref<1x32x1024xf32, #tpu.memory_space<hbm>>
    tpu.enqueue_dma source(%arg7 : memref<1x32x1024xf32, #tpu.memory_space<vmem>>) target(%dma_start3A_2302 : memref<1x32x1024xf32, #tpu.memory_space<hbm>>) target_semaphore(%arg13 : memref<!tpu.dma_semaphore, #tpu.memory_space<semaphore_mem>>)
    %dma_wait3A_2303 = arith.constant 0 : i32
    %dma_wait3A_2304 = arith.constant 0 : i32
    %dma_wait3A_2305 = tpu.memref_slice %arg4[%mul3A_2, %dma_wait3A_2303, %dma_wait3A_2304] : memref<1600x32x1024xf32, #tpu.memory_space<hbm>> -> memref<1x32x1024xf32, #tpu.memory_space<hbm>>
    %dma_wait3A_2306 = arith.constant 0 : i32
    %dma_wait3A_2307 = arith.constant 0 : i32
    %dma_wait3A_2308 = tpu.memref_slice %arg4[%mul3A_2, %dma_wait3A_2306, %dma_wait3A_2307] : memref<1600x32x1024xf32, #tpu.memory_space<hbm>> -> memref<1x32x1024xf32, #tpu.memory_space<hbm>>
    tpu.wait_dma2 semaphore(%arg15 : memref<!tpu.dma_semaphore, #tpu.memory_space<semaphore_mem>>) src(%arg9 : memref<1x32x1024xf32, #tpu.memory_space<vmem>>) dst(%dma_wait3A_2308 : memref<1x32x1024xf32, #tpu.memory_space<hbm>>)
    %add3A_2309 = arith.constant 46 : i32
    %add3A_2310 = arith.addi %sub3A_21, %add3A_2309 : i32
    %get3A_2311 = arith.index_cast %add3A_2310 : i32 to index
    %get3A_2312 = tpu.vector_load %arg5[%get3A_2311] {strides = array<i32>} : memref<72xi32, #tpu.memory_space<vmem>>, vector<16xi32>,
    %get3A_2313 = vector.shape_cast %get3A_2312 : vector<16xi32> to vector<16xi32>
    %slice3A_2314 = vector.extract_strided_slice %get3A_2313 {offsets = [0], sizes = [1], strides = [1]} : vector<16xi32> to vector<1xi32>
    %squeeze3A_2315 = vector.extract %slice3A_2314[0] : i32 from vector<1xi32>
    %dma_start3A_2316 = arith.constant 0 : i32
    %dma_start3A_2317 = arith.constant 0 : i32
    %dma_start3A_2318 = tpu.memref_slice %arg2[%squeeze3A_2315, %dma_start3A_2316, %dma_start3A_2317] : memref<1600x32x1024xf32, #tpu.memory_space<hbm>> -> memref<1x32x1024xf32, #tpu.memory_space<hbm>>
    %dma_start3A_2319 = arith.constant 0 : i32
    %dma_start3A_2320 = arith.constant 0 : i32
    %dma_start3A_2321 = tpu.memref_slice %arg2[%squeeze3A_2315, %dma_start3A_2319, %dma_start3A_2320] : memref<1600x32x1024xf32, #tpu.memory_space<hbm>> -> memref<1x32x1024xf32, #tpu.memory_space<hbm>>
    tpu.enqueue_dma source(%dma_start3A_2321 : memref<1x32x1024xf32, #tpu.memory_space<hbm>>) target(%arg9 : memref<1x32x1024xf32, #tpu.memory_space<vmem>>) target_semaphore(%arg12 : memref<!tpu.dma_semaphore, #tpu.memory_space<semaphore_mem>>)
    %dma_wait3A_2322 = arith.constant 0 : i32
    %dma_wait3A_2323 = arith.constant 0 : i32
    %dma_wait3A_2324 = arith.constant 0 : i32
    %dma_wait3A_2325 = tpu.memref_slice %arg2[%dma_wait3A_2322, %dma_wait3A_2323, %dma_wait3A_2324] : memref<1600x32x1024xf32, #tpu.memory_space<hbm>> -> memref<1x32x1024xf32, #tpu.memory_space<hbm>>
    %dma_wait3A_2326 = arith.constant 0 : i32
    %dma_wait3A_2327 = arith.constant 0 : i32
    %dma_wait3A_2328 = arith.constant 0 : i32
    %dma_wait3A_2329 = tpu.memref_slice %arg2[%dma_wait3A_2326, %dma_wait3A_2327, %dma_wait3A_2328] : memref<1600x32x1024xf32, #tpu.memory_space<hbm>> -> memref<1x32x1024xf32, #tpu.memory_space<hbm>>
    tpu.wait_dma2 semaphore(%arg11 : memref<!tpu.dma_semaphore, #tpu.memory_space<semaphore_mem>>) src(%dma_wait3A_2329 : memref<1x32x1024xf32, #tpu.memory_space<hbm>>) dst(%arg8 : memref<1x32x1024xf32, #tpu.memory_space<vmem>>)
    %add3A_2330 = arith.constant 45 : i32
    %add3A_2331 = arith.addi %mul3A_2, %add3A_2330 : i32
    %dma_start3A_2332 = arith.constant 0 : i32
    %dma_start3A_2333 = arith.constant 0 : i32
    %dma_start3A_2334 = tpu.memref_slice %arg4[%add3A_2331, %dma_start3A_2332, %dma_start3A_2333] : memref<1600x32x1024xf32, #tpu.memory_space<hbm>> -> memref<1x32x1024xf32, #tpu.memory_space<hbm>>
    %dma_start3A_2335 = arith.constant 0 : i32
    %dma_start3A_2336 = arith.constant 0 : i32
    %dma_start3A_2337 = tpu.memref_slice %arg4[%add3A_2331, %dma_start3A_2335, %dma_start3A_2336] : memref<1600x32x1024xf32, #tpu.memory_space<hbm>> -> memref<1x32x1024xf32, #tpu.memory_space<hbm>>
    tpu.enqueue_dma source(%arg8 : memref<1x32x1024xf32, #tpu.memory_space<vmem>>) target(%dma_start3A_2337 : memref<1x32x1024xf32, #tpu.memory_space<hbm>>) target_semaphore(%arg14 : memref<!tpu.dma_semaphore, #tpu.memory_space<semaphore_mem>>)
    %dma_wait3A_2338 = arith.constant 0 : i32
    %dma_wait3A_2339 = arith.constant 0 : i32
    %dma_wait3A_2340 = tpu.memref_slice %arg4[%mul3A_2, %dma_wait3A_2338, %dma_wait3A_2339] : memref<1600x32x1024xf32, #tpu.memory_space<hbm>> -> memref<1x32x1024xf32, #tpu.memory_space<hbm>>
    %dma_wait3A_2341 = arith.constant 0 : i32
    %dma_wait3A_2342 = arith.constant 0 : i32
    %dma_wait3A_2343 = tpu.memref_slice %arg4[%mul3A_2, %dma_wait3A_2341, %dma_wait3A_2342] : memref<1600x32x1024xf32, #tpu.memory_space<hbm>> -> memref<1x32x1024xf32, #tpu.memory_space<hbm>>
    tpu.wait_dma2 semaphore(%arg13 : memref<!tpu.dma_semaphore, #tpu.memory_space<semaphore_mem>>) src(%arg7 : memref<1x32x1024xf32, #tpu.memory_space<vmem>>) dst(%dma_wait3A_2343 : memref<1x32x1024xf32, #tpu.memory_space<hbm>>)
    %add3A_2344 = arith.constant 48 : i32
    %add3A_2345 = arith.addi %sub3A_21, %add3A_2344 : i32
    %get3A_2346 = arith.index_cast %add3A_2345 : i32 to index
    %get3A_2347 = tpu.vector_load %arg5[%get3A_2346] {strides = array<i32>} : memref<72xi32, #tpu.memory_space<vmem>>, vector<16xi32>,
    %get3A_2348 = vector.shape_cast %get3A_2347 : vector<16xi32> to vector<16xi32>
    %slice3A_2349 = vector.extract_strided_slice %get3A_2348 {offsets = [0], sizes = [1], strides = [1]} : vector<16xi32> to vector<1xi32>
    %squeeze3A_2350 = vector.extract %slice3A_2349[0] : i32 from vector<1xi32>
    %dma_start3A_2351 = arith.constant 0 : i32
    %dma_start3A_2352 = arith.constant 0 : i32
    %dma_start3A_2353 = tpu.memref_slice %arg2[%squeeze3A_2350, %dma_start3A_2351, %dma_start3A_2352] : memref<1600x32x1024xf32, #tpu.memory_space<hbm>> -> memref<1x32x1024xf32, #tpu.memory_space<hbm>>
    %dma_start3A_2354 = arith.constant 0 : i32
    %dma_start3A_2355 = arith.constant 0 : i32
    %dma_start3A_2356 = tpu.memref_slice %arg2[%squeeze3A_2350, %dma_start3A_2354, %dma_start3A_2355] : memref<1600x32x1024xf32, #tpu.memory_space<hbm>> -> memref<1x32x1024xf32, #tpu.memory_space<hbm>>
    tpu.enqueue_dma source(%dma_start3A_2356 : memref<1x32x1024xf32, #tpu.memory_space<hbm>>) target(%arg7 : memref<1x32x1024xf32, #tpu.memory_space<vmem>>) target_semaphore(%arg10 : memref<!tpu.dma_semaphore, #tpu.memory_space<semaphore_mem>>)
    %dma_wait3A_2357 = arith.constant 0 : i32
    %dma_wait3A_2358 = arith.constant 0 : i32
    %dma_wait3A_2359 = arith.constant 0 : i32
    %dma_wait3A_2360 = tpu.memref_slice %arg2[%dma_wait3A_2357, %dma_wait3A_2358, %dma_wait3A_2359] : memref<1600x32x1024xf32, #tpu.memory_space<hbm>> -> memref<1x32x1024xf32, #tpu.memory_space<hbm>>
    %dma_wait3A_2361 = arith.constant 0 : i32
    %dma_wait3A_2362 = arith.constant 0 : i32
    %dma_wait3A_2363 = arith.constant 0 : i32
    %dma_wait3A_2364 = tpu.memref_slice %arg2[%dma_wait3A_2361, %dma_wait3A_2362, %dma_wait3A_2363] : memref<1600x32x1024xf32, #tpu.memory_space<hbm>> -> memref<1x32x1024xf32, #tpu.memory_space<hbm>>
    tpu.wait_dma2 semaphore(%arg12 : memref<!tpu.dma_semaphore, #tpu.memory_space<semaphore_mem>>) src(%dma_wait3A_2364 : memref<1x32x1024xf32, #tpu.memory_space<hbm>>) dst(%arg9 : memref<1x32x1024xf32, #tpu.memory_space<vmem>>)
    %add3A_2365 = arith.constant 46 : i32
    %add3A_2366 = arith.addi %mul3A_2, %add3A_2365 : i32
    %dma_start3A_2367 = arith.constant 0 : i32
    %dma_start3A_2368 = arith.constant 0 : i32
    %dma_start3A_2369 = tpu.memref_slice %arg4[%add3A_2366, %dma_start3A_2367, %dma_start3A_2368] : memref<1600x32x1024xf32, #tpu.memory_space<hbm>> -> memref<1x32x1024xf32, #tpu.memory_space<hbm>>
    %dma_start3A_2370 = arith.constant 0 : i32
    %dma_start3A_2371 = arith.constant 0 : i32
    %dma_start3A_2372 = tpu.memref_slice %arg4[%add3A_2366, %dma_start3A_2370, %dma_start3A_2371] : memref<1600x32x1024xf32, #tpu.memory_space<hbm>> -> memref<1x32x1024xf32, #tpu.memory_space<hbm>>
    tpu.enqueue_dma source(%arg9 : memref<1x32x1024xf32, #tpu.memory_space<vmem>>) target(%dma_start3A_2372 : memref<1x32x1024xf32, #tpu.memory_space<hbm>>) target_semaphore(%arg15 : memref<!tpu.dma_semaphore, #tpu.memory_space<semaphore_mem>>)
    %dma_wait3A_2373 = arith.constant 0 : i32
    %dma_wait3A_2374 = arith.constant 0 : i32
    %dma_wait3A_2375 = tpu.memref_slice %arg4[%mul3A_2, %dma_wait3A_2373, %dma_wait3A_2374] : memref<1600x32x1024xf32, #tpu.memory_space<hbm>> -> memref<1x32x1024xf32, #tpu.memory_space<hbm>>
    %dma_wait3A_2376 = arith.constant 0 : i32
    %dma_wait3A_2377 = arith.constant 0 : i32
    %dma_wait3A_2378 = tpu.memref_slice %arg4[%mul3A_2, %dma_wait3A_2376, %dma_wait3A_2377] : memref<1600x32x1024xf32, #tpu.memory_space<hbm>> -> memref<1x32x1024xf32, #tpu.memory_space<hbm>>
    tpu.wait_dma2 semaphore(%arg14 : memref<!tpu.dma_semaphore, #tpu.memory_space<semaphore_mem>>) src(%arg8 : memref<1x32x1024xf32, #tpu.memory_space<vmem>>) dst(%dma_wait3A_2378 : memref<1x32x1024xf32, #tpu.memory_space<hbm>>)
    %add3A_2379 = arith.constant 49 : i32
    %add3A_2380 = arith.addi %sub3A_21, %add3A_2379 : i32
    %get3A_2381 = arith.index_cast %add3A_2380 : i32 to index
    %get3A_2382 = tpu.vector_load %arg5[%get3A_2381] {strides = array<i32>} : memref<72xi32, #tpu.memory_space<vmem>>, vector<16xi32>,
    %get3A_2383 = vector.shape_cast %get3A_2382 : vector<16xi32> to vector<16xi32>
    %slice3A_2384 = vector.extract_strided_slice %get3A_2383 {offsets = [0], sizes = [1], strides = [1]} : vector<16xi32> to vector<1xi32>
    %squeeze3A_2385 = vector.extract %slice3A_2384[0] : i32 from vector<1xi32>
    %dma_start3A_2386 = arith.constant 0 : i32
    %dma_start3A_2387 = arith.constant 0 : i32
    %dma_start3A_2388 = tpu.memref_slice %arg2[%squeeze3A_2385, %dma_start3A_2386, %dma_start3A_2387] : memref<1600x32x1024xf32, #tpu.memory_space<hbm>> -> memref<1x32x1024xf32, #tpu.memory_space<hbm>>
    %dma_start3A_2389 = arith.constant 0 : i32
    %dma_start3A_2390 = arith.constant 0 : i32
    %dma_start3A_2391 = tpu.memref_slice %arg2[%squeeze3A_2385, %dma_start3A_2389, %dma_start3A_2390] : memref<1600x32x1024xf32, #tpu.memory_space<hbm>> -> memref<1x32x1024xf32, #tpu.memory_space<hbm>>
    tpu.enqueue_dma source(%dma_start3A_2391 : memref<1x32x1024xf32, #tpu.memory_space<hbm>>) target(%arg8 : memref<1x32x1024xf32, #tpu.memory_space<vmem>>) target_semaphore(%arg11 : memref<!tpu.dma_semaphore, #tpu.memory_space<semaphore_mem>>)
    %dma_wait3A_2392 = arith.constant 0 : i32
    %dma_wait3A_2393 = arith.constant 0 : i32
    %dma_wait3A_2394 = arith.constant 0 : i32
    %dma_wait3A_2395 = tpu.memref_slice %arg2[%dma_wait3A_2392, %dma_wait3A_2393, %dma_wait3A_2394] : memref<1600x32x1024xf32, #tpu.memory_space<hbm>> -> memref<1x32x1024xf32, #tpu.memory_space<hbm>>
    %dma_wait3A_2396 = arith.constant 0 : i32
    %dma_wait3A_2397 = arith.constant 0 : i32
    %dma_wait3A_2398 = arith.constant 0 : i32
    %dma_wait3A_2399 = tpu.memref_slice %arg2[%dma_wait3A_2396, %dma_wait3A_2397, %dma_wait3A_2398] : memref<1600x32x1024xf32, #tpu.memory_space<hbm>> -> memref<1x32x1024xf32, #tpu.memory_space<hbm>>
    tpu.wait_dma2 semaphore(%arg10 : memref<!tpu.dma_semaphore, #tpu.memory_space<semaphore_mem>>) src(%dma_wait3A_2399 : memref<1x32x1024xf32, #tpu.memory_space<hbm>>) dst(%arg7 : memref<1x32x1024xf32, #tpu.memory_space<vmem>>)
    %add3A_2400 = arith.constant 48 : i32
    %add3A_2401 = arith.addi %mul3A_2, %add3A_2400 : i32
    %dma_start3A_2402 = arith.constant 0 : i32
    %dma_start3A_2403 = arith.constant 0 : i32
    %dma_start3A_2404 = tpu.memref_slice %arg4[%add3A_2401, %dma_start3A_2402, %dma_start3A_2403] : memref<1600x32x1024xf32, #tpu.memory_space<hbm>> -> memref<1x32x1024xf32, #tpu.memory_space<hbm>>
    %dma_start3A_2405 = arith.constant 0 : i32
    %dma_start3A_2406 = arith.constant 0 : i32
    %dma_start3A_2407 = tpu.memref_slice %arg4[%add3A_2401, %dma_start3A_2405, %dma_start3A_2406] : memref<1600x32x1024xf32, #tpu.memory_space<hbm>> -> memref<1x32x1024xf32, #tpu.memory_space<hbm>>
    tpu.enqueue_dma source(%arg7 : memref<1x32x1024xf32, #tpu.memory_space<vmem>>) target(%dma_start3A_2407 : memref<1x32x1024xf32, #tpu.memory_space<hbm>>) target_semaphore(%arg13 : memref<!tpu.dma_semaphore, #tpu.memory_space<semaphore_mem>>)
    %dma_wait3A_2408 = arith.constant 0 : i32
    %dma_wait3A_2409 = arith.constant 0 : i32
    %dma_wait3A_2410 = arith.constant 0 : i32
    %dma_wait3A_2411 = tpu.memref_slice %arg2[%dma_wait3A_2408, %dma_wait3A_2409, %dma_wait3A_2410] : memref<1600x32x1024xf32, #tpu.memory_space<hbm>> -> memref<1x32x1024xf32, #tpu.memory_space<hbm>>
    %dma_wait3A_2412 = arith.constant 0 : i32
    %dma_wait3A_2413 = arith.constant 0 : i32
    %dma_wait3A_2414 = arith.constant 0 : i32
    %dma_wait3A_2415 = tpu.memref_slice %arg2[%dma_wait3A_2412, %dma_wait3A_2413, %dma_wait3A_2414] : memref<1600x32x1024xf32, #tpu.memory_space<hbm>> -> memref<1x32x1024xf32, #tpu.memory_space<hbm>>
    tpu.wait_dma2 semaphore(%arg11 : memref<!tpu.dma_semaphore, #tpu.memory_space<semaphore_mem>>) src(%dma_wait3A_2415 : memref<1x32x1024xf32, #tpu.memory_space<hbm>>) dst(%arg8 : memref<1x32x1024xf32, #tpu.memory_space<vmem>>)
    %add3A_2416 = arith.constant 49 : i32
    %add3A_2417 = arith.addi %mul3A_2, %add3A_2416 : i32
    %dma_start3A_2418 = arith.constant 0 : i32
    %dma_start3A_2419 = arith.constant 0 : i32
    %dma_start3A_2420 = tpu.memref_slice %arg4[%add3A_2417, %dma_start3A_2418, %dma_start3A_2419] : memref<1600x32x1024xf32, #tpu.memory_space<hbm>> -> memref<1x32x1024xf32, #tpu.memory_space<hbm>>
    %dma_start3A_2421 = arith.constant 0 : i32
    %dma_start3A_2422 = arith.constant 0 : i32
    %dma_start3A_2423 = tpu.memref_slice %arg4[%add3A_2417, %dma_start3A_2421, %dma_start3A_2422] : memref<1600x32x1024xf32, #tpu.memory_space<hbm>> -> memref<1x32x1024xf32, #tpu.memory_space<hbm>>
    tpu.enqueue_dma source(%arg8 : memref<1x32x1024xf32, #tpu.memory_space<vmem>>) target(%dma_start3A_2423 : memref<1x32x1024xf32, #tpu.memory_space<hbm>>) target_semaphore(%arg14 : memref<!tpu.dma_semaphore, #tpu.memory_space<semaphore_mem>>)
    %dma_wait3A_2424 = arith.constant 0 : i32
    %dma_wait3A_2425 = arith.constant 0 : i32
    %dma_wait3A_2426 = tpu.memref_slice %arg4[%mul3A_2, %dma_wait3A_2424, %dma_wait3A_2425] : memref<1600x32x1024xf32, #tpu.memory_space<hbm>> -> memref<1x32x1024xf32, #tpu.memory_space<hbm>>
    %dma_wait3A_2427 = arith.constant 0 : i32
    %dma_wait3A_2428 = arith.constant 0 : i32
    %dma_wait3A_2429 = tpu.memref_slice %arg4[%mul3A_2, %dma_wait3A_2427, %dma_wait3A_2428] : memref<1600x32x1024xf32, #tpu.memory_space<hbm>> -> memref<1x32x1024xf32, #tpu.memory_space<hbm>>
    tpu.wait_dma2 semaphore(%arg15 : memref<!tpu.dma_semaphore, #tpu.memory_space<semaphore_mem>>) src(%arg9 : memref<1x32x1024xf32, #tpu.memory_space<vmem>>) dst(%dma_wait3A_2429 : memref<1x32x1024xf32, #tpu.memory_space<hbm>>)
    %dma_wait3A_2430 = arith.constant 0 : i32
    %dma_wait3A_2431 = arith.constant 0 : i32
    %dma_wait3A_2432 = tpu.memref_slice %arg4[%mul3A_2, %dma_wait3A_2430, %dma_wait3A_2431] : memref<1600x32x1024xf32, #tpu.memory_space<hbm>> -> memref<1x32x1024xf32, #tpu.memory_space<hbm>>
    %dma_wait3A_2433 = arith.constant 0 : i32
    %dma_wait3A_2434 = arith.constant 0 : i32
    %dma_wait3A_2435 = tpu.memref_slice %arg4[%mul3A_2, %dma_wait3A_2433, %dma_wait3A_2434] : memref<1600x32x1024xf32, #tpu.memory_space<hbm>> -> memref<1x32x1024xf32, #tpu.memory_space<hbm>>
    tpu.wait_dma2 semaphore(%arg13 : memref<!tpu.dma_semaphore, #tpu.memory_space<semaphore_mem>>) src(%arg7 : memref<1x32x1024xf32, #tpu.memory_space<vmem>>) dst(%dma_wait3A_2435 : memref<1x32x1024xf32, #tpu.memory_space<hbm>>)
    %dma_wait3A_2436 = arith.constant 0 : i32
    %dma_wait3A_2437 = arith.constant 0 : i32
    %dma_wait3A_2438 = tpu.memref_slice %arg4[%mul3A_2, %dma_wait3A_2436, %dma_wait3A_2437] : memref<1600x32x1024xf32, #tpu.memory_space<hbm>> -> memref<1x32x1024xf32, #tpu.memory_space<hbm>>
    %dma_wait3A_2439 = arith.constant 0 : i32
    %dma_wait3A_2440 = arith.constant 0 : i32
    %dma_wait3A_2441 = tpu.memref_slice %arg4[%mul3A_2, %dma_wait3A_2439, %dma_wait3A_2440] : memref<1600x32x1024xf32, #tpu.memory_space<hbm>> -> memref<1x32x1024xf32, #tpu.memory_space<hbm>>
    tpu.wait_dma2 semaphore(%arg14 : memref<!tpu.dma_semaphore, #tpu.memory_space<semaphore_mem>>) src(%arg8 : memref<1x32x1024xf32, #tpu.memory_space<vmem>>) dst(%dma_wait3A_2441 : memref<1x32x1024xf32, #tpu.memory_space<hbm>>)
    %dma_wait3A_2442 = arith.constant 0 : i32
    %dma_wait3A_2443 = arith.constant 0 : i32
    %dma_wait3A_2444 = arith.constant 0 : i32
    %dma_wait3A_2445 = tpu.memref_slice %arg4[%mul3A_2, %dma_wait3A_2443, %dma_wait3A_2444] : memref<1600x32x1024xf32, #tpu.memory_space<hbm>> -> memref<1x16x1024xf32, #tpu.memory_space<hbm>>
    %dma_wait3A_2446 = arith.constant 0 : i32
    %dma_wait3A_2447 = arith.constant 0 : i32
    %dma_wait3A_2448 = arith.constant 0 : i32
    %dma_wait3A_2449 = tpu.memref_slice %arg6[%arg1, %dma_wait3A_2442, %dma_wait3A_2446, %dma_wait3A_2447, %dma_wait3A_2448] : memref<16x1x1x16x1024xf32, #tpu.memory_space<vmem_shared>> -> memref<1x1x1x16x1024xf32, #tpu.memory_space<vmem_shared>>
    %dma_wait3A_2450 = tpu.memref_squeeze %dma_wait3A_2449 : memref<1x1x1x16x1024xf32, #tpu.memory_space<vmem_shared>> -> memref<1x16x1024xf32, #tpu.memory_space<vmem_shared>>
    tpu.wait_dma2 semaphore(%arg17 : memref<!tpu.dma_semaphore, #tpu.memory_space<semaphore_mem>>) src(%dma_wait3A_2450 : memref<1x16x1024xf32, #tpu.memory_space<vmem_shared>>) dst(%dma_wait3A_2445 : memref<1x16x1024xf32, #tpu.memory_space<hbm>>)
    return
  }
}

</mosaic_0001>

<sc_bundles>
// kernel: kernel.3.cloned.1.call-start
scs
__scs_entry_jumppad:
0x0: {  	(pc) =	sbr.rel $0x88, $3  }
0x1: {  	(tag) =	ssettag $0x0;
	lr =	simm.s32 $0x1  }
0x2: {  	[smem:$0x3F9F] =	sst lr;
	_ =	strace $0xD0000000  }
0x3: {  	_ = 	snop  }
0x4: {  	_ = 	snop  }
0x5: {  	_ = 	snop  }
0x6: {  	_ = 	snop  }
0x7: {  	_ = 	snop  }
__scs_overlays_trampoline_lowered:
0x8: {  	[smem:$0x3FAE] =	sst s0  }
0x9: {  	[smem:$0x3FAF] =	sst s1  }
0xa: {  	[smem:$0x3FB0] =	sst s2  }
0xb: {  	[smem:$0x3FB1] =	sst s3  }
0xc: {  	[smem:$0x3FB2] =	sst s4  }
0xd: {  	[smem:$0x3FB3] =	sst s5  }
0xe: {  	[smem:$0x3FB4] =	sst s6  }
0xf: {  	[smem:$0x3FB5] =	sst s7  }
0x10: {  	[smem:$0x3FB6] =	sst s8  }
0x11: {  	[smem:$0x3FB7] =	sst s9;
	s0 =	simm.s32 @!p0 $0x0  }
0x12: {  	s1 =	sld [smem:$0x3F9D];
	s0 =	simm.s32 @p0 $0x1  }
0x13: {  	[smem:$0x3FB8] =	sst s0;
	s0 =	simm.s32 @!p1 $0x0  }
0x14: {  	s2 =	sld [smem:$0x3F9C];
	s0 =	simm.s32 @p1 $0x1  }
0x15: {  	[smem:$0x3FB9] =	sst s0;
	s0 =	simm.s32 @!p2 $0x0  }
0x16: {  	s3 =	sld [smem:$0x3FDB];
	s0 =	simm.s32 @p2 $0x1  }
0x17: {  	s4 =	simm.s32 $0x1BF5;
	[smem:$0x3FBB] =	sst s0  }
0x18: {  	s0 =	sld [smem:$0x3F9E];
	_ =	swait.ge [sflag:s4], $0x0  }
0x19: {  	s7 =	sld [smem:$0x3F9F]  }
0x1a: {  	s8 =	sadd.s32 $0xFFFFE003, lr  }
0x1b: {  	s9 =	sadd.s32 $0xFFFFFEF7, lr;
	s5 =	simm.s32 $0xFFFFFFFF;
	p2 =	slt.u32 s8, $0xFFFFF086  }
0x1c: {  	p1 =	slt.u32 s9, $0xF7A;
	s5 =	simm.s32 @!p2 $0x0  }
0x1d: {  	s5 =	simm.s32 @p1 $0x1;
	p0 =	seq.s32 s7, s2  }
0x1e: {  	s7 =	smul.u32 @!p0 $0xF7A, s2;
	p2 =	seq.s32 @!p0 s5, $0x0  }
0x1f: {  	s9 =	smul.u32 $0xF7A, s1;
	s8 =	simm.s32 @!p0 $0x1BF5;
	p2 =	por !p2, p0  }
0x20: {  	[sflag:s8] =	ssyncset.s32 @!p0 $0xFFFFF086;
	s6 =	sadd.s32 @!p0 s3, s7;
	s7 =	simm.s32 @!p0 $0x108  }
0x21: {  	s3 =	sadd.s32 s3, s9;
	s6 =	sadd.s32 @!p0 $0x88, s6;
	s7 =	simm.s32 @p2 $0x1082  }
0x22: {  	[simem:s7], [sflag:s8] =	dma.local @!p0 [hbm:s6], $0xF7A  }
0x23: {  	s9 =	sor.u32 $0xD0000000, s2;
	s6 =	simm.s32 $0x108;
	_ =	swait.ge @!p0 [sflag:s8], $0x0  }
0x24: {  	s3 =	sadd.s32 $0x88, s3;
	s6 =	simm.s32 @!p1 $0x1082;
	[sflag:s4] =	ssyncset.s32 $0xFFFFF086  }
0x25: {  	[simem:s6], [sflag:s4] =	dma.local [hbm:s3], $0xF7A  }
0x26: {  	[smem:$0x3F9F] =	sst s1;
	(tag) =	ssettag s2;
	_ =	strace s9  }
0x27: {  	s1 =	sld [smem:$0x3FAF]  }
0x28: {  	s2 =	sld [smem:$0x3FB0]  }
0x29: {  	s4 =	sld [smem:$0x3FB2]  }
0x2a: {  	p0 =	seq.s32 s5, $0x0;
	s5 =	sld [smem:$0x3FB3]  }
0x2b: {  	s6 =	sld [smem:$0x3FB4]  }
0x2c: {  	s7 =	sld [smem:$0x3FB5]  }
0x2d: {  	s3 =	simm.s32 $0x108;
	s8 =	sld [smem:$0x3FB6]  }
0x2e: {  	s3 =	simm.s32 @!p0 $0x1082;
	s9 =	sld [smem:$0x3FB7]  }
0x2f: {  	lr =	sadd.s32 s0, s3;
	s0 =	sld [smem:$0x3FAE]  }
0x30: {  	s3 =	sld [smem:$0x3FB1]  }
0x31: {  	[smem:$0x3FBA] =	sst s10  }
0x32: {  	s10 =	sld [smem:$0x3FB8];
	_ =	sdelay $0x3  }
0x33: {  	p0 =	seq.s32 s10, $0x1;
	s10 =	sld [smem:$0x3FBA];
	_ =	sdelay $0x3  }
0x34: {  	[smem:$0x3FBA] =	sst s10  }
0x35: {  	s10 =	sld [smem:$0x3FB9];
	_ =	sdelay $0x3  }
0x36: {  	p1 =	seq.s32 s10, $0x1;
	s10 =	sld [smem:$0x3FBA];
	_ =	sdelay $0x3  }
0x37: {  	[smem:$0x3FBA] =	sst s10  }
0x38: {  	s10 =	sld [smem:$0x3FBB]  }
0x39: {  	_ = 	snop;
	(pc) =	sbr.ind lr, $3  }
0x3a: {  	_ = 	snop  }
0x3b: {  	_ = 	snop  }
0x3c: {  	p2 =	seq.s32 s10, $0x1;
	s10 =	sld [smem:$0x3FBA]  }
0x3d: {  	_ =	shalt  }
0x3e: {  	_ =	shalt  }
0x3f: {  	_ =	shalt  }
0x40: {  	_ =	shalt  }
0x41: {  	_ =	shalt  }
0x42: {  	_ =	shalt  }
0x43: {  	_ =	shalt  }
0x44: {  	_ =	shalt  }
0x45: {  	_ =	shalt  }
0x46: {  	_ =	shalt  }
0x47: {  	_ =	shalt  }
0x48: {  	_ =	shalt  }
0x49: {  	_ =	shalt  }
0x4a: {  	_ =	shalt  }
0x4b: {  	_ =	shalt  }
0x4c: {  	_ =	shalt  }
0x4d: {  	_ =	shalt  }
0x4e: {  	_ =	shalt  }
0x4f: {  	_ =	shalt  }
0x50: {  	_ =	shalt  }
0x51: {  	_ =	shalt  }
0x52: {  	_ =	shalt  }
0x53: {  	_ =	shalt  }
0x54: {  	_ =	shalt  }
0x55: {  	_ =	shalt  }
0x56: {  	_ =	shalt  }
0x57: {  	_ =	shalt  }
0x58: {  	_ =	shalt  }
0x59: {  	_ =	shalt  }
0x5a: {  	_ =	shalt  }
0x5b: {  	_ =	shalt  }
0x5c: {  	_ =	shalt  }
0x5d: {  	_ =	shalt  }
0x5e: {  	_ =	shalt  }
0x5f: {  	_ =	shalt  }
0x60: {  	_ =	shalt  }
0x61: {  	_ =	shalt  }
0x62: {  	_ =	shalt  }
0x63: {  	_ =	shalt  }
0x64: {  	_ =	shalt  }
0x65: {  	_ =	shalt  }
0x66: {  	_ =	shalt  }
0x67: {  	_ =	shalt  }
0x68: {  	_ =	shalt  }
0x69: {  	_ =	shalt  }
0x6a: {  	_ =	shalt  }
0x6b: {  	_ =	shalt  }
0x6c: {  	_ =	shalt  }
0x6d: {  	_ =	shalt  }
0x6e: {  	_ =	shalt  }
0x6f: {  	_ =	shalt  }
0x70: {  	_ =	shalt  }
0x71: {  	_ =	shalt  }
0x72: {  	_ =	shalt  }
0x73: {  	_ =	shalt  }
0x74: {  	_ =	shalt  }
0x75: {  	_ =	shalt  }
0x76: {  	_ =	shalt  }
0x77: {  	_ =	shalt  }
0x78: {  	_ =	shalt  }
0x79: {  	_ =	shalt  }
0x7a: {  	_ =	shalt  }
0x7b: {  	_ =	shalt  }
0x7c: {  	_ =	shalt  }
0x7d: {  	_ =	shalt  }
0x7e: {  	_ =	shalt  }
0x7f: {  	_ =	shalt  }
0x80: {  	_ =	shalt  }
0x81: {  	_ =	shalt  }
0x82: {  	_ =	shalt  }
0x83: {  	_ =	shalt  }
0x84: {  	_ =	shalt  }
0x85: {  	_ =	shalt  }
0x86: {  	_ =	shalt  }
0x87: {  	_ =	shalt  }
.Lfunc_end0:
.L_simem_size_0:
called_computation_lowered:
.L_overlay_start_0:
0x88: {  	s2 =	sld [smem:$0x3FD9]  }
0x89: {  	s3 =	sld [smem:$0x3FFE];
	_ =	sdelay $0x1  }
0x8a: {  	s1 =	srdreg.scid  }
0x8b: {  	s0 =	sand.u32 $0x1, s1  }
0x8c: {  	s18 =	sshll.u32 s0, $0xA;
	s2 =	sadd.s32 s3, s2  }
0x8d: {  	s2 =	sadd.s32 s2, s18  }
0x8e: {  	[smem:$0x3FC6] =	sst s2  }
0x8f: {  	_ = 	snop  }
0x90: {  	s2 =	sld [smem:$0x3FC9]  }
0x91: {  	s19 =	sld [smem:$0x3FC8]  }
0x92: {  	s4 =	sld [smem:$0x3FD0];
	(tm) =	ssettm $0x1  }
0x93: {  	s5 =	sld [smem:$0x3FFB];
	_ =	sdelay $0x3  }
0x94: {  	_ =	strace s5  }
0x95: {  	s5 =	sld [smem:$0x3FFC];
	_ =	sdelay $0x3  }
0x96: {  	_ =	strace s5  }
0x97: {  	s5 =	sld [smem:$0x3FFD];
	_ =	sdelay $0x3  }
0x98: {  	_ =	strace s5  }
0x99: {  	_ =	strace $0x8FFFFFFF  }
0x9a: {  	s20 =	sld [smem:$0x3FDB];
	_ =	sdelay $0x1  }
0x9b: {  	s6 =	simm.s32 $_scs_section_size  }
0x9c: {  	s7 =	simm.s32 $_size__tile_overlayer_lowered;
	s8 =	simm.s32 $_tile_overlayer_lowered  }
0x9d: {  	s23 =	simm.s32 $0x1BFF;
	s22 =	sshll.u32 s8, $0x1;
	s5 =	sadd.s32 s6, s20  }
0x9e: {  	s9 =	simm.s32 $0x0;
	s21 =	sshll.u32 s7, $0x1;
	s7 =	sadd.s32 s22, s5  }
0x9f: {  	[timem:s9], [sflag:s23] =	dma.local [hbm:s7], s21  }
0xa0: {  	_ =	swait.ge [sflag:s23], s21  }
0xa1: {  	s6 =	ssub.s32 $0x0, s21;
	[sflag:s23] =	ssyncset.done $0x0  }
0xa2: {  	[sflag:s23] =	ssyncadd.s32 s6;
	_ =	sdelay $0x1  }
0xa3: {  	s24 =	simm.s32 $0x1B8B  }
0xa4: {  	_ =	swait.ge [sflag:s24], $0x1  }
0xa5: {  	[sflag:s24] =	ssyncset.done $0x0  }
0xa6: {  	s25 =	simm.s32 $0x1B8E;
	[sflag:s24] =	ssyncadd.s32 $0xFFFFFFFF  }
0xa7: {  	s26 =	simm.s32 $execute0_lowered;
	[smem:$0x3FD2] =	sst s25  }
0xa8: {  	s6 =	sshll.u32 s26, $0x1;
	_ =	strace $0x80000046;
	[dreg:$0x1] =	wrdreg $0xFFFFFFFF  }
0xa9: {  	s28 =	simm.s32 $_size_execute0_lowered;
	s5 =	sadd.s32 s5, s6;
	[dreg:$0x0] =	wrdreg $0x0  }
0xaa: {  	s6 =	sshll.u32 s28, $0x1;
	[dreg:$0x2] =	wrdreg s5  }
0xab: {  	[dreg:$0x3] =	wrdreg s6  }
0xac: {  	[dreg:$0x4] =	wrdreg $0xC0  }
0xad: {  	_ =	task [dreg:s9], $0x5FFFF  }
0xae: {  	[dreg:$0x1] =	wrdreg $0xFFFFFFFF  }
0xaf: {  	[dreg:$0x0] =	wrdreg $0x60  }
0xb0: {  	[dreg:$0x2] =	wrdreg s2  }
0xb1: {  	[dreg:$0x3] =	wrdreg s19  }
0xb2: {  	[dreg:$0x4] =	wrdreg s4  }
0xb3: {  	[dreg:$0x5] =	wrdreg $0x800  }
0xb4: {  	[dreg:$0x6] =	wrdreg $0x9  }
0xb5: {  	_ =	task.clear_ibuf [dreg:s9], $0x7FFFF;
	_ =	strace $0x90000046  }
0xb6: {  	s29 =	simm.s32 $0x9;
	_ =	strace $0x80000048  }
0xb7: {  	_ =	swait.ge [sflag:s29], $0x1  }
0xb8: {  	[sflag:s29] =	ssyncadd.s32 $0xFFFFFFFF  }
0xb9: {  	_ =	strace $0x90000048  }
0xba: {  	_ =	sfence  }
0xbb: {  	s30 =	sld [smem:$0x0];
	_ =	sdelay $0x2  }
0xbc: {  	s31 =	sshll.u32 s1, $0xD;
	s1 =	sshrl.u32 s1, $0x2  }
0xbd: {  	s3 =	sand.u32 $0x4000, s31;
	s1 =	sadd.s32 s1, s30  }
0xbe: {  	s0 =	sor.u32 s3, s0;
	s1 =	sshll.u32 s1, $0x11  }
0xbf: {  	s0 =	sor.u32 s1, s0  }
0xc0: {  	s0 =	sadd.s32 $0x8F2B, s0  }
0xc1: {  	[sflag:s0] =	ssyncadd.remote.s32 $0x1  }
0xc2: {  	_ =	sfence.sel $0xFFFF  }
0xc3: {  	[dreg:$0x0] =	wrdreg $0xFFFFFFFF;
	(pc) =	sbr.abs _section_cstart, $3  }
0xc4: {  	[dreg:$0x1] =	wrdreg $0xFFFFFFFF  }
0xc5: {  	_ =	task.clear_ibuf [dreg:s9], $0x2FFFF;
	_ =	strace $0x9FFFFFFF  }
0xc6: {  	(tm) =	ssettm $0x7FFFFFFF  }
0xc7: {  	_ =	shalt  }
tec
execute0_lowered:
.L_overlay_start_1:
0x0: {  	(tag) =	ssettag $0x1  }
0x1: {  	s2 =	srdreg.scid;
	s0 =	stileid.u32  }
0x2: {  	s8 =	sand.u32 $0x1, s2;
	s10 =	sshll.u32 s0, $0x1  }
0x3: {  	s1 =	rddreg [dreg:$0x0];
	s9 =	sor.u32 s8, s10  }
0x4: {  	s4 =	rddreg [dreg:$0x1];
	s5 =	smul.u32 $0x32, s9  }
0x5: {  	s6 =	rddreg [dreg:$0x3];
	s7 =	smul.u32 $0x190000, s9  }
0x6: {  	s3 =	simm.s32 $0x0;
	s2 =	rddreg [dreg:$0x4]  }
0x7: {  	s10 =	rddreg [dreg:$0x2];
	s11 =	sshrl.u32 s5, $0x3;
	s7 =	sshrl.u32 s7, $0x3  }
0x8: {  	[smem:$0x7FF] =	sst s3;
	s4 =	sadd.s32 s4, s11;
	s7 =	sadd.s32 s10, s7  }
0x9: {  	_ =	strace $0x80000047;
	[dreg:$0x5] =	wrdreg s4;
	s11 =	sadd.s32 $0x3000, s7  }
0xa: {  	s12 =	sadd.s32 $0x3800, s7;
	[dreg:$0x6] =	wrdreg s11  }
0xb: {  	s13 =	sadd.s32 $0x7000, s7;
	[dreg:$0x7] =	wrdreg s12  }
0xc: {  	s15 =	sadd.s32 $0x7800, s7;
	[dreg:$0x8] =	wrdreg s13  }
0xd: {  	s16 =	sadd.s32 $0x2000, s7;
	[dreg:$0xa] =	wrdreg s15  }
0xe: {  	s17 =	sadd.s32 $0xB000, s7;
	[dreg:$0xb] =	wrdreg s16  }
0xf: {  	s18 =	sadd.s32 $0x4000, s7;
	[dreg:$0xc] =	wrdreg s17  }
0x10: {  	s19 =	sadd.s32 $0xB800, s7;
	[dreg:$0xd] =	wrdreg s18  }
0x11: {  	s20 =	sadd.s32 $0x5000, s7;
	[dreg:$0xe] =	wrdreg s19  }
0x12: {  	s21 =	sadd.s32 $0xF000, s7;
	[dreg:$0xf] =	wrdreg s20  }
0x13: {  	s22 =	sadd.s32 $0x6000, s7;
	[dreg:$0x10] =	wrdreg s21  }
0x14: {  	s23 =	sadd.s32 $0xF800, s7;
	[dreg:$0x11] =	wrdreg s22  }
0x15: {  	s24 =	sadd.s32 $0x8000, s7;
	[dreg:$0x12] =	wrdreg s23  }
0x16: {  	s25 =	sadd.s32 $0x13000, s7;
	[dreg:$0x13] =	wrdreg s24  }
0x17: {  	s26 =	sadd.s32 $0x9000, s7;
	[dreg:$0x14] =	wrdreg s25  }
0x18: {  	s28 =	sadd.s32 $0x13800, s7;
	[dreg:$0x15] =	wrdreg s26  }
0x19: {  	s29 =	sadd.s32 $0xA000, s7;
	[dreg:$0x16] =	wrdreg s28  }
0x1a: {  	s9 =	smul.u32 $0x32000, s9;
	s30 =	sadd.s32 $0x17000, s7;
	[dreg:$0x17] =	wrdreg s29  }
0x1b: {  	s31 =	sadd.s32 $0xC000, s7;
	[dreg:$0x18] =	wrdreg s30  }
0x1c: {  	s4 =	sadd.s32 s10, s9;
	s10 =	sadd.s32 $0x17800, s7;
	[dreg:$0x19] =	wrdreg s31  }
0x1d: {  	s14 =	sadd.s32 $0x1000, s4;
	[dreg:$0x1a] =	wrdreg s10  }
0x1e: {  	s11 =	sadd.s32 $0xD000, s7;
	[dreg:$0x9] =	wrdreg s14  }
0x1f: {  	s12 =	sadd.s32 $0x1B000, s7;
	[dreg:$0x1b] =	wrdreg s11  }
0x20: {  	s13 =	sadd.s32 $0xE000, s7;
	[dreg:$0x1c] =	wrdreg s12  }
0x21: {  	s15 =	sadd.s32 $0x10000, s7;
	[dreg:$0x1d] =	wrdreg s13  }
0x22: {  	s16 =	sadd.s32 $0x1F000, s7;
	[dreg:$0x1f] =	wrdreg s15  }
0x23: {  	s17 =	sadd.s32 $0x11000, s7;
	[smem:$0x7DB] =	sst s16  }
0x24: {  	s18 =	sadd.s32 $0x1F800, s7;
	[smem:$0x7DC] =	sst s17  }
0x25: {  	s19 =	sadd.s32 $0x12000, s7;
	[smem:$0x7DD] =	sst s18  }
0x26: {  	s20 =	sadd.s32 $0x23000, s7;
	[smem:$0x7DE] =	sst s19  }
0x27: {  	s21 =	sadd.s32 $0x14000, s7;
	[smem:$0x7DF] =	sst s20  }
0x28: {  	s22 =	sadd.s32 $0x23800, s7;
	[smem:$0x7E0] =	sst s21  }
0x29: {  	s23 =	sadd.s32 $0x15000, s7;
	[smem:$0x7E1] =	sst s22  }
0x2a: {  	s24 =	sadd.s32 $0x27000, s7;
	[smem:$0x7E2] =	sst s23  }
0x2b: {  	s25 =	sadd.s32 $0x16000, s7;
	[smem:$0x7E3] =	sst s24  }
0x2c: {  	s26 =	sadd.s32 $0x27800, s7;
	[smem:$0x7E4] =	sst s25  }
0x2d: {  	s28 =	sadd.s32 $0x18000, s7;
	[smem:$0x7E5] =	sst s26  }
0x2e: {  	s29 =	sadd.s32 $0x2B000, s7;
	[smem:$0x7E6] =	sst s28  }
0x2f: {  	s30 =	sadd.s32 $0x19000, s7;
	[smem:$0x7E7] =	sst s29  }
0x30: {  	s31 =	sadd.s32 $0x2B800, s7;
	[smem:$0x7E8] =	sst s30  }
0x31: {  	s10 =	sadd.s32 $0x1A000, s7;
	[smem:$0x7E9] =	sst s31  }
0x32: {  	s14 =	sadd.s32 $0x1B800, s7;
	[smem:$0x7EA] =	sst s10  }
0x33: {  	s11 =	sadd.s32 $0x2F000, s7;
	[dreg:$0x1e] =	wrdreg s14  }
0x34: {  	s12 =	sadd.s32 $0x1C000, s7;
	[smem:$0x7EB] =	sst s11  }
0x35: {  	s13 =	sadd.s32 $0x2F800, s7;
	[smem:$0x7EC] =	sst s12  }
0x36: {  	s15 =	sadd.s32 $0x1E000, s7;
	[smem:$0x7ED] =	sst s13  }
0x37: {  	s16 =	sadd.s32 $0x20000, s7;
	[smem:$0x7EF] =	sst s15  }
0x38: {  	s17 =	sadd.s32 $0x21000, s7;
	[smem:$0x7F0] =	sst s16  }
0x39: {  	s18 =	sadd.s32 $0x22000, s7;
	[smem:$0x7F1] =	sst s17  }
0x3a: {  	s19 =	sadd.s32 $0x24000, s7;
	[smem:$0x7F2] =	sst s18  }
0x3b: {  	s20 =	sadd.s32 $0x25000, s7;
	[smem:$0x7F3] =	sst s19  }
0x3c: {  	s8 =	ssub.s32 $0x2, s8;
	s21 =	sadd.s32 $0x26000, s7;
	[smem:$0x7F4] =	sst s20  }
0x3d: {  	s5 =	sand.u32 $0x6, s5;
	s22 =	sadd.s32 $0x28000, s7;
	[smem:$0x7F5] =	sst s21  }
0x3e: {  	s9 =	simm.s32 $0x4080;
	s23 =	sadd.s32 $0x29000, s7;
	[smem:$0x7F6] =	sst s22  }
0x3f: {  	s24 =	sshrl.u32 s8, $0x1;
	s25 =	sadd.s32 $0x2A000, s7;
	[smem:$0x7F7] =	sst s23  }
0x40: {  	s26 =	sadd.s32 $0x2C000, s7;
	s28 =	sadd.s32 $0x2D000, s7;
	[smem:$0x7F8] =	sst s25  }
0x41: {  	s29 =	sshll.u32 s0, $0xE;
	s30 =	sadd.s32 $0x2E000, s7;
	[smem:$0x7F9] =	sst s26  }
0x42: {  	s31 =	sadd.s32 $0x30000, s7;
	s14 =	sadd.s32 $0x1D000, s7;
	[smem:$0x7FA] =	sst s28  }
0x43: {  	s8 =	ssub.s32 s8, s24;
	s10 =	sadd.s32 s29, s6;
	[smem:$0x7FB] =	sst s30  }
0x44: {  	s6 =	sadd.s32 $0x800, s1;
	[smem:$0x7FC] =	sst s31;
	s7 =	sadd.s32 $0x31000, s7  }
0x45: {  	s11 =	simm.s32 $0x7;
	s12 =	simm.s32 $0xC080;
	s13 =	simm.s32 $0x8  }
0x46: {  	s15 =	simm.s32 $0x14080;
	s16 =	simm.s32 $0x2;
	s17 =	simm.s32 $0x4  }
0x47: {  	s18 =	simm.s32 $0x3;
	s19 =	simm.s32 $0x5;
	[smem:$0x7EE] =	sst s14  }
0x48: {  	s20 =	simm.s32 $0x6;
	[smem:$0x7FD] =	sst s7;
	s7 =	smax.u32 s8, $0x1  }
0x49: {  	s8 =	simm.s32 $0x9;
	s10 =	sshrl.u32 s10, $0x3;
	s14 =	simm.s32 $0x1  }
.LBB2_1:
0x4a: {  	s21 =	rddreg [dreg:$0x5]  }
0x4b: {  	[tilespmem:s3], [sflag:$0x9] =	stream.linear.gather [hbm4b:s21+s3], $0x38, $0x38;
	[tilespmem:$0x1C080] =	vst v63  }
0x4c: {  	_ =	swait.ge [sflag:s8], $0x38  }
0x4d: {  	[sflag:s8] =	ssyncset.done $0x0  }
0x4e: {  	[sflag:s8] =	ssyncadd.s32 $0xFFFFFFC8  }
0x4f: {  	v0 =	vld [tilespmem:s5+$0x0];
	_ =	sdelay $0x4  }
0x50: {  	(v2sf) =	vpush v0, $0x0;
	_ =	sdelay $0xe  }
0x51: {  	s28 =	spop (v2sf)  }
0x52: {  	s21 =	sshll.u32 s28, $0xC  }
0x53: {  	s21 =	sand.u32 $0x1FFFF000, s21  }
0x54: {  	s21 =	sadd.s32 s1, s21  }
0x55: {  	[tilespmem:s9], [sflag:$0x1] =	stream.linear.gather [hbm4b:s21+s3], $0x8000, $0x38;
	[tilespmem:$0x1C080] =	vst v63  }
0x56: {  	v63 =	vld [tilespmem:s5+$0x3];
	_ =	sdelay $0x4  }
0x57: {  	(v2sf) =	vpush v63, $0x0;
	_ =	sdelay $0xe  }
0x58: {  	s29 =	spop (v2sf)  }
0x59: {  	s21 =	sshll.u32 s29, $0xC  }
0x5a: {  	s22 =	sshll.u32 s0, $0x6;
	s21 =	sand.u32 $0x1FFFF000, s21  }
0x5b: {  	s23 =	sadd.s32 s1, s21;
	s21 =	sor.u32 $0x1C07, s22  }
0x5c: {  	[spmem:s10], [sflag:s21] =	dma.local [hbm:s23], $0x800  }
0x5d: {  	_ =	swait.ge [sflag:s11], $0x800  }
0x5e: {  	[sflag:s11] =	ssyncset.done $0x0  }
0x5f: {  	s22 =	sor.u32 $0x1C08, s22;
	s30 =	rddreg [dreg:$0x6];
	[sflag:s11] =	ssyncadd.s32 $0xFFFFF800  }
0x60: {  	[hbm:s30], [sflag:s22] =	dma.local [spmem:s10], $0x800  }
0x61: {  	v4 =	vld [tilespmem:s5+$0x1];
	_ =	sdelay $0x4  }
0x62: {  	(v2sf) =	vpush v4, $0x0;
	_ =	sdelay $0xe  }
0x63: {  	s23 =	spop (v2sf)  }
0x64: {  	s23 =	sshll.u32 s23, $0xC  }
0x65: {  	s23 =	sand.u32 $0x1FFFF000, s23  }
0x66: {  	s23 =	sadd.s32 s1, s23  }
0x67: {  	[tilespmem:s12], [sflag:$0x2] =	stream.linear.gather [hbm4b:s23+s3], $0x8000, $0x38;
	[tilespmem:$0x1C080] =	vst v63  }
0x68: {  	_ =	swait.ge [sflag:s13], $0x800  }
0x69: {  	[sflag:s13] =	ssyncset.done $0x0  }
0x6a: {  	[sflag:s13] =	ssyncadd.s32 $0xFFFFF800  }
0x6b: {  	v5 =	vld [tilespmem:s5+$0x3];
	_ =	sdelay $0x4  }
0x6c: {  	(v2sf) =	vpush v5, $0x0;
	_ =	sdelay $0xe  }
0x6d: {  	s31 =	spop (v2sf)  }
0x6e: {  	s23 =	sshll.u32 s31, $0xC  }
0x6f: {  	s23 =	sand.u32 $0x1FFFF000, s23  }
0x70: {  	s23 =	sadd.s32 s23, s6  }
0x71: {  	[spmem:s10], [sflag:s21] =	dma.local [hbm:s23], $0x800  }
0x72: {  	_ =	swait.ge [sflag:s11], $0x800  }
0x73: {  	[sflag:s11] =	ssyncset.done $0x0  }
0x74: {  	s24 =	rddreg [dreg:$0x7];
	[sflag:s11] =	ssyncadd.s32 $0xFFFFF800  }
0x75: {  	[hbm:s24], [sflag:s22] =	dma.local [spmem:s10], $0x800  }
0x76: {  	_ =	swait.ge [sflag:s14], $0x8000  }
0x77: {  	[sflag:s14] =	ssyncset.done $0x0  }
0x78: {  	[sflag:s14] =	ssyncadd.s32 $0xFFFF8000  }
0x79: {  	[hbm4b:s4+s3] =	stream.linear.scatter [tilespmem:s9], [sflag:$0x4], $0x8000, $0x38;
	[tilespmem:$0x1C080] =	vst v63  }
0x7a: {  	v6 =	vld [tilespmem:s5+$0x2];
	_ =	sdelay $0x4  }
0x7b: {  	(v2sf) =	vpush v6, $0x0;
	_ =	sdelay $0xe  }
0x7c: {  	s25 =	spop (v2sf)  }
0x7d: {  	s23 =	sshll.u32 s25, $0xC  }
0x7e: {  	s23 =	sand.u32 $0x1FFFF000, s23  }
0x7f: {  	s23 =	sadd.s32 s1, s23  }
0x80: {  	[tilespmem:s15], [sflag:$0x3] =	stream.linear.gather [hbm4b:s23+s3], $0x8000, $0x38;
	[tilespmem:$0x1C080] =	vst v63  }
0x81: {  	_ =	swait.ge [sflag:s13], $0x800  }
0x82: {  	[sflag:s13] =	ssyncset.done $0x0  }
0x83: {  	[sflag:s13] =	ssyncadd.s32 $0xFFFFF800  }
0x84: {  	v7 =	vld [tilespmem:s5+$0x7];
	_ =	sdelay $0x4  }
0x85: {  	(v2sf) =	vpush v7, $0x0;
	_ =	sdelay $0xe  }
0x86: {  	s26 =	spop (v2sf)  }
0x87: {  	s23 =	sshll.u32 s26, $0xC  }
0x88: {  	s23 =	sand.u32 $0x1FFFF000, s23  }
0x89: {  	s23 =	sadd.s32 s1, s23  }
0x8a: {  	[spmem:s10], [sflag:s21] =	dma.local [hbm:s23], $0x800  }
0x8b: {  	_ =	swait.ge [sflag:s11], $0x800  }
0x8c: {  	[sflag:s11] =	ssyncset.done $0x0  }
0x8d: {  	s28 =	rddreg [dreg:$0x8];
	[sflag:s11] =	ssyncadd.s32 $0xFFFFF800  }
0x8e: {  	[hbm:s28], [sflag:s22] =	dma.local [spmem:s10], $0x800  }
0x8f: {  	_ =	swait.ge [sflag:s16], $0x8000  }
0x90: {  	[sflag:s16] =	ssyncset.done $0x0  }
0x91: {  	s29 =	rddreg [dreg:$0x9];
	[sflag:s16] =	ssyncadd.s32 $0xFFFF8000  }
0x92: {  	[hbm4b:s29+s3] =	stream.linear.scatter [tilespmem:s12], [sflag:$0x5], $0x8000, $0x38;
	[tilespmem:$0x1C080] =	vst v63  }
0x93: {  	_ =	swait.ge [sflag:s17], $0x8000  }
0x94: {  	[sflag:s17] =	ssyncset.done $0x0  }
0x95: {  	[sflag:s17] =	ssyncadd.s32 $0xFFFF8000  }
0x96: {  	v8 =	vld [tilespmem:s5+$0x4];
	_ =	sdelay $0x4  }
0x97: {  	(v2sf) =	vpush v8, $0x0;
	_ =	sdelay $0xe  }
0x98: {  	s30 =	spop (v2sf)  }
0x99: {  	s23 =	sshll.u32 s30, $0xC  }
0x9a: {  	s23 =	sand.u32 $0x1FFFF000, s23  }
0x9b: {  	s23 =	sadd.s32 s1, s23  }
0x9c: {  	[tilespmem:s9], [sflag:$0x1] =	stream.linear.gather [hbm4b:s23+s3], $0x8000, $0x38;
	[tilespmem:$0x1C080] =	vst v63  }
0x9d: {  	_ =	swait.ge [sflag:s13], $0x800  }
0x9e: {  	[sflag:s13] =	ssyncset.done $0x0  }
0x9f: {  	[sflag:s13] =	ssyncadd.s32 $0xFFFFF800  }
0xa0: {  	v9 =	vld [tilespmem:s5+$0x7];
	_ =	sdelay $0x4  }
0xa1: {  	(v2sf) =	vpush v9, $0x0;
	_ =	sdelay $0xe  }
0xa2: {  	s31 =	spop (v2sf)  }
0xa3: {  	s23 =	sshll.u32 s31, $0xC  }
0xa4: {  	s23 =	sand.u32 $0x1FFFF000, s23  }
0xa5: {  	s23 =	sadd.s32 s23, s6  }
0xa6: {  	[spmem:s10], [sflag:s21] =	dma.local [hbm:s23], $0x800  }
0xa7: {  	_ =	swait.ge [sflag:s11], $0x800  }
0xa8: {  	[sflag:s11] =	ssyncset.done $0x0  }
0xa9: {  	s24 =	rddreg [dreg:$0xa];
	[sflag:s11] =	ssyncadd.s32 $0xFFFFF800  }
0xaa: {  	[hbm:s24], [sflag:s22] =	dma.local [spmem:s10], $0x800  }
0xab: {  	_ =	swait.ge [sflag:s18], $0x8000  }
0xac: {  	[sflag:s18] =	ssyncset.done $0x0  }
0xad: {  	s25 =	rddreg [dreg:$0xb];
	[sflag:s18] =	ssyncadd.s32 $0xFFFF8000  }
0xae: {  	[hbm4b:s25+s3] =	stream.linear.scatter [tilespmem:s15], [sflag:$0x6], $0x8000, $0x38;
	[tilespmem:$0x1C080] =	vst v63  }
0xaf: {  	_ =	swait.ge [sflag:s19], $0x8000  }
0xb0: {  	[sflag:s19] =	ssyncset.done $0x0  }
0xb1: {  	[sflag:s19] =	ssyncadd.s32 $0xFFFF8000  }
0xb2: {  	v10 =	vld [tilespmem:s5+$0x5];
	_ =	sdelay $0x4  }
0xb3: {  	(v2sf) =	vpush v10, $0x0;
	_ =	sdelay $0xe  }
0xb4: {  	s26 =	spop (v2sf)  }
0xb5: {  	s23 =	sshll.u32 s26, $0xC  }
0xb6: {  	s23 =	sand.u32 $0x1FFFF000, s23  }
0xb7: {  	s23 =	sadd.s32 s1, s23  }
0xb8: {  	[tilespmem:s12], [sflag:$0x2] =	stream.linear.gather [hbm4b:s23+s3], $0x8000, $0x38;
	[tilespmem:$0x1C080] =	vst v63  }
0xb9: {  	_ =	swait.ge [sflag:s13], $0x800  }
0xba: {  	[sflag:s13] =	ssyncset.done $0x0  }
0xbb: {  	[sflag:s13] =	ssyncadd.s32 $0xFFFFF800  }
0xbc: {  	v11 =	vld [tilespmem:s5+$0xB];
	_ =	sdelay $0x4  }
0xbd: {  	(v2sf) =	vpush v11, $0x0;
	_ =	sdelay $0xe  }
0xbe: {  	s28 =	spop (v2sf)  }
0xbf: {  	s23 =	sshll.u32 s28, $0xC  }
0xc0: {  	s23 =	sand.u32 $0x1FFFF000, s23  }
0xc1: {  	s23 =	sadd.s32 s1, s23  }
0xc2: {  	[spmem:s10], [sflag:s21] =	dma.local [hbm:s23], $0x800  }
0xc3: {  	_ =	swait.ge [sflag:s11], $0x800  }
0xc4: {  	[sflag:s11] =	ssyncset.done $0x0  }
0xc5: {  	[sflag:s11] =	ssyncadd.s32 $0xFFFFF800  }
0xc6: {  	s29 =	rddreg [dreg:$0xc]  }
0xc7: {  	[hbm:s29], [sflag:s22] =	dma.local [spmem:s10], $0x800  }
0xc8: {  	_ =	swait.ge [sflag:s14], $0x8000  }
0xc9: {  	[sflag:s14] =	ssyncset.done $0x0  }
0xca: {  	s30 =	rddreg [dreg:$0xd];
	[sflag:s14] =	ssyncadd.s32 $0xFFFF8000  }
0xcb: {  	[hbm4b:s30+s3] =	stream.linear.scatter [tilespmem:s9], [sflag:$0x4], $0x8000, $0x38;
	[tilespmem:$0x1C080] =	vst v63  }
0xcc: {  	_ =	swait.ge [sflag:s20], $0x8000  }
0xcd: {  	[sflag:s20] =	ssyncset.done $0x0  }
0xce: {  	[sflag:s20] =	ssyncadd.s32 $0xFFFF8000  }
0xcf: {  	v12 =	vld [tilespmem:s5+$0x6];
	_ =	sdelay $0x4  }
0xd0: {  	(v2sf) =	vpush v12, $0x0;
	_ =	sdelay $0xe  }
0xd1: {  	s31 =	spop (v2sf)  }
0xd2: {  	s23 =	sshll.u32 s31, $0xC  }
0xd3: {  	s23 =	sand.u32 $0x1FFFF000, s23  }
0xd4: {  	s23 =	sadd.s32 s1, s23  }
0xd5: {  	[tilespmem:s15], [sflag:$0x3] =	stream.linear.gather [hbm4b:s23+s3], $0x8000, $0x38;
	[tilespmem:$0x1C080] =	vst v63  }
0xd6: {  	_ =	swait.ge [sflag:s13], $0x800  }
0xd7: {  	[sflag:s13] =	ssyncset.done $0x0  }
0xd8: {  	[sflag:s13] =	ssyncadd.s32 $0xFFFFF800  }
0xd9: {  	v13 =	vld [tilespmem:s5+$0xB];
	_ =	sdelay $0x4  }
0xda: {  	(v2sf) =	vpush v13, $0x0;
	_ =	sdelay $0xe  }
0xdb: {  	s24 =	spop (v2sf)  }
0xdc: {  	s23 =	sshll.u32 s24, $0xC  }
0xdd: {  	s23 =	sand.u32 $0x1FFFF000, s23  }
0xde: {  	s23 =	sadd.s32 s23, s6  }
0xdf: {  	[spmem:s10], [sflag:s21] =	dma.local [hbm:s23], $0x800  }
0xe0: {  	_ =	swait.ge [sflag:s11], $0x800  }
0xe1: {  	[sflag:s11] =	ssyncset.done $0x0  }
0xe2: {  	s25 =	rddreg [dreg:$0xe];
	[sflag:s11] =	ssyncadd.s32 $0xFFFFF800  }
0xe3: {  	[hbm:s25], [sflag:s22] =	dma.local [spmem:s10], $0x800  }
0xe4: {  	_ =	swait.ge [sflag:s16], $0x8000  }
0xe5: {  	[sflag:s16] =	ssyncset.done $0x0  }
0xe6: {  	s26 =	rddreg [dreg:$0xf];
	[sflag:s16] =	ssyncadd.s32 $0xFFFF8000  }
0xe7: {  	[hbm4b:s26+s3] =	stream.linear.scatter [tilespmem:s12], [sflag:$0x5], $0x8000, $0x38;
	[tilespmem:$0x1C080] =	vst v63  }
0xe8: {  	_ =	swait.ge [sflag:s17], $0x8000  }
0xe9: {  	[sflag:s17] =	ssyncset.done $0x0  }
0xea: {  	[sflag:s17] =	ssyncadd.s32 $0xFFFF8000  }
0xeb: {  	v14 =	vld [tilespmem:s5+$0x8];
	_ =	sdelay $0x4  }
0xec: {  	(v2sf) =	vpush v14, $0x0;
	_ =	sdelay $0xe  }
0xed: {  	s28 =	spop (v2sf)  }
0xee: {  	s23 =	sshll.u32 s28, $0xC  }
0xef: {  	s23 =	sand.u32 $0x1FFFF000, s23  }
0xf0: {  	s23 =	sadd.s32 s1, s23  }
0xf1: {  	[tilespmem:s9], [sflag:$0x1] =	stream.linear.gather [hbm4b:s23+s3], $0x8000, $0x38;
	[tilespmem:$0x1C080] =	vst v63  }
0xf2: {  	_ =	swait.ge [sflag:s13], $0x800  }
0xf3: {  	[sflag:s13] =	ssyncset.done $0x0  }
0xf4: {  	[sflag:s13] =	ssyncadd.s32 $0xFFFFF800  }
0xf5: {  	v15 =	vld [tilespmem:s5+$0xF];
	_ =	sdelay $0x4  }
0xf6: {  	(v2sf) =	vpush v15, $0x0;
	_ =	sdelay $0xe  }
0xf7: {  	s29 =	spop (v2sf)  }
0xf8: {  	s23 =	sshll.u32 s29, $0xC  }
0xf9: {  	s23 =	sand.u32 $0x1FFFF000, s23  }
0xfa: {  	s23 =	sadd.s32 s1, s23  }
0xfb: {  	[spmem:s10], [sflag:s21] =	dma.local [hbm:s23], $0x800  }
0xfc: {  	_ =	swait.ge [sflag:s11], $0x800  }
0xfd: {  	[sflag:s11] =	ssyncset.done $0x0  }
0xfe: {  	s30 =	rddreg [dreg:$0x10];
	[sflag:s11] =	ssyncadd.s32 $0xFFFFF800  }
0xff: {  	[hbm:s30], [sflag:s22] =	dma.local [spmem:s10], $0x800  }
0x100: {  	_ =	swait.ge [sflag:s18], $0x8000  }
0x101: {  	[sflag:s18] =	ssyncset.done $0x0  }
0x102: {  	s31 =	rddreg [dreg:$0x11];
	[sflag:s18] =	ssyncadd.s32 $0xFFFF8000  }
0x103: {  	[hbm4b:s31+s3] =	stream.linear.scatter [tilespmem:s15], [sflag:$0x6], $0x8000, $0x38;
	[tilespmem:$0x1C080] =	vst v63  }
0x104: {  	_ =	swait.ge [sflag:s19], $0x8000  }
0x105: {  	[sflag:s19] =	ssyncset.done $0x0  }
0x106: {  	[sflag:s19] =	ssyncadd.s32 $0xFFFF8000  }
0x107: {  	v16 =	vld [tilespmem:s5+$0x9];
	_ =	sdelay $0x4  }
0x108: {  	(v2sf) =	vpush v16, $0x0;
	_ =	sdelay $0xe  }
0x109: {  	s24 =	spop (v2sf)  }
0x10a: {  	s23 =	sshll.u32 s24, $0xC  }
0x10b: {  	s23 =	sand.u32 $0x1FFFF000, s23  }
0x10c: {  	s23 =	sadd.s32 s1, s23  }
0x10d: {  	[tilespmem:s12], [sflag:$0x2] =	stream.linear.gather [hbm4b:s23+s3], $0x8000, $0x38;
	[tilespmem:$0x1C080] =	vst v63  }
0x10e: {  	_ =	swait.ge [sflag:s13], $0x800  }
0x10f: {  	[sflag:s13] =	ssyncset.done $0x0  }
0x110: {  	[sflag:s13] =	ssyncadd.s32 $0xFFFFF800  }
0x111: {  	v17 =	vld [tilespmem:s5+$0xF];
	_ =	sdelay $0x4  }
0x112: {  	(v2sf) =	vpush v17, $0x0;
	_ =	sdelay $0xe  }
0x113: {  	s25 =	spop (v2sf)  }
0x114: {  	s23 =	sshll.u32 s25, $0xC  }
0x115: {  	s23 =	sand.u32 $0x1FFFF000, s23  }
0x116: {  	s23 =	sadd.s32 s23, s6  }
0x117: {  	[spmem:s10], [sflag:s21] =	dma.local [hbm:s23], $0x800  }
0x118: {  	_ =	swait.ge [sflag:s11], $0x800  }
0x119: {  	[sflag:s11] =	ssyncset.done $0x0  }
0x11a: {  	s26 =	rddreg [dreg:$0x12];
	[sflag:s11] =	ssyncadd.s32 $0xFFFFF800  }
0x11b: {  	[hbm:s26], [sflag:s22] =	dma.local [spmem:s10], $0x800  }
0x11c: {  	_ =	swait.ge [sflag:s14], $0x8000  }
0x11d: {  	[sflag:s14] =	ssyncset.done $0x0  }
0x11e: {  	s28 =	rddreg [dreg:$0x13];
	[sflag:s14] =	ssyncadd.s32 $0xFFFF8000  }
0x11f: {  	[hbm4b:s28+s3] =	stream.linear.scatter [tilespmem:s9], [sflag:$0x4], $0x8000, $0x38;
	[tilespmem:$0x1C080] =	vst v63  }
0x120: {  	_ =	swait.ge [sflag:s20], $0x8000  }
0x121: {  	[sflag:s20] =	ssyncset.done $0x0  }
0x122: {  	[sflag:s20] =	ssyncadd.s32 $0xFFFF8000  }
0x123: {  	v18 =	vld [tilespmem:s5+$0xA];
	_ =	sdelay $0x4  }
0x124: {  	(v2sf) =	vpush v18, $0x0;
	_ =	sdelay $0xe  }
0x125: {  	s29 =	spop (v2sf)  }
0x126: {  	s23 =	sshll.u32 s29, $0xC  }
0x127: {  	s23 =	sand.u32 $0x1FFFF000, s23  }
0x128: {  	s23 =	sadd.s32 s1, s23  }
0x129: {  	[tilespmem:s15], [sflag:$0x3] =	stream.linear.gather [hbm4b:s23+s3], $0x8000, $0x38;
	[tilespmem:$0x1C080] =	vst v63  }
0x12a: {  	_ =	swait.ge [sflag:s13], $0x800  }
0x12b: {  	[sflag:s13] =	ssyncset.done $0x0  }
0x12c: {  	[sflag:s13] =	ssyncadd.s32 $0xFFFFF800  }
0x12d: {  	v19 =	vld [tilespmem:s5+$0x13];
	_ =	sdelay $0x4  }
0x12e: {  	(v2sf) =	vpush v19, $0x0;
	_ =	sdelay $0xe  }
0x12f: {  	s30 =	spop (v2sf)  }
0x130: {  	s23 =	sshll.u32 s30, $0xC  }
0x131: {  	s23 =	sand.u32 $0x1FFFF000, s23  }
0x132: {  	s23 =	sadd.s32 s1, s23  }
0x133: {  	[spmem:s10], [sflag:s21] =	dma.local [hbm:s23], $0x800  }
0x134: {  	_ =	swait.ge [sflag:s11], $0x800  }
0x135: {  	[sflag:s11] =	ssyncset.done $0x0  }
0x136: {  	s31 =	rddreg [dreg:$0x14];
	[sflag:s11] =	ssyncadd.s32 $0xFFFFF800  }
0x137: {  	[hbm:s31], [sflag:s22] =	dma.local [spmem:s10], $0x800  }
0x138: {  	_ =	swait.ge [sflag:s16], $0x8000  }
0x139: {  	[sflag:s16] =	ssyncset.done $0x0  }
0x13a: {  	s24 =	rddreg [dreg:$0x15];
	[sflag:s16] =	ssyncadd.s32 $0xFFFF8000  }
0x13b: {  	[hbm4b:s24+s3] =	stream.linear.scatter [tilespmem:s12], [sflag:$0x5], $0x8000, $0x38;
	[tilespmem:$0x1C080] =	vst v63  }
0x13c: {  	_ =	swait.ge [sflag:s17], $0x8000  }
0x13d: {  	[sflag:s17] =	ssyncset.done $0x0  }
0x13e: {  	[sflag:s17] =	ssyncadd.s32 $0xFFFF8000  }
0x13f: {  	v20 =	vld [tilespmem:s5+$0xC];
	_ =	sdelay $0x4  }
0x140: {  	(v2sf) =	vpush v20, $0x0;
	_ =	sdelay $0xe  }
0x141: {  	s25 =	spop (v2sf)  }
0x142: {  	s23 =	sshll.u32 s25, $0xC  }
0x143: {  	s23 =	sand.u32 $0x1FFFF000, s23  }
0x144: {  	s23 =	sadd.s32 s1, s23  }
0x145: {  	[tilespmem:s9], [sflag:$0x1] =	stream.linear.gather [hbm4b:s23+s3], $0x8000, $0x38;
	[tilespmem:$0x1C080] =	vst v63  }
0x146: {  	_ =	swait.ge [sflag:s13], $0x800  }
0x147: {  	[sflag:s13] =	ssyncset.done $0x0  }
0x148: {  	[sflag:s13] =	ssyncadd.s32 $0xFFFFF800  }
0x149: {  	v21 =	vld [tilespmem:s5+$0x13];
	_ =	sdelay $0x4  }
0x14a: {  	(v2sf) =	vpush v21, $0x0;
	_ =	sdelay $0xe  }
0x14b: {  	s26 =	spop (v2sf)  }
0x14c: {  	s23 =	sshll.u32 s26, $0xC  }
0x14d: {  	s23 =	sand.u32 $0x1FFFF000, s23  }
0x14e: {  	s23 =	sadd.s32 s23, s6  }
0x14f: {  	[spmem:s10], [sflag:s21] =	dma.local [hbm:s23], $0x800  }
0x150: {  	_ =	swait.ge [sflag:s11], $0x800  }
0x151: {  	[sflag:s11] =	ssyncset.done $0x0  }
0x152: {  	s28 =	rddreg [dreg:$0x16];
	[sflag:s11] =	ssyncadd.s32 $0xFFFFF800  }
0x153: {  	[hbm:s28], [sflag:s22] =	dma.local [spmem:s10], $0x800  }
0x154: {  	_ =	swait.ge [sflag:s18], $0x8000  }
0x155: {  	[sflag:s18] =	ssyncset.done $0x0  }
0x156: {  	s29 =	rddreg [dreg:$0x17];
	[sflag:s18] =	ssyncadd.s32 $0xFFFF8000  }
0x157: {  	[hbm4b:s29+s3] =	stream.linear.scatter [tilespmem:s15], [sflag:$0x6], $0x8000, $0x38;
	[tilespmem:$0x1C080] =	vst v63  }
0x158: {  	_ =	swait.ge [sflag:s19], $0x8000  }
0x159: {  	[sflag:s19] =	ssyncset.done $0x0  }
0x15a: {  	[sflag:s19] =	ssyncadd.s32 $0xFFFF8000  }
0x15b: {  	v22 =	vld [tilespmem:s5+$0xD];
	_ =	sdelay $0x4  }
0x15c: {  	(v2sf) =	vpush v22, $0x0;
	_ =	sdelay $0xe  }
0x15d: {  	s30 =	spop (v2sf)  }
0x15e: {  	s23 =	sshll.u32 s30, $0xC  }
0x15f: {  	s23 =	sand.u32 $0x1FFFF000, s23  }
0x160: {  	s23 =	sadd.s32 s1, s23  }
0x161: {  	[tilespmem:s12], [sflag:$0x2] =	stream.linear.gather [hbm4b:s23+s3], $0x8000, $0x38;
	[tilespmem:$0x1C080] =	vst v63  }
0x162: {  	_ =	swait.ge [sflag:s13], $0x800  }
0x163: {  	[sflag:s13] =	ssyncset.done $0x0  }
0x164: {  	[sflag:s13] =	ssyncadd.s32 $0xFFFFF800  }
0x165: {  	v23 =	vld [tilespmem:s5+$0x17];
	_ =	sdelay $0x4  }
0x166: {  	(v2sf) =	vpush v23, $0x0;
	_ =	sdelay $0xe  }
0x167: {  	s31 =	spop (v2sf)  }
0x168: {  	s23 =	sshll.u32 s31, $0xC  }
0x169: {  	s23 =	sand.u32 $0x1FFFF000, s23  }
0x16a: {  	s23 =	sadd.s32 s1, s23  }
0x16b: {  	[spmem:s10], [sflag:s21] =	dma.local [hbm:s23], $0x800  }
0x16c: {  	_ =	swait.ge [sflag:s11], $0x800  }
0x16d: {  	[sflag:s11] =	ssyncset.done $0x0  }
0x16e: {  	s24 =	rddreg [dreg:$0x18];
	[sflag:s11] =	ssyncadd.s32 $0xFFFFF800  }
0x16f: {  	[hbm:s24], [sflag:s22] =	dma.local [spmem:s10], $0x800  }
0x170: {  	_ =	swait.ge [sflag:s14], $0x8000  }
0x171: {  	[sflag:s14] =	ssyncset.done $0x0  }
0x172: {  	s25 =	rddreg [dreg:$0x19];
	[sflag:s14] =	ssyncadd.s32 $0xFFFF8000  }
0x173: {  	[hbm4b:s25+s3] =	stream.linear.scatter [tilespmem:s9], [sflag:$0x4], $0x8000, $0x38;
	[tilespmem:$0x1C080] =	vst v63  }
0x174: {  	_ =	swait.ge [sflag:s20], $0x8000  }
0x175: {  	[sflag:s20] =	ssyncset.done $0x0  }
0x176: {  	[sflag:s20] =	ssyncadd.s32 $0xFFFF8000  }
0x177: {  	v24 =	vld [tilespmem:s5+$0xE];
	_ =	sdelay $0x4  }
0x178: {  	(v2sf) =	vpush v24, $0x0;
	_ =	sdelay $0xe  }
0x179: {  	s26 =	spop (v2sf)  }
0x17a: {  	s23 =	sshll.u32 s26, $0xC  }
0x17b: {  	s23 =	sand.u32 $0x1FFFF000, s23  }
0x17c: {  	s23 =	sadd.s32 s1, s23  }
0x17d: {  	[tilespmem:s15], [sflag:$0x3] =	stream.linear.gather [hbm4b:s23+s3], $0x8000, $0x38;
	[tilespmem:$0x1C080] =	vst v63  }
0x17e: {  	_ =	swait.ge [sflag:s13], $0x800  }
0x17f: {  	[sflag:s13] =	ssyncset.done $0x0  }
0x180: {  	[sflag:s13] =	ssyncadd.s32 $0xFFFFF800  }
0x181: {  	v25 =	vld [tilespmem:s5+$0x17];
	_ =	sdelay $0x4  }
0x182: {  	(v2sf) =	vpush v25, $0x0;
	_ =	sdelay $0xe  }
0x183: {  	s28 =	spop (v2sf)  }
0x184: {  	s23 =	sshll.u32 s28, $0xC  }
0x185: {  	s23 =	sand.u32 $0x1FFFF000, s23  }
0x186: {  	s23 =	sadd.s32 s23, s6  }
0x187: {  	[spmem:s10], [sflag:s21] =	dma.local [hbm:s23], $0x800  }
0x188: {  	_ =	swait.ge [sflag:s11], $0x800  }
0x189: {  	[sflag:s11] =	ssyncset.done $0x0  }
0x18a: {  	s29 =	rddreg [dreg:$0x1a];
	[sflag:s11] =	ssyncadd.s32 $0xFFFFF800  }
0x18b: {  	[hbm:s29], [sflag:s22] =	dma.local [spmem:s10], $0x800  }
0x18c: {  	_ =	swait.ge [sflag:s16], $0x8000  }
0x18d: {  	[sflag:s16] =	ssyncset.done $0x0  }
0x18e: {  	s30 =	rddreg [dreg:$0x1b];
	[sflag:s16] =	ssyncadd.s32 $0xFFFF8000  }
0x18f: {  	[hbm4b:s30+s3] =	stream.linear.scatter [tilespmem:s12], [sflag:$0x5], $0x8000, $0x38;
	[tilespmem:$0x1C080] =	vst v63  }
0x190: {  	_ =	swait.ge [sflag:s17], $0x8000  }
0x191: {  	[sflag:s17] =	ssyncset.done $0x0  }
0x192: {  	[sflag:s17] =	ssyncadd.s32 $0xFFFF8000  }
0x193: {  	v26 =	vld [tilespmem:s5+$0x10];
	_ =	sdelay $0x4  }
0x194: {  	(v2sf) =	vpush v26, $0x0;
	_ =	sdelay $0xe  }
0x195: {  	s31 =	spop (v2sf)  }
0x196: {  	s23 =	sshll.u32 s31, $0xC  }
0x197: {  	s23 =	sand.u32 $0x1FFFF000, s23  }
0x198: {  	s23 =	sadd.s32 s1, s23  }
0x199: {  	[tilespmem:s9], [sflag:$0x1] =	stream.linear.gather [hbm4b:s23+s3], $0x8000, $0x38;
	[tilespmem:$0x1C080] =	vst v63  }
0x19a: {  	_ =	swait.ge [sflag:s13], $0x800  }
0x19b: {  	[sflag:s13] =	ssyncset.done $0x0  }
0x19c: {  	[sflag:s13] =	ssyncadd.s32 $0xFFFFF800  }
0x19d: {  	v27 =	vld [tilespmem:s5+$0x1B];
	_ =	sdelay $0x4  }
0x19e: {  	(v2sf) =	vpush v27, $0x0;
	_ =	sdelay $0xe  }
0x19f: {  	s24 =	spop (v2sf)  }
0x1a0: {  	s23 =	sshll.u32 s24, $0xC  }
0x1a1: {  	s23 =	sand.u32 $0x1FFFF000, s23  }
0x1a2: {  	s23 =	sadd.s32 s1, s23  }
0x1a3: {  	[spmem:s10], [sflag:s21] =	dma.local [hbm:s23], $0x800  }
0x1a4: {  	_ =	swait.ge [sflag:s11], $0x800  }
0x1a5: {  	[sflag:s11] =	ssyncset.done $0x0  }
0x1a6: {  	s25 =	rddreg [dreg:$0x1c];
	[sflag:s11] =	ssyncadd.s32 $0xFFFFF800  }
0x1a7: {  	[hbm:s25], [sflag:s22] =	dma.local [spmem:s10], $0x800  }
0x1a8: {  	_ =	swait.ge [sflag:s18], $0x8000  }
0x1a9: {  	[sflag:s18] =	ssyncset.done $0x0  }
0x1aa: {  	s26 =	rddreg [dreg:$0x1d];
	[sflag:s18] =	ssyncadd.s32 $0xFFFF8000  }
0x1ab: {  	[hbm4b:s26+s3] =	stream.linear.scatter [tilespmem:s15], [sflag:$0x6], $0x8000, $0x38;
	[tilespmem:$0x1C080] =	vst v63  }
0x1ac: {  	_ =	swait.ge [sflag:s19], $0x8000  }
0x1ad: {  	[sflag:s19] =	ssyncset.done $0x0  }
0x1ae: {  	[sflag:s19] =	ssyncadd.s32 $0xFFFF8000  }
0x1af: {  	v28 =	vld [tilespmem:s5+$0x11];
	_ =	sdelay $0x4  }
0x1b0: {  	(v2sf) =	vpush v28, $0x0;
	_ =	sdelay $0xe  }
0x1b1: {  	s28 =	spop (v2sf)  }
0x1b2: {  	s23 =	sshll.u32 s28, $0xC  }
0x1b3: {  	s23 =	sand.u32 $0x1FFFF000, s23  }
0x1b4: {  	s23 =	sadd.s32 s1, s23  }
0x1b5: {  	[tilespmem:s12], [sflag:$0x2] =	stream.linear.gather [hbm4b:s23+s3], $0x8000, $0x38;
	[tilespmem:$0x1C080] =	vst v63  }
0x1b6: {  	_ =	swait.ge [sflag:s13], $0x800  }
0x1b7: {  	[sflag:s13] =	ssyncset.done $0x0  }
0x1b8: {  	[sflag:s13] =	ssyncadd.s32 $0xFFFFF800  }
0x1b9: {  	v29 =	vld [tilespmem:s5+$0x1B];
	_ =	sdelay $0x4  }
0x1ba: {  	(v2sf) =	vpush v29, $0x0;
	_ =	sdelay $0xe  }
0x1bb: {  	s29 =	spop (v2sf)  }
0x1bc: {  	s23 =	sshll.u32 s29, $0xC  }
0x1bd: {  	s23 =	sand.u32 $0x1FFFF000, s23  }
0x1be: {  	s23 =	sadd.s32 s23, s6  }
0x1bf: {  	[spmem:s10], [sflag:s21] =	dma.local [hbm:s23], $0x800  }
0x1c0: {  	_ =	swait.ge [sflag:s11], $0x800  }
0x1c1: {  	[sflag:s11] =	ssyncset.done $0x0  }
0x1c2: {  	s30 =	rddreg [dreg:$0x1e];
	[sflag:s11] =	ssyncadd.s32 $0xFFFFF800  }
0x1c3: {  	[hbm:s30], [sflag:s22] =	dma.local [spmem:s10], $0x800  }
0x1c4: {  	_ =	swait.ge [sflag:s14], $0x8000  }
0x1c5: {  	[sflag:s14] =	ssyncset.done $0x0  }
0x1c6: {  	s31 =	rddreg [dreg:$0x1f];
	[sflag:s14] =	ssyncadd.s32 $0xFFFF8000  }
0x1c7: {  	[hbm4b:s31+s3] =	stream.linear.scatter [tilespmem:s9], [sflag:$0x4], $0x8000, $0x38;
	[tilespmem:$0x1C080] =	vst v63  }
0x1c8: {  	_ =	swait.ge [sflag:s20], $0x8000  }
0x1c9: {  	[sflag:s20] =	ssyncset.done $0x0  }
0x1ca: {  	[sflag:s20] =	ssyncadd.s32 $0xFFFF8000  }
0x1cb: {  	v30 =	vld [tilespmem:s5+$0x12];
	_ =	sdelay $0x4  }
0x1cc: {  	(v2sf) =	vpush v30, $0x0;
	_ =	sdelay $0xe  }
0x1cd: {  	s24 =	spop (v2sf)  }
0x1ce: {  	s23 =	sshll.u32 s24, $0xC  }
0x1cf: {  	s23 =	sand.u32 $0x1FFFF000, s23  }
0x1d0: {  	s23 =	sadd.s32 s1, s23  }
0x1d1: {  	[tilespmem:s15], [sflag:$0x3] =	stream.linear.gather [hbm4b:s23+s3], $0x8000, $0x38;
	[tilespmem:$0x1C080] =	vst v63  }
0x1d2: {  	_ =	swait.ge [sflag:s13], $0x800  }
0x1d3: {  	[sflag:s13] =	ssyncset.done $0x0  }
0x1d4: {  	[sflag:s13] =	ssyncadd.s32 $0xFFFFF800  }
0x1d5: {  	v31 =	vld [tilespmem:s5+$0x1F];
	_ =	sdelay $0x4  }
0x1d6: {  	(v2sf) =	vpush v31, $0x0;
	_ =	sdelay $0xe  }
0x1d7: {  	s25 =	spop (v2sf)  }
0x1d8: {  	s23 =	sshll.u32 s25, $0xC  }
0x1d9: {  	s23 =	sand.u32 $0x1FFFF000, s23  }
0x1da: {  	s23 =	sadd.s32 s1, s23  }
0x1db: {  	[spmem:s10], [sflag:s21] =	dma.local [hbm:s23], $0x800  }
0x1dc: {  	_ =	swait.ge [sflag:s11], $0x800  }
0x1dd: {  	s26 =	sld [smem:$0x7DB]  }
0x1de: {  	[sflag:s11] =	ssyncset.done $0x0  }
0x1df: {  	[sflag:s11] =	ssyncadd.s32 $0xFFFFF800  }
0x1e0: {  	[hbm:s26], [sflag:s22] =	dma.local [spmem:s10], $0x800  }
0x1e1: {  	_ =	swait.ge [sflag:s16], $0x8000  }
0x1e2: {  	s28 =	sld [smem:$0x7DC]  }
0x1e3: {  	[sflag:s16] =	ssyncset.done $0x0  }
0x1e4: {  	[sflag:s16] =	ssyncadd.s32 $0xFFFF8000  }
0x1e5: {  	[hbm4b:s28+s3] =	stream.linear.scatter [tilespmem:s12], [sflag:$0x5], $0x8000, $0x38;
	[tilespmem:$0x1C080] =	vst v63  }
0x1e6: {  	_ =	swait.ge [sflag:s17], $0x8000  }
0x1e7: {  	[sflag:s17] =	ssyncset.done $0x0  }
0x1e8: {  	[sflag:s17] =	ssyncadd.s32 $0xFFFF8000  }
0x1e9: {  	v32 =	vld [tilespmem:s5+$0x14];
	_ =	sdelay $0x4  }
0x1ea: {  	(v2sf) =	vpush v32, $0x0;
	_ =	sdelay $0xe  }
0x1eb: {  	s29 =	spop (v2sf)  }
0x1ec: {  	s23 =	sshll.u32 s29, $0xC  }
0x1ed: {  	s23 =	sand.u32 $0x1FFFF000, s23  }
0x1ee: {  	s23 =	sadd.s32 s1, s23  }
0x1ef: {  	[tilespmem:s9], [sflag:$0x1] =	stream.linear.gather [hbm4b:s23+s3], $0x8000, $0x38;
	[tilespmem:$0x1C080] =	vst v63  }
0x1f0: {  	_ =	swait.ge [sflag:s13], $0x800  }
0x1f1: {  	[sflag:s13] =	ssyncset.done $0x0  }
0x1f2: {  	[sflag:s13] =	ssyncadd.s32 $0xFFFFF800  }
0x1f3: {  	v33 =	vld [tilespmem:s5+$0x1F];
	_ =	sdelay $0x4  }
0x1f4: {  	(v2sf) =	vpush v33, $0x0;
	_ =	sdelay $0xe  }
0x1f5: {  	s30 =	spop (v2sf)  }
0x1f6: {  	s23 =	sshll.u32 s30, $0xC  }
0x1f7: {  	s23 =	sand.u32 $0x1FFFF000, s23  }
0x1f8: {  	s23 =	sadd.s32 s23, s6  }
0x1f9: {  	[spmem:s10], [sflag:s21] =	dma.local [hbm:s23], $0x800  }
0x1fa: {  	_ =	swait.ge [sflag:s11], $0x800  }
0x1fb: {  	s31 =	sld [smem:$0x7DD]  }
0x1fc: {  	[sflag:s11] =	ssyncset.done $0x0  }
0x1fd: {  	[sflag:s11] =	ssyncadd.s32 $0xFFFFF800  }
0x1fe: {  	[hbm:s31], [sflag:s22] =	dma.local [spmem:s10], $0x800  }
0x1ff: {  	_ =	swait.ge [sflag:s18], $0x8000  }
0x200: {  	s24 =	sld [smem:$0x7DE]  }
0x201: {  	[sflag:s18] =	ssyncset.done $0x0  }
0x202: {  	[sflag:s18] =	ssyncadd.s32 $0xFFFF8000  }
0x203: {  	[hbm4b:s24+s3] =	stream.linear.scatter [tilespmem:s15], [sflag:$0x6], $0x8000, $0x38;
	[tilespmem:$0x1C080] =	vst v63  }
0x204: {  	_ =	swait.ge [sflag:s19], $0x8000  }
0x205: {  	[sflag:s19] =	ssyncset.done $0x0  }
0x206: {  	[sflag:s19] =	ssyncadd.s32 $0xFFFF8000  }
0x207: {  	v34 =	vld [tilespmem:s5+$0x15];
	_ =	sdelay $0x4  }
0x208: {  	(v2sf) =	vpush v34, $0x0;
	_ =	sdelay $0xe  }
0x209: {  	s25 =	spop (v2sf)  }
0x20a: {  	s23 =	sshll.u32 s25, $0xC  }
0x20b: {  	s23 =	sand.u32 $0x1FFFF000, s23  }
0x20c: {  	s23 =	sadd.s32 s1, s23  }
0x20d: {  	[tilespmem:s12], [sflag:$0x2] =	stream.linear.gather [hbm4b:s23+s3], $0x8000, $0x38;
	[tilespmem:$0x1C080] =	vst v63  }
0x20e: {  	_ =	swait.ge [sflag:s13], $0x800  }
0x20f: {  	[sflag:s13] =	ssyncset.done $0x0  }
0x210: {  	[sflag:s13] =	ssyncadd.s32 $0xFFFFF800  }
0x211: {  	v35 =	vld [tilespmem:s5+$0x23];
	_ =	sdelay $0x4  }
0x212: {  	(v2sf) =	vpush v35, $0x0;
	_ =	sdelay $0xe  }
0x213: {  	s26 =	spop (v2sf)  }
0x214: {  	s23 =	sshll.u32 s26, $0xC  }
0x215: {  	s23 =	sand.u32 $0x1FFFF000, s23  }
0x216: {  	s23 =	sadd.s32 s1, s23  }
0x217: {  	[spmem:s10], [sflag:s21] =	dma.local [hbm:s23], $0x800  }
0x218: {  	_ =	swait.ge [sflag:s11], $0x800  }
0x219: {  	s28 =	sld [smem:$0x7DF]  }
0x21a: {  	[sflag:s11] =	ssyncset.done $0x0  }
0x21b: {  	[sflag:s11] =	ssyncadd.s32 $0xFFFFF800  }
0x21c: {  	[hbm:s28], [sflag:s22] =	dma.local [spmem:s10], $0x800  }
0x21d: {  	_ =	swait.ge [sflag:s14], $0x8000  }
0x21e: {  	s29 =	sld [smem:$0x7E0]  }
0x21f: {  	[sflag:s14] =	ssyncset.done $0x0  }
0x220: {  	[sflag:s14] =	ssyncadd.s32 $0xFFFF8000  }
0x221: {  	[hbm4b:s29+s3] =	stream.linear.scatter [tilespmem:s9], [sflag:$0x4], $0x8000, $0x38;
	[tilespmem:$0x1C080] =	vst v63  }
0x222: {  	_ =	swait.ge [sflag:s20], $0x8000  }
0x223: {  	[sflag:s20] =	ssyncset.done $0x0  }
0x224: {  	[sflag:s20] =	ssyncadd.s32 $0xFFFF8000  }
0x225: {  	v36 =	vld [tilespmem:s5+$0x16];
	_ =	sdelay $0x4  }
0x226: {  	(v2sf) =	vpush v36, $0x0;
	_ =	sdelay $0xe  }
0x227: {  	s30 =	spop (v2sf)  }
0x228: {  	s23 =	sshll.u32 s30, $0xC  }
0x229: {  	s23 =	sand.u32 $0x1FFFF000, s23  }
0x22a: {  	s23 =	sadd.s32 s1, s23  }
0x22b: {  	[tilespmem:s15], [sflag:$0x3] =	stream.linear.gather [hbm4b:s23+s3], $0x8000, $0x38;
	[tilespmem:$0x1C080] =	vst v63  }
0x22c: {  	_ =	swait.ge [sflag:s13], $0x800  }
0x22d: {  	[sflag:s13] =	ssyncset.done $0x0  }
0x22e: {  	[sflag:s13] =	ssyncadd.s32 $0xFFFFF800  }
0x22f: {  	v37 =	vld [tilespmem:s5+$0x23];
	_ =	sdelay $0x4  }
0x230: {  	(v2sf) =	vpush v37, $0x0;
	_ =	sdelay $0xe  }
0x231: {  	s31 =	spop (v2sf)  }
0x232: {  	s23 =	sshll.u32 s31, $0xC  }
0x233: {  	s23 =	sand.u32 $0x1FFFF000, s23  }
0x234: {  	s23 =	sadd.s32 s23, s6  }
0x235: {  	[spmem:s10], [sflag:s21] =	dma.local [hbm:s23], $0x800  }
0x236: {  	_ =	swait.ge [sflag:s11], $0x800  }
0x237: {  	s24 =	sld [smem:$0x7E1]  }
0x238: {  	[sflag:s11] =	ssyncset.done $0x0  }
0x239: {  	[sflag:s11] =	ssyncadd.s32 $0xFFFFF800  }
0x23a: {  	[hbm:s24], [sflag:s22] =	dma.local [spmem:s10], $0x800  }
0x23b: {  	_ =	swait.ge [sflag:s16], $0x8000  }
0x23c: {  	s25 =	sld [smem:$0x7E2]  }
0x23d: {  	[sflag:s16] =	ssyncset.done $0x0  }
0x23e: {  	[sflag:s16] =	ssyncadd.s32 $0xFFFF8000  }
0x23f: {  	[hbm4b:s25+s3] =	stream.linear.scatter [tilespmem:s12], [sflag:$0x5], $0x8000, $0x38;
	[tilespmem:$0x1C080] =	vst v63  }
0x240: {  	_ =	swait.ge [sflag:s17], $0x8000  }
0x241: {  	[sflag:s17] =	ssyncset.done $0x0  }
0x242: {  	[sflag:s17] =	ssyncadd.s32 $0xFFFF8000  }
0x243: {  	v38 =	vld [tilespmem:s5+$0x18];
	_ =	sdelay $0x4  }
0x244: {  	(v2sf) =	vpush v38, $0x0;
	_ =	sdelay $0xe  }
0x245: {  	s26 =	spop (v2sf)  }
0x246: {  	s23 =	sshll.u32 s26, $0xC  }
0x247: {  	s23 =	sand.u32 $0x1FFFF000, s23  }
0x248: {  	s23 =	sadd.s32 s1, s23  }
0x249: {  	[tilespmem:s9], [sflag:$0x1] =	stream.linear.gather [hbm4b:s23+s3], $0x8000, $0x38;
	[tilespmem:$0x1C080] =	vst v63  }
0x24a: {  	_ =	swait.ge [sflag:s13], $0x800  }
0x24b: {  	[sflag:s13] =	ssyncset.done $0x0  }
0x24c: {  	[sflag:s13] =	ssyncadd.s32 $0xFFFFF800  }
0x24d: {  	v39 =	vld [tilespmem:s5+$0x27];
	_ =	sdelay $0x4  }
0x24e: {  	(v2sf) =	vpush v39, $0x0;
	_ =	sdelay $0xe  }
0x24f: {  	s28 =	spop (v2sf)  }
0x250: {  	s23 =	sshll.u32 s28, $0xC  }
0x251: {  	s23 =	sand.u32 $0x1FFFF000, s23  }
0x252: {  	s23 =	sadd.s32 s1, s23  }
0x253: {  	[spmem:s10], [sflag:s21] =	dma.local [hbm:s23], $0x800  }
0x254: {  	_ =	swait.ge [sflag:s11], $0x800  }
0x255: {  	s29 =	sld [smem:$0x7E3]  }
0x256: {  	[sflag:s11] =	ssyncset.done $0x0  }
0x257: {  	[sflag:s11] =	ssyncadd.s32 $0xFFFFF800  }
0x258: {  	[hbm:s29], [sflag:s22] =	dma.local [spmem:s10], $0x800  }
0x259: {  	_ =	swait.ge [sflag:s18], $0x8000  }
0x25a: {  	s30 =	sld [smem:$0x7E4]  }
0x25b: {  	[sflag:s18] =	ssyncset.done $0x0  }
0x25c: {  	[sflag:s18] =	ssyncadd.s32 $0xFFFF8000  }
0x25d: {  	[hbm4b:s30+s3] =	stream.linear.scatter [tilespmem:s15], [sflag:$0x6], $0x8000, $0x38;
	[tilespmem:$0x1C080] =	vst v63  }
0x25e: {  	_ =	swait.ge [sflag:s19], $0x8000  }
0x25f: {  	[sflag:s19] =	ssyncset.done $0x0  }
0x260: {  	[sflag:s19] =	ssyncadd.s32 $0xFFFF8000  }
0x261: {  	v40 =	vld [tilespmem:s5+$0x19];
	_ =	sdelay $0x4  }
0x262: {  	(v2sf) =	vpush v40, $0x0;
	_ =	sdelay $0xe  }
0x263: {  	s31 =	spop (v2sf)  }
0x264: {  	s23 =	sshll.u32 s31, $0xC  }
0x265: {  	s23 =	sand.u32 $0x1FFFF000, s23  }
0x266: {  	s23 =	sadd.s32 s1, s23  }
0x267: {  	[tilespmem:s12], [sflag:$0x2] =	stream.linear.gather [hbm4b:s23+s3], $0x8000, $0x38;
	[tilespmem:$0x1C080] =	vst v63  }
0x268: {  	_ =	swait.ge [sflag:s13], $0x800  }
0x269: {  	[sflag:s13] =	ssyncset.done $0x0  }
0x26a: {  	[sflag:s13] =	ssyncadd.s32 $0xFFFFF800  }
0x26b: {  	v41 =	vld [tilespmem:s5+$0x27];
	_ =	sdelay $0x4  }
0x26c: {  	(v2sf) =	vpush v41, $0x0;
	_ =	sdelay $0xe  }
0x26d: {  	s24 =	spop (v2sf)  }
0x26e: {  	s23 =	sshll.u32 s24, $0xC  }
0x26f: {  	s23 =	sand.u32 $0x1FFFF000, s23  }
0x270: {  	s23 =	sadd.s32 s23, s6  }
0x271: {  	[spmem:s10], [sflag:s21] =	dma.local [hbm:s23], $0x800  }
0x272: {  	_ =	swait.ge [sflag:s11], $0x800  }
0x273: {  	s25 =	sld [smem:$0x7E5]  }
0x274: {  	[sflag:s11] =	ssyncset.done $0x0  }
0x275: {  	[sflag:s11] =	ssyncadd.s32 $0xFFFFF800  }
0x276: {  	[hbm:s25], [sflag:s22] =	dma.local [spmem:s10], $0x800  }
0x277: {  	_ =	swait.ge [sflag:s14], $0x8000  }
0x278: {  	s26 =	sld [smem:$0x7E6]  }
0x279: {  	[sflag:s14] =	ssyncset.done $0x0  }
0x27a: {  	[sflag:s14] =	ssyncadd.s32 $0xFFFF8000  }
0x27b: {  	[hbm4b:s26+s3] =	stream.linear.scatter [tilespmem:s9], [sflag:$0x4], $0x8000, $0x38;
	[tilespmem:$0x1C080] =	vst v63  }
0x27c: {  	_ =	swait.ge [sflag:s20], $0x8000  }
0x27d: {  	[sflag:s20] =	ssyncset.done $0x0  }
0x27e: {  	[sflag:s20] =	ssyncadd.s32 $0xFFFF8000  }
0x27f: {  	v42 =	vld [tilespmem:s5+$0x1A];
	_ =	sdelay $0x4  }
0x280: {  	(v2sf) =	vpush v42, $0x0;
	_ =	sdelay $0xe  }
0x281: {  	s28 =	spop (v2sf)  }
0x282: {  	s23 =	sshll.u32 s28, $0xC  }
0x283: {  	s23 =	sand.u32 $0x1FFFF000, s23  }
0x284: {  	s23 =	sadd.s32 s1, s23  }
0x285: {  	[tilespmem:s15], [sflag:$0x3] =	stream.linear.gather [hbm4b:s23+s3], $0x8000, $0x38;
	[tilespmem:$0x1C080] =	vst v63  }
0x286: {  	_ =	swait.ge [sflag:s13], $0x800  }
0x287: {  	[sflag:s13] =	ssyncset.done $0x0  }
0x288: {  	[sflag:s13] =	ssyncadd.s32 $0xFFFFF800  }
0x289: {  	v43 =	vld [tilespmem:s5+$0x2B];
	_ =	sdelay $0x4  }
0x28a: {  	(v2sf) =	vpush v43, $0x0;
	_ =	sdelay $0xe  }
0x28b: {  	s29 =	spop (v2sf)  }
0x28c: {  	s23 =	sshll.u32 s29, $0xC  }
0x28d: {  	s23 =	sand.u32 $0x1FFFF000, s23  }
0x28e: {  	s23 =	sadd.s32 s1, s23  }
0x28f: {  	[spmem:s10], [sflag:s21] =	dma.local [hbm:s23], $0x800  }
0x290: {  	_ =	swait.ge [sflag:s11], $0x800  }
0x291: {  	s30 =	sld [smem:$0x7E7]  }
0x292: {  	[sflag:s11] =	ssyncset.done $0x0  }
0x293: {  	[sflag:s11] =	ssyncadd.s32 $0xFFFFF800  }
0x294: {  	[hbm:s30], [sflag:s22] =	dma.local [spmem:s10], $0x800  }
0x295: {  	_ =	swait.ge [sflag:s16], $0x8000  }
0x296: {  	s31 =	sld [smem:$0x7E8]  }
0x297: {  	[sflag:s16] =	ssyncset.done $0x0  }
0x298: {  	[sflag:s16] =	ssyncadd.s32 $0xFFFF8000  }
0x299: {  	[hbm4b:s31+s3] =	stream.linear.scatter [tilespmem:s12], [sflag:$0x5], $0x8000, $0x38;
	[tilespmem:$0x1C080] =	vst v63  }
0x29a: {  	_ =	swait.ge [sflag:s17], $0x8000  }
0x29b: {  	[sflag:s17] =	ssyncset.done $0x0  }
0x29c: {  	[sflag:s17] =	ssyncadd.s32 $0xFFFF8000  }
0x29d: {  	v44 =	vld [tilespmem:s5+$0x1C];
	_ =	sdelay $0x4  }
0x29e: {  	(v2sf) =	vpush v44, $0x0;
	_ =	sdelay $0xe  }
0x29f: {  	s24 =	spop (v2sf)  }
0x2a0: {  	s23 =	sshll.u32 s24, $0xC  }
0x2a1: {  	s23 =	sand.u32 $0x1FFFF000, s23  }
0x2a2: {  	s23 =	sadd.s32 s1, s23  }
0x2a3: {  	[tilespmem:s9], [sflag:$0x1] =	stream.linear.gather [hbm4b:s23+s3], $0x8000, $0x38;
	[tilespmem:$0x1C080] =	vst v63  }
0x2a4: {  	_ =	swait.ge [sflag:s13], $0x800  }
0x2a5: {  	[sflag:s13] =	ssyncset.done $0x0  }
0x2a6: {  	[sflag:s13] =	ssyncadd.s32 $0xFFFFF800  }
0x2a7: {  	v45 =	vld [tilespmem:s5+$0x2B];
	_ =	sdelay $0x4  }
0x2a8: {  	(v2sf) =	vpush v45, $0x0;
	_ =	sdelay $0xe  }
0x2a9: {  	s25 =	spop (v2sf)  }
0x2aa: {  	s23 =	sshll.u32 s25, $0xC  }
0x2ab: {  	s23 =	sand.u32 $0x1FFFF000, s23  }
0x2ac: {  	s23 =	sadd.s32 s23, s6  }
0x2ad: {  	[spmem:s10], [sflag:s21] =	dma.local [hbm:s23], $0x800  }
0x2ae: {  	_ =	swait.ge [sflag:s11], $0x800  }
0x2af: {  	s26 =	sld [smem:$0x7E9]  }
0x2b0: {  	[sflag:s11] =	ssyncset.done $0x0  }
0x2b1: {  	[sflag:s11] =	ssyncadd.s32 $0xFFFFF800  }
0x2b2: {  	[hbm:s26], [sflag:s22] =	dma.local [spmem:s10], $0x800  }
0x2b3: {  	_ =	swait.ge [sflag:s18], $0x8000  }
0x2b4: {  	s28 =	sld [smem:$0x7EA]  }
0x2b5: {  	[sflag:s18] =	ssyncset.done $0x0  }
0x2b6: {  	[sflag:s18] =	ssyncadd.s32 $0xFFFF8000  }
0x2b7: {  	[hbm4b:s28+s3] =	stream.linear.scatter [tilespmem:s15], [sflag:$0x6], $0x8000, $0x38;
	[tilespmem:$0x1C080] =	vst v63  }
0x2b8: {  	_ =	swait.ge [sflag:s19], $0x8000  }
0x2b9: {  	[sflag:s19] =	ssyncset.done $0x0  }
0x2ba: {  	[sflag:s19] =	ssyncadd.s32 $0xFFFF8000  }
0x2bb: {  	v46 =	vld [tilespmem:s5+$0x1D];
	_ =	sdelay $0x4  }
0x2bc: {  	(v2sf) =	vpush v46, $0x0;
	_ =	sdelay $0xe  }
0x2bd: {  	s29 =	spop (v2sf)  }
0x2be: {  	s23 =	sshll.u32 s29, $0xC  }
0x2bf: {  	s23 =	sand.u32 $0x1FFFF000, s23  }
0x2c0: {  	s23 =	sadd.s32 s1, s23  }
0x2c1: {  	[tilespmem:s12], [sflag:$0x2] =	stream.linear.gather [hbm4b:s23+s3], $0x8000, $0x38;
	[tilespmem:$0x1C080] =	vst v63  }
0x2c2: {  	_ =	swait.ge [sflag:s13], $0x800  }
0x2c3: {  	[sflag:s13] =	ssyncset.done $0x0  }
0x2c4: {  	[sflag:s13] =	ssyncadd.s32 $0xFFFFF800  }
0x2c5: {  	v47 =	vld [tilespmem:s5+$0x2F];
	_ =	sdelay $0x4  }
0x2c6: {  	(v2sf) =	vpush v47, $0x0;
	_ =	sdelay $0xe  }
0x2c7: {  	s30 =	spop (v2sf)  }
0x2c8: {  	s23 =	sshll.u32 s30, $0xC  }
0x2c9: {  	s23 =	sand.u32 $0x1FFFF000, s23  }
0x2ca: {  	s23 =	sadd.s32 s1, s23  }
0x2cb: {  	[spmem:s10], [sflag:s21] =	dma.local [hbm:s23], $0x800  }
0x2cc: {  	_ =	swait.ge [sflag:s11], $0x800  }
0x2cd: {  	s31 =	sld [smem:$0x7EB]  }
0x2ce: {  	[sflag:s11] =	ssyncset.done $0x0  }
0x2cf: {  	[sflag:s11] =	ssyncadd.s32 $0xFFFFF800  }
0x2d0: {  	[hbm:s31], [sflag:s22] =	dma.local [spmem:s10], $0x800  }
0x2d1: {  	_ =	swait.ge [sflag:s14], $0x8000  }
0x2d2: {  	s24 =	sld [smem:$0x7EC]  }
0x2d3: {  	[sflag:s14] =	ssyncset.done $0x0  }
0x2d4: {  	[sflag:s14] =	ssyncadd.s32 $0xFFFF8000  }
0x2d5: {  	[hbm4b:s24+s3] =	stream.linear.scatter [tilespmem:s9], [sflag:$0x4], $0x8000, $0x38;
	[tilespmem:$0x1C080] =	vst v63  }
0x2d6: {  	_ =	swait.ge [sflag:s20], $0x8000  }
0x2d7: {  	[sflag:s20] =	ssyncset.done $0x0  }
0x2d8: {  	[sflag:s20] =	ssyncadd.s32 $0xFFFF8000  }
0x2d9: {  	v48 =	vld [tilespmem:s5+$0x1E];
	_ =	sdelay $0x4  }
0x2da: {  	(v2sf) =	vpush v48, $0x0;
	_ =	sdelay $0xe  }
0x2db: {  	s25 =	spop (v2sf)  }
0x2dc: {  	s23 =	sshll.u32 s25, $0xC  }
0x2dd: {  	s23 =	sand.u32 $0x1FFFF000, s23  }
0x2de: {  	s23 =	sadd.s32 s1, s23  }
0x2df: {  	[tilespmem:s15], [sflag:$0x3] =	stream.linear.gather [hbm4b:s23+s3], $0x8000, $0x38;
	[tilespmem:$0x1C080] =	vst v63  }
0x2e0: {  	_ =	swait.ge [sflag:s13], $0x800  }
0x2e1: {  	[sflag:s13] =	ssyncset.done $0x0  }
0x2e2: {  	[sflag:s13] =	ssyncadd.s32 $0xFFFFF800  }
0x2e3: {  	v49 =	vld [tilespmem:s5+$0x2F];
	_ =	sdelay $0x4  }
0x2e4: {  	(v2sf) =	vpush v49, $0x0;
	_ =	sdelay $0xe  }
0x2e5: {  	s26 =	spop (v2sf)  }
0x2e6: {  	s23 =	sshll.u32 s26, $0xC  }
0x2e7: {  	s23 =	sand.u32 $0x1FFFF000, s23  }
0x2e8: {  	s23 =	sadd.s32 s23, s6  }
0x2e9: {  	[spmem:s10], [sflag:s21] =	dma.local [hbm:s23], $0x800  }
0x2ea: {  	_ =	swait.ge [sflag:s11], $0x800  }
0x2eb: {  	s28 =	sld [smem:$0x7ED]  }
0x2ec: {  	[sflag:s11] =	ssyncset.done $0x0  }
0x2ed: {  	[sflag:s11] =	ssyncadd.s32 $0xFFFFF800  }
0x2ee: {  	[hbm:s28], [sflag:s22] =	dma.local [spmem:s10], $0x800  }
0x2ef: {  	_ =	swait.ge [sflag:s16], $0x8000  }
0x2f0: {  	s29 =	sld [smem:$0x7EE]  }
0x2f1: {  	[sflag:s16] =	ssyncset.done $0x0  }
0x2f2: {  	[sflag:s16] =	ssyncadd.s32 $0xFFFF8000  }
0x2f3: {  	[hbm4b:s29+s3] =	stream.linear.scatter [tilespmem:s12], [sflag:$0x5], $0x8000, $0x38;
	[tilespmem:$0x1C080] =	vst v63  }
0x2f4: {  	_ =	swait.ge [sflag:s17], $0x8000  }
0x2f5: {  	[sflag:s17] =	ssyncset.done $0x0  }
0x2f6: {  	[sflag:s17] =	ssyncadd.s32 $0xFFFF8000  }
0x2f7: {  	v50 =	vld [tilespmem:s5+$0x20];
	_ =	sdelay $0x4  }
0x2f8: {  	(v2sf) =	vpush v50, $0x0;
	_ =	sdelay $0xe  }
0x2f9: {  	s30 =	spop (v2sf)  }
0x2fa: {  	s21 =	sshll.u32 s30, $0xC  }
0x2fb: {  	s21 =	sand.u32 $0x1FFFF000, s21  }
0x2fc: {  	s21 =	sadd.s32 s1, s21  }
0x2fd: {  	[tilespmem:s9], [sflag:$0x1] =	stream.linear.gather [hbm4b:s21+s3], $0x8000, $0x38;
	[tilespmem:$0x1C080] =	vst v63  }
0x2fe: {  	_ =	swait.ge [sflag:s18], $0x8000  }
0x2ff: {  	s31 =	sld [smem:$0x7EF]  }
0x300: {  	[sflag:s18] =	ssyncset.done $0x0  }
0x301: {  	[sflag:s18] =	ssyncadd.s32 $0xFFFF8000  }
0x302: {  	[hbm4b:s31+s3] =	stream.linear.scatter [tilespmem:s15], [sflag:$0x6], $0x8000, $0x38;
	[tilespmem:$0x1C080] =	vst v63  }
0x303: {  	_ =	swait.ge [sflag:s19], $0x8000  }
0x304: {  	[sflag:s19] =	ssyncset.done $0x0  }
0x305: {  	[sflag:s19] =	ssyncadd.s32 $0xFFFF8000  }
0x306: {  	v51 =	vld [tilespmem:s5+$0x21];
	_ =	sdelay $0x4  }
0x307: {  	(v2sf) =	vpush v51, $0x0;
	_ =	sdelay $0xe  }
0x308: {  	s22 =	spop (v2sf)  }
0x309: {  	s21 =	sshll.u32 s22, $0xC  }
0x30a: {  	s21 =	sand.u32 $0x1FFFF000, s21  }
0x30b: {  	s21 =	sadd.s32 s1, s21  }
0x30c: {  	[tilespmem:s12], [sflag:$0x2] =	stream.linear.gather [hbm4b:s21+s3], $0x8000, $0x38;
	[tilespmem:$0x1C080] =	vst v63  }
0x30d: {  	_ =	swait.ge [sflag:s14], $0x8000  }
0x30e: {  	s23 =	sld [smem:$0x7F0]  }
0x30f: {  	[sflag:s14] =	ssyncset.done $0x0  }
0x310: {  	[sflag:s14] =	ssyncadd.s32 $0xFFFF8000  }
0x311: {  	[hbm4b:s23+s3] =	stream.linear.scatter [tilespmem:s9], [sflag:$0x4], $0x8000, $0x38;
	[tilespmem:$0x1C080] =	vst v63  }
0x312: {  	_ =	swait.ge [sflag:s20], $0x8000  }
0x313: {  	[sflag:s20] =	ssyncset.done $0x0  }
0x314: {  	[sflag:s20] =	ssyncadd.s32 $0xFFFF8000  }
0x315: {  	v52 =	vld [tilespmem:s5+$0x22];
	_ =	sdelay $0x4  }
0x316: {  	(v2sf) =	vpush v52, $0x0;
	_ =	sdelay $0xe  }
0x317: {  	s24 =	spop (v2sf)  }
0x318: {  	s21 =	sshll.u32 s24, $0xC  }
0x319: {  	s21 =	sand.u32 $0x1FFFF000, s21  }
0x31a: {  	s21 =	sadd.s32 s1, s21  }
0x31b: {  	[tilespmem:s15], [sflag:$0x3] =	stream.linear.gather [hbm4b:s21+s3], $0x8000, $0x38;
	[tilespmem:$0x1C080] =	vst v63  }
0x31c: {  	_ =	swait.ge [sflag:s16], $0x8000  }
0x31d: {  	s25 =	sld [smem:$0x7F1]  }
0x31e: {  	[sflag:s16] =	ssyncset.done $0x0  }
0x31f: {  	[sflag:s16] =	ssyncadd.s32 $0xFFFF8000  }
0x320: {  	[hbm4b:s25+s3] =	stream.linear.scatter [tilespmem:s12], [sflag:$0x5], $0x8000, $0x38;
	[tilespmem:$0x1C080] =	vst v63  }
0x321: {  	_ =	swait.ge [sflag:s17], $0x8000  }
0x322: {  	[sflag:s17] =	ssyncset.done $0x0  }
0x323: {  	[sflag:s17] =	ssyncadd.s32 $0xFFFF8000  }
0x324: {  	v53 =	vld [tilespmem:s5+$0x24];
	_ =	sdelay $0x4  }
0x325: {  	(v2sf) =	vpush v53, $0x0;
	_ =	sdelay $0xe  }
0x326: {  	s26 =	spop (v2sf)  }
0x327: {  	s21 =	sshll.u32 s26, $0xC  }
0x328: {  	s21 =	sand.u32 $0x1FFFF000, s21  }
0x329: {  	s21 =	sadd.s32 s1, s21  }
0x32a: {  	[tilespmem:s9], [sflag:$0x1] =	stream.linear.gather [hbm4b:s21+s3], $0x8000, $0x38;
	[tilespmem:$0x1C080] =	vst v63  }
0x32b: {  	_ =	swait.ge [sflag:s18], $0x8000  }
0x32c: {  	s28 =	sld [smem:$0x7F2]  }
0x32d: {  	[sflag:s18] =	ssyncset.done $0x0  }
0x32e: {  	[sflag:s18] =	ssyncadd.s32 $0xFFFF8000  }
0x32f: {  	[hbm4b:s28+s3] =	stream.linear.scatter [tilespmem:s15], [sflag:$0x6], $0x8000, $0x38;
	[tilespmem:$0x1C080] =	vst v63  }
0x330: {  	_ =	swait.ge [sflag:s19], $0x8000  }
0x331: {  	[sflag:s19] =	ssyncset.done $0x0  }
0x332: {  	[sflag:s19] =	ssyncadd.s32 $0xFFFF8000  }
0x333: {  	v54 =	vld [tilespmem:s5+$0x25];
	_ =	sdelay $0x4  }
0x334: {  	(v2sf) =	vpush v54, $0x0;
	_ =	sdelay $0xe  }
0x335: {  	s29 =	spop (v2sf)  }
0x336: {  	s21 =	sshll.u32 s29, $0xC  }
0x337: {  	s21 =	sand.u32 $0x1FFFF000, s21  }
0x338: {  	s21 =	sadd.s32 s1, s21  }
0x339: {  	[tilespmem:s12], [sflag:$0x2] =	stream.linear.gather [hbm4b:s21+s3], $0x8000, $0x38;
	[tilespmem:$0x1C080] =	vst v63  }
0x33a: {  	_ =	swait.ge [sflag:s14], $0x8000  }
0x33b: {  	s30 =	sld [smem:$0x7F3]  }
0x33c: {  	[sflag:s14] =	ssyncset.done $0x0  }
0x33d: {  	[sflag:s14] =	ssyncadd.s32 $0xFFFF8000  }
0x33e: {  	[hbm4b:s30+s3] =	stream.linear.scatter [tilespmem:s9], [sflag:$0x4], $0x8000, $0x38;
	[tilespmem:$0x1C080] =	vst v63  }
0x33f: {  	_ =	swait.ge [sflag:s20], $0x8000  }
0x340: {  	[sflag:s20] =	ssyncset.done $0x0  }
0x341: {  	[sflag:s20] =	ssyncadd.s32 $0xFFFF8000  }
0x342: {  	v55 =	vld [tilespmem:s5+$0x26];
	_ =	sdelay $0x4  }
0x343: {  	(v2sf) =	vpush v55, $0x0;
	_ =	sdelay $0xe  }
0x344: {  	s31 =	spop (v2sf)  }
0x345: {  	s21 =	sshll.u32 s31, $0xC  }
0x346: {  	s21 =	sand.u32 $0x1FFFF000, s21  }
0x347: {  	s21 =	sadd.s32 s1, s21  }
0x348: {  	[tilespmem:s15], [sflag:$0x3] =	stream.linear.gather [hbm4b:s21+s3], $0x8000, $0x38;
	[tilespmem:$0x1C080] =	vst v63  }
0x349: {  	_ =	swait.ge [sflag:s16], $0x8000  }
0x34a: {  	s22 =	sld [smem:$0x7F4]  }
0x34b: {  	[sflag:s16] =	ssyncset.done $0x0  }
0x34c: {  	[sflag:s16] =	ssyncadd.s32 $0xFFFF8000  }
0x34d: {  	[hbm4b:s22+s3] =	stream.linear.scatter [tilespmem:s12], [sflag:$0x5], $0x8000, $0x38;
	[tilespmem:$0x1C080] =	vst v63  }
0x34e: {  	_ =	swait.ge [sflag:s17], $0x8000  }
0x34f: {  	[sflag:s17] =	ssyncset.done $0x0  }
0x350: {  	[sflag:s17] =	ssyncadd.s32 $0xFFFF8000  }
0x351: {  	v56 =	vld [tilespmem:s5+$0x28];
	_ =	sdelay $0x4  }
0x352: {  	(v2sf) =	vpush v56, $0x0;
	_ =	sdelay $0xe  }
0x353: {  	s23 =	spop (v2sf)  }
0x354: {  	s21 =	sshll.u32 s23, $0xC  }
0x355: {  	s21 =	sand.u32 $0x1FFFF000, s21  }
0x356: {  	s21 =	sadd.s32 s1, s21  }
0x357: {  	[tilespmem:s9], [sflag:$0x1] =	stream.linear.gather [hbm4b:s21+s3], $0x8000, $0x38;
	[tilespmem:$0x1C080] =	vst v63  }
0x358: {  	_ =	swait.ge [sflag:s18], $0x8000  }
0x359: {  	s24 =	sld [smem:$0x7F5]  }
0x35a: {  	[sflag:s18] =	ssyncset.done $0x0  }
0x35b: {  	[sflag:s18] =	ssyncadd.s32 $0xFFFF8000  }
0x35c: {  	[hbm4b:s24+s3] =	stream.linear.scatter [tilespmem:s15], [sflag:$0x6], $0x8000, $0x38;
	[tilespmem:$0x1C080] =	vst v63  }
0x35d: {  	_ =	swait.ge [sflag:s19], $0x8000  }
0x35e: {  	[sflag:s19] =	ssyncset.done $0x0  }
0x35f: {  	[sflag:s19] =	ssyncadd.s32 $0xFFFF8000  }
0x360: {  	v57 =	vld [tilespmem:s5+$0x29];
	_ =	sdelay $0x4  }
0x361: {  	(v2sf) =	vpush v57, $0x0;
	_ =	sdelay $0xe  }
0x362: {  	s25 =	spop (v2sf)  }
0x363: {  	s21 =	sshll.u32 s25, $0xC  }
0x364: {  	s21 =	sand.u32 $0x1FFFF000, s21  }
0x365: {  	s21 =	sadd.s32 s1, s21  }
0x366: {  	[tilespmem:s12], [sflag:$0x2] =	stream.linear.gather [hbm4b:s21+s3], $0x8000, $0x38;
	[tilespmem:$0x1C080] =	vst v63  }
0x367: {  	_ =	swait.ge [sflag:s14], $0x8000  }
0x368: {  	s26 =	sld [smem:$0x7F6]  }
0x369: {  	[sflag:s14] =	ssyncset.done $0x0  }
0x36a: {  	[sflag:s14] =	ssyncadd.s32 $0xFFFF8000  }
0x36b: {  	[hbm4b:s26+s3] =	stream.linear.scatter [tilespmem:s9], [sflag:$0x4], $0x8000, $0x38;
	[tilespmem:$0x1C080] =	vst v63  }
0x36c: {  	_ =	swait.ge [sflag:s20], $0x8000  }
0x36d: {  	[sflag:s20] =	ssyncset.done $0x0  }
0x36e: {  	[sflag:s20] =	ssyncadd.s32 $0xFFFF8000  }
0x36f: {  	v58 =	vld [tilespmem:s5+$0x2A];
	_ =	sdelay $0x4  }
0x370: {  	(v2sf) =	vpush v58, $0x0;
	_ =	sdelay $0xe  }
0x371: {  	s28 =	spop (v2sf)  }
0x372: {  	s21 =	sshll.u32 s28, $0xC  }
0x373: {  	s21 =	sand.u32 $0x1FFFF000, s21  }
0x374: {  	s21 =	sadd.s32 s1, s21  }
0x375: {  	[tilespmem:s15], [sflag:$0x3] =	stream.linear.gather [hbm4b:s21+s3], $0x8000, $0x38;
	[tilespmem:$0x1C080] =	vst v63  }
0x376: {  	_ =	swait.ge [sflag:s16], $0x8000  }
0x377: {  	s29 =	sld [smem:$0x7F7]  }
0x378: {  	[sflag:s16] =	ssyncset.done $0x0  }
0x379: {  	[sflag:s16] =	ssyncadd.s32 $0xFFFF8000  }
0x37a: {  	[hbm4b:s29+s3] =	stream.linear.scatter [tilespmem:s12], [sflag:$0x5], $0x8000, $0x38;
	[tilespmem:$0x1C080] =	vst v63  }
0x37b: {  	_ =	swait.ge [sflag:s17], $0x8000  }
0x37c: {  	[sflag:s17] =	ssyncset.done $0x0  }
0x37d: {  	[sflag:s17] =	ssyncadd.s32 $0xFFFF8000  }
0x37e: {  	v59 =	vld [tilespmem:s5+$0x2C];
	_ =	sdelay $0x4  }
0x37f: {  	(v2sf) =	vpush v59, $0x0;
	_ =	sdelay $0xe  }
0x380: {  	s30 =	spop (v2sf)  }
0x381: {  	s21 =	sshll.u32 s30, $0xC  }
0x382: {  	s21 =	sand.u32 $0x1FFFF000, s21  }
0x383: {  	s21 =	sadd.s32 s1, s21  }
0x384: {  	[tilespmem:s9], [sflag:$0x1] =	stream.linear.gather [hbm4b:s21+s3], $0x8000, $0x38;
	[tilespmem:$0x1C080] =	vst v63  }
0x385: {  	_ =	swait.ge [sflag:s18], $0x8000  }
0x386: {  	s31 =	sld [smem:$0x7F8]  }
0x387: {  	[sflag:s18] =	ssyncset.done $0x0  }
0x388: {  	[sflag:s18] =	ssyncadd.s32 $0xFFFF8000  }
0x389: {  	[hbm4b:s31+s3] =	stream.linear.scatter [tilespmem:s15], [sflag:$0x6], $0x8000, $0x38;
	[tilespmem:$0x1C080] =	vst v63  }
0x38a: {  	_ =	swait.ge [sflag:s19], $0x8000  }
0x38b: {  	[sflag:s19] =	ssyncset.done $0x0  }
0x38c: {  	[sflag:s19] =	ssyncadd.s32 $0xFFFF8000  }
0x38d: {  	v60 =	vld [tilespmem:s5+$0x2D];
	_ =	sdelay $0x4  }
0x38e: {  	(v2sf) =	vpush v60, $0x0;
	_ =	sdelay $0xe  }
0x38f: {  	s22 =	spop (v2sf)  }
0x390: {  	s21 =	sshll.u32 s22, $0xC  }
0x391: {  	s21 =	sand.u32 $0x1FFFF000, s21  }
0x392: {  	s21 =	sadd.s32 s1, s21  }
0x393: {  	[tilespmem:s12], [sflag:$0x2] =	stream.linear.gather [hbm4b:s21+s3], $0x8000, $0x38;
	[tilespmem:$0x1C080] =	vst v63  }
0x394: {  	_ =	swait.ge [sflag:s14], $0x8000  }
0x395: {  	s23 =	sld [smem:$0x7F9]  }
0x396: {  	[sflag:s14] =	ssyncset.done $0x0  }
0x397: {  	[sflag:s14] =	ssyncadd.s32 $0xFFFF8000  }
0x398: {  	[hbm4b:s23+s3] =	stream.linear.scatter [tilespmem:s9], [sflag:$0x4], $0x8000, $0x38;
	[tilespmem:$0x1C080] =	vst v63  }
0x399: {  	_ =	swait.ge [sflag:s20], $0x8000  }
0x39a: {  	[sflag:s20] =	ssyncset.done $0x0  }
0x39b: {  	[sflag:s20] =	ssyncadd.s32 $0xFFFF8000  }
0x39c: {  	v61 =	vld [tilespmem:s5+$0x2E];
	_ =	sdelay $0x4  }
0x39d: {  	(v2sf) =	vpush v61, $0x0;
	_ =	sdelay $0xe  }
0x39e: {  	s24 =	spop (v2sf)  }
0x39f: {  	s21 =	sshll.u32 s24, $0xC  }
0x3a0: {  	s21 =	sand.u32 $0x1FFFF000, s21  }
0x3a1: {  	s21 =	sadd.s32 s1, s21  }
0x3a2: {  	[tilespmem:s15], [sflag:$0x3] =	stream.linear.gather [hbm4b:s21+s3], $0x8000, $0x38;
	[tilespmem:$0x1C080] =	vst v63  }
0x3a3: {  	_ =	swait.ge [sflag:s16], $0x8000  }
0x3a4: {  	s25 =	sld [smem:$0x7FA]  }
0x3a5: {  	[sflag:s16] =	ssyncset.done $0x0  }
0x3a6: {  	[sflag:s16] =	ssyncadd.s32 $0xFFFF8000  }
0x3a7: {  	[hbm4b:s25+s3] =	stream.linear.scatter [tilespmem:s12], [sflag:$0x5], $0x8000, $0x38;
	[tilespmem:$0x1C080] =	vst v63  }
0x3a8: {  	_ =	swait.ge [sflag:s17], $0x8000  }
0x3a9: {  	[sflag:s17] =	ssyncset.done $0x0  }
0x3aa: {  	[sflag:s17] =	ssyncadd.s32 $0xFFFF8000  }
0x3ab: {  	v62 =	vld [tilespmem:s5+$0x30];
	_ =	sdelay $0x4  }
0x3ac: {  	(v2sf) =	vpush v62, $0x0;
	_ =	sdelay $0xe  }
0x3ad: {  	s26 =	spop (v2sf)  }
0x3ae: {  	s21 =	sshll.u32 s26, $0xC  }
0x3af: {  	s21 =	sand.u32 $0x1FFFF000, s21  }
0x3b0: {  	s21 =	sadd.s32 s1, s21  }
0x3b1: {  	[tilespmem:s9], [sflag:$0x1] =	stream.linear.gather [hbm4b:s21+s3], $0x8000, $0x38;
	[tilespmem:$0x1C080] =	vst v63  }
0x3b2: {  	_ =	swait.ge [sflag:s18], $0x8000  }
0x3b3: {  	s28 =	sld [smem:$0x7FB]  }
0x3b4: {  	[sflag:s18] =	ssyncset.done $0x0  }
0x3b5: {  	[sflag:s18] =	ssyncadd.s32 $0xFFFF8000  }
0x3b6: {  	[hbm4b:s28+s3] =	stream.linear.scatter [tilespmem:s15], [sflag:$0x6], $0x8000, $0x38;
	[tilespmem:$0x1C080] =	vst v63  }
0x3b7: {  	_ =	swait.ge [sflag:s19], $0x8000  }
0x3b8: {  	[sflag:s19] =	ssyncset.done $0x0  }
0x3b9: {  	[sflag:s19] =	ssyncadd.s32 $0xFFFF8000  }
0x3ba: {  	v63 =	vld [tilespmem:s5+$0x31];
	_ =	sdelay $0x4  }
0x3bb: {  	(v2sf) =	vpush v63, $0x0;
	_ =	sdelay $0xe  }
0x3bc: {  	s29 =	spop (v2sf)  }
0x3bd: {  	s21 =	sshll.u32 s29, $0xC  }
0x3be: {  	s21 =	sand.u32 $0x1FFFF000, s21  }
0x3bf: {  	s21 =	sadd.s32 s1, s21  }
0x3c0: {  	[tilespmem:s12], [sflag:$0x2] =	stream.linear.gather [hbm4b:s21+s3], $0x8000, $0x38;
	[tilespmem:$0x1C080] =	vst v63  }
0x3c1: {  	_ =	swait.ge [sflag:s14], $0x8000  }
0x3c2: {  	s30 =	sld [smem:$0x7FC]  }
0x3c3: {  	[sflag:s14] =	ssyncset.done $0x0  }
0x3c4: {  	[sflag:s14] =	ssyncadd.s32 $0xFFFF8000  }
0x3c5: {  	[hbm4b:s30+s3] =	stream.linear.scatter [tilespmem:s9], [sflag:$0x4], $0x8000, $0x38;
	[tilespmem:$0x1C080] =	vst v63  }
0x3c6: {  	_ =	swait.ge [sflag:s16], $0x8000  }
0x3c7: {  	s31 =	sld [smem:$0x7FD]  }
0x3c8: {  	[sflag:s16] =	ssyncset.done $0x0  }
0x3c9: {  	[sflag:s16] =	ssyncadd.s32 $0xFFFF8000  }
0x3ca: {  	[hbm4b:s31+s3] =	stream.linear.scatter [tilespmem:s12], [sflag:$0x5], $0x8000, $0x38;
	[tilespmem:$0x1C080] =	vst v63  }
0x3cb: {  	_ =	swait.ge [sflag:s20], $0x8000  }
0x3cc: {  	[sflag:s20] =	ssyncset.done $0x0  }
0x3cd: {  	[sflag:s20] =	ssyncadd.s32 $0xFFFF8000  }
0x3ce: {  	_ =	swait.ge [sflag:s17], $0x8000  }
0x3cf: {  	[sflag:s17] =	ssyncset.done $0x0  }
0x3d0: {  	[sflag:s17] =	ssyncadd.s32 $0xFFFF8000  }
0x3d1: {  	p0 =	sne.s32 s7, $0x1;
	_ =	swait.ge [sflag:s19], $0x8000  }
.Ltmp0:
0x3d2: {  	[sflag:s19] =	ssyncset.done $0x0;
	(pc) =	sbr.rel @p0 .LBB2_1-.Ltmp0, $4  }
0x3d3: {  	[sflag:s19] =	ssyncadd.s32 $0xFFFF8000  }
0x3d4: {  	_ =	swait.ge [sflag:s13], $0x800  }
0x3d5: {  	[sflag:s13] =	ssyncset.done $0x0  }
0x3d6: {  	s7 =	sadd.s32 $0xFFFFFFFF, s7;
	[sflag:s13] =	ssyncadd.s32 $0xFFFFF800  }
0x3d7: {  	_ =	sfence.sel $0x180000  }
0x3d8: {  	[bflag:$0x0] =	sbarrier.arrive $0xFFFF  }
0x3d9: {  	p0 =	sne.s32 s0, $0x0;
	_ =	strace $0x90000047  }
0x3da: {  	s0 =	sadd.s32 @!p0 $0x100000, s2;
	[bflag:$0x2] =	sbarrier.arrive $0xFFFF  }
0x3db: {  	[sflag:s0] =	ssyncadd.tile.s32 @!p0 $0x1;
	_ =	shalt  }
.Lfunc_end2:
_tile_overlayer_lowered:
.L_overlay_start_2:
0x3dc: {  	(tag) =	ssettag $0x2  }
0x3dd: {  	s0 =	rddreg [dreg:$0x0];
	s2 =	stileid.u32  }
0x3de: {  	s1 =	rddreg [dreg:$0x1];
	p0 =	sne.s32 s2, $0x0  }
0x3df: {  	s3 =	rddreg [dreg:$0x2];
	[bflag:$0x3] =	sbarrier.arrive $0xFFFF;
	s2 =	simm.s32 @!p0 $0x1C09  }
0x3e0: {  	[timem:s3], [sflag:s2] =	dma.local @!p0 [hbm:s0], s1  }
0x3e1: {  	s0 =	simm.s32 @!p0 $0x9  }
0x3e2: {  	_ =	swait.ge @!p0 [sflag:s0], s1  }
0x3e3: {  	s1 =	ssub.s32 @!p0 $0x0, s1;
	[sflag:s0] =	ssyncset.done @!p0 $0x0  }
0x3e4: {  	[sflag:s0] =	ssyncadd.s32 @!p0 s1  }
0x3e5: {  	[bflag:$0x3] =	sbarrier.arrive $0xFFFF  }
0x3e6: {  	_ =	shalt  }

</sc_bundles>
